<compile_context>
chip_gen: v7x
topology: tpu7x:2x2x1
jax: 0.10.2.dev20260603
libtpu: 0.0.44.dev20260713+nightly
codegen_flags: <defaults>
</compile_context>

<pallas_src>
import functools

import jax
import jax.numpy as jnp
from jax import lax
from jax.experimental import pallas as pl
from jax.experimental.pallas import tpu as pltpu
from jax.experimental.pallas import tpu_sc as plsc

N = 10000
D_IN = 256
D_H = 512
D_OUT = 256

NC, NS = 2, 16
HALF = 128
CHUNK = 80
N_CHUNKS = 128
DEPTH = 4
EPT = CHUNK * N_CHUNKS
E_PAD = EPT * NS
ACC_N = 10240
ZROWS = 640
Z_LAST = ACC_N - 15 * ZROWS
WB_LAST = N - 15 * ZROWS

_mesh = plsc.VectorSubcoreMesh(core_axis_name="c", subcore_axis_name="s",
                               num_cores=NC, num_subcores=NS)


def _agg_body(with_cnt, x0, x1, src, dst, zrows, zcnt, *rest):
    if with_cnt:
        (agg0, agg1, cnt_out, *rest) = rest
        srcs, rest = rest[:DEPTH], rest[DEPTH:]
        dsts, rest = rest[:DEPTH], rest[DEPTH:]
        rows, rest = rest[:DEPTH], rest[DEPTH:]
        ones_v, acc_sh, cnt_sh, *sems = rest
    else:
        agg0, agg1, *rest = rest
        srcs, rest = rest[:DEPTH], rest[DEPTH:]
        dsts, rest = rest[:DEPTH], rest[DEPTH:]
        rows, rest = rest[:DEPTH], rest[DEPTH:]
        acc_sh, *sems = rest
    semi = sems[:DEPTH]
    semg = sems[DEPTH:]
    c = lax.axis_index("c")
    s = lax.axis_index("s")

    @pl.when(s < NS - 1)
    def _():
        pltpu.sync_copy(zrows, acc_sh.at[pl.ds(s * ZROWS, ZROWS)])

    @pl.when(s == NS - 1)
    def _():
        pltpu.sync_copy(zrows.at[pl.ds(0, Z_LAST)],
                        acc_sh.at[pl.ds((NS - 1) * ZROWS, Z_LAST)])
    if with_cnt:
        @pl.when(s == 0)
        def _():
            pltpu.sync_copy(zcnt, cnt_sh)
        for j in range(CHUNK // 16):
            ones_v[pl.ds(j * 16, 16)] = jnp.ones((16,), jnp.float32)
    plsc.subcore_barrier()

    def edge_loop(x_half):
        def idx_load(i, b):
            pltpu.async_copy(src.at[s, i], srcs[b], semi[b])
            pltpu.async_copy(dst.at[s, i], dsts[b], semi[b])

        def idx_wait(b):
            pltpu.make_async_copy(src.at[s, 0], srcs[b], semi[b]).wait()
            pltpu.make_async_copy(dst.at[s, 0], dsts[b], semi[b]).wait()

        def gather(b):
            pltpu.async_copy(x_half.at[srcs[b]], rows[b], semg[b])

        def gather_wait(b):
            pltpu.make_async_copy(x_half.at[srcs[0]], rows[b], semg[b]).wait()

        def scatter(b):
            pltpu.sync_copy(rows[b], acc_sh.at[dsts[b]], add=True)
            if with_cnt:
                pltpu.sync_copy(ones_v, cnt_sh.at[dsts[b]], add=True)

        for k in range(DEPTH - 1):
            idx_load(k, k)
        for k in range(DEPTH - 1):
            idx_wait(k)
            gather(k)
        idx_load(DEPTH - 1, DEPTH - 1)

        def step(j, carry):
            i0 = DEPTH * j
            for k in range(DEPTH):
                i = i0 + k
                b = k
                bp = (k - 1) % DEPTH

                @pl.when(i + DEPTH - 1 < N_CHUNKS)
                def _(b=bp):
                    idx_wait(b)
                    gather(b)

                gather_wait(b)
                scatter(b)

                @pl.when(i + DEPTH < N_CHUNKS)
                def _(i=i, b=b):
                    idx_load(i + DEPTH, b)
            return carry
        lax.fori_loop(0, N_CHUNKS // DEPTH, step, 0)

    @pl.when(c == 0)
    def _():
        edge_loop(x0)

    @pl.when(c == 1)
    def _():
        edge_loop(x1)

    plsc.subcore_barrier()

    agg_out = [agg0, agg1]
    for ci in range(NC):
        @pl.when((c == ci) & (s < NS - 1))
        def _(ci=ci):
            wb = pl.ds(s * ZROWS, ZROWS)
            pltpu.sync_copy(acc_sh.at[wb], agg_out[ci].at[wb])

        @pl.when((c == ci) & (s == NS - 1))
        def _(ci=ci):
            wb = pl.ds((NS - 1) * ZROWS, WB_LAST)
            pltpu.sync_copy(acc_sh.at[wb], agg_out[ci].at[wb])

    if with_cnt:
        @pl.when((c == 0) & (s == 0))
        def _():
            pltpu.sync_copy(cnt_sh, cnt_out)


def _make_agg(with_cnt):
    out_type = [jax.ShapeDtypeStruct((N, HALF), jnp.float32),
                jax.ShapeDtypeStruct((N, HALF), jnp.float32)]
    scratch = ([pltpu.VMEM((CHUNK,), jnp.int32)] * (2 * DEPTH)
               + [pltpu.VMEM((CHUNK, HALF), jnp.float32)] * DEPTH)
    if with_cnt:
        out_type = out_type + [jax.ShapeDtypeStruct((ACC_N,), jnp.float32)]
        scratch = scratch + [pltpu.VMEM((CHUNK,), jnp.float32),
                             pltpu.VMEM_SHARED((ACC_N, HALF), jnp.float32),
                             pltpu.VMEM_SHARED((ACC_N,), jnp.float32)]
    else:
        scratch = scratch + [pltpu.VMEM_SHARED((ACC_N, HALF), jnp.float32)]
    scratch = scratch + [pltpu.SemaphoreType.DMA] * (2 * DEPTH)
    return pl.kernel(functools.partial(_agg_body, with_cnt),
                     out_type=out_type, mesh=_mesh, scratch_types=scratch,
                     name="sc_segment_mean" + ("_cnt" if with_cnt else ""))


_agg_cnt = _make_agg(True)
_agg = _make_agg(False)


_R = 400


def _l1_body(x_ref, a0_ref, a1_ref, cnt_ref, w1l_ref, b1_ref, w1r_ref,
             w2l_ref, h_ref, hw0_ref, hw1_ref):
    r = 1.0 / jnp.maximum(cnt_ref[...], 1.0)
    a = jnp.concatenate([a0_ref[...], a1_ref[...]], axis=1) * r
    h = (jnp.dot(a, w1l_ref[...], preferred_element_type=jnp.float32)
         + b1_ref[...]
         + jnp.dot(x_ref[...], w1r_ref[...], preferred_element_type=jnp.float32))
    h = jnp.maximum(h, 0.0)
    h_ref[...] = h
    hw = jnp.dot(h, w2l_ref[...], preferred_element_type=jnp.float32)
    hw0_ref[...] = hw[:, :HALF]
    hw1_ref[...] = hw[:, HALF:]


def _l1(x, a0, a1, cnt2d, W1l, b1_2d, W1r, W2l):
    grid = (N // _R,)
    return pl.pallas_call(
        _l1_body,
        grid=grid,
        in_specs=[
            pl.BlockSpec((_R, D_IN), lambda i: (i, 0)),
            pl.BlockSpec((_R, HALF), lambda i: (i, 0)),
            pl.BlockSpec((_R, HALF), lambda i: (i, 0)),
            pl.BlockSpec((_R, 1), lambda i: (i, 0)),
            pl.BlockSpec((D_IN, D_H), lambda i: (0, 0)),
            pl.BlockSpec((1, D_H), lambda i: (0, 0)),
            pl.BlockSpec((D_IN, D_H), lambda i: (0, 0)),
            pl.BlockSpec((D_H, D_OUT), lambda i: (0, 0)),
        ],
        out_specs=[
            pl.BlockSpec((_R, D_H), lambda i: (i, 0)),
            pl.BlockSpec((_R, HALF), lambda i: (i, 0)),
            pl.BlockSpec((_R, HALF), lambda i: (i, 0)),
        ],
        out_shape=[
            jax.ShapeDtypeStruct((N, D_H), jnp.float32),
            jax.ShapeDtypeStruct((N, HALF), jnp.float32),
            jax.ShapeDtypeStruct((N, HALF), jnp.float32),
        ],
        name="tc_layer1",
    )(x, a0, a1, cnt2d, W1l, b1_2d, W1r, W2l)


def _l2_body(h_ref, a0_ref, a1_ref, cnt_ref, w2r_ref, b2_ref,
             emb_ref, pooled_ref):
    i = pl.program_id(0)
    r = 1.0 / jnp.maximum(cnt_ref[...], 1.0)
    a = jnp.concatenate([a0_ref[...], a1_ref[...]], axis=1) * r
    emb = (a + b2_ref[...]
           + jnp.dot(h_ref[...], w2r_ref[...], preferred_element_type=jnp.float32))
    emb_ref[...] = emb

    @pl.when(i == 0)
    def _():
        pooled_ref[...] = jnp.zeros_like(pooled_ref)

    pooled_ref[...] += jnp.sum(emb, axis=0, keepdims=True) * (1.0 / N)


def _l2(h, a0, a1, cnt2d, W2r, b2_2d):
    grid = (N // _R,)
    return pl.pallas_call(
        _l2_body,
        grid=grid,
        in_specs=[
            pl.BlockSpec((_R, D_H), lambda i: (i, 0)),
            pl.BlockSpec((_R, HALF), lambda i: (i, 0)),
            pl.BlockSpec((_R, HALF), lambda i: (i, 0)),
            pl.BlockSpec((_R, 1), lambda i: (i, 0)),
            pl.BlockSpec((D_H, D_OUT), lambda i: (0, 0)),
            pl.BlockSpec((1, D_OUT), lambda i: (0, 0)),
        ],
        out_specs=[
            pl.BlockSpec((_R, D_OUT), lambda i: (i, 0)),
            pl.BlockSpec((1, D_OUT), lambda i: (0, 0)),
        ],
        out_shape=[
            jax.ShapeDtypeStruct((N, D_OUT), jnp.float32),
            jax.ShapeDtypeStruct((1, D_OUT), jnp.float32),
        ],
        name="tc_layer2",
    )(h, a0, a1, cnt2d, W2r, b2_2d)


def kernel(x, edge_index, W1l, b1, W1r, W2l, b2, W2r):
    E = edge_index.shape[1]
    pad = E_PAD - E
    src = jnp.concatenate([edge_index[0], jnp.zeros((pad,), jnp.int32)])
    pad_dst = N + (jnp.arange(pad, dtype=jnp.int32) % (ACC_N - N))
    dst = jnp.concatenate([edge_index[1], pad_dst])
    src = src.reshape(NS, N_CHUNKS, CHUNK)
    dst = dst.reshape(NS, N_CHUNKS, CHUNK)
    x0 = x[:, :HALF]
    x1 = x[:, HALF:]
    zrows = jnp.zeros((ZROWS, HALF), jnp.float32)
    zcnt = jnp.zeros((ACC_N,), jnp.float32)

    agg0, agg1, cnt = _agg_cnt(x0, x1, src, dst, zrows, zcnt)
    cnt2d = cnt[:N].reshape(N, 1)
    h, hw0, hw1 = _l1(x, agg0, agg1, cnt2d, W1l, b1.reshape(1, D_H), W1r, W2l)
    g0, g1 = _agg(hw0, hw1, src, dst, zrows, zcnt)
    emb, pooled = _l2(h, g0, g1, cnt2d, W2r, b2.reshape(1, D_OUT))
    return (pooled, emb)

# --- scband reference (transcript-rebuilt; emitter-appended) ---
"""Pipeline reference for scband-graph-sage-31997506355783 (READ-ONLY COPY).

The authoritative reference and input builder live on the scoring server;
editing this copy changes nothing except your own understanding.
"""

import jax, jax.numpy as jnp
import numpy as np

N = 10000
E = 160000
D_IN = 256
D_H = 512
D_OUT = 256


def setup_inputs(seed: int = 0) -> dict:
    key = jax.random.key(seed)
    ks = jax.random.split(key, 8)
    x = jax.random.normal(ks[0], (N, D_IN), dtype=jnp.float32)
    edge_index = jax.random.randint(ks[1], (2, E), 0, N, dtype=jnp.int32)
    # SAGEConv params: lin_l (applied to aggregated neighbors, with bias),
    # lin_r (applied to root/self features, no bias) -- PyG convention.
    s1 = 1.0 / np.sqrt(D_IN)
    s2 = 1.0 / np.sqrt(D_H)
    W1l = jax.random.normal(ks[2], (D_IN, D_H), dtype=jnp.float32) * s1
    b1 = jnp.zeros((D_H,), dtype=jnp.float32)
    W1r = jax.random.normal(ks[3], (D_IN, D_H), dtype=jnp.float32) * s1
    W2l = jax.random.normal(ks[4], (D_H, D_OUT), dtype=jnp.float32) * s2
    b2 = jnp.zeros((D_OUT,), dtype=jnp.float32)
    W2r = jax.random.normal(ks[5], (D_H, D_OUT), dtype=jnp.float32) * s2
    return {"x": x, "edge_index": edge_index, "W1l": W1l, "b1": b1, "W1r": W1r,
            "W2l": W2l, "b2": b2, "W2r": W2r}


def _sage_conv(h, src, dst, Wl, b, Wr, n_nodes):
    # message = x_j gathered from source nodes; mean-aggregated at dst
    msgs = jnp.take(h, src, axis=0)
    agg = jax.ops.segment_sum(msgs, dst, num_segments=n_nodes)
    cnt = jax.ops.segment_sum(jnp.ones((src.shape[0],), dtype=h.dtype), dst,
                              num_segments=n_nodes)
    agg = agg / jnp.clip(cnt, 1.0, None)[:, None]
    return agg @ Wl + b + h @ Wr


def reference(x, edge_index, W1l, b1, W1r, W2l, b2, W2r):
    src = edge_index[0]
    dst = edge_index[1]
    h = _sage_conv(x, src, dst, W1l, b1, W1r, N)
    h = jax.nn.relu(h)
    emb = _sage_conv(h, src, dst, W2l, b2, W2r, N)
    # global_mean_pool with batch=None -> mean over all nodes, single graph
    pooled = jnp.mean(emb, axis=0, keepdims=True)
    return (pooled, emb)

if __name__ == "__main__":
    import jax
    _d = setup_inputs()
    print(jax.jit(kernel)(*tuple(_d.values())))

</pallas_src>

<mosaic_0001>
#map = affine_map<(d0, d1) -> (0, 0)>
#map1 = affine_map<(d0, d1) -> (0, 0, 0)>
#map2 = affine_map<(d0, d1) -> (0)>
module attributes {stable_mosaic.version = 14 : i64} {
  func.func @sc_segment_mean(%arg0: i32, %arg1: i32, %arg2: memref<10000x128xf32, #tpu.memory_space<hbm>>, %arg3: memref<10000x128xf32, #tpu.memory_space<hbm>>, %arg4: memref<16x128x80xi32, #tpu.memory_space<hbm>>, %arg5: memref<16x128x80xi32, #tpu.memory_space<hbm>>, %arg6: memref<640x128xf32, #tpu.memory_space<hbm>>, %arg7: memref<10240xf32, #tpu.memory_space<hbm>>, %arg8: memref<10000x128xf32, #tpu.memory_space<hbm>>, %arg9: memref<10000x128xf32, #tpu.memory_space<hbm>>, %arg10: memref<80xi32, #tpu.memory_space<vmem>>, %arg11: memref<80xi32, #tpu.memory_space<vmem>>, %arg12: memref<80xi32, #tpu.memory_space<vmem>>, %arg13: memref<80xi32, #tpu.memory_space<vmem>>, %arg14: memref<80xi32, #tpu.memory_space<vmem>>, %arg15: memref<80xi32, #tpu.memory_space<vmem>>, %arg16: memref<80xi32, #tpu.memory_space<vmem>>, %arg17: memref<80xi32, #tpu.memory_space<vmem>>, %arg18: memref<80x128xf32, #tpu.memory_space<vmem>>, %arg19: memref<80x128xf32, #tpu.memory_space<vmem>>, %arg20: memref<80x128xf32, #tpu.memory_space<vmem>>, %arg21: memref<80x128xf32, #tpu.memory_space<vmem>>, %arg22: memref<10240x128xf32, #tpu.memory_space<vmem_shared>>, %arg23: memref<!tpu.dma_semaphore, #tpu.memory_space<semaphore_mem>>, %arg24: memref<!tpu.dma_semaphore, #tpu.memory_space<semaphore_mem>>, %arg25: memref<!tpu.dma_semaphore, #tpu.memory_space<semaphore_mem>>, %arg26: memref<!tpu.dma_semaphore, #tpu.memory_space<semaphore_mem>>, %arg27: memref<!tpu.dma_semaphore, #tpu.memory_space<semaphore_mem>>, %arg28: memref<!tpu.dma_semaphore, #tpu.memory_space<semaphore_mem>>, %arg29: memref<!tpu.dma_semaphore, #tpu.memory_space<semaphore_mem>>, %arg30: memref<!tpu.dma_semaphore, #tpu.memory_space<semaphore_mem>>) attributes {dimension_semantics = [#tpu.dimension_semantics<core_parallel>, #tpu.dimension_semantics<subcore_parallel>], iteration_bounds = array<i64: 2, 16>, scalar_prefetch = 0 : i64, scratch_operands = 21 : i64, tpu.core_type = #tpu.core_type<sc_vector_subcore>, window_params = [{transform_indices = #map}, {transform_indices = #map}, {transform_indices = #map1}, {transform_indices = #map1}, {transform_indices = #map}, {transform_indices = #map2}, {transform_indices = #map}, {transform_indices = #map}]} {
    %lt3A = arith.constant 15 : i32
    %lt3A_0 = arith.cmpi slt, %arg1, %lt3A : i32
    %convert_element_type3A = arith.extui %lt3A_0 : i1 to i32
    %cond3A = arith.constant 0 : i32
    %cond3A_1 = arith.cmpi ne, %convert_element_type3A, %cond3A : i32
    scf.if %cond3A_1 {
      %mul3A = arith.constant 640 : i32
      %mul3A_48 = arith.muli %arg1, %mul3A : i32
      "tpu.region"() ({
        %run_scoped3A = tpu.sem_alloc : memref<!tpu.dma_semaphore, #tpu.memory_space<semaphore_mem>>
        %dma_start3A = arith.constant 0 : i32
        %dma_start3A_49 = tpu.memref_slice %arg22[%mul3A_48, %dma_start3A] : memref<10240x128xf32, #tpu.memory_space<vmem_shared>> -> memref<640x128xf32, #tpu.memory_space<vmem_shared>>
        tpu.enqueue_dma source(%arg6 : memref<640x128xf32, #tpu.memory_space<hbm>>) target(%dma_start3A_49 : memref<640x128xf32, #tpu.memory_space<vmem_shared>>) target_semaphore(%run_scoped3A : memref<!tpu.dma_semaphore, #tpu.memory_space<semaphore_mem>>)
        %dma_wait3A = arith.constant 0 : i32
        %dma_wait3A_50 = tpu.memref_slice %arg22[%mul3A_48, %dma_wait3A] : memref<10240x128xf32, #tpu.memory_space<vmem_shared>> -> memref<640x128xf32, #tpu.memory_space<vmem_shared>>
        tpu.wait_dma2 semaphore(%run_scoped3A : memref<!tpu.dma_semaphore, #tpu.memory_space<semaphore_mem>>) src(%arg6 : memref<640x128xf32, #tpu.memory_space<hbm>>) dst(%dma_wait3A_50 : memref<640x128xf32, #tpu.memory_space<vmem_shared>>)
        tpu.yield
      }) : () -> ()
    } else {
    }
    %eq3A = arith.constant 15 : i32
    %eq3A_2 = arith.cmpi eq, %arg1, %eq3A : i32
    %convert_element_type3A_3 = arith.extui %eq3A_2 : i1 to i32
    %cond3A_4 = arith.constant 0 : i32
    %cond3A_5 = arith.cmpi ne, %convert_element_type3A_3, %cond3A_4 : i32
    scf.if %cond3A_5 {
      "tpu.region"() ({
        %run_scoped3A = tpu.sem_alloc : memref<!tpu.dma_semaphore, #tpu.memory_space<semaphore_mem>>
        %dma_start3A = arith.constant 9600 : i32
        %dma_start3A_48 = arith.constant 0 : i32
        %dma_start3A_49 = tpu.memref_slice %arg22[%dma_start3A, %dma_start3A_48] : memref<10240x128xf32, #tpu.memory_space<vmem_shared>> -> memref<640x128xf32, #tpu.memory_space<vmem_shared>>
        %dma_start3A_50 = arith.constant 0 : i32
        %dma_start3A_51 = arith.constant 0 : i32
        %dma_start3A_52 = tpu.memref_slice %arg6[%dma_start3A_50, %dma_start3A_51] : memref<640x128xf32, #tpu.memory_space<hbm>> -> memref<640x128xf32, #tpu.memory_space<hbm>>
        tpu.enqueue_dma source(%dma_start3A_52 : memref<640x128xf32, #tpu.memory_space<hbm>>) target(%dma_start3A_49 : memref<640x128xf32, #tpu.memory_space<vmem_shared>>) target_semaphore(%run_scoped3A : memref<!tpu.dma_semaphore, #tpu.memory_space<semaphore_mem>>)
        %dma_wait3A = arith.constant 9600 : i32
        %dma_wait3A_53 = arith.constant 0 : i32
        %dma_wait3A_54 = tpu.memref_slice %arg22[%dma_wait3A, %dma_wait3A_53] : memref<10240x128xf32, #tpu.memory_space<vmem_shared>> -> memref<640x128xf32, #tpu.memory_space<vmem_shared>>
        %dma_wait3A_55 = arith.constant 0 : i32
        %dma_wait3A_56 = arith.constant 0 : i32
        %dma_wait3A_57 = tpu.memref_slice %arg6[%dma_wait3A_55, %dma_wait3A_56] : memref<640x128xf32, #tpu.memory_space<hbm>> -> memref<640x128xf32, #tpu.memory_space<hbm>>
        tpu.wait_dma2 semaphore(%run_scoped3A : memref<!tpu.dma_semaphore, #tpu.memory_space<semaphore_mem>>) src(%dma_wait3A_57 : memref<640x128xf32, #tpu.memory_space<hbm>>) dst(%dma_wait3A_54 : memref<640x128xf32, #tpu.memory_space<vmem_shared>>)
        tpu.yield
      }) : () -> ()
    } else {
    }
    %barrier3A = arith.constant 0 : index
    tpu.barrier barrier_id(%barrier3A)
    %eq3A_6 = arith.constant 0 : i32
    %eq3A_7 = arith.cmpi eq, %arg0, %eq3A_6 : i32
    %convert_element_type3A_8 = arith.extui %eq3A_7 : i1 to i32
    %cond3A_9 = arith.constant 0 : i32
    %cond3A_10 = arith.cmpi ne, %convert_element_type3A_8, %cond3A_9 : i32
    scf.if %cond3A_10 {
      %dma_start3A = arith.constant 0 : i32
      %dma_start3A_48 = arith.constant 0 : i32
      %dma_start3A_49 = tpu.memref_slice %arg4[%arg1, %dma_start3A, %dma_start3A_48] : memref<16x128x80xi32, #tpu.memory_space<hbm>> -> memref<1x1x80xi32, #tpu.memory_space<hbm>>
      %dma_start3A_50 = tpu.memref_squeeze %dma_start3A_49 : memref<1x1x80xi32, #tpu.memory_space<hbm>> -> memref<80xi32, #tpu.memory_space<hbm>>
      %dma_start3A_51 = arith.constant 0 : i32
      %dma_start3A_52 = tpu.memref_slice %arg4[%arg1, %dma_start3A, %dma_start3A_51] : memref<16x128x80xi32, #tpu.memory_space<hbm>> -> memref<1x1x80xi32, #tpu.memory_space<hbm>>
      %dma_start3A_53 = tpu.memref_squeeze %dma_start3A_52 : memref<1x1x80xi32, #tpu.memory_space<hbm>> -> memref<80xi32, #tpu.memory_space<hbm>>
      tpu.enqueue_dma source(%dma_start3A_53 : memref<80xi32, #tpu.memory_space<hbm>>) target(%arg10 : memref<80xi32, #tpu.memory_space<vmem>>) target_semaphore(%arg23 : memref<!tpu.dma_semaphore, #tpu.memory_space<semaphore_mem>>)
      %dma_start3A_54 = arith.constant 0 : i32
      %dma_start3A_55 = arith.constant 0 : i32
      %dma_start3A_56 = tpu.memref_slice %arg5[%arg1, %dma_start3A_54, %dma_start3A_55] : memref<16x128x80xi32, #tpu.memory_space<hbm>> -> memref<1x1x80xi32, #tpu.memory_space<hbm>>
      %dma_start3A_57 = tpu.memref_squeeze %dma_start3A_56 : memref<1x1x80xi32, #tpu.memory_space<hbm>> -> memref<80xi32, #tpu.memory_space<hbm>>
      %dma_start3A_58 = arith.constant 0 : i32
      %dma_start3A_59 = tpu.memref_slice %arg5[%arg1, %dma_start3A_54, %dma_start3A_58] : memref<16x128x80xi32, #tpu.memory_space<hbm>> -> memref<1x1x80xi32, #tpu.memory_space<hbm>>
      %dma_start3A_60 = tpu.memref_squeeze %dma_start3A_59 : memref<1x1x80xi32, #tpu.memory_space<hbm>> -> memref<80xi32, #tpu.memory_space<hbm>>
      tpu.enqueue_dma source(%dma_start3A_60 : memref<80xi32, #tpu.memory_space<hbm>>) target(%arg14 : memref<80xi32, #tpu.memory_space<vmem>>) target_semaphore(%arg23 : memref<!tpu.dma_semaphore, #tpu.memory_space<semaphore_mem>>)
      %dma_start3A_61 = arith.constant 1 : i32
      %dma_start3A_62 = arith.constant 0 : i32
      %dma_start3A_63 = tpu.memref_slice %arg4[%arg1, %dma_start3A_61, %dma_start3A_62] : memref<16x128x80xi32, #tpu.memory_space<hbm>> -> memref<1x1x80xi32, #tpu.memory_space<hbm>>
      %dma_start3A_64 = tpu.memref_squeeze %dma_start3A_63 : memref<1x1x80xi32, #tpu.memory_space<hbm>> -> memref<80xi32, #tpu.memory_space<hbm>>
      %dma_start3A_65 = arith.constant 0 : i32
      %dma_start3A_66 = tpu.memref_slice %arg4[%arg1, %dma_start3A_61, %dma_start3A_65] : memref<16x128x80xi32, #tpu.memory_space<hbm>> -> memref<1x1x80xi32, #tpu.memory_space<hbm>>
      %dma_start3A_67 = tpu.memref_squeeze %dma_start3A_66 : memref<1x1x80xi32, #tpu.memory_space<hbm>> -> memref<80xi32, #tpu.memory_space<hbm>>
      tpu.enqueue_dma source(%dma_start3A_67 : memref<80xi32, #tpu.memory_space<hbm>>) target(%arg11 : memref<80xi32, #tpu.memory_space<vmem>>) target_semaphore(%arg24 : memref<!tpu.dma_semaphore, #tpu.memory_space<semaphore_mem>>)
      %dma_start3A_68 = arith.constant 1 : i32
      %dma_start3A_69 = arith.constant 0 : i32
      %dma_start3A_70 = tpu.memref_slice %arg5[%arg1, %dma_start3A_68, %dma_start3A_69] : memref<16x128x80xi32, #tpu.memory_space<hbm>> -> memref<1x1x80xi32, #tpu.memory_space<hbm>>
      %dma_start3A_71 = tpu.memref_squeeze %dma_start3A_70 : memref<1x1x80xi32, #tpu.memory_space<hbm>> -> memref<80xi32, #tpu.memory_space<hbm>>
      %dma_start3A_72 = arith.constant 0 : i32
      %dma_start3A_73 = tpu.memref_slice %arg5[%arg1, %dma_start3A_68, %dma_start3A_72] : memref<16x128x80xi32, #tpu.memory_space<hbm>> -> memref<1x1x80xi32, #tpu.memory_space<hbm>>
      %dma_start3A_74 = tpu.memref_squeeze %dma_start3A_73 : memref<1x1x80xi32, #tpu.memory_space<hbm>> -> memref<80xi32, #tpu.memory_space<hbm>>
      tpu.enqueue_dma source(%dma_start3A_74 : memref<80xi32, #tpu.memory_space<hbm>>) target(%arg15 : memref<80xi32, #tpu.memory_space<vmem>>) target_semaphore(%arg24 : memref<!tpu.dma_semaphore, #tpu.memory_space<semaphore_mem>>)
      %dma_start3A_75 = arith.constant 2 : i32
      %dma_start3A_76 = arith.constant 0 : i32
      %dma_start3A_77 = tpu.memref_slice %arg4[%arg1, %dma_start3A_75, %dma_start3A_76] : memref<16x128x80xi32, #tpu.memory_space<hbm>> -> memref<1x1x80xi32, #tpu.memory_space<hbm>>
      %dma_start3A_78 = tpu.memref_squeeze %dma_start3A_77 : memref<1x1x80xi32, #tpu.memory_space<hbm>> -> memref<80xi32, #tpu.memory_space<hbm>>
      %dma_start3A_79 = arith.constant 0 : i32
      %dma_start3A_80 = tpu.memref_slice %arg4[%arg1, %dma_start3A_75, %dma_start3A_79] : memref<16x128x80xi32, #tpu.memory_space<hbm>> -> memref<1x1x80xi32, #tpu.memory_space<hbm>>
      %dma_start3A_81 = tpu.memref_squeeze %dma_start3A_80 : memref<1x1x80xi32, #tpu.memory_space<hbm>> -> memref<80xi32, #tpu.memory_space<hbm>>
      tpu.enqueue_dma source(%dma_start3A_81 : memref<80xi32, #tpu.memory_space<hbm>>) target(%arg12 : memref<80xi32, #tpu.memory_space<vmem>>) target_semaphore(%arg25 : memref<!tpu.dma_semaphore, #tpu.memory_space<semaphore_mem>>)
      %dma_start3A_82 = arith.constant 2 : i32
      %dma_start3A_83 = arith.constant 0 : i32
      %dma_start3A_84 = tpu.memref_slice %arg5[%arg1, %dma_start3A_82, %dma_start3A_83] : memref<16x128x80xi32, #tpu.memory_space<hbm>> -> memref<1x1x80xi32, #tpu.memory_space<hbm>>
      %dma_start3A_85 = tpu.memref_squeeze %dma_start3A_84 : memref<1x1x80xi32, #tpu.memory_space<hbm>> -> memref<80xi32, #tpu.memory_space<hbm>>
      %dma_start3A_86 = arith.constant 0 : i32
      %dma_start3A_87 = tpu.memref_slice %arg5[%arg1, %dma_start3A_82, %dma_start3A_86] : memref<16x128x80xi32, #tpu.memory_space<hbm>> -> memref<1x1x80xi32, #tpu.memory_space<hbm>>
      %dma_start3A_88 = tpu.memref_squeeze %dma_start3A_87 : memref<1x1x80xi32, #tpu.memory_space<hbm>> -> memref<80xi32, #tpu.memory_space<hbm>>
      tpu.enqueue_dma source(%dma_start3A_88 : memref<80xi32, #tpu.memory_space<hbm>>) target(%arg16 : memref<80xi32, #tpu.memory_space<vmem>>) target_semaphore(%arg25 : memref<!tpu.dma_semaphore, #tpu.memory_space<semaphore_mem>>)
      %dma_wait3A = arith.constant 0 : i32
      %dma_wait3A_89 = arith.constant 0 : i32
      %dma_wait3A_90 = tpu.memref_slice %arg4[%arg1, %dma_wait3A, %dma_wait3A_89] : memref<16x128x80xi32, #tpu.memory_space<hbm>> -> memref<1x1x80xi32, #tpu.memory_space<hbm>>
      %dma_wait3A_91 = tpu.memref_squeeze %dma_wait3A_90 : memref<1x1x80xi32, #tpu.memory_space<hbm>> -> memref<80xi32, #tpu.memory_space<hbm>>
      %dma_wait3A_92 = arith.constant 0 : i32
      %dma_wait3A_93 = tpu.memref_slice %arg4[%arg1, %dma_wait3A, %dma_wait3A_92] : memref<16x128x80xi32, #tpu.memory_space<hbm>> -> memref<1x1x80xi32, #tpu.memory_space<hbm>>
      %dma_wait3A_94 = tpu.memref_squeeze %dma_wait3A_93 : memref<1x1x80xi32, #tpu.memory_space<hbm>> -> memref<80xi32, #tpu.memory_space<hbm>>
      tpu.wait_dma2 semaphore(%arg23 : memref<!tpu.dma_semaphore, #tpu.memory_space<semaphore_mem>>) src(%dma_wait3A_94 : memref<80xi32, #tpu.memory_space<hbm>>) dst(%arg10 : memref<80xi32, #tpu.memory_space<vmem>>)
      %dma_wait3A_95 = arith.constant 0 : i32
      %dma_wait3A_96 = arith.constant 0 : i32
      %dma_wait3A_97 = tpu.memref_slice %arg5[%arg1, %dma_wait3A_95, %dma_wait3A_96] : memref<16x128x80xi32, #tpu.memory_space<hbm>> -> memref<1x1x80xi32, #tpu.memory_space<hbm>>
      %dma_wait3A_98 = tpu.memref_squeeze %dma_wait3A_97 : memref<1x1x80xi32, #tpu.memory_space<hbm>> -> memref<80xi32, #tpu.memory_space<hbm>>
      %dma_wait3A_99 = arith.constant 0 : i32
      %dma_wait3A_100 = tpu.memref_slice %arg5[%arg1, %dma_wait3A_95, %dma_wait3A_99] : memref<16x128x80xi32, #tpu.memory_space<hbm>> -> memref<1x1x80xi32, #tpu.memory_space<hbm>>
      %dma_wait3A_101 = tpu.memref_squeeze %dma_wait3A_100 : memref<1x1x80xi32, #tpu.memory_space<hbm>> -> memref<80xi32, #tpu.memory_space<hbm>>
      tpu.wait_dma2 semaphore(%arg23 : memref<!tpu.dma_semaphore, #tpu.memory_space<semaphore_mem>>) src(%dma_wait3A_101 : memref<80xi32, #tpu.memory_space<hbm>>) dst(%arg14 : memref<80xi32, #tpu.memory_space<vmem>>)
      %dma_start3A_102 = arith.constant 0 : i32
      %dma_start3A_103 = arith.constant 0 : i32
      %dma_start3A_104 = tpu.memref_slice %arg2[%dma_start3A_102, %dma_start3A_103] : memref<10000x128xf32, #tpu.memory_space<hbm>> -> memref<10000x128xf32, #tpu.memory_space<hbm>>
      tpu.enqueue_indirect_dma source(%dma_start3A_104 : memref<10000x128xf32, #tpu.memory_space<hbm>>) target(%arg18 : memref<80x128xf32, #tpu.memory_space<vmem>>) offsets(%arg10 : memref<80xi32, #tpu.memory_space<vmem>>) semaphore(%arg27 : memref<!tpu.dma_semaphore, #tpu.memory_space<semaphore_mem>>)
      %dma_wait3A_105 = arith.constant 0 : i32
      %dma_wait3A_106 = arith.constant 0 : i32
      %dma_wait3A_107 = tpu.memref_slice %arg4[%arg1, %dma_wait3A_105, %dma_wait3A_106] : memref<16x128x80xi32, #tpu.memory_space<hbm>> -> memref<1x1x80xi32, #tpu.memory_space<hbm>>
      %dma_wait3A_108 = tpu.memref_squeeze %dma_wait3A_107 : memref<1x1x80xi32, #tpu.memory_space<hbm>> -> memref<80xi32, #tpu.memory_space<hbm>>
      %dma_wait3A_109 = arith.constant 0 : i32
      %dma_wait3A_110 = tpu.memref_slice %arg4[%arg1, %dma_wait3A_105, %dma_wait3A_109] : memref<16x128x80xi32, #tpu.memory_space<hbm>> -> memref<1x1x80xi32, #tpu.memory_space<hbm>>
      %dma_wait3A_111 = tpu.memref_squeeze %dma_wait3A_110 : memref<1x1x80xi32, #tpu.memory_space<hbm>> -> memref<80xi32, #tpu.memory_space<hbm>>
      tpu.wait_dma2 semaphore(%arg24 : memref<!tpu.dma_semaphore, #tpu.memory_space<semaphore_mem>>) src(%dma_wait3A_111 : memref<80xi32, #tpu.memory_space<hbm>>) dst(%arg11 : memref<80xi32, #tpu.memory_space<vmem>>)
      %dma_wait3A_112 = arith.constant 0 : i32
      %dma_wait3A_113 = arith.constant 0 : i32
      %dma_wait3A_114 = tpu.memref_slice %arg5[%arg1, %dma_wait3A_112, %dma_wait3A_113] : memref<16x128x80xi32, #tpu.memory_space<hbm>> -> memref<1x1x80xi32, #tpu.memory_space<hbm>>
      %dma_wait3A_115 = tpu.memref_squeeze %dma_wait3A_114 : memref<1x1x80xi32, #tpu.memory_space<hbm>> -> memref<80xi32, #tpu.memory_space<hbm>>
      %dma_wait3A_116 = arith.constant 0 : i32
      %dma_wait3A_117 = tpu.memref_slice %arg5[%arg1, %dma_wait3A_112, %dma_wait3A_116] : memref<16x128x80xi32, #tpu.memory_space<hbm>> -> memref<1x1x80xi32, #tpu.memory_space<hbm>>
      %dma_wait3A_118 = tpu.memref_squeeze %dma_wait3A_117 : memref<1x1x80xi32, #tpu.memory_space<hbm>> -> memref<80xi32, #tpu.memory_space<hbm>>
      tpu.wait_dma2 semaphore(%arg24 : memref<!tpu.dma_semaphore, #tpu.memory_space<semaphore_mem>>) src(%dma_wait3A_118 : memref<80xi32, #tpu.memory_space<hbm>>) dst(%arg15 : memref<80xi32, #tpu.memory_space<vmem>>)
      %dma_start3A_119 = arith.constant 0 : i32
      %dma_start3A_120 = arith.constant 0 : i32
      %dma_start3A_121 = tpu.memref_slice %arg2[%dma_start3A_119, %dma_start3A_120] : memref<10000x128xf32, #tpu.memory_space<hbm>> -> memref<10000x128xf32, #tpu.memory_space<hbm>>
      tpu.enqueue_indirect_dma source(%dma_start3A_121 : memref<10000x128xf32, #tpu.memory_space<hbm>>) target(%arg19 : memref<80x128xf32, #tpu.memory_space<vmem>>) offsets(%arg11 : memref<80xi32, #tpu.memory_space<vmem>>) semaphore(%arg28 : memref<!tpu.dma_semaphore, #tpu.memory_space<semaphore_mem>>)
      %dma_wait3A_122 = arith.constant 0 : i32
      %dma_wait3A_123 = arith.constant 0 : i32
      %dma_wait3A_124 = tpu.memref_slice %arg4[%arg1, %dma_wait3A_122, %dma_wait3A_123] : memref<16x128x80xi32, #tpu.memory_space<hbm>> -> memref<1x1x80xi32, #tpu.memory_space<hbm>>
      %dma_wait3A_125 = tpu.memref_squeeze %dma_wait3A_124 : memref<1x1x80xi32, #tpu.memory_space<hbm>> -> memref<80xi32, #tpu.memory_space<hbm>>
      %dma_wait3A_126 = arith.constant 0 : i32
      %dma_wait3A_127 = tpu.memref_slice %arg4[%arg1, %dma_wait3A_122, %dma_wait3A_126] : memref<16x128x80xi32, #tpu.memory_space<hbm>> -> memref<1x1x80xi32, #tpu.memory_space<hbm>>
      %dma_wait3A_128 = tpu.memref_squeeze %dma_wait3A_127 : memref<1x1x80xi32, #tpu.memory_space<hbm>> -> memref<80xi32, #tpu.memory_space<hbm>>
      tpu.wait_dma2 semaphore(%arg25 : memref<!tpu.dma_semaphore, #tpu.memory_space<semaphore_mem>>) src(%dma_wait3A_128 : memref<80xi32, #tpu.memory_space<hbm>>) dst(%arg12 : memref<80xi32, #tpu.memory_space<vmem>>)
      %dma_wait3A_129 = arith.constant 0 : i32
      %dma_wait3A_130 = arith.constant 0 : i32
      %dma_wait3A_131 = tpu.memref_slice %arg5[%arg1, %dma_wait3A_129, %dma_wait3A_130] : memref<16x128x80xi32, #tpu.memory_space<hbm>> -> memref<1x1x80xi32, #tpu.memory_space<hbm>>
      %dma_wait3A_132 = tpu.memref_squeeze %dma_wait3A_131 : memref<1x1x80xi32, #tpu.memory_space<hbm>> -> memref<80xi32, #tpu.memory_space<hbm>>
      %dma_wait3A_133 = arith.constant 0 : i32
      %dma_wait3A_134 = tpu.memref_slice %arg5[%arg1, %dma_wait3A_129, %dma_wait3A_133] : memref<16x128x80xi32, #tpu.memory_space<hbm>> -> memref<1x1x80xi32, #tpu.memory_space<hbm>>
      %dma_wait3A_135 = tpu.memref_squeeze %dma_wait3A_134 : memref<1x1x80xi32, #tpu.memory_space<hbm>> -> memref<80xi32, #tpu.memory_space<hbm>>
      tpu.wait_dma2 semaphore(%arg25 : memref<!tpu.dma_semaphore, #tpu.memory_space<semaphore_mem>>) src(%dma_wait3A_135 : memref<80xi32, #tpu.memory_space<hbm>>) dst(%arg16 : memref<80xi32, #tpu.memory_space<vmem>>)
      %dma_start3A_136 = arith.constant 0 : i32
      %dma_start3A_137 = arith.constant 0 : i32
      %dma_start3A_138 = tpu.memref_slice %arg2[%dma_start3A_136, %dma_start3A_137] : memref<10000x128xf32, #tpu.memory_space<hbm>> -> memref<10000x128xf32, #tpu.memory_space<hbm>>
      tpu.enqueue_indirect_dma source(%dma_start3A_138 : memref<10000x128xf32, #tpu.memory_space<hbm>>) target(%arg20 : memref<80x128xf32, #tpu.memory_space<vmem>>) offsets(%arg12 : memref<80xi32, #tpu.memory_space<vmem>>) semaphore(%arg29 : memref<!tpu.dma_semaphore, #tpu.memory_space<semaphore_mem>>)
      %dma_start3A_139 = arith.constant 3 : i32
      %dma_start3A_140 = arith.constant 0 : i32
      %dma_start3A_141 = tpu.memref_slice %arg4[%arg1, %dma_start3A_139, %dma_start3A_140] : memref<16x128x80xi32, #tpu.memory_space<hbm>> -> memref<1x1x80xi32, #tpu.memory_space<hbm>>
      %dma_start3A_142 = tpu.memref_squeeze %dma_start3A_141 : memref<1x1x80xi32, #tpu.memory_space<hbm>> -> memref<80xi32, #tpu.memory_space<hbm>>
      %dma_start3A_143 = arith.constant 0 : i32
      %dma_start3A_144 = tpu.memref_slice %arg4[%arg1, %dma_start3A_139, %dma_start3A_143] : memref<16x128x80xi32, #tpu.memory_space<hbm>> -> memref<1x1x80xi32, #tpu.memory_space<hbm>>
      %dma_start3A_145 = tpu.memref_squeeze %dma_start3A_144 : memref<1x1x80xi32, #tpu.memory_space<hbm>> -> memref<80xi32, #tpu.memory_space<hbm>>
      tpu.enqueue_dma source(%dma_start3A_145 : memref<80xi32, #tpu.memory_space<hbm>>) target(%arg13 : memref<80xi32, #tpu.memory_space<vmem>>) target_semaphore(%arg26 : memref<!tpu.dma_semaphore, #tpu.memory_space<semaphore_mem>>)
      %dma_start3A_146 = arith.constant 3 : i32
      %dma_start3A_147 = arith.constant 0 : i32
      %dma_start3A_148 = tpu.memref_slice %arg5[%arg1, %dma_start3A_146, %dma_start3A_147] : memref<16x128x80xi32, #tpu.memory_space<hbm>> -> memref<1x1x80xi32, #tpu.memory_space<hbm>>
      %dma_start3A_149 = tpu.memref_squeeze %dma_start3A_148 : memref<1x1x80xi32, #tpu.memory_space<hbm>> -> memref<80xi32, #tpu.memory_space<hbm>>
      %dma_start3A_150 = arith.constant 0 : i32
      %dma_start3A_151 = tpu.memref_slice %arg5[%arg1, %dma_start3A_146, %dma_start3A_150] : memref<16x128x80xi32, #tpu.memory_space<hbm>> -> memref<1x1x80xi32, #tpu.memory_space<hbm>>
      %dma_start3A_152 = tpu.memref_squeeze %dma_start3A_151 : memref<1x1x80xi32, #tpu.memory_space<hbm>> -> memref<80xi32, #tpu.memory_space<hbm>>
      tpu.enqueue_dma source(%dma_start3A_152 : memref<80xi32, #tpu.memory_space<hbm>>) target(%arg17 : memref<80xi32, #tpu.memory_space<vmem>>) target_semaphore(%arg26 : memref<!tpu.dma_semaphore, #tpu.memory_space<semaphore_mem>>)
      %scan3A = arith.constant 0 : i32
      %scan3A_153 = arith.constant 0 : i32
      %scan3A_154 = arith.constant 32 : i32
      %scan3A_155 = arith.addi %scan3A_153, %scan3A_154 : i32
      %scan3A_156 = arith.constant 1 : i32
      scf.for %scan3A_158 = %scan3A_153 to %scan3A_155 step %scan3A_156  : i32 {
        %mul3A = arith.constant 4 : i32
        %mul3A_159 = arith.muli %mul3A, %scan3A_158 : i32
        %add3A = arith.constant 0 : i32
        %add3A_160 = arith.addi %mul3A_159, %add3A : i32
        %add3A_161 = arith.constant 4 : i32
        %add3A_162 = arith.addi %add3A_160, %add3A_161 : i32
        %sub3A = arith.constant 1 : i32
        %sub3A_163 = arith.subi %add3A_162, %sub3A : i32
        %lt3A_164 = arith.constant 128 : i32
        %lt3A_165 = arith.cmpi slt, %sub3A_163, %lt3A_164 : i32
        %convert_element_type3A_166 = arith.extui %lt3A_165 : i1 to i32
        %cond3A_167 = arith.constant 0 : i32
        %cond3A_168 = arith.cmpi ne, %convert_element_type3A_166, %cond3A_167 : i32
        scf.if %cond3A_168 {
          %dma_wait3A_242 = arith.constant 0 : i32
          %dma_wait3A_243 = arith.constant 0 : i32
          %dma_wait3A_244 = tpu.memref_slice %arg4[%arg1, %dma_wait3A_242, %dma_wait3A_243] : memref<16x128x80xi32, #tpu.memory_space<hbm>> -> memref<1x1x80xi32, #tpu.memory_space<hbm>>
          %dma_wait3A_245 = tpu.memref_squeeze %dma_wait3A_244 : memref<1x1x80xi32, #tpu.memory_space<hbm>> -> memref<80xi32, #tpu.memory_space<hbm>>
          %dma_wait3A_246 = arith.constant 0 : i32
          %dma_wait3A_247 = tpu.memref_slice %arg4[%arg1, %dma_wait3A_242, %dma_wait3A_246] : memref<16x128x80xi32, #tpu.memory_space<hbm>> -> memref<1x1x80xi32, #tpu.memory_space<hbm>>
          %dma_wait3A_248 = tpu.memref_squeeze %dma_wait3A_247 : memref<1x1x80xi32, #tpu.memory_space<hbm>> -> memref<80xi32, #tpu.memory_space<hbm>>
          tpu.wait_dma2 semaphore(%arg26 : memref<!tpu.dma_semaphore, #tpu.memory_space<semaphore_mem>>) src(%dma_wait3A_248 : memref<80xi32, #tpu.memory_space<hbm>>) dst(%arg13 : memref<80xi32, #tpu.memory_space<vmem>>)
          %dma_wait3A_249 = arith.constant 0 : i32
          %dma_wait3A_250 = arith.constant 0 : i32
          %dma_wait3A_251 = tpu.memref_slice %arg5[%arg1, %dma_wait3A_249, %dma_wait3A_250] : memref<16x128x80xi32, #tpu.memory_space<hbm>> -> memref<1x1x80xi32, #tpu.memory_space<hbm>>
          %dma_wait3A_252 = tpu.memref_squeeze %dma_wait3A_251 : memref<1x1x80xi32, #tpu.memory_space<hbm>> -> memref<80xi32, #tpu.memory_space<hbm>>
          %dma_wait3A_253 = arith.constant 0 : i32
          %dma_wait3A_254 = tpu.memref_slice %arg5[%arg1, %dma_wait3A_249, %dma_wait3A_253] : memref<16x128x80xi32, #tpu.memory_space<hbm>> -> memref<1x1x80xi32, #tpu.memory_space<hbm>>
          %dma_wait3A_255 = tpu.memref_squeeze %dma_wait3A_254 : memref<1x1x80xi32, #tpu.memory_space<hbm>> -> memref<80xi32, #tpu.memory_space<hbm>>
          tpu.wait_dma2 semaphore(%arg26 : memref<!tpu.dma_semaphore, #tpu.memory_space<semaphore_mem>>) src(%dma_wait3A_255 : memref<80xi32, #tpu.memory_space<hbm>>) dst(%arg17 : memref<80xi32, #tpu.memory_space<vmem>>)
          %dma_start3A_256 = arith.constant 0 : i32
          %dma_start3A_257 = arith.constant 0 : i32
          %dma_start3A_258 = tpu.memref_slice %arg2[%dma_start3A_256, %dma_start3A_257] : memref<10000x128xf32, #tpu.memory_space<hbm>> -> memref<10000x128xf32, #tpu.memory_space<hbm>>
          tpu.enqueue_indirect_dma source(%dma_start3A_258 : memref<10000x128xf32, #tpu.memory_space<hbm>>) target(%arg21 : memref<80x128xf32, #tpu.memory_space<vmem>>) offsets(%arg13 : memref<80xi32, #tpu.memory_space<vmem>>) semaphore(%arg30 : memref<!tpu.dma_semaphore, #tpu.memory_space<semaphore_mem>>)
        } else {
        }
        %dma_wait3A_169 = arith.constant 0 : i32
        %dma_wait3A_170 = arith.constant 0 : i32
        %dma_wait3A_171 = tpu.memref_slice %arg2[%dma_wait3A_169, %dma_wait3A_170] : memref<10000x128xf32, #tpu.memory_space<hbm>> -> memref<10000x128xf32, #tpu.memory_space<hbm>>
        tpu.wait_indirect_dma semaphore(%arg27 : memref<!tpu.dma_semaphore, #tpu.memory_space<semaphore_mem>>) src(%dma_wait3A_171 : memref<10000x128xf32, #tpu.memory_space<hbm>>) dst(%arg18 : memref<80x128xf32, #tpu.memory_space<vmem>>)
        "tpu.region"() ({
          %run_scoped3A = tpu.sem_alloc : memref<!tpu.dma_semaphore, #tpu.memory_space<semaphore_mem>>
          %dma_start3A_242 = arith.constant 0 : i32
          %dma_start3A_243 = arith.constant 0 : i32
          %dma_start3A_244 = tpu.memref_slice %arg22[%dma_start3A_242, %dma_start3A_243] : memref<10240x128xf32, #tpu.memory_space<vmem_shared>> -> memref<10240x128xf32, #tpu.memory_space<vmem_shared>>
          tpu.enqueue_indirect_dma source(%arg18 : memref<80x128xf32, #tpu.memory_space<vmem>>) target(%dma_start3A_244 : memref<10240x128xf32, #tpu.memory_space<vmem_shared>>) offsets(%arg14 : memref<80xi32, #tpu.memory_space<vmem>>) semaphore(%run_scoped3A : memref<!tpu.dma_semaphore, #tpu.memory_space<semaphore_mem>>) {add = true}
          %dma_wait3A_245 = arith.constant 0 : i32
          %dma_wait3A_246 = arith.constant 0 : i32
          %dma_wait3A_247 = tpu.memref_slice %arg22[%dma_wait3A_245, %dma_wait3A_246] : memref<10240x128xf32, #tpu.memory_space<vmem_shared>> -> memref<10240x128xf32, #tpu.memory_space<vmem_shared>>
          tpu.wait_indirect_dma semaphore(%run_scoped3A : memref<!tpu.dma_semaphore, #tpu.memory_space<semaphore_mem>>) src(%arg18 : memref<80x128xf32, #tpu.memory_space<vmem>>) dst(%dma_wait3A_247 : memref<10240x128xf32, #tpu.memory_space<vmem_shared>>)
          tpu.yield
        }) : () -> ()
        %add3A_172 = arith.constant 4 : i32
        %add3A_173 = arith.addi %add3A_160, %add3A_172 : i32
        %lt3A_174 = arith.constant 128 : i32
        %lt3A_175 = arith.cmpi slt, %add3A_173, %lt3A_174 : i32
        %convert_element_type3A_176 = arith.extui %lt3A_175 : i1 to i32
        %cond3A_177 = arith.constant 0 : i32
        %cond3A_178 = arith.cmpi ne, %convert_element_type3A_176, %cond3A_177 : i32
        scf.if %cond3A_178 {
          %add3A_242 = arith.constant 4 : i32
          %add3A_243 = arith.addi %add3A_160, %add3A_242 : i32
          %dma_start3A_244 = arith.constant 0 : i32
          %dma_start3A_245 = tpu.memref_slice %arg4[%arg1, %add3A_243, %dma_start3A_244] : memref<16x128x80xi32, #tpu.memory_space<hbm>> -> memref<1x1x80xi32, #tpu.memory_space<hbm>>
          %dma_start3A_246 = tpu.memref_squeeze %dma_start3A_245 : memref<1x1x80xi32, #tpu.memory_space<hbm>> -> memref<80xi32, #tpu.memory_space<hbm>>
          %dma_start3A_247 = arith.constant 0 : i32
          %dma_start3A_248 = tpu.memref_slice %arg4[%arg1, %add3A_243, %dma_start3A_247] : memref<16x128x80xi32, #tpu.memory_space<hbm>> -> memref<1x1x80xi32, #tpu.memory_space<hbm>>
          %dma_start3A_249 = tpu.memref_squeeze %dma_start3A_248 : memref<1x1x80xi32, #tpu.memory_space<hbm>> -> memref<80xi32, #tpu.memory_space<hbm>>
          tpu.enqueue_dma source(%dma_start3A_249 : memref<80xi32, #tpu.memory_space<hbm>>) target(%arg10 : memref<80xi32, #tpu.memory_space<vmem>>) target_semaphore(%arg23 : memref<!tpu.dma_semaphore, #tpu.memory_space<semaphore_mem>>)
          %dma_start3A_250 = arith.constant 0 : i32
          %dma_start3A_251 = tpu.memref_slice %arg5[%arg1, %add3A_243, %dma_start3A_250] : memref<16x128x80xi32, #tpu.memory_space<hbm>> -> memref<1x1x80xi32, #tpu.memory_space<hbm>>
          %dma_start3A_252 = tpu.memref_squeeze %dma_start3A_251 : memref<1x1x80xi32, #tpu.memory_space<hbm>> -> memref<80xi32, #tpu.memory_space<hbm>>
          %dma_start3A_253 = arith.constant 0 : i32
          %dma_start3A_254 = tpu.memref_slice %arg5[%arg1, %add3A_243, %dma_start3A_253] : memref<16x128x80xi32, #tpu.memory_space<hbm>> -> memref<1x1x80xi32, #tpu.memory_space<hbm>>
          %dma_start3A_255 = tpu.memref_squeeze %dma_start3A_254 : memref<1x1x80xi32, #tpu.memory_space<hbm>> -> memref<80xi32, #tpu.memory_space<hbm>>
          tpu.enqueue_dma source(%dma_start3A_255 : memref<80xi32, #tpu.memory_space<hbm>>) target(%arg14 : memref<80xi32, #tpu.memory_space<vmem>>) target_semaphore(%arg23 : memref<!tpu.dma_semaphore, #tpu.memory_space<semaphore_mem>>)
        } else {
        }
        %add3A_179 = arith.constant 1 : i32
        %add3A_180 = arith.addi %mul3A_159, %add3A_179 : i32
        %add3A_181 = arith.constant 4 : i32
        %add3A_182 = arith.addi %add3A_180, %add3A_181 : i32
        %sub3A_183 = arith.constant 1 : i32
        %sub3A_184 = arith.subi %add3A_182, %sub3A_183 : i32
        %lt3A_185 = arith.constant 128 : i32
        %lt3A_186 = arith.cmpi slt, %sub3A_184, %lt3A_185 : i32
        %convert_element_type3A_187 = arith.extui %lt3A_186 : i1 to i32
        %cond3A_188 = arith.constant 0 : i32
        %cond3A_189 = arith.cmpi ne, %convert_element_type3A_187, %cond3A_188 : i32
        scf.if %cond3A_189 {
          %dma_wait3A_242 = arith.constant 0 : i32
          %dma_wait3A_243 = arith.constant 0 : i32
          %dma_wait3A_244 = tpu.memref_slice %arg4[%arg1, %dma_wait3A_242, %dma_wait3A_243] : memref<16x128x80xi32, #tpu.memory_space<hbm>> -> memref<1x1x80xi32, #tpu.memory_space<hbm>>
          %dma_wait3A_245 = tpu.memref_squeeze %dma_wait3A_244 : memref<1x1x80xi32, #tpu.memory_space<hbm>> -> memref<80xi32, #tpu.memory_space<hbm>>
          %dma_wait3A_246 = arith.constant 0 : i32
          %dma_wait3A_247 = tpu.memref_slice %arg4[%arg1, %dma_wait3A_242, %dma_wait3A_246] : memref<16x128x80xi32, #tpu.memory_space<hbm>> -> memref<1x1x80xi32, #tpu.memory_space<hbm>>
          %dma_wait3A_248 = tpu.memref_squeeze %dma_wait3A_247 : memref<1x1x80xi32, #tpu.memory_space<hbm>> -> memref<80xi32, #tpu.memory_space<hbm>>
          tpu.wait_dma2 semaphore(%arg23 : memref<!tpu.dma_semaphore, #tpu.memory_space<semaphore_mem>>) src(%dma_wait3A_248 : memref<80xi32, #tpu.memory_space<hbm>>) dst(%arg10 : memref<80xi32, #tpu.memory_space<vmem>>)
          %dma_wait3A_249 = arith.constant 0 : i32
          %dma_wait3A_250 = arith.constant 0 : i32
          %dma_wait3A_251 = tpu.memref_slice %arg5[%arg1, %dma_wait3A_249, %dma_wait3A_250] : memref<16x128x80xi32, #tpu.memory_space<hbm>> -> memref<1x1x80xi32, #tpu.memory_space<hbm>>
          %dma_wait3A_252 = tpu.memref_squeeze %dma_wait3A_251 : memref<1x1x80xi32, #tpu.memory_space<hbm>> -> memref<80xi32, #tpu.memory_space<hbm>>
          %dma_wait3A_253 = arith.constant 0 : i32
          %dma_wait3A_254 = tpu.memref_slice %arg5[%arg1, %dma_wait3A_249, %dma_wait3A_253] : memref<16x128x80xi32, #tpu.memory_space<hbm>> -> memref<1x1x80xi32, #tpu.memory_space<hbm>>
          %dma_wait3A_255 = tpu.memref_squeeze %dma_wait3A_254 : memref<1x1x80xi32, #tpu.memory_space<hbm>> -> memref<80xi32, #tpu.memory_space<hbm>>
          tpu.wait_dma2 semaphore(%arg23 : memref<!tpu.dma_semaphore, #tpu.memory_space<semaphore_mem>>) src(%dma_wait3A_255 : memref<80xi32, #tpu.memory_space<hbm>>) dst(%arg14 : memref<80xi32, #tpu.memory_space<vmem>>)
          %dma_start3A_256 = arith.constant 0 : i32
          %dma_start3A_257 = arith.constant 0 : i32
          %dma_start3A_258 = tpu.memref_slice %arg2[%dma_start3A_256, %dma_start3A_257] : memref<10000x128xf32, #tpu.memory_space<hbm>> -> memref<10000x128xf32, #tpu.memory_space<hbm>>
          tpu.enqueue_indirect_dma source(%dma_start3A_258 : memref<10000x128xf32, #tpu.memory_space<hbm>>) target(%arg18 : memref<80x128xf32, #tpu.memory_space<vmem>>) offsets(%arg10 : memref<80xi32, #tpu.memory_space<vmem>>) semaphore(%arg27 : memref<!tpu.dma_semaphore, #tpu.memory_space<semaphore_mem>>)
        } else {
        }
        %dma_wait3A_190 = arith.constant 0 : i32
        %dma_wait3A_191 = arith.constant 0 : i32
        %dma_wait3A_192 = tpu.memref_slice %arg2[%dma_wait3A_190, %dma_wait3A_191] : memref<10000x128xf32, #tpu.memory_space<hbm>> -> memref<10000x128xf32, #tpu.memory_space<hbm>>
        tpu.wait_indirect_dma semaphore(%arg28 : memref<!tpu.dma_semaphore, #tpu.memory_space<semaphore_mem>>) src(%dma_wait3A_192 : memref<10000x128xf32, #tpu.memory_space<hbm>>) dst(%arg19 : memref<80x128xf32, #tpu.memory_space<vmem>>)
        "tpu.region"() ({
          %run_scoped3A = tpu.sem_alloc : memref<!tpu.dma_semaphore, #tpu.memory_space<semaphore_mem>>
          %dma_start3A_242 = arith.constant 0 : i32
          %dma_start3A_243 = arith.constant 0 : i32
          %dma_start3A_244 = tpu.memref_slice %arg22[%dma_start3A_242, %dma_start3A_243] : memref<10240x128xf32, #tpu.memory_space<vmem_shared>> -> memref<10240x128xf32, #tpu.memory_space<vmem_shared>>
          tpu.enqueue_indirect_dma source(%arg19 : memref<80x128xf32, #tpu.memory_space<vmem>>) target(%dma_start3A_244 : memref<10240x128xf32, #tpu.memory_space<vmem_shared>>) offsets(%arg15 : memref<80xi32, #tpu.memory_space<vmem>>) semaphore(%run_scoped3A : memref<!tpu.dma_semaphore, #tpu.memory_space<semaphore_mem>>) {add = true}
          %dma_wait3A_245 = arith.constant 0 : i32
          %dma_wait3A_246 = arith.constant 0 : i32
          %dma_wait3A_247 = tpu.memref_slice %arg22[%dma_wait3A_245, %dma_wait3A_246] : memref<10240x128xf32, #tpu.memory_space<vmem_shared>> -> memref<10240x128xf32, #tpu.memory_space<vmem_shared>>
          tpu.wait_indirect_dma semaphore(%run_scoped3A : memref<!tpu.dma_semaphore, #tpu.memory_space<semaphore_mem>>) src(%arg19 : memref<80x128xf32, #tpu.memory_space<vmem>>) dst(%dma_wait3A_247 : memref<10240x128xf32, #tpu.memory_space<vmem_shared>>)
          tpu.yield
        }) : () -> ()
        %add3A_193 = arith.constant 4 : i32
        %add3A_194 = arith.addi %add3A_180, %add3A_193 : i32
        %lt3A_195 = arith.constant 128 : i32
        %lt3A_196 = arith.cmpi slt, %add3A_194, %lt3A_195 : i32
        %convert_element_type3A_197 = arith.extui %lt3A_196 : i1 to i32
        %cond3A_198 = arith.constant 0 : i32
        %cond3A_199 = arith.cmpi ne, %convert_element_type3A_197, %cond3A_198 : i32
        scf.if %cond3A_199 {
          %add3A_242 = arith.constant 4 : i32
          %add3A_243 = arith.addi %add3A_180, %add3A_242 : i32
          %dma_start3A_244 = arith.constant 0 : i32
          %dma_start3A_245 = tpu.memref_slice %arg4[%arg1, %add3A_243, %dma_start3A_244] : memref<16x128x80xi32, #tpu.memory_space<hbm>> -> memref<1x1x80xi32, #tpu.memory_space<hbm>>
          %dma_start3A_246 = tpu.memref_squeeze %dma_start3A_245 : memref<1x1x80xi32, #tpu.memory_space<hbm>> -> memref<80xi32, #tpu.memory_space<hbm>>
          %dma_start3A_247 = arith.constant 0 : i32
          %dma_start3A_248 = tpu.memref_slice %arg4[%arg1, %add3A_243, %dma_start3A_247] : memref<16x128x80xi32, #tpu.memory_space<hbm>> -> memref<1x1x80xi32, #tpu.memory_space<hbm>>
          %dma_start3A_249 = tpu.memref_squeeze %dma_start3A_248 : memref<1x1x80xi32, #tpu.memory_space<hbm>> -> memref<80xi32, #tpu.memory_space<hbm>>
          tpu.enqueue_dma source(%dma_start3A_249 : memref<80xi32, #tpu.memory_space<hbm>>) target(%arg11 : memref<80xi32, #tpu.memory_space<vmem>>) target_semaphore(%arg24 : memref<!tpu.dma_semaphore, #tpu.memory_space<semaphore_mem>>)
          %dma_start3A_250 = arith.constant 0 : i32
          %dma_start3A_251 = tpu.memref_slice %arg5[%arg1, %add3A_243, %dma_start3A_250] : memref<16x128x80xi32, #tpu.memory_space<hbm>> -> memref<1x1x80xi32, #tpu.memory_space<hbm>>
          %dma_start3A_252 = tpu.memref_squeeze %dma_start3A_251 : memref<1x1x80xi32, #tpu.memory_space<hbm>> -> memref<80xi32, #tpu.memory_space<hbm>>
          %dma_start3A_253 = arith.constant 0 : i32
          %dma_start3A_254 = tpu.memref_slice %arg5[%arg1, %add3A_243, %dma_start3A_253] : memref<16x128x80xi32, #tpu.memory_space<hbm>> -> memref<1x1x80xi32, #tpu.memory_space<hbm>>
          %dma_start3A_255 = tpu.memref_squeeze %dma_start3A_254 : memref<1x1x80xi32, #tpu.memory_space<hbm>> -> memref<80xi32, #tpu.memory_space<hbm>>
          tpu.enqueue_dma source(%dma_start3A_255 : memref<80xi32, #tpu.memory_space<hbm>>) target(%arg15 : memref<80xi32, #tpu.memory_space<vmem>>) target_semaphore(%arg24 : memref<!tpu.dma_semaphore, #tpu.memory_space<semaphore_mem>>)
        } else {
        }
        %add3A_200 = arith.constant 2 : i32
        %add3A_201 = arith.addi %mul3A_159, %add3A_200 : i32
        %add3A_202 = arith.constant 4 : i32
        %add3A_203 = arith.addi %add3A_201, %add3A_202 : i32
        %sub3A_204 = arith.constant 1 : i32
        %sub3A_205 = arith.subi %add3A_203, %sub3A_204 : i32
        %lt3A_206 = arith.constant 128 : i32
        %lt3A_207 = arith.cmpi slt, %sub3A_205, %lt3A_206 : i32
        %convert_element_type3A_208 = arith.extui %lt3A_207 : i1 to i32
        %cond3A_209 = arith.constant 0 : i32
        %cond3A_210 = arith.cmpi ne, %convert_element_type3A_208, %cond3A_209 : i32
        scf.if %cond3A_210 {
          %dma_wait3A_242 = arith.constant 0 : i32
          %dma_wait3A_243 = arith.constant 0 : i32
          %dma_wait3A_244 = tpu.memref_slice %arg4[%arg1, %dma_wait3A_242, %dma_wait3A_243] : memref<16x128x80xi32, #tpu.memory_space<hbm>> -> memref<1x1x80xi32, #tpu.memory_space<hbm>>
          %dma_wait3A_245 = tpu.memref_squeeze %dma_wait3A_244 : memref<1x1x80xi32, #tpu.memory_space<hbm>> -> memref<80xi32, #tpu.memory_space<hbm>>
          %dma_wait3A_246 = arith.constant 0 : i32
          %dma_wait3A_247 = tpu.memref_slice %arg4[%arg1, %dma_wait3A_242, %dma_wait3A_246] : memref<16x128x80xi32, #tpu.memory_space<hbm>> -> memref<1x1x80xi32, #tpu.memory_space<hbm>>
          %dma_wait3A_248 = tpu.memref_squeeze %dma_wait3A_247 : memref<1x1x80xi32, #tpu.memory_space<hbm>> -> memref<80xi32, #tpu.memory_space<hbm>>
          tpu.wait_dma2 semaphore(%arg24 : memref<!tpu.dma_semaphore, #tpu.memory_space<semaphore_mem>>) src(%dma_wait3A_248 : memref<80xi32, #tpu.memory_space<hbm>>) dst(%arg11 : memref<80xi32, #tpu.memory_space<vmem>>)
          %dma_wait3A_249 = arith.constant 0 : i32
          %dma_wait3A_250 = arith.constant 0 : i32
          %dma_wait3A_251 = tpu.memref_slice %arg5[%arg1, %dma_wait3A_249, %dma_wait3A_250] : memref<16x128x80xi32, #tpu.memory_space<hbm>> -> memref<1x1x80xi32, #tpu.memory_space<hbm>>
          %dma_wait3A_252 = tpu.memref_squeeze %dma_wait3A_251 : memref<1x1x80xi32, #tpu.memory_space<hbm>> -> memref<80xi32, #tpu.memory_space<hbm>>
          %dma_wait3A_253 = arith.constant 0 : i32
          %dma_wait3A_254 = tpu.memref_slice %arg5[%arg1, %dma_wait3A_249, %dma_wait3A_253] : memref<16x128x80xi32, #tpu.memory_space<hbm>> -> memref<1x1x80xi32, #tpu.memory_space<hbm>>
          %dma_wait3A_255 = tpu.memref_squeeze %dma_wait3A_254 : memref<1x1x80xi32, #tpu.memory_space<hbm>> -> memref<80xi32, #tpu.memory_space<hbm>>
          tpu.wait_dma2 semaphore(%arg24 : memref<!tpu.dma_semaphore, #tpu.memory_space<semaphore_mem>>) src(%dma_wait3A_255 : memref<80xi32, #tpu.memory_space<hbm>>) dst(%arg15 : memref<80xi32, #tpu.memory_space<vmem>>)
          %dma_start3A_256 = arith.constant 0 : i32
          %dma_start3A_257 = arith.constant 0 : i32
          %dma_start3A_258 = tpu.memref_slice %arg2[%dma_start3A_256, %dma_start3A_257] : memref<10000x128xf32, #tpu.memory_space<hbm>> -> memref<10000x128xf32, #tpu.memory_space<hbm>>
          tpu.enqueue_indirect_dma source(%dma_start3A_258 : memref<10000x128xf32, #tpu.memory_space<hbm>>) target(%arg19 : memref<80x128xf32, #tpu.memory_space<vmem>>) offsets(%arg11 : memref<80xi32, #tpu.memory_space<vmem>>) semaphore(%arg28 : memref<!tpu.dma_semaphore, #tpu.memory_space<semaphore_mem>>)
        } else {
        }
        %dma_wait3A_211 = arith.constant 0 : i32
        %dma_wait3A_212 = arith.constant 0 : i32
        %dma_wait3A_213 = tpu.memref_slice %arg2[%dma_wait3A_211, %dma_wait3A_212] : memref<10000x128xf32, #tpu.memory_space<hbm>> -> memref<10000x128xf32, #tpu.memory_space<hbm>>
        tpu.wait_indirect_dma semaphore(%arg29 : memref<!tpu.dma_semaphore, #tpu.memory_space<semaphore_mem>>) src(%dma_wait3A_213 : memref<10000x128xf32, #tpu.memory_space<hbm>>) dst(%arg20 : memref<80x128xf32, #tpu.memory_space<vmem>>)
        "tpu.region"() ({
          %run_scoped3A = tpu.sem_alloc : memref<!tpu.dma_semaphore, #tpu.memory_space<semaphore_mem>>
          %dma_start3A_242 = arith.constant 0 : i32
          %dma_start3A_243 = arith.constant 0 : i32
          %dma_start3A_244 = tpu.memref_slice %arg22[%dma_start3A_242, %dma_start3A_243] : memref<10240x128xf32, #tpu.memory_space<vmem_shared>> -> memref<10240x128xf32, #tpu.memory_space<vmem_shared>>
          tpu.enqueue_indirect_dma source(%arg20 : memref<80x128xf32, #tpu.memory_space<vmem>>) target(%dma_start3A_244 : memref<10240x128xf32, #tpu.memory_space<vmem_shared>>) offsets(%arg16 : memref<80xi32, #tpu.memory_space<vmem>>) semaphore(%run_scoped3A : memref<!tpu.dma_semaphore, #tpu.memory_space<semaphore_mem>>) {add = true}
          %dma_wait3A_245 = arith.constant 0 : i32
          %dma_wait3A_246 = arith.constant 0 : i32
          %dma_wait3A_247 = tpu.memref_slice %arg22[%dma_wait3A_245, %dma_wait3A_246] : memref<10240x128xf32, #tpu.memory_space<vmem_shared>> -> memref<10240x128xf32, #tpu.memory_space<vmem_shared>>
          tpu.wait_indirect_dma semaphore(%run_scoped3A : memref<!tpu.dma_semaphore, #tpu.memory_space<semaphore_mem>>) src(%arg20 : memref<80x128xf32, #tpu.memory_space<vmem>>) dst(%dma_wait3A_247 : memref<10240x128xf32, #tpu.memory_space<vmem_shared>>)
          tpu.yield
        }) : () -> ()
        %add3A_214 = arith.constant 4 : i32
        %add3A_215 = arith.addi %add3A_201, %add3A_214 : i32
        %lt3A_216 = arith.constant 128 : i32
        %lt3A_217 = arith.cmpi slt, %add3A_215, %lt3A_216 : i32
        %convert_element_type3A_218 = arith.extui %lt3A_217 : i1 to i32
        %cond3A_219 = arith.constant 0 : i32
        %cond3A_220 = arith.cmpi ne, %convert_element_type3A_218, %cond3A_219 : i32
        scf.if %cond3A_220 {
          %add3A_242 = arith.constant 4 : i32
          %add3A_243 = arith.addi %add3A_201, %add3A_242 : i32
          %dma_start3A_244 = arith.constant 0 : i32
          %dma_start3A_245 = tpu.memref_slice %arg4[%arg1, %add3A_243, %dma_start3A_244] : memref<16x128x80xi32, #tpu.memory_space<hbm>> -> memref<1x1x80xi32, #tpu.memory_space<hbm>>
          %dma_start3A_246 = tpu.memref_squeeze %dma_start3A_245 : memref<1x1x80xi32, #tpu.memory_space<hbm>> -> memref<80xi32, #tpu.memory_space<hbm>>
          %dma_start3A_247 = arith.constant 0 : i32
          %dma_start3A_248 = tpu.memref_slice %arg4[%arg1, %add3A_243, %dma_start3A_247] : memref<16x128x80xi32, #tpu.memory_space<hbm>> -> memref<1x1x80xi32, #tpu.memory_space<hbm>>
          %dma_start3A_249 = tpu.memref_squeeze %dma_start3A_248 : memref<1x1x80xi32, #tpu.memory_space<hbm>> -> memref<80xi32, #tpu.memory_space<hbm>>
          tpu.enqueue_dma source(%dma_start3A_249 : memref<80xi32, #tpu.memory_space<hbm>>) target(%arg12 : memref<80xi32, #tpu.memory_space<vmem>>) target_semaphore(%arg25 : memref<!tpu.dma_semaphore, #tpu.memory_space<semaphore_mem>>)
          %dma_start3A_250 = arith.constant 0 : i32
          %dma_start3A_251 = tpu.memref_slice %arg5[%arg1, %add3A_243, %dma_start3A_250] : memref<16x128x80xi32, #tpu.memory_space<hbm>> -> memref<1x1x80xi32, #tpu.memory_space<hbm>>
          %dma_start3A_252 = tpu.memref_squeeze %dma_start3A_251 : memref<1x1x80xi32, #tpu.memory_space<hbm>> -> memref<80xi32, #tpu.memory_space<hbm>>
          %dma_start3A_253 = arith.constant 0 : i32
          %dma_start3A_254 = tpu.memref_slice %arg5[%arg1, %add3A_243, %dma_start3A_253] : memref<16x128x80xi32, #tpu.memory_space<hbm>> -> memref<1x1x80xi32, #tpu.memory_space<hbm>>
          %dma_start3A_255 = tpu.memref_squeeze %dma_start3A_254 : memref<1x1x80xi32, #tpu.memory_space<hbm>> -> memref<80xi32, #tpu.memory_space<hbm>>
          tpu.enqueue_dma source(%dma_start3A_255 : memref<80xi32, #tpu.memory_space<hbm>>) target(%arg16 : memref<80xi32, #tpu.memory_space<vmem>>) target_semaphore(%arg25 : memref<!tpu.dma_semaphore, #tpu.memory_space<semaphore_mem>>)
        } else {
        }
        %add3A_221 = arith.constant 3 : i32
        %add3A_222 = arith.addi %mul3A_159, %add3A_221 : i32
        %add3A_223 = arith.constant 4 : i32
        %add3A_224 = arith.addi %add3A_222, %add3A_223 : i32
        %sub3A_225 = arith.constant 1 : i32
        %sub3A_226 = arith.subi %add3A_224, %sub3A_225 : i32
        %lt3A_227 = arith.constant 128 : i32
        %lt3A_228 = arith.cmpi slt, %sub3A_226, %lt3A_227 : i32
        %convert_element_type3A_229 = arith.extui %lt3A_228 : i1 to i32
        %cond3A_230 = arith.constant 0 : i32
        %cond3A_231 = arith.cmpi ne, %convert_element_type3A_229, %cond3A_230 : i32
        scf.if %cond3A_231 {
          %dma_wait3A_242 = arith.constant 0 : i32
          %dma_wait3A_243 = arith.constant 0 : i32
          %dma_wait3A_244 = tpu.memref_slice %arg4[%arg1, %dma_wait3A_242, %dma_wait3A_243] : memref<16x128x80xi32, #tpu.memory_space<hbm>> -> memref<1x1x80xi32, #tpu.memory_space<hbm>>
          %dma_wait3A_245 = tpu.memref_squeeze %dma_wait3A_244 : memref<1x1x80xi32, #tpu.memory_space<hbm>> -> memref<80xi32, #tpu.memory_space<hbm>>
          %dma_wait3A_246 = arith.constant 0 : i32
          %dma_wait3A_247 = tpu.memref_slice %arg4[%arg1, %dma_wait3A_242, %dma_wait3A_246] : memref<16x128x80xi32, #tpu.memory_space<hbm>> -> memref<1x1x80xi32, #tpu.memory_space<hbm>>
          %dma_wait3A_248 = tpu.memref_squeeze %dma_wait3A_247 : memref<1x1x80xi32, #tpu.memory_space<hbm>> -> memref<80xi32, #tpu.memory_space<hbm>>
          tpu.wait_dma2 semaphore(%arg25 : memref<!tpu.dma_semaphore, #tpu.memory_space<semaphore_mem>>) src(%dma_wait3A_248 : memref<80xi32, #tpu.memory_space<hbm>>) dst(%arg12 : memref<80xi32, #tpu.memory_space<vmem>>)
          %dma_wait3A_249 = arith.constant 0 : i32
          %dma_wait3A_250 = arith.constant 0 : i32
          %dma_wait3A_251 = tpu.memref_slice %arg5[%arg1, %dma_wait3A_249, %dma_wait3A_250] : memref<16x128x80xi32, #tpu.memory_space<hbm>> -> memref<1x1x80xi32, #tpu.memory_space<hbm>>
          %dma_wait3A_252 = tpu.memref_squeeze %dma_wait3A_251 : memref<1x1x80xi32, #tpu.memory_space<hbm>> -> memref<80xi32, #tpu.memory_space<hbm>>
          %dma_wait3A_253 = arith.constant 0 : i32
          %dma_wait3A_254 = tpu.memref_slice %arg5[%arg1, %dma_wait3A_249, %dma_wait3A_253] : memref<16x128x80xi32, #tpu.memory_space<hbm>> -> memref<1x1x80xi32, #tpu.memory_space<hbm>>
          %dma_wait3A_255 = tpu.memref_squeeze %dma_wait3A_254 : memref<1x1x80xi32, #tpu.memory_space<hbm>> -> memref<80xi32, #tpu.memory_space<hbm>>
          tpu.wait_dma2 semaphore(%arg25 : memref<!tpu.dma_semaphore, #tpu.memory_space<semaphore_mem>>) src(%dma_wait3A_255 : memref<80xi32, #tpu.memory_space<hbm>>) dst(%arg16 : memref<80xi32, #tpu.memory_space<vmem>>)
          %dma_start3A_256 = arith.constant 0 : i32
          %dma_start3A_257 = arith.constant 0 : i32
          %dma_start3A_258 = tpu.memref_slice %arg2[%dma_start3A_256, %dma_start3A_257] : memref<10000x128xf32, #tpu.memory_space<hbm>> -> memref<10000x128xf32, #tpu.memory_space<hbm>>
          tpu.enqueue_indirect_dma source(%dma_start3A_258 : memref<10000x128xf32, #tpu.memory_space<hbm>>) target(%arg20 : memref<80x128xf32, #tpu.memory_space<vmem>>) offsets(%arg12 : memref<80xi32, #tpu.memory_space<vmem>>) semaphore(%arg29 : memref<!tpu.dma_semaphore, #tpu.memory_space<semaphore_mem>>)
        } else {
        }
        %dma_wait3A_232 = arith.constant 0 : i32
        %dma_wait3A_233 = arith.constant 0 : i32
        %dma_wait3A_234 = tpu.memref_slice %arg2[%dma_wait3A_232, %dma_wait3A_233] : memref<10000x128xf32, #tpu.memory_space<hbm>> -> memref<10000x128xf32, #tpu.memory_space<hbm>>
        tpu.wait_indirect_dma semaphore(%arg30 : memref<!tpu.dma_semaphore, #tpu.memory_space<semaphore_mem>>) src(%dma_wait3A_234 : memref<10000x128xf32, #tpu.memory_space<hbm>>) dst(%arg21 : memref<80x128xf32, #tpu.memory_space<vmem>>)
        "tpu.region"() ({
          %run_scoped3A = tpu.sem_alloc : memref<!tpu.dma_semaphore, #tpu.memory_space<semaphore_mem>>
          %dma_start3A_242 = arith.constant 0 : i32
          %dma_start3A_243 = arith.constant 0 : i32
          %dma_start3A_244 = tpu.memref_slice %arg22[%dma_start3A_242, %dma_start3A_243] : memref<10240x128xf32, #tpu.memory_space<vmem_shared>> -> memref<10240x128xf32, #tpu.memory_space<vmem_shared>>
          tpu.enqueue_indirect_dma source(%arg21 : memref<80x128xf32, #tpu.memory_space<vmem>>) target(%dma_start3A_244 : memref<10240x128xf32, #tpu.memory_space<vmem_shared>>) offsets(%arg17 : memref<80xi32, #tpu.memory_space<vmem>>) semaphore(%run_scoped3A : memref<!tpu.dma_semaphore, #tpu.memory_space<semaphore_mem>>) {add = true}
          %dma_wait3A_245 = arith.constant 0 : i32
          %dma_wait3A_246 = arith.constant 0 : i32
          %dma_wait3A_247 = tpu.memref_slice %arg22[%dma_wait3A_245, %dma_wait3A_246] : memref<10240x128xf32, #tpu.memory_space<vmem_shared>> -> memref<10240x128xf32, #tpu.memory_space<vmem_shared>>
          tpu.wait_indirect_dma semaphore(%run_scoped3A : memref<!tpu.dma_semaphore, #tpu.memory_space<semaphore_mem>>) src(%arg21 : memref<80x128xf32, #tpu.memory_space<vmem>>) dst(%dma_wait3A_247 : memref<10240x128xf32, #tpu.memory_space<vmem_shared>>)
          tpu.yield
        }) : () -> ()
        %add3A_235 = arith.constant 4 : i32
        %add3A_236 = arith.addi %add3A_222, %add3A_235 : i32
        %lt3A_237 = arith.constant 128 : i32
        %lt3A_238 = arith.cmpi slt, %add3A_236, %lt3A_237 : i32
        %convert_element_type3A_239 = arith.extui %lt3A_238 : i1 to i32
        %cond3A_240 = arith.constant 0 : i32
        %cond3A_241 = arith.cmpi ne, %convert_element_type3A_239, %cond3A_240 : i32
        scf.if %cond3A_241 {
          %add3A_242 = arith.constant 4 : i32
          %add3A_243 = arith.addi %add3A_222, %add3A_242 : i32
          %dma_start3A_244 = arith.constant 0 : i32
          %dma_start3A_245 = tpu.memref_slice %arg4[%arg1, %add3A_243, %dma_start3A_244] : memref<16x128x80xi32, #tpu.memory_space<hbm>> -> memref<1x1x80xi32, #tpu.memory_space<hbm>>
          %dma_start3A_246 = tpu.memref_squeeze %dma_start3A_245 : memref<1x1x80xi32, #tpu.memory_space<hbm>> -> memref<80xi32, #tpu.memory_space<hbm>>
          %dma_start3A_247 = arith.constant 0 : i32
          %dma_start3A_248 = tpu.memref_slice %arg4[%arg1, %add3A_243, %dma_start3A_247] : memref<16x128x80xi32, #tpu.memory_space<hbm>> -> memref<1x1x80xi32, #tpu.memory_space<hbm>>
          %dma_start3A_249 = tpu.memref_squeeze %dma_start3A_248 : memref<1x1x80xi32, #tpu.memory_space<hbm>> -> memref<80xi32, #tpu.memory_space<hbm>>
          tpu.enqueue_dma source(%dma_start3A_249 : memref<80xi32, #tpu.memory_space<hbm>>) target(%arg13 : memref<80xi32, #tpu.memory_space<vmem>>) target_semaphore(%arg26 : memref<!tpu.dma_semaphore, #tpu.memory_space<semaphore_mem>>)
          %dma_start3A_250 = arith.constant 0 : i32
          %dma_start3A_251 = tpu.memref_slice %arg5[%arg1, %add3A_243, %dma_start3A_250] : memref<16x128x80xi32, #tpu.memory_space<hbm>> -> memref<1x1x80xi32, #tpu.memory_space<hbm>>
          %dma_start3A_252 = tpu.memref_squeeze %dma_start3A_251 : memref<1x1x80xi32, #tpu.memory_space<hbm>> -> memref<80xi32, #tpu.memory_space<hbm>>
          %dma_start3A_253 = arith.constant 0 : i32
          %dma_start3A_254 = tpu.memref_slice %arg5[%arg1, %add3A_243, %dma_start3A_253] : memref<16x128x80xi32, #tpu.memory_space<hbm>> -> memref<1x1x80xi32, #tpu.memory_space<hbm>>
          %dma_start3A_255 = tpu.memref_squeeze %dma_start3A_254 : memref<1x1x80xi32, #tpu.memory_space<hbm>> -> memref<80xi32, #tpu.memory_space<hbm>>
          tpu.enqueue_dma source(%dma_start3A_255 : memref<80xi32, #tpu.memory_space<hbm>>) target(%arg17 : memref<80xi32, #tpu.memory_space<vmem>>) target_semaphore(%arg26 : memref<!tpu.dma_semaphore, #tpu.memory_space<semaphore_mem>>)
        } else {
        }
      }
      %scan3A_157 = arith.constant 32 : i32
    } else {
    }
    %eq3A_11 = arith.constant 1 : i32
    %eq3A_12 = arith.cmpi eq, %arg0, %eq3A_11 : i32
    %convert_element_type3A_13 = arith.extui %eq3A_12 : i1 to i32
    %cond3A_14 = arith.constant 0 : i32
    %cond3A_15 = arith.cmpi ne, %convert_element_type3A_13, %cond3A_14 : i32
    scf.if %cond3A_15 {
      %dma_start3A = arith.constant 0 : i32
      %dma_start3A_48 = arith.constant 0 : i32
      %dma_start3A_49 = tpu.memref_slice %arg4[%arg1, %dma_start3A, %dma_start3A_48] : memref<16x128x80xi32, #tpu.memory_space<hbm>> -> memref<1x1x80xi32, #tpu.memory_space<hbm>>
      %dma_start3A_50 = tpu.memref_squeeze %dma_start3A_49 : memref<1x1x80xi32, #tpu.memory_space<hbm>> -> memref<80xi32, #tpu.memory_space<hbm>>
      %dma_start3A_51 = arith.constant 0 : i32
      %dma_start3A_52 = tpu.memref_slice %arg4[%arg1, %dma_start3A, %dma_start3A_51] : memref<16x128x80xi32, #tpu.memory_space<hbm>> -> memref<1x1x80xi32, #tpu.memory_space<hbm>>
      %dma_start3A_53 = tpu.memref_squeeze %dma_start3A_52 : memref<1x1x80xi32, #tpu.memory_space<hbm>> -> memref<80xi32, #tpu.memory_space<hbm>>
      tpu.enqueue_dma source(%dma_start3A_53 : memref<80xi32, #tpu.memory_space<hbm>>) target(%arg10 : memref<80xi32, #tpu.memory_space<vmem>>) target_semaphore(%arg23 : memref<!tpu.dma_semaphore, #tpu.memory_space<semaphore_mem>>)
      %dma_start3A_54 = arith.constant 0 : i32
      %dma_start3A_55 = arith.constant 0 : i32
      %dma_start3A_56 = tpu.memref_slice %arg5[%arg1, %dma_start3A_54, %dma_start3A_55] : memref<16x128x80xi32, #tpu.memory_space<hbm>> -> memref<1x1x80xi32, #tpu.memory_space<hbm>>
      %dma_start3A_57 = tpu.memref_squeeze %dma_start3A_56 : memref<1x1x80xi32, #tpu.memory_space<hbm>> -> memref<80xi32, #tpu.memory_space<hbm>>
      %dma_start3A_58 = arith.constant 0 : i32
      %dma_start3A_59 = tpu.memref_slice %arg5[%arg1, %dma_start3A_54, %dma_start3A_58] : memref<16x128x80xi32, #tpu.memory_space<hbm>> -> memref<1x1x80xi32, #tpu.memory_space<hbm>>
      %dma_start3A_60 = tpu.memref_squeeze %dma_start3A_59 : memref<1x1x80xi32, #tpu.memory_space<hbm>> -> memref<80xi32, #tpu.memory_space<hbm>>
      tpu.enqueue_dma source(%dma_start3A_60 : memref<80xi32, #tpu.memory_space<hbm>>) target(%arg14 : memref<80xi32, #tpu.memory_space<vmem>>) target_semaphore(%arg23 : memref<!tpu.dma_semaphore, #tpu.memory_space<semaphore_mem>>)
      %dma_start3A_61 = arith.constant 1 : i32
      %dma_start3A_62 = arith.constant 0 : i32
      %dma_start3A_63 = tpu.memref_slice %arg4[%arg1, %dma_start3A_61, %dma_start3A_62] : memref<16x128x80xi32, #tpu.memory_space<hbm>> -> memref<1x1x80xi32, #tpu.memory_space<hbm>>
      %dma_start3A_64 = tpu.memref_squeeze %dma_start3A_63 : memref<1x1x80xi32, #tpu.memory_space<hbm>> -> memref<80xi32, #tpu.memory_space<hbm>>
      %dma_start3A_65 = arith.constant 0 : i32
      %dma_start3A_66 = tpu.memref_slice %arg4[%arg1, %dma_start3A_61, %dma_start3A_65] : memref<16x128x80xi32, #tpu.memory_space<hbm>> -> memref<1x1x80xi32, #tpu.memory_space<hbm>>
      %dma_start3A_67 = tpu.memref_squeeze %dma_start3A_66 : memref<1x1x80xi32, #tpu.memory_space<hbm>> -> memref<80xi32, #tpu.memory_space<hbm>>
      tpu.enqueue_dma source(%dma_start3A_67 : memref<80xi32, #tpu.memory_space<hbm>>) target(%arg11 : memref<80xi32, #tpu.memory_space<vmem>>) target_semaphore(%arg24 : memref<!tpu.dma_semaphore, #tpu.memory_space<semaphore_mem>>)
      %dma_start3A_68 = arith.constant 1 : i32
      %dma_start3A_69 = arith.constant 0 : i32
      %dma_start3A_70 = tpu.memref_slice %arg5[%arg1, %dma_start3A_68, %dma_start3A_69] : memref<16x128x80xi32, #tpu.memory_space<hbm>> -> memref<1x1x80xi32, #tpu.memory_space<hbm>>
      %dma_start3A_71 = tpu.memref_squeeze %dma_start3A_70 : memref<1x1x80xi32, #tpu.memory_space<hbm>> -> memref<80xi32, #tpu.memory_space<hbm>>
      %dma_start3A_72 = arith.constant 0 : i32
      %dma_start3A_73 = tpu.memref_slice %arg5[%arg1, %dma_start3A_68, %dma_start3A_72] : memref<16x128x80xi32, #tpu.memory_space<hbm>> -> memref<1x1x80xi32, #tpu.memory_space<hbm>>
      %dma_start3A_74 = tpu.memref_squeeze %dma_start3A_73 : memref<1x1x80xi32, #tpu.memory_space<hbm>> -> memref<80xi32, #tpu.memory_space<hbm>>
      tpu.enqueue_dma source(%dma_start3A_74 : memref<80xi32, #tpu.memory_space<hbm>>) target(%arg15 : memref<80xi32, #tpu.memory_space<vmem>>) target_semaphore(%arg24 : memref<!tpu.dma_semaphore, #tpu.memory_space<semaphore_mem>>)
      %dma_start3A_75 = arith.constant 2 : i32
      %dma_start3A_76 = arith.constant 0 : i32
      %dma_start3A_77 = tpu.memref_slice %arg4[%arg1, %dma_start3A_75, %dma_start3A_76] : memref<16x128x80xi32, #tpu.memory_space<hbm>> -> memref<1x1x80xi32, #tpu.memory_space<hbm>>
      %dma_start3A_78 = tpu.memref_squeeze %dma_start3A_77 : memref<1x1x80xi32, #tpu.memory_space<hbm>> -> memref<80xi32, #tpu.memory_space<hbm>>
      %dma_start3A_79 = arith.constant 0 : i32
      %dma_start3A_80 = tpu.memref_slice %arg4[%arg1, %dma_start3A_75, %dma_start3A_79] : memref<16x128x80xi32, #tpu.memory_space<hbm>> -> memref<1x1x80xi32, #tpu.memory_space<hbm>>
      %dma_start3A_81 = tpu.memref_squeeze %dma_start3A_80 : memref<1x1x80xi32, #tpu.memory_space<hbm>> -> memref<80xi32, #tpu.memory_space<hbm>>
      tpu.enqueue_dma source(%dma_start3A_81 : memref<80xi32, #tpu.memory_space<hbm>>) target(%arg12 : memref<80xi32, #tpu.memory_space<vmem>>) target_semaphore(%arg25 : memref<!tpu.dma_semaphore, #tpu.memory_space<semaphore_mem>>)
      %dma_start3A_82 = arith.constant 2 : i32
      %dma_start3A_83 = arith.constant 0 : i32
      %dma_start3A_84 = tpu.memref_slice %arg5[%arg1, %dma_start3A_82, %dma_start3A_83] : memref<16x128x80xi32, #tpu.memory_space<hbm>> -> memref<1x1x80xi32, #tpu.memory_space<hbm>>
      %dma_start3A_85 = tpu.memref_squeeze %dma_start3A_84 : memref<1x1x80xi32, #tpu.memory_space<hbm>> -> memref<80xi32, #tpu.memory_space<hbm>>
      %dma_start3A_86 = arith.constant 0 : i32
      %dma_start3A_87 = tpu.memref_slice %arg5[%arg1, %dma_start3A_82, %dma_start3A_86] : memref<16x128x80xi32, #tpu.memory_space<hbm>> -> memref<1x1x80xi32, #tpu.memory_space<hbm>>
      %dma_start3A_88 = tpu.memref_squeeze %dma_start3A_87 : memref<1x1x80xi32, #tpu.memory_space<hbm>> -> memref<80xi32, #tpu.memory_space<hbm>>
      tpu.enqueue_dma source(%dma_start3A_88 : memref<80xi32, #tpu.memory_space<hbm>>) target(%arg16 : memref<80xi32, #tpu.memory_space<vmem>>) target_semaphore(%arg25 : memref<!tpu.dma_semaphore, #tpu.memory_space<semaphore_mem>>)
      %dma_wait3A = arith.constant 0 : i32
      %dma_wait3A_89 = arith.constant 0 : i32
      %dma_wait3A_90 = tpu.memref_slice %arg4[%arg1, %dma_wait3A, %dma_wait3A_89] : memref<16x128x80xi32, #tpu.memory_space<hbm>> -> memref<1x1x80xi32, #tpu.memory_space<hbm>>
      %dma_wait3A_91 = tpu.memref_squeeze %dma_wait3A_90 : memref<1x1x80xi32, #tpu.memory_space<hbm>> -> memref<80xi32, #tpu.memory_space<hbm>>
      %dma_wait3A_92 = arith.constant 0 : i32
      %dma_wait3A_93 = tpu.memref_slice %arg4[%arg1, %dma_wait3A, %dma_wait3A_92] : memref<16x128x80xi32, #tpu.memory_space<hbm>> -> memref<1x1x80xi32, #tpu.memory_space<hbm>>
      %dma_wait3A_94 = tpu.memref_squeeze %dma_wait3A_93 : memref<1x1x80xi32, #tpu.memory_space<hbm>> -> memref<80xi32, #tpu.memory_space<hbm>>
      tpu.wait_dma2 semaphore(%arg23 : memref<!tpu.dma_semaphore, #tpu.memory_space<semaphore_mem>>) src(%dma_wait3A_94 : memref<80xi32, #tpu.memory_space<hbm>>) dst(%arg10 : memref<80xi32, #tpu.memory_space<vmem>>)
      %dma_wait3A_95 = arith.constant 0 : i32
      %dma_wait3A_96 = arith.constant 0 : i32
      %dma_wait3A_97 = tpu.memref_slice %arg5[%arg1, %dma_wait3A_95, %dma_wait3A_96] : memref<16x128x80xi32, #tpu.memory_space<hbm>> -> memref<1x1x80xi32, #tpu.memory_space<hbm>>
      %dma_wait3A_98 = tpu.memref_squeeze %dma_wait3A_97 : memref<1x1x80xi32, #tpu.memory_space<hbm>> -> memref<80xi32, #tpu.memory_space<hbm>>
      %dma_wait3A_99 = arith.constant 0 : i32
      %dma_wait3A_100 = tpu.memref_slice %arg5[%arg1, %dma_wait3A_95, %dma_wait3A_99] : memref<16x128x80xi32, #tpu.memory_space<hbm>> -> memref<1x1x80xi32, #tpu.memory_space<hbm>>
      %dma_wait3A_101 = tpu.memref_squeeze %dma_wait3A_100 : memref<1x1x80xi32, #tpu.memory_space<hbm>> -> memref<80xi32, #tpu.memory_space<hbm>>
      tpu.wait_dma2 semaphore(%arg23 : memref<!tpu.dma_semaphore, #tpu.memory_space<semaphore_mem>>) src(%dma_wait3A_101 : memref<80xi32, #tpu.memory_space<hbm>>) dst(%arg14 : memref<80xi32, #tpu.memory_space<vmem>>)
      %dma_start3A_102 = arith.constant 0 : i32
      %dma_start3A_103 = arith.constant 0 : i32
      %dma_start3A_104 = tpu.memref_slice %arg3[%dma_start3A_102, %dma_start3A_103] : memref<10000x128xf32, #tpu.memory_space<hbm>> -> memref<10000x128xf32, #tpu.memory_space<hbm>>
      tpu.enqueue_indirect_dma source(%dma_start3A_104 : memref<10000x128xf32, #tpu.memory_space<hbm>>) target(%arg18 : memref<80x128xf32, #tpu.memory_space<vmem>>) offsets(%arg10 : memref<80xi32, #tpu.memory_space<vmem>>) semaphore(%arg27 : memref<!tpu.dma_semaphore, #tpu.memory_space<semaphore_mem>>)
      %dma_wait3A_105 = arith.constant 0 : i32
      %dma_wait3A_106 = arith.constant 0 : i32
      %dma_wait3A_107 = tpu.memref_slice %arg4[%arg1, %dma_wait3A_105, %dma_wait3A_106] : memref<16x128x80xi32, #tpu.memory_space<hbm>> -> memref<1x1x80xi32, #tpu.memory_space<hbm>>
      %dma_wait3A_108 = tpu.memref_squeeze %dma_wait3A_107 : memref<1x1x80xi32, #tpu.memory_space<hbm>> -> memref<80xi32, #tpu.memory_space<hbm>>
      %dma_wait3A_109 = arith.constant 0 : i32
      %dma_wait3A_110 = tpu.memref_slice %arg4[%arg1, %dma_wait3A_105, %dma_wait3A_109] : memref<16x128x80xi32, #tpu.memory_space<hbm>> -> memref<1x1x80xi32, #tpu.memory_space<hbm>>
      %dma_wait3A_111 = tpu.memref_squeeze %dma_wait3A_110 : memref<1x1x80xi32, #tpu.memory_space<hbm>> -> memref<80xi32, #tpu.memory_space<hbm>>
      tpu.wait_dma2 semaphore(%arg24 : memref<!tpu.dma_semaphore, #tpu.memory_space<semaphore_mem>>) src(%dma_wait3A_111 : memref<80xi32, #tpu.memory_space<hbm>>) dst(%arg11 : memref<80xi32, #tpu.memory_space<vmem>>)
      %dma_wait3A_112 = arith.constant 0 : i32
      %dma_wait3A_113 = arith.constant 0 : i32
      %dma_wait3A_114 = tpu.memref_slice %arg5[%arg1, %dma_wait3A_112, %dma_wait3A_113] : memref<16x128x80xi32, #tpu.memory_space<hbm>> -> memref<1x1x80xi32, #tpu.memory_space<hbm>>
      %dma_wait3A_115 = tpu.memref_squeeze %dma_wait3A_114 : memref<1x1x80xi32, #tpu.memory_space<hbm>> -> memref<80xi32, #tpu.memory_space<hbm>>
      %dma_wait3A_116 = arith.constant 0 : i32
      %dma_wait3A_117 = tpu.memref_slice %arg5[%arg1, %dma_wait3A_112, %dma_wait3A_116] : memref<16x128x80xi32, #tpu.memory_space<hbm>> -> memref<1x1x80xi32, #tpu.memory_space<hbm>>
      %dma_wait3A_118 = tpu.memref_squeeze %dma_wait3A_117 : memref<1x1x80xi32, #tpu.memory_space<hbm>> -> memref<80xi32, #tpu.memory_space<hbm>>
      tpu.wait_dma2 semaphore(%arg24 : memref<!tpu.dma_semaphore, #tpu.memory_space<semaphore_mem>>) src(%dma_wait3A_118 : memref<80xi32, #tpu.memory_space<hbm>>) dst(%arg15 : memref<80xi32, #tpu.memory_space<vmem>>)
      %dma_start3A_119 = arith.constant 0 : i32
      %dma_start3A_120 = arith.constant 0 : i32
      %dma_start3A_121 = tpu.memref_slice %arg3[%dma_start3A_119, %dma_start3A_120] : memref<10000x128xf32, #tpu.memory_space<hbm>> -> memref<10000x128xf32, #tpu.memory_space<hbm>>
      tpu.enqueue_indirect_dma source(%dma_start3A_121 : memref<10000x128xf32, #tpu.memory_space<hbm>>) target(%arg19 : memref<80x128xf32, #tpu.memory_space<vmem>>) offsets(%arg11 : memref<80xi32, #tpu.memory_space<vmem>>) semaphore(%arg28 : memref<!tpu.dma_semaphore, #tpu.memory_space<semaphore_mem>>)
      %dma_wait3A_122 = arith.constant 0 : i32
      %dma_wait3A_123 = arith.constant 0 : i32
      %dma_wait3A_124 = tpu.memref_slice %arg4[%arg1, %dma_wait3A_122, %dma_wait3A_123] : memref<16x128x80xi32, #tpu.memory_space<hbm>> -> memref<1x1x80xi32, #tpu.memory_space<hbm>>
      %dma_wait3A_125 = tpu.memref_squeeze %dma_wait3A_124 : memref<1x1x80xi32, #tpu.memory_space<hbm>> -> memref<80xi32, #tpu.memory_space<hbm>>
      %dma_wait3A_126 = arith.constant 0 : i32
      %dma_wait3A_127 = tpu.memref_slice %arg4[%arg1, %dma_wait3A_122, %dma_wait3A_126] : memref<16x128x80xi32, #tpu.memory_space<hbm>> -> memref<1x1x80xi32, #tpu.memory_space<hbm>>
      %dma_wait3A_128 = tpu.memref_squeeze %dma_wait3A_127 : memref<1x1x80xi32, #tpu.memory_space<hbm>> -> memref<80xi32, #tpu.memory_space<hbm>>
      tpu.wait_dma2 semaphore(%arg25 : memref<!tpu.dma_semaphore, #tpu.memory_space<semaphore_mem>>) src(%dma_wait3A_128 : memref<80xi32, #tpu.memory_space<hbm>>) dst(%arg12 : memref<80xi32, #tpu.memory_space<vmem>>)
      %dma_wait3A_129 = arith.constant 0 : i32
      %dma_wait3A_130 = arith.constant 0 : i32
      %dma_wait3A_131 = tpu.memref_slice %arg5[%arg1, %dma_wait3A_129, %dma_wait3A_130] : memref<16x128x80xi32, #tpu.memory_space<hbm>> -> memref<1x1x80xi32, #tpu.memory_space<hbm>>
      %dma_wait3A_132 = tpu.memref_squeeze %dma_wait3A_131 : memref<1x1x80xi32, #tpu.memory_space<hbm>> -> memref<80xi32, #tpu.memory_space<hbm>>
      %dma_wait3A_133 = arith.constant 0 : i32
      %dma_wait3A_134 = tpu.memref_slice %arg5[%arg1, %dma_wait3A_129, %dma_wait3A_133] : memref<16x128x80xi32, #tpu.memory_space<hbm>> -> memref<1x1x80xi32, #tpu.memory_space<hbm>>
      %dma_wait3A_135 = tpu.memref_squeeze %dma_wait3A_134 : memref<1x1x80xi32, #tpu.memory_space<hbm>> -> memref<80xi32, #tpu.memory_space<hbm>>
      tpu.wait_dma2 semaphore(%arg25 : memref<!tpu.dma_semaphore, #tpu.memory_space<semaphore_mem>>) src(%dma_wait3A_135 : memref<80xi32, #tpu.memory_space<hbm>>) dst(%arg16 : memref<80xi32, #tpu.memory_space<vmem>>)
      %dma_start3A_136 = arith.constant 0 : i32
      %dma_start3A_137 = arith.constant 0 : i32
      %dma_start3A_138 = tpu.memref_slice %arg3[%dma_start3A_136, %dma_start3A_137] : memref<10000x128xf32, #tpu.memory_space<hbm>> -> memref<10000x128xf32, #tpu.memory_space<hbm>>
      tpu.enqueue_indirect_dma source(%dma_start3A_138 : memref<10000x128xf32, #tpu.memory_space<hbm>>) target(%arg20 : memref<80x128xf32, #tpu.memory_space<vmem>>) offsets(%arg12 : memref<80xi32, #tpu.memory_space<vmem>>) semaphore(%arg29 : memref<!tpu.dma_semaphore, #tpu.memory_space<semaphore_mem>>)
      %dma_start3A_139 = arith.constant 3 : i32
      %dma_start3A_140 = arith.constant 0 : i32
      %dma_start3A_141 = tpu.memref_slice %arg4[%arg1, %dma_start3A_139, %dma_start3A_140] : memref<16x128x80xi32, #tpu.memory_space<hbm>> -> memref<1x1x80xi32, #tpu.memory_space<hbm>>
      %dma_start3A_142 = tpu.memref_squeeze %dma_start3A_141 : memref<1x1x80xi32, #tpu.memory_space<hbm>> -> memref<80xi32, #tpu.memory_space<hbm>>
      %dma_start3A_143 = arith.constant 0 : i32
      %dma_start3A_144 = tpu.memref_slice %arg4[%arg1, %dma_start3A_139, %dma_start3A_143] : memref<16x128x80xi32, #tpu.memory_space<hbm>> -> memref<1x1x80xi32, #tpu.memory_space<hbm>>
      %dma_start3A_145 = tpu.memref_squeeze %dma_start3A_144 : memref<1x1x80xi32, #tpu.memory_space<hbm>> -> memref<80xi32, #tpu.memory_space<hbm>>
      tpu.enqueue_dma source(%dma_start3A_145 : memref<80xi32, #tpu.memory_space<hbm>>) target(%arg13 : memref<80xi32, #tpu.memory_space<vmem>>) target_semaphore(%arg26 : memref<!tpu.dma_semaphore, #tpu.memory_space<semaphore_mem>>)
      %dma_start3A_146 = arith.constant 3 : i32
      %dma_start3A_147 = arith.constant 0 : i32
      %dma_start3A_148 = tpu.memref_slice %arg5[%arg1, %dma_start3A_146, %dma_start3A_147] : memref<16x128x80xi32, #tpu.memory_space<hbm>> -> memref<1x1x80xi32, #tpu.memory_space<hbm>>
      %dma_start3A_149 = tpu.memref_squeeze %dma_start3A_148 : memref<1x1x80xi32, #tpu.memory_space<hbm>> -> memref<80xi32, #tpu.memory_space<hbm>>
      %dma_start3A_150 = arith.constant 0 : i32
      %dma_start3A_151 = tpu.memref_slice %arg5[%arg1, %dma_start3A_146, %dma_start3A_150] : memref<16x128x80xi32, #tpu.memory_space<hbm>> -> memref<1x1x80xi32, #tpu.memory_space<hbm>>
      %dma_start3A_152 = tpu.memref_squeeze %dma_start3A_151 : memref<1x1x80xi32, #tpu.memory_space<hbm>> -> memref<80xi32, #tpu.memory_space<hbm>>
      tpu.enqueue_dma source(%dma_start3A_152 : memref<80xi32, #tpu.memory_space<hbm>>) target(%arg17 : memref<80xi32, #tpu.memory_space<vmem>>) target_semaphore(%arg26 : memref<!tpu.dma_semaphore, #tpu.memory_space<semaphore_mem>>)
      %scan3A = arith.constant 0 : i32
      %scan3A_153 = arith.constant 0 : i32
      %scan3A_154 = arith.constant 32 : i32
      %scan3A_155 = arith.addi %scan3A_153, %scan3A_154 : i32
      %scan3A_156 = arith.constant 1 : i32
      scf.for %scan3A_158 = %scan3A_153 to %scan3A_155 step %scan3A_156  : i32 {
        %mul3A = arith.constant 4 : i32
        %mul3A_159 = arith.muli %mul3A, %scan3A_158 : i32
        %add3A = arith.constant 0 : i32
        %add3A_160 = arith.addi %mul3A_159, %add3A : i32
        %add3A_161 = arith.constant 4 : i32
        %add3A_162 = arith.addi %add3A_160, %add3A_161 : i32
        %sub3A = arith.constant 1 : i32
        %sub3A_163 = arith.subi %add3A_162, %sub3A : i32
        %lt3A_164 = arith.constant 128 : i32
        %lt3A_165 = arith.cmpi slt, %sub3A_163, %lt3A_164 : i32
        %convert_element_type3A_166 = arith.extui %lt3A_165 : i1 to i32
        %cond3A_167 = arith.constant 0 : i32
        %cond3A_168 = arith.cmpi ne, %convert_element_type3A_166, %cond3A_167 : i32
        scf.if %cond3A_168 {
          %dma_wait3A_242 = arith.constant 0 : i32
          %dma_wait3A_243 = arith.constant 0 : i32
          %dma_wait3A_244 = tpu.memref_slice %arg4[%arg1, %dma_wait3A_242, %dma_wait3A_243] : memref<16x128x80xi32, #tpu.memory_space<hbm>> -> memref<1x1x80xi32, #tpu.memory_space<hbm>>
          %dma_wait3A_245 = tpu.memref_squeeze %dma_wait3A_244 : memref<1x1x80xi32, #tpu.memory_space<hbm>> -> memref<80xi32, #tpu.memory_space<hbm>>
          %dma_wait3A_246 = arith.constant 0 : i32
          %dma_wait3A_247 = tpu.memref_slice %arg4[%arg1, %dma_wait3A_242, %dma_wait3A_246] : memref<16x128x80xi32, #tpu.memory_space<hbm>> -> memref<1x1x80xi32, #tpu.memory_space<hbm>>
          %dma_wait3A_248 = tpu.memref_squeeze %dma_wait3A_247 : memref<1x1x80xi32, #tpu.memory_space<hbm>> -> memref<80xi32, #tpu.memory_space<hbm>>
          tpu.wait_dma2 semaphore(%arg26 : memref<!tpu.dma_semaphore, #tpu.memory_space<semaphore_mem>>) src(%dma_wait3A_248 : memref<80xi32, #tpu.memory_space<hbm>>) dst(%arg13 : memref<80xi32, #tpu.memory_space<vmem>>)
          %dma_wait3A_249 = arith.constant 0 : i32
          %dma_wait3A_250 = arith.constant 0 : i32
          %dma_wait3A_251 = tpu.memref_slice %arg5[%arg1, %dma_wait3A_249, %dma_wait3A_250] : memref<16x128x80xi32, #tpu.memory_space<hbm>> -> memref<1x1x80xi32, #tpu.memory_space<hbm>>
          %dma_wait3A_252 = tpu.memref_squeeze %dma_wait3A_251 : memref<1x1x80xi32, #tpu.memory_space<hbm>> -> memref<80xi32, #tpu.memory_space<hbm>>
          %dma_wait3A_253 = arith.constant 0 : i32
          %dma_wait3A_254 = tpu.memref_slice %arg5[%arg1, %dma_wait3A_249, %dma_wait3A_253] : memref<16x128x80xi32, #tpu.memory_space<hbm>> -> memref<1x1x80xi32, #tpu.memory_space<hbm>>
          %dma_wait3A_255 = tpu.memref_squeeze %dma_wait3A_254 : memref<1x1x80xi32, #tpu.memory_space<hbm>> -> memref<80xi32, #tpu.memory_space<hbm>>
          tpu.wait_dma2 semaphore(%arg26 : memref<!tpu.dma_semaphore, #tpu.memory_space<semaphore_mem>>) src(%dma_wait3A_255 : memref<80xi32, #tpu.memory_space<hbm>>) dst(%arg17 : memref<80xi32, #tpu.memory_space<vmem>>)
          %dma_start3A_256 = arith.constant 0 : i32
          %dma_start3A_257 = arith.constant 0 : i32
          %dma_start3A_258 = tpu.memref_slice %arg3[%dma_start3A_256, %dma_start3A_257] : memref<10000x128xf32, #tpu.memory_space<hbm>> -> memref<10000x128xf32, #tpu.memory_space<hbm>>
          tpu.enqueue_indirect_dma source(%dma_start3A_258 : memref<10000x128xf32, #tpu.memory_space<hbm>>) target(%arg21 : memref<80x128xf32, #tpu.memory_space<vmem>>) offsets(%arg13 : memref<80xi32, #tpu.memory_space<vmem>>) semaphore(%arg30 : memref<!tpu.dma_semaphore, #tpu.memory_space<semaphore_mem>>)
        } else {
        }
        %dma_wait3A_169 = arith.constant 0 : i32
        %dma_wait3A_170 = arith.constant 0 : i32
        %dma_wait3A_171 = tpu.memref_slice %arg3[%dma_wait3A_169, %dma_wait3A_170] : memref<10000x128xf32, #tpu.memory_space<hbm>> -> memref<10000x128xf32, #tpu.memory_space<hbm>>
        tpu.wait_indirect_dma semaphore(%arg27 : memref<!tpu.dma_semaphore, #tpu.memory_space<semaphore_mem>>) src(%dma_wait3A_171 : memref<10000x128xf32, #tpu.memory_space<hbm>>) dst(%arg18 : memref<80x128xf32, #tpu.memory_space<vmem>>)
        "tpu.region"() ({
          %run_scoped3A = tpu.sem_alloc : memref<!tpu.dma_semaphore, #tpu.memory_space<semaphore_mem>>
          %dma_start3A_242 = arith.constant 0 : i32
          %dma_start3A_243 = arith.constant 0 : i32
          %dma_start3A_244 = tpu.memref_slice %arg22[%dma_start3A_242, %dma_start3A_243] : memref<10240x128xf32, #tpu.memory_space<vmem_shared>> -> memref<10240x128xf32, #tpu.memory_space<vmem_shared>>
          tpu.enqueue_indirect_dma source(%arg18 : memref<80x128xf32, #tpu.memory_space<vmem>>) target(%dma_start3A_244 : memref<10240x128xf32, #tpu.memory_space<vmem_shared>>) offsets(%arg14 : memref<80xi32, #tpu.memory_space<vmem>>) semaphore(%run_scoped3A : memref<!tpu.dma_semaphore, #tpu.memory_space<semaphore_mem>>) {add = true}
          %dma_wait3A_245 = arith.constant 0 : i32
          %dma_wait3A_246 = arith.constant 0 : i32
          %dma_wait3A_247 = tpu.memref_slice %arg22[%dma_wait3A_245, %dma_wait3A_246] : memref<10240x128xf32, #tpu.memory_space<vmem_shared>> -> memref<10240x128xf32, #tpu.memory_space<vmem_shared>>
          tpu.wait_indirect_dma semaphore(%run_scoped3A : memref<!tpu.dma_semaphore, #tpu.memory_space<semaphore_mem>>) src(%arg18 : memref<80x128xf32, #tpu.memory_space<vmem>>) dst(%dma_wait3A_247 : memref<10240x128xf32, #tpu.memory_space<vmem_shared>>)
          tpu.yield
        }) : () -> ()
        %add3A_172 = arith.constant 4 : i32
        %add3A_173 = arith.addi %add3A_160, %add3A_172 : i32
        %lt3A_174 = arith.constant 128 : i32
        %lt3A_175 = arith.cmpi slt, %add3A_173, %lt3A_174 : i32
        %convert_element_type3A_176 = arith.extui %lt3A_175 : i1 to i32
        %cond3A_177 = arith.constant 0 : i32
        %cond3A_178 = arith.cmpi ne, %convert_element_type3A_176, %cond3A_177 : i32
        scf.if %cond3A_178 {
          %add3A_242 = arith.constant 4 : i32
          %add3A_243 = arith.addi %add3A_160, %add3A_242 : i32
          %dma_start3A_244 = arith.constant 0 : i32
          %dma_start3A_245 = tpu.memref_slice %arg4[%arg1, %add3A_243, %dma_start3A_244] : memref<16x128x80xi32, #tpu.memory_space<hbm>> -> memref<1x1x80xi32, #tpu.memory_space<hbm>>
          %dma_start3A_246 = tpu.memref_squeeze %dma_start3A_245 : memref<1x1x80xi32, #tpu.memory_space<hbm>> -> memref<80xi32, #tpu.memory_space<hbm>>
          %dma_start3A_247 = arith.constant 0 : i32
          %dma_start3A_248 = tpu.memref_slice %arg4[%arg1, %add3A_243, %dma_start3A_247] : memref<16x128x80xi32, #tpu.memory_space<hbm>> -> memref<1x1x80xi32, #tpu.memory_space<hbm>>
          %dma_start3A_249 = tpu.memref_squeeze %dma_start3A_248 : memref<1x1x80xi32, #tpu.memory_space<hbm>> -> memref<80xi32, #tpu.memory_space<hbm>>
          tpu.enqueue_dma source(%dma_start3A_249 : memref<80xi32, #tpu.memory_space<hbm>>) target(%arg10 : memref<80xi32, #tpu.memory_space<vmem>>) target_semaphore(%arg23 : memref<!tpu.dma_semaphore, #tpu.memory_space<semaphore_mem>>)
          %dma_start3A_250 = arith.constant 0 : i32
          %dma_start3A_251 = tpu.memref_slice %arg5[%arg1, %add3A_243, %dma_start3A_250] : memref<16x128x80xi32, #tpu.memory_space<hbm>> -> memref<1x1x80xi32, #tpu.memory_space<hbm>>
          %dma_start3A_252 = tpu.memref_squeeze %dma_start3A_251 : memref<1x1x80xi32, #tpu.memory_space<hbm>> -> memref<80xi32, #tpu.memory_space<hbm>>
          %dma_start3A_253 = arith.constant 0 : i32
          %dma_start3A_254 = tpu.memref_slice %arg5[%arg1, %add3A_243, %dma_start3A_253] : memref<16x128x80xi32, #tpu.memory_space<hbm>> -> memref<1x1x80xi32, #tpu.memory_space<hbm>>
          %dma_start3A_255 = tpu.memref_squeeze %dma_start3A_254 : memref<1x1x80xi32, #tpu.memory_space<hbm>> -> memref<80xi32, #tpu.memory_space<hbm>>
          tpu.enqueue_dma source(%dma_start3A_255 : memref<80xi32, #tpu.memory_space<hbm>>) target(%arg14 : memref<80xi32, #tpu.memory_space<vmem>>) target_semaphore(%arg23 : memref<!tpu.dma_semaphore, #tpu.memory_space<semaphore_mem>>)
        } else {
        }
        %add3A_179 = arith.constant 1 : i32
        %add3A_180 = arith.addi %mul3A_159, %add3A_179 : i32
        %add3A_181 = arith.constant 4 : i32
        %add3A_182 = arith.addi %add3A_180, %add3A_181 : i32
        %sub3A_183 = arith.constant 1 : i32
        %sub3A_184 = arith.subi %add3A_182, %sub3A_183 : i32
        %lt3A_185 = arith.constant 128 : i32
        %lt3A_186 = arith.cmpi slt, %sub3A_184, %lt3A_185 : i32
        %convert_element_type3A_187 = arith.extui %lt3A_186 : i1 to i32
        %cond3A_188 = arith.constant 0 : i32
        %cond3A_189 = arith.cmpi ne, %convert_element_type3A_187, %cond3A_188 : i32
        scf.if %cond3A_189 {
          %dma_wait3A_242 = arith.constant 0 : i32
          %dma_wait3A_243 = arith.constant 0 : i32
          %dma_wait3A_244 = tpu.memref_slice %arg4[%arg1, %dma_wait3A_242, %dma_wait3A_243] : memref<16x128x80xi32, #tpu.memory_space<hbm>> -> memref<1x1x80xi32, #tpu.memory_space<hbm>>
          %dma_wait3A_245 = tpu.memref_squeeze %dma_wait3A_244 : memref<1x1x80xi32, #tpu.memory_space<hbm>> -> memref<80xi32, #tpu.memory_space<hbm>>
          %dma_wait3A_246 = arith.constant 0 : i32
          %dma_wait3A_247 = tpu.memref_slice %arg4[%arg1, %dma_wait3A_242, %dma_wait3A_246] : memref<16x128x80xi32, #tpu.memory_space<hbm>> -> memref<1x1x80xi32, #tpu.memory_space<hbm>>
          %dma_wait3A_248 = tpu.memref_squeeze %dma_wait3A_247 : memref<1x1x80xi32, #tpu.memory_space<hbm>> -> memref<80xi32, #tpu.memory_space<hbm>>
          tpu.wait_dma2 semaphore(%arg23 : memref<!tpu.dma_semaphore, #tpu.memory_space<semaphore_mem>>) src(%dma_wait3A_248 : memref<80xi32, #tpu.memory_space<hbm>>) dst(%arg10 : memref<80xi32, #tpu.memory_space<vmem>>)
          %dma_wait3A_249 = arith.constant 0 : i32
          %dma_wait3A_250 = arith.constant 0 : i32
          %dma_wait3A_251 = tpu.memref_slice %arg5[%arg1, %dma_wait3A_249, %dma_wait3A_250] : memref<16x128x80xi32, #tpu.memory_space<hbm>> -> memref<1x1x80xi32, #tpu.memory_space<hbm>>
          %dma_wait3A_252 = tpu.memref_squeeze %dma_wait3A_251 : memref<1x1x80xi32, #tpu.memory_space<hbm>> -> memref<80xi32, #tpu.memory_space<hbm>>
          %dma_wait3A_253 = arith.constant 0 : i32
          %dma_wait3A_254 = tpu.memref_slice %arg5[%arg1, %dma_wait3A_249, %dma_wait3A_253] : memref<16x128x80xi32, #tpu.memory_space<hbm>> -> memref<1x1x80xi32, #tpu.memory_space<hbm>>
          %dma_wait3A_255 = tpu.memref_squeeze %dma_wait3A_254 : memref<1x1x80xi32, #tpu.memory_space<hbm>> -> memref<80xi32, #tpu.memory_space<hbm>>
          tpu.wait_dma2 semaphore(%arg23 : memref<!tpu.dma_semaphore, #tpu.memory_space<semaphore_mem>>) src(%dma_wait3A_255 : memref<80xi32, #tpu.memory_space<hbm>>) dst(%arg14 : memref<80xi32, #tpu.memory_space<vmem>>)
          %dma_start3A_256 = arith.constant 0 : i32
          %dma_start3A_257 = arith.constant 0 : i32
          %dma_start3A_258 = tpu.memref_slice %arg3[%dma_start3A_256, %dma_start3A_257] : memref<10000x128xf32, #tpu.memory_space<hbm>> -> memref<10000x128xf32, #tpu.memory_space<hbm>>
          tpu.enqueue_indirect_dma source(%dma_start3A_258 : memref<10000x128xf32, #tpu.memory_space<hbm>>) target(%arg18 : memref<80x128xf32, #tpu.memory_space<vmem>>) offsets(%arg10 : memref<80xi32, #tpu.memory_space<vmem>>) semaphore(%arg27 : memref<!tpu.dma_semaphore, #tpu.memory_space<semaphore_mem>>)
        } else {
        }
        %dma_wait3A_190 = arith.constant 0 : i32
        %dma_wait3A_191 = arith.constant 0 : i32
        %dma_wait3A_192 = tpu.memref_slice %arg3[%dma_wait3A_190, %dma_wait3A_191] : memref<10000x128xf32, #tpu.memory_space<hbm>> -> memref<10000x128xf32, #tpu.memory_space<hbm>>
        tpu.wait_indirect_dma semaphore(%arg28 : memref<!tpu.dma_semaphore, #tpu.memory_space<semaphore_mem>>) src(%dma_wait3A_192 : memref<10000x128xf32, #tpu.memory_space<hbm>>) dst(%arg19 : memref<80x128xf32, #tpu.memory_space<vmem>>)
        "tpu.region"() ({
          %run_scoped3A = tpu.sem_alloc : memref<!tpu.dma_semaphore, #tpu.memory_space<semaphore_mem>>
          %dma_start3A_242 = arith.constant 0 : i32
          %dma_start3A_243 = arith.constant 0 : i32
          %dma_start3A_244 = tpu.memref_slice %arg22[%dma_start3A_242, %dma_start3A_243] : memref<10240x128xf32, #tpu.memory_space<vmem_shared>> -> memref<10240x128xf32, #tpu.memory_space<vmem_shared>>
          tpu.enqueue_indirect_dma source(%arg19 : memref<80x128xf32, #tpu.memory_space<vmem>>) target(%dma_start3A_244 : memref<10240x128xf32, #tpu.memory_space<vmem_shared>>) offsets(%arg15 : memref<80xi32, #tpu.memory_space<vmem>>) semaphore(%run_scoped3A : memref<!tpu.dma_semaphore, #tpu.memory_space<semaphore_mem>>) {add = true}
          %dma_wait3A_245 = arith.constant 0 : i32
          %dma_wait3A_246 = arith.constant 0 : i32
          %dma_wait3A_247 = tpu.memref_slice %arg22[%dma_wait3A_245, %dma_wait3A_246] : memref<10240x128xf32, #tpu.memory_space<vmem_shared>> -> memref<10240x128xf32, #tpu.memory_space<vmem_shared>>
          tpu.wait_indirect_dma semaphore(%run_scoped3A : memref<!tpu.dma_semaphore, #tpu.memory_space<semaphore_mem>>) src(%arg19 : memref<80x128xf32, #tpu.memory_space<vmem>>) dst(%dma_wait3A_247 : memref<10240x128xf32, #tpu.memory_space<vmem_shared>>)
          tpu.yield
        }) : () -> ()
        %add3A_193 = arith.constant 4 : i32
        %add3A_194 = arith.addi %add3A_180, %add3A_193 : i32
        %lt3A_195 = arith.constant 128 : i32
        %lt3A_196 = arith.cmpi slt, %add3A_194, %lt3A_195 : i32
        %convert_element_type3A_197 = arith.extui %lt3A_196 : i1 to i32
        %cond3A_198 = arith.constant 0 : i32
        %cond3A_199 = arith.cmpi ne, %convert_element_type3A_197, %cond3A_198 : i32
        scf.if %cond3A_199 {
          %add3A_242 = arith.constant 4 : i32
          %add3A_243 = arith.addi %add3A_180, %add3A_242 : i32
          %dma_start3A_244 = arith.constant 0 : i32
          %dma_start3A_245 = tpu.memref_slice %arg4[%arg1, %add3A_243, %dma_start3A_244] : memref<16x128x80xi32, #tpu.memory_space<hbm>> -> memref<1x1x80xi32, #tpu.memory_space<hbm>>
          %dma_start3A_246 = tpu.memref_squeeze %dma_start3A_245 : memref<1x1x80xi32, #tpu.memory_space<hbm>> -> memref<80xi32, #tpu.memory_space<hbm>>
          %dma_start3A_247 = arith.constant 0 : i32
          %dma_start3A_248 = tpu.memref_slice %arg4[%arg1, %add3A_243, %dma_start3A_247] : memref<16x128x80xi32, #tpu.memory_space<hbm>> -> memref<1x1x80xi32, #tpu.memory_space<hbm>>
          %dma_start3A_249 = tpu.memref_squeeze %dma_start3A_248 : memref<1x1x80xi32, #tpu.memory_space<hbm>> -> memref<80xi32, #tpu.memory_space<hbm>>
          tpu.enqueue_dma source(%dma_start3A_249 : memref<80xi32, #tpu.memory_space<hbm>>) target(%arg11 : memref<80xi32, #tpu.memory_space<vmem>>) target_semaphore(%arg24 : memref<!tpu.dma_semaphore, #tpu.memory_space<semaphore_mem>>)
          %dma_start3A_250 = arith.constant 0 : i32
          %dma_start3A_251 = tpu.memref_slice %arg5[%arg1, %add3A_243, %dma_start3A_250] : memref<16x128x80xi32, #tpu.memory_space<hbm>> -> memref<1x1x80xi32, #tpu.memory_space<hbm>>
          %dma_start3A_252 = tpu.memref_squeeze %dma_start3A_251 : memref<1x1x80xi32, #tpu.memory_space<hbm>> -> memref<80xi32, #tpu.memory_space<hbm>>
          %dma_start3A_253 = arith.constant 0 : i32
          %dma_start3A_254 = tpu.memref_slice %arg5[%arg1, %add3A_243, %dma_start3A_253] : memref<16x128x80xi32, #tpu.memory_space<hbm>> -> memref<1x1x80xi32, #tpu.memory_space<hbm>>
          %dma_start3A_255 = tpu.memref_squeeze %dma_start3A_254 : memref<1x1x80xi32, #tpu.memory_space<hbm>> -> memref<80xi32, #tpu.memory_space<hbm>>
          tpu.enqueue_dma source(%dma_start3A_255 : memref<80xi32, #tpu.memory_space<hbm>>) target(%arg15 : memref<80xi32, #tpu.memory_space<vmem>>) target_semaphore(%arg24 : memref<!tpu.dma_semaphore, #tpu.memory_space<semaphore_mem>>)
        } else {
        }
        %add3A_200 = arith.constant 2 : i32
        %add3A_201 = arith.addi %mul3A_159, %add3A_200 : i32
        %add3A_202 = arith.constant 4 : i32
        %add3A_203 = arith.addi %add3A_201, %add3A_202 : i32
        %sub3A_204 = arith.constant 1 : i32
        %sub3A_205 = arith.subi %add3A_203, %sub3A_204 : i32
        %lt3A_206 = arith.constant 128 : i32
        %lt3A_207 = arith.cmpi slt, %sub3A_205, %lt3A_206 : i32
        %convert_element_type3A_208 = arith.extui %lt3A_207 : i1 to i32
        %cond3A_209 = arith.constant 0 : i32
        %cond3A_210 = arith.cmpi ne, %convert_element_type3A_208, %cond3A_209 : i32
        scf.if %cond3A_210 {
          %dma_wait3A_242 = arith.constant 0 : i32
          %dma_wait3A_243 = arith.constant 0 : i32
          %dma_wait3A_244 = tpu.memref_slice %arg4[%arg1, %dma_wait3A_242, %dma_wait3A_243] : memref<16x128x80xi32, #tpu.memory_space<hbm>> -> memref<1x1x80xi32, #tpu.memory_space<hbm>>
          %dma_wait3A_245 = tpu.memref_squeeze %dma_wait3A_244 : memref<1x1x80xi32, #tpu.memory_space<hbm>> -> memref<80xi32, #tpu.memory_space<hbm>>
          %dma_wait3A_246 = arith.constant 0 : i32
          %dma_wait3A_247 = tpu.memref_slice %arg4[%arg1, %dma_wait3A_242, %dma_wait3A_246] : memref<16x128x80xi32, #tpu.memory_space<hbm>> -> memref<1x1x80xi32, #tpu.memory_space<hbm>>
          %dma_wait3A_248 = tpu.memref_squeeze %dma_wait3A_247 : memref<1x1x80xi32, #tpu.memory_space<hbm>> -> memref<80xi32, #tpu.memory_space<hbm>>
          tpu.wait_dma2 semaphore(%arg24 : memref<!tpu.dma_semaphore, #tpu.memory_space<semaphore_mem>>) src(%dma_wait3A_248 : memref<80xi32, #tpu.memory_space<hbm>>) dst(%arg11 : memref<80xi32, #tpu.memory_space<vmem>>)
          %dma_wait3A_249 = arith.constant 0 : i32
          %dma_wait3A_250 = arith.constant 0 : i32
          %dma_wait3A_251 = tpu.memref_slice %arg5[%arg1, %dma_wait3A_249, %dma_wait3A_250] : memref<16x128x80xi32, #tpu.memory_space<hbm>> -> memref<1x1x80xi32, #tpu.memory_space<hbm>>
          %dma_wait3A_252 = tpu.memref_squeeze %dma_wait3A_251 : memref<1x1x80xi32, #tpu.memory_space<hbm>> -> memref<80xi32, #tpu.memory_space<hbm>>
          %dma_wait3A_253 = arith.constant 0 : i32
          %dma_wait3A_254 = tpu.memref_slice %arg5[%arg1, %dma_wait3A_249, %dma_wait3A_253] : memref<16x128x80xi32, #tpu.memory_space<hbm>> -> memref<1x1x80xi32, #tpu.memory_space<hbm>>
          %dma_wait3A_255 = tpu.memref_squeeze %dma_wait3A_254 : memref<1x1x80xi32, #tpu.memory_space<hbm>> -> memref<80xi32, #tpu.memory_space<hbm>>
          tpu.wait_dma2 semaphore(%arg24 : memref<!tpu.dma_semaphore, #tpu.memory_space<semaphore_mem>>) src(%dma_wait3A_255 : memref<80xi32, #tpu.memory_space<hbm>>) dst(%arg15 : memref<80xi32, #tpu.memory_space<vmem>>)
          %dma_start3A_256 = arith.constant 0 : i32
          %dma_start3A_257 = arith.constant 0 : i32
          %dma_start3A_258 = tpu.memref_slice %arg3[%dma_start3A_256, %dma_start3A_257] : memref<10000x128xf32, #tpu.memory_space<hbm>> -> memref<10000x128xf32, #tpu.memory_space<hbm>>
          tpu.enqueue_indirect_dma source(%dma_start3A_258 : memref<10000x128xf32, #tpu.memory_space<hbm>>) target(%arg19 : memref<80x128xf32, #tpu.memory_space<vmem>>) offsets(%arg11 : memref<80xi32, #tpu.memory_space<vmem>>) semaphore(%arg28 : memref<!tpu.dma_semaphore, #tpu.memory_space<semaphore_mem>>)
        } else {
        }
        %dma_wait3A_211 = arith.constant 0 : i32
        %dma_wait3A_212 = arith.constant 0 : i32
        %dma_wait3A_213 = tpu.memref_slice %arg3[%dma_wait3A_211, %dma_wait3A_212] : memref<10000x128xf32, #tpu.memory_space<hbm>> -> memref<10000x128xf32, #tpu.memory_space<hbm>>
        tpu.wait_indirect_dma semaphore(%arg29 : memref<!tpu.dma_semaphore, #tpu.memory_space<semaphore_mem>>) src(%dma_wait3A_213 : memref<10000x128xf32, #tpu.memory_space<hbm>>) dst(%arg20 : memref<80x128xf32, #tpu.memory_space<vmem>>)
        "tpu.region"() ({
          %run_scoped3A = tpu.sem_alloc : memref<!tpu.dma_semaphore, #tpu.memory_space<semaphore_mem>>
          %dma_start3A_242 = arith.constant 0 : i32
          %dma_start3A_243 = arith.constant 0 : i32
          %dma_start3A_244 = tpu.memref_slice %arg22[%dma_start3A_242, %dma_start3A_243] : memref<10240x128xf32, #tpu.memory_space<vmem_shared>> -> memref<10240x128xf32, #tpu.memory_space<vmem_shared>>
          tpu.enqueue_indirect_dma source(%arg20 : memref<80x128xf32, #tpu.memory_space<vmem>>) target(%dma_start3A_244 : memref<10240x128xf32, #tpu.memory_space<vmem_shared>>) offsets(%arg16 : memref<80xi32, #tpu.memory_space<vmem>>) semaphore(%run_scoped3A : memref<!tpu.dma_semaphore, #tpu.memory_space<semaphore_mem>>) {add = true}
          %dma_wait3A_245 = arith.constant 0 : i32
          %dma_wait3A_246 = arith.constant 0 : i32
          %dma_wait3A_247 = tpu.memref_slice %arg22[%dma_wait3A_245, %dma_wait3A_246] : memref<10240x128xf32, #tpu.memory_space<vmem_shared>> -> memref<10240x128xf32, #tpu.memory_space<vmem_shared>>
          tpu.wait_indirect_dma semaphore(%run_scoped3A : memref<!tpu.dma_semaphore, #tpu.memory_space<semaphore_mem>>) src(%arg20 : memref<80x128xf32, #tpu.memory_space<vmem>>) dst(%dma_wait3A_247 : memref<10240x128xf32, #tpu.memory_space<vmem_shared>>)
          tpu.yield
        }) : () -> ()
        %add3A_214 = arith.constant 4 : i32
        %add3A_215 = arith.addi %add3A_201, %add3A_214 : i32
        %lt3A_216 = arith.constant 128 : i32
        %lt3A_217 = arith.cmpi slt, %add3A_215, %lt3A_216 : i32
        %convert_element_type3A_218 = arith.extui %lt3A_217 : i1 to i32
        %cond3A_219 = arith.constant 0 : i32
        %cond3A_220 = arith.cmpi ne, %convert_element_type3A_218, %cond3A_219 : i32
        scf.if %cond3A_220 {
          %add3A_242 = arith.constant 4 : i32
          %add3A_243 = arith.addi %add3A_201, %add3A_242 : i32
          %dma_start3A_244 = arith.constant 0 : i32
          %dma_start3A_245 = tpu.memref_slice %arg4[%arg1, %add3A_243, %dma_start3A_244] : memref<16x128x80xi32, #tpu.memory_space<hbm>> -> memref<1x1x80xi32, #tpu.memory_space<hbm>>
          %dma_start3A_246 = tpu.memref_squeeze %dma_start3A_245 : memref<1x1x80xi32, #tpu.memory_space<hbm>> -> memref<80xi32, #tpu.memory_space<hbm>>
          %dma_start3A_247 = arith.constant 0 : i32
          %dma_start3A_248 = tpu.memref_slice %arg4[%arg1, %add3A_243, %dma_start3A_247] : memref<16x128x80xi32, #tpu.memory_space<hbm>> -> memref<1x1x80xi32, #tpu.memory_space<hbm>>
          %dma_start3A_249 = tpu.memref_squeeze %dma_start3A_248 : memref<1x1x80xi32, #tpu.memory_space<hbm>> -> memref<80xi32, #tpu.memory_space<hbm>>
          tpu.enqueue_dma source(%dma_start3A_249 : memref<80xi32, #tpu.memory_space<hbm>>) target(%arg12 : memref<80xi32, #tpu.memory_space<vmem>>) target_semaphore(%arg25 : memref<!tpu.dma_semaphore, #tpu.memory_space<semaphore_mem>>)
          %dma_start3A_250 = arith.constant 0 : i32
          %dma_start3A_251 = tpu.memref_slice %arg5[%arg1, %add3A_243, %dma_start3A_250] : memref<16x128x80xi32, #tpu.memory_space<hbm>> -> memref<1x1x80xi32, #tpu.memory_space<hbm>>
          %dma_start3A_252 = tpu.memref_squeeze %dma_start3A_251 : memref<1x1x80xi32, #tpu.memory_space<hbm>> -> memref<80xi32, #tpu.memory_space<hbm>>
          %dma_start3A_253 = arith.constant 0 : i32
          %dma_start3A_254 = tpu.memref_slice %arg5[%arg1, %add3A_243, %dma_start3A_253] : memref<16x128x80xi32, #tpu.memory_space<hbm>> -> memref<1x1x80xi32, #tpu.memory_space<hbm>>
          %dma_start3A_255 = tpu.memref_squeeze %dma_start3A_254 : memref<1x1x80xi32, #tpu.memory_space<hbm>> -> memref<80xi32, #tpu.memory_space<hbm>>
          tpu.enqueue_dma source(%dma_start3A_255 : memref<80xi32, #tpu.memory_space<hbm>>) target(%arg16 : memref<80xi32, #tpu.memory_space<vmem>>) target_semaphore(%arg25 : memref<!tpu.dma_semaphore, #tpu.memory_space<semaphore_mem>>)
        } else {
        }
        %add3A_221 = arith.constant 3 : i32
        %add3A_222 = arith.addi %mul3A_159, %add3A_221 : i32
        %add3A_223 = arith.constant 4 : i32
        %add3A_224 = arith.addi %add3A_222, %add3A_223 : i32
        %sub3A_225 = arith.constant 1 : i32
        %sub3A_226 = arith.subi %add3A_224, %sub3A_225 : i32
        %lt3A_227 = arith.constant 128 : i32
        %lt3A_228 = arith.cmpi slt, %sub3A_226, %lt3A_227 : i32
        %convert_element_type3A_229 = arith.extui %lt3A_228 : i1 to i32
        %cond3A_230 = arith.constant 0 : i32
        %cond3A_231 = arith.cmpi ne, %convert_element_type3A_229, %cond3A_230 : i32
        scf.if %cond3A_231 {
          %dma_wait3A_242 = arith.constant 0 : i32
          %dma_wait3A_243 = arith.constant 0 : i32
          %dma_wait3A_244 = tpu.memref_slice %arg4[%arg1, %dma_wait3A_242, %dma_wait3A_243] : memref<16x128x80xi32, #tpu.memory_space<hbm>> -> memref<1x1x80xi32, #tpu.memory_space<hbm>>
          %dma_wait3A_245 = tpu.memref_squeeze %dma_wait3A_244 : memref<1x1x80xi32, #tpu.memory_space<hbm>> -> memref<80xi32, #tpu.memory_space<hbm>>
          %dma_wait3A_246 = arith.constant 0 : i32
          %dma_wait3A_247 = tpu.memref_slice %arg4[%arg1, %dma_wait3A_242, %dma_wait3A_246] : memref<16x128x80xi32, #tpu.memory_space<hbm>> -> memref<1x1x80xi32, #tpu.memory_space<hbm>>
          %dma_wait3A_248 = tpu.memref_squeeze %dma_wait3A_247 : memref<1x1x80xi32, #tpu.memory_space<hbm>> -> memref<80xi32, #tpu.memory_space<hbm>>
          tpu.wait_dma2 semaphore(%arg25 : memref<!tpu.dma_semaphore, #tpu.memory_space<semaphore_mem>>) src(%dma_wait3A_248 : memref<80xi32, #tpu.memory_space<hbm>>) dst(%arg12 : memref<80xi32, #tpu.memory_space<vmem>>)
          %dma_wait3A_249 = arith.constant 0 : i32
          %dma_wait3A_250 = arith.constant 0 : i32
          %dma_wait3A_251 = tpu.memref_slice %arg5[%arg1, %dma_wait3A_249, %dma_wait3A_250] : memref<16x128x80xi32, #tpu.memory_space<hbm>> -> memref<1x1x80xi32, #tpu.memory_space<hbm>>
          %dma_wait3A_252 = tpu.memref_squeeze %dma_wait3A_251 : memref<1x1x80xi32, #tpu.memory_space<hbm>> -> memref<80xi32, #tpu.memory_space<hbm>>
          %dma_wait3A_253 = arith.constant 0 : i32
          %dma_wait3A_254 = tpu.memref_slice %arg5[%arg1, %dma_wait3A_249, %dma_wait3A_253] : memref<16x128x80xi32, #tpu.memory_space<hbm>> -> memref<1x1x80xi32, #tpu.memory_space<hbm>>
          %dma_wait3A_255 = tpu.memref_squeeze %dma_wait3A_254 : memref<1x1x80xi32, #tpu.memory_space<hbm>> -> memref<80xi32, #tpu.memory_space<hbm>>
          tpu.wait_dma2 semaphore(%arg25 : memref<!tpu.dma_semaphore, #tpu.memory_space<semaphore_mem>>) src(%dma_wait3A_255 : memref<80xi32, #tpu.memory_space<hbm>>) dst(%arg16 : memref<80xi32, #tpu.memory_space<vmem>>)
          %dma_start3A_256 = arith.constant 0 : i32
          %dma_start3A_257 = arith.constant 0 : i32
          %dma_start3A_258 = tpu.memref_slice %arg3[%dma_start3A_256, %dma_start3A_257] : memref<10000x128xf32, #tpu.memory_space<hbm>> -> memref<10000x128xf32, #tpu.memory_space<hbm>>
          tpu.enqueue_indirect_dma source(%dma_start3A_258 : memref<10000x128xf32, #tpu.memory_space<hbm>>) target(%arg20 : memref<80x128xf32, #tpu.memory_space<vmem>>) offsets(%arg12 : memref<80xi32, #tpu.memory_space<vmem>>) semaphore(%arg29 : memref<!tpu.dma_semaphore, #tpu.memory_space<semaphore_mem>>)
        } else {
        }
        %dma_wait3A_232 = arith.constant 0 : i32
        %dma_wait3A_233 = arith.constant 0 : i32
        %dma_wait3A_234 = tpu.memref_slice %arg3[%dma_wait3A_232, %dma_wait3A_233] : memref<10000x128xf32, #tpu.memory_space<hbm>> -> memref<10000x128xf32, #tpu.memory_space<hbm>>
        tpu.wait_indirect_dma semaphore(%arg30 : memref<!tpu.dma_semaphore, #tpu.memory_space<semaphore_mem>>) src(%dma_wait3A_234 : memref<10000x128xf32, #tpu.memory_space<hbm>>) dst(%arg21 : memref<80x128xf32, #tpu.memory_space<vmem>>)
        "tpu.region"() ({
          %run_scoped3A = tpu.sem_alloc : memref<!tpu.dma_semaphore, #tpu.memory_space<semaphore_mem>>
          %dma_start3A_242 = arith.constant 0 : i32
          %dma_start3A_243 = arith.constant 0 : i32
          %dma_start3A_244 = tpu.memref_slice %arg22[%dma_start3A_242, %dma_start3A_243] : memref<10240x128xf32, #tpu.memory_space<vmem_shared>> -> memref<10240x128xf32, #tpu.memory_space<vmem_shared>>
          tpu.enqueue_indirect_dma source(%arg21 : memref<80x128xf32, #tpu.memory_space<vmem>>) target(%dma_start3A_244 : memref<10240x128xf32, #tpu.memory_space<vmem_shared>>) offsets(%arg17 : memref<80xi32, #tpu.memory_space<vmem>>) semaphore(%run_scoped3A : memref<!tpu.dma_semaphore, #tpu.memory_space<semaphore_mem>>) {add = true}
          %dma_wait3A_245 = arith.constant 0 : i32
          %dma_wait3A_246 = arith.constant 0 : i32
          %dma_wait3A_247 = tpu.memref_slice %arg22[%dma_wait3A_245, %dma_wait3A_246] : memref<10240x128xf32, #tpu.memory_space<vmem_shared>> -> memref<10240x128xf32, #tpu.memory_space<vmem_shared>>
          tpu.wait_indirect_dma semaphore(%run_scoped3A : memref<!tpu.dma_semaphore, #tpu.memory_space<semaphore_mem>>) src(%arg21 : memref<80x128xf32, #tpu.memory_space<vmem>>) dst(%dma_wait3A_247 : memref<10240x128xf32, #tpu.memory_space<vmem_shared>>)
          tpu.yield
        }) : () -> ()
        %add3A_235 = arith.constant 4 : i32
        %add3A_236 = arith.addi %add3A_222, %add3A_235 : i32
        %lt3A_237 = arith.constant 128 : i32
        %lt3A_238 = arith.cmpi slt, %add3A_236, %lt3A_237 : i32
        %convert_element_type3A_239 = arith.extui %lt3A_238 : i1 to i32
        %cond3A_240 = arith.constant 0 : i32
        %cond3A_241 = arith.cmpi ne, %convert_element_type3A_239, %cond3A_240 : i32
        scf.if %cond3A_241 {
          %add3A_242 = arith.constant 4 : i32
          %add3A_243 = arith.addi %add3A_222, %add3A_242 : i32
          %dma_start3A_244 = arith.constant 0 : i32
          %dma_start3A_245 = tpu.memref_slice %arg4[%arg1, %add3A_243, %dma_start3A_244] : memref<16x128x80xi32, #tpu.memory_space<hbm>> -> memref<1x1x80xi32, #tpu.memory_space<hbm>>
          %dma_start3A_246 = tpu.memref_squeeze %dma_start3A_245 : memref<1x1x80xi32, #tpu.memory_space<hbm>> -> memref<80xi32, #tpu.memory_space<hbm>>
          %dma_start3A_247 = arith.constant 0 : i32
          %dma_start3A_248 = tpu.memref_slice %arg4[%arg1, %add3A_243, %dma_start3A_247] : memref<16x128x80xi32, #tpu.memory_space<hbm>> -> memref<1x1x80xi32, #tpu.memory_space<hbm>>
          %dma_start3A_249 = tpu.memref_squeeze %dma_start3A_248 : memref<1x1x80xi32, #tpu.memory_space<hbm>> -> memref<80xi32, #tpu.memory_space<hbm>>
          tpu.enqueue_dma source(%dma_start3A_249 : memref<80xi32, #tpu.memory_space<hbm>>) target(%arg13 : memref<80xi32, #tpu.memory_space<vmem>>) target_semaphore(%arg26 : memref<!tpu.dma_semaphore, #tpu.memory_space<semaphore_mem>>)
          %dma_start3A_250 = arith.constant 0 : i32
          %dma_start3A_251 = tpu.memref_slice %arg5[%arg1, %add3A_243, %dma_start3A_250] : memref<16x128x80xi32, #tpu.memory_space<hbm>> -> memref<1x1x80xi32, #tpu.memory_space<hbm>>
          %dma_start3A_252 = tpu.memref_squeeze %dma_start3A_251 : memref<1x1x80xi32, #tpu.memory_space<hbm>> -> memref<80xi32, #tpu.memory_space<hbm>>
          %dma_start3A_253 = arith.constant 0 : i32
          %dma_start3A_254 = tpu.memref_slice %arg5[%arg1, %add3A_243, %dma_start3A_253] : memref<16x128x80xi32, #tpu.memory_space<hbm>> -> memref<1x1x80xi32, #tpu.memory_space<hbm>>
          %dma_start3A_255 = tpu.memref_squeeze %dma_start3A_254 : memref<1x1x80xi32, #tpu.memory_space<hbm>> -> memref<80xi32, #tpu.memory_space<hbm>>
          tpu.enqueue_dma source(%dma_start3A_255 : memref<80xi32, #tpu.memory_space<hbm>>) target(%arg17 : memref<80xi32, #tpu.memory_space<vmem>>) target_semaphore(%arg26 : memref<!tpu.dma_semaphore, #tpu.memory_space<semaphore_mem>>)
        } else {
        }
      }
      %scan3A_157 = arith.constant 32 : i32
    } else {
    }
    %barrier3A_16 = arith.constant 0 : index
    tpu.barrier barrier_id(%barrier3A_16)
    %eq3A_17 = arith.constant 0 : i32
    %eq3A_18 = arith.cmpi eq, %arg0, %eq3A_17 : i32
    %lt3A_19 = arith.constant 15 : i32
    %lt3A_20 = arith.cmpi slt, %arg1, %lt3A_19 : i32
    %and3A = arith.andi %eq3A_18, %lt3A_20 : i1
    %convert_element_type3A_21 = arith.extui %and3A : i1 to i32
    %cond3A_22 = arith.constant 0 : i32
    %cond3A_23 = arith.cmpi ne, %convert_element_type3A_21, %cond3A_22 : i32
    scf.if %cond3A_23 {
      %mul3A = arith.constant 640 : i32
      %mul3A_48 = arith.muli %arg1, %mul3A : i32
      "tpu.region"() ({
        %run_scoped3A = tpu.sem_alloc : memref<!tpu.dma_semaphore, #tpu.memory_space<semaphore_mem>>
        %dma_start3A = arith.constant 0 : i32
        %dma_start3A_49 = tpu.memref_slice %arg8[%mul3A_48, %dma_start3A] : memref<10000x128xf32, #tpu.memory_space<hbm>> -> memref<640x128xf32, #tpu.memory_space<hbm>>
        %dma_start3A_50 = arith.constant 0 : i32
        %dma_start3A_51 = tpu.memref_slice %arg22[%mul3A_48, %dma_start3A_50] : memref<10240x128xf32, #tpu.memory_space<vmem_shared>> -> memref<640x128xf32, #tpu.memory_space<vmem_shared>>
        tpu.enqueue_dma source(%dma_start3A_51 : memref<640x128xf32, #tpu.memory_space<vmem_shared>>) target(%dma_start3A_49 : memref<640x128xf32, #tpu.memory_space<hbm>>) target_semaphore(%run_scoped3A : memref<!tpu.dma_semaphore, #tpu.memory_space<semaphore_mem>>)
        %dma_wait3A = arith.constant 0 : i32
        %dma_wait3A_52 = tpu.memref_slice %arg8[%mul3A_48, %dma_wait3A] : memref<10000x128xf32, #tpu.memory_space<hbm>> -> memref<640x128xf32, #tpu.memory_space<hbm>>
        %dma_wait3A_53 = arith.constant 0 : i32
        %dma_wait3A_54 = tpu.memref_slice %arg22[%mul3A_48, %dma_wait3A_53] : memref<10240x128xf32, #tpu.memory_space<vmem_shared>> -> memref<640x128xf32, #tpu.memory_space<vmem_shared>>
        tpu.wait_dma2 semaphore(%run_scoped3A : memref<!tpu.dma_semaphore, #tpu.memory_space<semaphore_mem>>) src(%dma_wait3A_54 : memref<640x128xf32, #tpu.memory_space<vmem_shared>>) dst(%dma_wait3A_52 : memref<640x128xf32, #tpu.memory_space<hbm>>)
        tpu.yield
      }) : () -> ()
    } else {
    }
    %eq3A_24 = arith.constant 0 : i32
    %eq3A_25 = arith.cmpi eq, %arg0, %eq3A_24 : i32
    %eq3A_26 = arith.constant 15 : i32
    %eq3A_27 = arith.cmpi eq, %arg1, %eq3A_26 : i32
    %and3A_28 = arith.andi %eq3A_25, %eq3A_27 : i1
    %convert_element_type3A_29 = arith.extui %and3A_28 : i1 to i32
    %cond3A_30 = arith.constant 0 : i32
    %cond3A_31 = arith.cmpi ne, %convert_element_type3A_29, %cond3A_30 : i32
    scf.if %cond3A_31 {
      "tpu.region"() ({
        %run_scoped3A = tpu.sem_alloc : memref<!tpu.dma_semaphore, #tpu.memory_space<semaphore_mem>>
        %dma_start3A = arith.constant 9600 : i32
        %dma_start3A_48 = arith.constant 0 : i32
        %dma_start3A_49 = tpu.memref_slice %arg8[%dma_start3A, %dma_start3A_48] : memref<10000x128xf32, #tpu.memory_space<hbm>> -> memref<400x128xf32, #tpu.memory_space<hbm>>
        %dma_start3A_50 = arith.constant 9600 : i32
        %dma_start3A_51 = arith.constant 0 : i32
        %dma_start3A_52 = tpu.memref_slice %arg22[%dma_start3A_50, %dma_start3A_51] : memref<10240x128xf32, #tpu.memory_space<vmem_shared>> -> memref<400x128xf32, #tpu.memory_space<vmem_shared>>
        tpu.enqueue_dma source(%dma_start3A_52 : memref<400x128xf32, #tpu.memory_space<vmem_shared>>) target(%dma_start3A_49 : memref<400x128xf32, #tpu.memory_space<hbm>>) target_semaphore(%run_scoped3A : memref<!tpu.dma_semaphore, #tpu.memory_space<semaphore_mem>>)
        %dma_wait3A = arith.constant 9600 : i32
        %dma_wait3A_53 = arith.constant 0 : i32
        %dma_wait3A_54 = tpu.memref_slice %arg8[%dma_wait3A, %dma_wait3A_53] : memref<10000x128xf32, #tpu.memory_space<hbm>> -> memref<400x128xf32, #tpu.memory_space<hbm>>
        %dma_wait3A_55 = arith.constant 9600 : i32
        %dma_wait3A_56 = arith.constant 0 : i32
        %dma_wait3A_57 = tpu.memref_slice %arg22[%dma_wait3A_55, %dma_wait3A_56] : memref<10240x128xf32, #tpu.memory_space<vmem_shared>> -> memref<400x128xf32, #tpu.memory_space<vmem_shared>>
        tpu.wait_dma2 semaphore(%run_scoped3A : memref<!tpu.dma_semaphore, #tpu.memory_space<semaphore_mem>>) src(%dma_wait3A_57 : memref<400x128xf32, #tpu.memory_space<vmem_shared>>) dst(%dma_wait3A_54 : memref<400x128xf32, #tpu.memory_space<hbm>>)
        tpu.yield
      }) : () -> ()
    } else {
    }
    %eq3A_32 = arith.constant 1 : i32
    %eq3A_33 = arith.cmpi eq, %arg0, %eq3A_32 : i32
    %lt3A_34 = arith.constant 15 : i32
    %lt3A_35 = arith.cmpi slt, %arg1, %lt3A_34 : i32
    %and3A_36 = arith.andi %eq3A_33, %lt3A_35 : i1
    %convert_element_type3A_37 = arith.extui %and3A_36 : i1 to i32
    %cond3A_38 = arith.constant 0 : i32
    %cond3A_39 = arith.cmpi ne, %convert_element_type3A_37, %cond3A_38 : i32
    scf.if %cond3A_39 {
      %mul3A = arith.constant 640 : i32
      %mul3A_48 = arith.muli %arg1, %mul3A : i32
      "tpu.region"() ({
        %run_scoped3A = tpu.sem_alloc : memref<!tpu.dma_semaphore, #tpu.memory_space<semaphore_mem>>
        %dma_start3A = arith.constant 0 : i32
        %dma_start3A_49 = tpu.memref_slice %arg9[%mul3A_48, %dma_start3A] : memref<10000x128xf32, #tpu.memory_space<hbm>> -> memref<640x128xf32, #tpu.memory_space<hbm>>
        %dma_start3A_50 = arith.constant 0 : i32
        %dma_start3A_51 = tpu.memref_slice %arg22[%mul3A_48, %dma_start3A_50] : memref<10240x128xf32, #tpu.memory_space<vmem_shared>> -> memref<640x128xf32, #tpu.memory_space<vmem_shared>>
        tpu.enqueue_dma source(%dma_start3A_51 : memref<640x128xf32, #tpu.memory_space<vmem_shared>>) target(%dma_start3A_49 : memref<640x128xf32, #tpu.memory_space<hbm>>) target_semaphore(%run_scoped3A : memref<!tpu.dma_semaphore, #tpu.memory_space<semaphore_mem>>)
        %dma_wait3A = arith.constant 0 : i32
        %dma_wait3A_52 = tpu.memref_slice %arg9[%mul3A_48, %dma_wait3A] : memref<10000x128xf32, #tpu.memory_space<hbm>> -> memref<640x128xf32, #tpu.memory_space<hbm>>
        %dma_wait3A_53 = arith.constant 0 : i32
        %dma_wait3A_54 = tpu.memref_slice %arg22[%mul3A_48, %dma_wait3A_53] : memref<10240x128xf32, #tpu.memory_space<vmem_shared>> -> memref<640x128xf32, #tpu.memory_space<vmem_shared>>
        tpu.wait_dma2 semaphore(%run_scoped3A : memref<!tpu.dma_semaphore, #tpu.memory_space<semaphore_mem>>) src(%dma_wait3A_54 : memref<640x128xf32, #tpu.memory_space<vmem_shared>>) dst(%dma_wait3A_52 : memref<640x128xf32, #tpu.memory_space<hbm>>)
        tpu.yield
      }) : () -> ()
    } else {
    }
    %eq3A_40 = arith.constant 1 : i32
    %eq3A_41 = arith.cmpi eq, %arg0, %eq3A_40 : i32
    %eq3A_42 = arith.constant 15 : i32
    %eq3A_43 = arith.cmpi eq, %arg1, %eq3A_42 : i32
    %and3A_44 = arith.andi %eq3A_41, %eq3A_43 : i1
    %convert_element_type3A_45 = arith.extui %and3A_44 : i1 to i32
    %cond3A_46 = arith.constant 0 : i32
    %cond3A_47 = arith.cmpi ne, %convert_element_type3A_45, %cond3A_46 : i32
    scf.if %cond3A_47 {
      "tpu.region"() ({
        %run_scoped3A = tpu.sem_alloc : memref<!tpu.dma_semaphore, #tpu.memory_space<semaphore_mem>>
        %dma_start3A = arith.constant 9600 : i32
        %dma_start3A_48 = arith.constant 0 : i32
        %dma_start3A_49 = tpu.memref_slice %arg9[%dma_start3A, %dma_start3A_48] : memref<10000x128xf32, #tpu.memory_space<hbm>> -> memref<400x128xf32, #tpu.memory_space<hbm>>
        %dma_start3A_50 = arith.constant 9600 : i32
        %dma_start3A_51 = arith.constant 0 : i32
        %dma_start3A_52 = tpu.memref_slice %arg22[%dma_start3A_50, %dma_start3A_51] : memref<10240x128xf32, #tpu.memory_space<vmem_shared>> -> memref<400x128xf32, #tpu.memory_space<vmem_shared>>
        tpu.enqueue_dma source(%dma_start3A_52 : memref<400x128xf32, #tpu.memory_space<vmem_shared>>) target(%dma_start3A_49 : memref<400x128xf32, #tpu.memory_space<hbm>>) target_semaphore(%run_scoped3A : memref<!tpu.dma_semaphore, #tpu.memory_space<semaphore_mem>>)
        %dma_wait3A = arith.constant 9600 : i32
        %dma_wait3A_53 = arith.constant 0 : i32
        %dma_wait3A_54 = tpu.memref_slice %arg9[%dma_wait3A, %dma_wait3A_53] : memref<10000x128xf32, #tpu.memory_space<hbm>> -> memref<400x128xf32, #tpu.memory_space<hbm>>
        %dma_wait3A_55 = arith.constant 9600 : i32
        %dma_wait3A_56 = arith.constant 0 : i32
        %dma_wait3A_57 = tpu.memref_slice %arg22[%dma_wait3A_55, %dma_wait3A_56] : memref<10240x128xf32, #tpu.memory_space<vmem_shared>> -> memref<400x128xf32, #tpu.memory_space<vmem_shared>>
        tpu.wait_dma2 semaphore(%run_scoped3A : memref<!tpu.dma_semaphore, #tpu.memory_space<semaphore_mem>>) src(%dma_wait3A_57 : memref<400x128xf32, #tpu.memory_space<vmem_shared>>) dst(%dma_wait3A_54 : memref<400x128xf32, #tpu.memory_space<hbm>>)
        tpu.yield
      }) : () -> ()
    } else {
    }
    return
  }
}

#map = affine_map<(d0, d1) -> (0, 0)>
#map1 = affine_map<(d0, d1) -> (0, 0, 0)>
#map2 = affine_map<(d0, d1) -> (0)>
module attributes {stable_mosaic.version = 14 : i64} {
  func.func @sc_segment_mean_cnt(%arg0: i32, %arg1: i32, %arg2: memref<10000x128xf32, #tpu.memory_space<hbm>>, %arg3: memref<10000x128xf32, #tpu.memory_space<hbm>>, %arg4: memref<16x128x80xi32, #tpu.memory_space<hbm>>, %arg5: memref<16x128x80xi32, #tpu.memory_space<hbm>>, %arg6: memref<640x128xf32, #tpu.memory_space<hbm>>, %arg7: memref<10240xf32, #tpu.memory_space<hbm>>, %arg8: memref<10000x128xf32, #tpu.memory_space<hbm>>, %arg9: memref<10000x128xf32, #tpu.memory_space<hbm>>, %arg10: memref<10240xf32, #tpu.memory_space<hbm>>, %arg11: memref<80xi32, #tpu.memory_space<vmem>>, %arg12: memref<80xi32, #tpu.memory_space<vmem>>, %arg13: memref<80xi32, #tpu.memory_space<vmem>>, %arg14: memref<80xi32, #tpu.memory_space<vmem>>, %arg15: memref<80xi32, #tpu.memory_space<vmem>>, %arg16: memref<80xi32, #tpu.memory_space<vmem>>, %arg17: memref<80xi32, #tpu.memory_space<vmem>>, %arg18: memref<80xi32, #tpu.memory_space<vmem>>, %arg19: memref<80x128xf32, #tpu.memory_space<vmem>>, %arg20: memref<80x128xf32, #tpu.memory_space<vmem>>, %arg21: memref<80x128xf32, #tpu.memory_space<vmem>>, %arg22: memref<80x128xf32, #tpu.memory_space<vmem>>, %arg23: memref<80xf32, #tpu.memory_space<vmem>>, %arg24: memref<10240x128xf32, #tpu.memory_space<vmem_shared>>, %arg25: memref<10240xf32, #tpu.memory_space<vmem_shared>>, %arg26: memref<!tpu.dma_semaphore, #tpu.memory_space<semaphore_mem>>, %arg27: memref<!tpu.dma_semaphore, #tpu.memory_space<semaphore_mem>>, %arg28: memref<!tpu.dma_semaphore, #tpu.memory_space<semaphore_mem>>, %arg29: memref<!tpu.dma_semaphore, #tpu.memory_space<semaphore_mem>>, %arg30: memref<!tpu.dma_semaphore, #tpu.memory_space<semaphore_mem>>, %arg31: memref<!tpu.dma_semaphore, #tpu.memory_space<semaphore_mem>>, %arg32: memref<!tpu.dma_semaphore, #tpu.memory_space<semaphore_mem>>, %arg33: memref<!tpu.dma_semaphore, #tpu.memory_space<semaphore_mem>>) attributes {dimension_semantics = [#tpu.dimension_semantics<core_parallel>, #tpu.dimension_semantics<subcore_parallel>], iteration_bounds = array<i64: 2, 16>, scalar_prefetch = 0 : i64, scratch_operands = 23 : i64, tpu.core_type = #tpu.core_type<sc_vector_subcore>, window_params = [{transform_indices = #map}, {transform_indices = #map}, {transform_indices = #map1}, {transform_indices = #map1}, {transform_indices = #map}, {transform_indices = #map2}, {transform_indices = #map}, {transform_indices = #map}, {transform_indices = #map2}]} {
    %lt3A = arith.constant 15 : i32
    %lt3A_0 = arith.cmpi slt, %arg1, %lt3A : i32
    %convert_element_type3A = arith.extui %lt3A_0 : i1 to i32
    %cond3A = arith.constant 0 : i32
    %cond3A_1 = arith.cmpi ne, %convert_element_type3A, %cond3A : i32
    scf.if %cond3A_1 {
      %mul3A = arith.constant 640 : i32
      %mul3A_89 = arith.muli %arg1, %mul3A : i32
      "tpu.region"() ({
        %run_scoped3A = tpu.sem_alloc : memref<!tpu.dma_semaphore, #tpu.memory_space<semaphore_mem>>
        %dma_start3A = arith.constant 0 : i32
        %dma_start3A_90 = tpu.memref_slice %arg24[%mul3A_89, %dma_start3A] : memref<10240x128xf32, #tpu.memory_space<vmem_shared>> -> memref<640x128xf32, #tpu.memory_space<vmem_shared>>
        tpu.enqueue_dma source(%arg6 : memref<640x128xf32, #tpu.memory_space<hbm>>) target(%dma_start3A_90 : memref<640x128xf32, #tpu.memory_space<vmem_shared>>) target_semaphore(%run_scoped3A : memref<!tpu.dma_semaphore, #tpu.memory_space<semaphore_mem>>)
        %dma_wait3A = arith.constant 0 : i32
        %dma_wait3A_91 = tpu.memref_slice %arg24[%mul3A_89, %dma_wait3A] : memref<10240x128xf32, #tpu.memory_space<vmem_shared>> -> memref<640x128xf32, #tpu.memory_space<vmem_shared>>
        tpu.wait_dma2 semaphore(%run_scoped3A : memref<!tpu.dma_semaphore, #tpu.memory_space<semaphore_mem>>) src(%arg6 : memref<640x128xf32, #tpu.memory_space<hbm>>) dst(%dma_wait3A_91 : memref<640x128xf32, #tpu.memory_space<vmem_shared>>)
        tpu.yield
      }) : () -> ()
    } else {
    }
    %eq3A = arith.constant 15 : i32
    %eq3A_2 = arith.cmpi eq, %arg1, %eq3A : i32
    %convert_element_type3A_3 = arith.extui %eq3A_2 : i1 to i32
    %cond3A_4 = arith.constant 0 : i32
    %cond3A_5 = arith.cmpi ne, %convert_element_type3A_3, %cond3A_4 : i32
    scf.if %cond3A_5 {
      "tpu.region"() ({
        %run_scoped3A = tpu.sem_alloc : memref<!tpu.dma_semaphore, #tpu.memory_space<semaphore_mem>>
        %dma_start3A = arith.constant 9600 : i32
        %dma_start3A_89 = arith.constant 0 : i32
        %dma_start3A_90 = tpu.memref_slice %arg24[%dma_start3A, %dma_start3A_89] : memref<10240x128xf32, #tpu.memory_space<vmem_shared>> -> memref<640x128xf32, #tpu.memory_space<vmem_shared>>
        %dma_start3A_91 = arith.constant 0 : i32
        %dma_start3A_92 = arith.constant 0 : i32
        %dma_start3A_93 = tpu.memref_slice %arg6[%dma_start3A_91, %dma_start3A_92] : memref<640x128xf32, #tpu.memory_space<hbm>> -> memref<640x128xf32, #tpu.memory_space<hbm>>
        tpu.enqueue_dma source(%dma_start3A_93 : memref<640x128xf32, #tpu.memory_space<hbm>>) target(%dma_start3A_90 : memref<640x128xf32, #tpu.memory_space<vmem_shared>>) target_semaphore(%run_scoped3A : memref<!tpu.dma_semaphore, #tpu.memory_space<semaphore_mem>>)
        %dma_wait3A = arith.constant 9600 : i32
        %dma_wait3A_94 = arith.constant 0 : i32
        %dma_wait3A_95 = tpu.memref_slice %arg24[%dma_wait3A, %dma_wait3A_94] : memref<10240x128xf32, #tpu.memory_space<vmem_shared>> -> memref<640x128xf32, #tpu.memory_space<vmem_shared>>
        %dma_wait3A_96 = arith.constant 0 : i32
        %dma_wait3A_97 = arith.constant 0 : i32
        %dma_wait3A_98 = tpu.memref_slice %arg6[%dma_wait3A_96, %dma_wait3A_97] : memref<640x128xf32, #tpu.memory_space<hbm>> -> memref<640x128xf32, #tpu.memory_space<hbm>>
        tpu.wait_dma2 semaphore(%run_scoped3A : memref<!tpu.dma_semaphore, #tpu.memory_space<semaphore_mem>>) src(%dma_wait3A_98 : memref<640x128xf32, #tpu.memory_space<hbm>>) dst(%dma_wait3A_95 : memref<640x128xf32, #tpu.memory_space<vmem_shared>>)
        tpu.yield
      }) : () -> ()
    } else {
    }
    %eq3A_6 = arith.constant 0 : i32
    %eq3A_7 = arith.cmpi eq, %arg1, %eq3A_6 : i32
    %convert_element_type3A_8 = arith.extui %eq3A_7 : i1 to i32
    %cond3A_9 = arith.constant 0 : i32
    %cond3A_10 = arith.cmpi ne, %convert_element_type3A_8, %cond3A_9 : i32
    scf.if %cond3A_10 {
      "tpu.region"() ({
        %run_scoped3A = tpu.sem_alloc : memref<!tpu.dma_semaphore, #tpu.memory_space<semaphore_mem>>
        tpu.enqueue_dma source(%arg7 : memref<10240xf32, #tpu.memory_space<hbm>>) target(%arg25 : memref<10240xf32, #tpu.memory_space<vmem_shared>>) target_semaphore(%run_scoped3A : memref<!tpu.dma_semaphore, #tpu.memory_space<semaphore_mem>>)
        tpu.wait_dma2 semaphore(%run_scoped3A : memref<!tpu.dma_semaphore, #tpu.memory_space<semaphore_mem>>) src(%arg7 : memref<10240xf32, #tpu.memory_space<hbm>>) dst(%arg25 : memref<10240xf32, #tpu.memory_space<vmem_shared>>)
        tpu.yield
      }) : () -> ()
    } else {
    }
    %broadcast_in_dim3A = arith.constant 1.000000e+00 : f32
    %broadcast_in_dim3A_11 = vector.broadcast %broadcast_in_dim3A : f32 to vector<16xf32>
    %swap3A = arith.constant 0 : index
    %swap3A_12 = tpu.vector_load %arg23[%swap3A] {strides = array<i32>} : memref<80xf32, #tpu.memory_space<vmem>>, vector<16xf32>,
    %swap3A_13 = vector.shape_cast %swap3A_12 : vector<16xf32> to vector<16xf32>
    %swap3A_14 = vector.shape_cast %broadcast_in_dim3A_11 : vector<16xf32> to vector<16xf32>
    tpu.vector_store %arg23[%swap3A], %swap3A_14 {strides = array<i32>} : memref<80xf32, #tpu.memory_space<vmem>>, vector<16xf32>,
    %broadcast_in_dim3A_15 = arith.constant 1.000000e+00 : f32
    %broadcast_in_dim3A_16 = vector.broadcast %broadcast_in_dim3A_15 : f32 to vector<16xf32>
    %swap3A_17 = arith.constant 16 : index
    %swap3A_18 = tpu.vector_load %arg23[%swap3A_17] {strides = array<i32>} : memref<80xf32, #tpu.memory_space<vmem>>, vector<16xf32>,
    %swap3A_19 = vector.shape_cast %swap3A_18 : vector<16xf32> to vector<16xf32>
    %swap3A_20 = vector.shape_cast %broadcast_in_dim3A_16 : vector<16xf32> to vector<16xf32>
    tpu.vector_store %arg23[%swap3A_17], %swap3A_20 {strides = array<i32>} : memref<80xf32, #tpu.memory_space<vmem>>, vector<16xf32>,
    %broadcast_in_dim3A_21 = arith.constant 1.000000e+00 : f32
    %broadcast_in_dim3A_22 = vector.broadcast %broadcast_in_dim3A_21 : f32 to vector<16xf32>
    %swap3A_23 = arith.constant 32 : index
    %swap3A_24 = tpu.vector_load %arg23[%swap3A_23] {strides = array<i32>} : memref<80xf32, #tpu.memory_space<vmem>>, vector<16xf32>,
    %swap3A_25 = vector.shape_cast %swap3A_24 : vector<16xf32> to vector<16xf32>
    %swap3A_26 = vector.shape_cast %broadcast_in_dim3A_22 : vector<16xf32> to vector<16xf32>
    tpu.vector_store %arg23[%swap3A_23], %swap3A_26 {strides = array<i32>} : memref<80xf32, #tpu.memory_space<vmem>>, vector<16xf32>,
    %broadcast_in_dim3A_27 = arith.constant 1.000000e+00 : f32
    %broadcast_in_dim3A_28 = vector.broadcast %broadcast_in_dim3A_27 : f32 to vector<16xf32>
    %swap3A_29 = arith.constant 48 : index
    %swap3A_30 = tpu.vector_load %arg23[%swap3A_29] {strides = array<i32>} : memref<80xf32, #tpu.memory_space<vmem>>, vector<16xf32>,
    %swap3A_31 = vector.shape_cast %swap3A_30 : vector<16xf32> to vector<16xf32>
    %swap3A_32 = vector.shape_cast %broadcast_in_dim3A_28 : vector<16xf32> to vector<16xf32>
    tpu.vector_store %arg23[%swap3A_29], %swap3A_32 {strides = array<i32>} : memref<80xf32, #tpu.memory_space<vmem>>, vector<16xf32>,
    %broadcast_in_dim3A_33 = arith.constant 1.000000e+00 : f32
    %broadcast_in_dim3A_34 = vector.broadcast %broadcast_in_dim3A_33 : f32 to vector<16xf32>
    %swap3A_35 = arith.constant 64 : index
    %swap3A_36 = tpu.vector_load %arg23[%swap3A_35] {strides = array<i32>} : memref<80xf32, #tpu.memory_space<vmem>>, vector<16xf32>,
    %swap3A_37 = vector.shape_cast %swap3A_36 : vector<16xf32> to vector<16xf32>
    %swap3A_38 = vector.shape_cast %broadcast_in_dim3A_34 : vector<16xf32> to vector<16xf32>
    tpu.vector_store %arg23[%swap3A_35], %swap3A_38 {strides = array<i32>} : memref<80xf32, #tpu.memory_space<vmem>>, vector<16xf32>,
    %barrier3A = arith.constant 0 : index
    tpu.barrier barrier_id(%barrier3A)
    %eq3A_39 = arith.constant 0 : i32
    %eq3A_40 = arith.cmpi eq, %arg0, %eq3A_39 : i32
    %convert_element_type3A_41 = arith.extui %eq3A_40 : i1 to i32
    %cond3A_42 = arith.constant 0 : i32
    %cond3A_43 = arith.cmpi ne, %convert_element_type3A_41, %cond3A_42 : i32
    scf.if %cond3A_43 {
      %dma_start3A = arith.constant 0 : i32
      %dma_start3A_89 = arith.constant 0 : i32
      %dma_start3A_90 = tpu.memref_slice %arg4[%arg1, %dma_start3A, %dma_start3A_89] : memref<16x128x80xi32, #tpu.memory_space<hbm>> -> memref<1x1x80xi32, #tpu.memory_space<hbm>>
      %dma_start3A_91 = tpu.memref_squeeze %dma_start3A_90 : memref<1x1x80xi32, #tpu.memory_space<hbm>> -> memref<80xi32, #tpu.memory_space<hbm>>
      %dma_start3A_92 = arith.constant 0 : i32
      %dma_start3A_93 = tpu.memref_slice %arg4[%arg1, %dma_start3A, %dma_start3A_92] : memref<16x128x80xi32, #tpu.memory_space<hbm>> -> memref<1x1x80xi32, #tpu.memory_space<hbm>>
      %dma_start3A_94 = tpu.memref_squeeze %dma_start3A_93 : memref<1x1x80xi32, #tpu.memory_space<hbm>> -> memref<80xi32, #tpu.memory_space<hbm>>
      tpu.enqueue_dma source(%dma_start3A_94 : memref<80xi32, #tpu.memory_space<hbm>>) target(%arg11 : memref<80xi32, #tpu.memory_space<vmem>>) target_semaphore(%arg26 : memref<!tpu.dma_semaphore, #tpu.memory_space<semaphore_mem>>)
      %dma_start3A_95 = arith.constant 0 : i32
      %dma_start3A_96 = arith.constant 0 : i32
      %dma_start3A_97 = tpu.memref_slice %arg5[%arg1, %dma_start3A_95, %dma_start3A_96] : memref<16x128x80xi32, #tpu.memory_space<hbm>> -> memref<1x1x80xi32, #tpu.memory_space<hbm>>
      %dma_start3A_98 = tpu.memref_squeeze %dma_start3A_97 : memref<1x1x80xi32, #tpu.memory_space<hbm>> -> memref<80xi32, #tpu.memory_space<hbm>>
      %dma_start3A_99 = arith.constant 0 : i32
      %dma_start3A_100 = tpu.memref_slice %arg5[%arg1, %dma_start3A_95, %dma_start3A_99] : memref<16x128x80xi32, #tpu.memory_space<hbm>> -> memref<1x1x80xi32, #tpu.memory_space<hbm>>
      %dma_start3A_101 = tpu.memref_squeeze %dma_start3A_100 : memref<1x1x80xi32, #tpu.memory_space<hbm>> -> memref<80xi32, #tpu.memory_space<hbm>>
      tpu.enqueue_dma source(%dma_start3A_101 : memref<80xi32, #tpu.memory_space<hbm>>) target(%arg15 : memref<80xi32, #tpu.memory_space<vmem>>) target_semaphore(%arg26 : memref<!tpu.dma_semaphore, #tpu.memory_space<semaphore_mem>>)
      %dma_start3A_102 = arith.constant 1 : i32
      %dma_start3A_103 = arith.constant 0 : i32
      %dma_start3A_104 = tpu.memref_slice %arg4[%arg1, %dma_start3A_102, %dma_start3A_103] : memref<16x128x80xi32, #tpu.memory_space<hbm>> -> memref<1x1x80xi32, #tpu.memory_space<hbm>>
      %dma_start3A_105 = tpu.memref_squeeze %dma_start3A_104 : memref<1x1x80xi32, #tpu.memory_space<hbm>> -> memref<80xi32, #tpu.memory_space<hbm>>
      %dma_start3A_106 = arith.constant 0 : i32
      %dma_start3A_107 = tpu.memref_slice %arg4[%arg1, %dma_start3A_102, %dma_start3A_106] : memref<16x128x80xi32, #tpu.memory_space<hbm>> -> memref<1x1x80xi32, #tpu.memory_space<hbm>>
      %dma_start3A_108 = tpu.memref_squeeze %dma_start3A_107 : memref<1x1x80xi32, #tpu.memory_space<hbm>> -> memref<80xi32, #tpu.memory_space<hbm>>
      tpu.enqueue_dma source(%dma_start3A_108 : memref<80xi32, #tpu.memory_space<hbm>>) target(%arg12 : memref<80xi32, #tpu.memory_space<vmem>>) target_semaphore(%arg27 : memref<!tpu.dma_semaphore, #tpu.memory_space<semaphore_mem>>)
      %dma_start3A_109 = arith.constant 1 : i32
      %dma_start3A_110 = arith.constant 0 : i32
      %dma_start3A_111 = tpu.memref_slice %arg5[%arg1, %dma_start3A_109, %dma_start3A_110] : memref<16x128x80xi32, #tpu.memory_space<hbm>> -> memref<1x1x80xi32, #tpu.memory_space<hbm>>
      %dma_start3A_112 = tpu.memref_squeeze %dma_start3A_111 : memref<1x1x80xi32, #tpu.memory_space<hbm>> -> memref<80xi32, #tpu.memory_space<hbm>>
      %dma_start3A_113 = arith.constant 0 : i32
      %dma_start3A_114 = tpu.memref_slice %arg5[%arg1, %dma_start3A_109, %dma_start3A_113] : memref<16x128x80xi32, #tpu.memory_space<hbm>> -> memref<1x1x80xi32, #tpu.memory_space<hbm>>
      %dma_start3A_115 = tpu.memref_squeeze %dma_start3A_114 : memref<1x1x80xi32, #tpu.memory_space<hbm>> -> memref<80xi32, #tpu.memory_space<hbm>>
      tpu.enqueue_dma source(%dma_start3A_115 : memref<80xi32, #tpu.memory_space<hbm>>) target(%arg16 : memref<80xi32, #tpu.memory_space<vmem>>) target_semaphore(%arg27 : memref<!tpu.dma_semaphore, #tpu.memory_space<semaphore_mem>>)
      %dma_start3A_116 = arith.constant 2 : i32
      %dma_start3A_117 = arith.constant 0 : i32
      %dma_start3A_118 = tpu.memref_slice %arg4[%arg1, %dma_start3A_116, %dma_start3A_117] : memref<16x128x80xi32, #tpu.memory_space<hbm>> -> memref<1x1x80xi32, #tpu.memory_space<hbm>>
      %dma_start3A_119 = tpu.memref_squeeze %dma_start3A_118 : memref<1x1x80xi32, #tpu.memory_space<hbm>> -> memref<80xi32, #tpu.memory_space<hbm>>
      %dma_start3A_120 = arith.constant 0 : i32
      %dma_start3A_121 = tpu.memref_slice %arg4[%arg1, %dma_start3A_116, %dma_start3A_120] : memref<16x128x80xi32, #tpu.memory_space<hbm>> -> memref<1x1x80xi32, #tpu.memory_space<hbm>>
      %dma_start3A_122 = tpu.memref_squeeze %dma_start3A_121 : memref<1x1x80xi32, #tpu.memory_space<hbm>> -> memref<80xi32, #tpu.memory_space<hbm>>
      tpu.enqueue_dma source(%dma_start3A_122 : memref<80xi32, #tpu.memory_space<hbm>>) target(%arg13 : memref<80xi32, #tpu.memory_space<vmem>>) target_semaphore(%arg28 : memref<!tpu.dma_semaphore, #tpu.memory_space<semaphore_mem>>)
      %dma_start3A_123 = arith.constant 2 : i32
      %dma_start3A_124 = arith.constant 0 : i32
      %dma_start3A_125 = tpu.memref_slice %arg5[%arg1, %dma_start3A_123, %dma_start3A_124] : memref<16x128x80xi32, #tpu.memory_space<hbm>> -> memref<1x1x80xi32, #tpu.memory_space<hbm>>
      %dma_start3A_126 = tpu.memref_squeeze %dma_start3A_125 : memref<1x1x80xi32, #tpu.memory_space<hbm>> -> memref<80xi32, #tpu.memory_space<hbm>>
      %dma_start3A_127 = arith.constant 0 : i32
      %dma_start3A_128 = tpu.memref_slice %arg5[%arg1, %dma_start3A_123, %dma_start3A_127] : memref<16x128x80xi32, #tpu.memory_space<hbm>> -> memref<1x1x80xi32, #tpu.memory_space<hbm>>
      %dma_start3A_129 = tpu.memref_squeeze %dma_start3A_128 : memref<1x1x80xi32, #tpu.memory_space<hbm>> -> memref<80xi32, #tpu.memory_space<hbm>>
      tpu.enqueue_dma source(%dma_start3A_129 : memref<80xi32, #tpu.memory_space<hbm>>) target(%arg17 : memref<80xi32, #tpu.memory_space<vmem>>) target_semaphore(%arg28 : memref<!tpu.dma_semaphore, #tpu.memory_space<semaphore_mem>>)
      %dma_wait3A = arith.constant 0 : i32
      %dma_wait3A_130 = arith.constant 0 : i32
      %dma_wait3A_131 = tpu.memref_slice %arg4[%arg1, %dma_wait3A, %dma_wait3A_130] : memref<16x128x80xi32, #tpu.memory_space<hbm>> -> memref<1x1x80xi32, #tpu.memory_space<hbm>>
      %dma_wait3A_132 = tpu.memref_squeeze %dma_wait3A_131 : memref<1x1x80xi32, #tpu.memory_space<hbm>> -> memref<80xi32, #tpu.memory_space<hbm>>
      %dma_wait3A_133 = arith.constant 0 : i32
      %dma_wait3A_134 = tpu.memref_slice %arg4[%arg1, %dma_wait3A, %dma_wait3A_133] : memref<16x128x80xi32, #tpu.memory_space<hbm>> -> memref<1x1x80xi32, #tpu.memory_space<hbm>>
      %dma_wait3A_135 = tpu.memref_squeeze %dma_wait3A_134 : memref<1x1x80xi32, #tpu.memory_space<hbm>> -> memref<80xi32, #tpu.memory_space<hbm>>
      tpu.wait_dma2 semaphore(%arg26 : memref<!tpu.dma_semaphore, #tpu.memory_space<semaphore_mem>>) src(%dma_wait3A_135 : memref<80xi32, #tpu.memory_space<hbm>>) dst(%arg11 : memref<80xi32, #tpu.memory_space<vmem>>)
      %dma_wait3A_136 = arith.constant 0 : i32
      %dma_wait3A_137 = arith.constant 0 : i32
      %dma_wait3A_138 = tpu.memref_slice %arg5[%arg1, %dma_wait3A_136, %dma_wait3A_137] : memref<16x128x80xi32, #tpu.memory_space<hbm>> -> memref<1x1x80xi32, #tpu.memory_space<hbm>>
      %dma_wait3A_139 = tpu.memref_squeeze %dma_wait3A_138 : memref<1x1x80xi32, #tpu.memory_space<hbm>> -> memref<80xi32, #tpu.memory_space<hbm>>
      %dma_wait3A_140 = arith.constant 0 : i32
      %dma_wait3A_141 = tpu.memref_slice %arg5[%arg1, %dma_wait3A_136, %dma_wait3A_140] : memref<16x128x80xi32, #tpu.memory_space<hbm>> -> memref<1x1x80xi32, #tpu.memory_space<hbm>>
      %dma_wait3A_142 = tpu.memref_squeeze %dma_wait3A_141 : memref<1x1x80xi32, #tpu.memory_space<hbm>> -> memref<80xi32, #tpu.memory_space<hbm>>
      tpu.wait_dma2 semaphore(%arg26 : memref<!tpu.dma_semaphore, #tpu.memory_space<semaphore_mem>>) src(%dma_wait3A_142 : memref<80xi32, #tpu.memory_space<hbm>>) dst(%arg15 : memref<80xi32, #tpu.memory_space<vmem>>)
      %dma_start3A_143 = arith.constant 0 : i32
      %dma_start3A_144 = arith.constant 0 : i32
      %dma_start3A_145 = tpu.memref_slice %arg2[%dma_start3A_143, %dma_start3A_144] : memref<10000x128xf32, #tpu.memory_space<hbm>> -> memref<10000x128xf32, #tpu.memory_space<hbm>>
      tpu.enqueue_indirect_dma source(%dma_start3A_145 : memref<10000x128xf32, #tpu.memory_space<hbm>>) target(%arg19 : memref<80x128xf32, #tpu.memory_space<vmem>>) offsets(%arg11 : memref<80xi32, #tpu.memory_space<vmem>>) semaphore(%arg30 : memref<!tpu.dma_semaphore, #tpu.memory_space<semaphore_mem>>)
      %dma_wait3A_146 = arith.constant 0 : i32
      %dma_wait3A_147 = arith.constant 0 : i32
      %dma_wait3A_148 = tpu.memref_slice %arg4[%arg1, %dma_wait3A_146, %dma_wait3A_147] : memref<16x128x80xi32, #tpu.memory_space<hbm>> -> memref<1x1x80xi32, #tpu.memory_space<hbm>>
      %dma_wait3A_149 = tpu.memref_squeeze %dma_wait3A_148 : memref<1x1x80xi32, #tpu.memory_space<hbm>> -> memref<80xi32, #tpu.memory_space<hbm>>
      %dma_wait3A_150 = arith.constant 0 : i32
      %dma_wait3A_151 = tpu.memref_slice %arg4[%arg1, %dma_wait3A_146, %dma_wait3A_150] : memref<16x128x80xi32, #tpu.memory_space<hbm>> -> memref<1x1x80xi32, #tpu.memory_space<hbm>>
      %dma_wait3A_152 = tpu.memref_squeeze %dma_wait3A_151 : memref<1x1x80xi32, #tpu.memory_space<hbm>> -> memref<80xi32, #tpu.memory_space<hbm>>
      tpu.wait_dma2 semaphore(%arg27 : memref<!tpu.dma_semaphore, #tpu.memory_space<semaphore_mem>>) src(%dma_wait3A_152 : memref<80xi32, #tpu.memory_space<hbm>>) dst(%arg12 : memref<80xi32, #tpu.memory_space<vmem>>)
      %dma_wait3A_153 = arith.constant 0 : i32
      %dma_wait3A_154 = arith.constant 0 : i32
      %dma_wait3A_155 = tpu.memref_slice %arg5[%arg1, %dma_wait3A_153, %dma_wait3A_154] : memref<16x128x80xi32, #tpu.memory_space<hbm>> -> memref<1x1x80xi32, #tpu.memory_space<hbm>>
      %dma_wait3A_156 = tpu.memref_squeeze %dma_wait3A_155 : memref<1x1x80xi32, #tpu.memory_space<hbm>> -> memref<80xi32, #tpu.memory_space<hbm>>
      %dma_wait3A_157 = arith.constant 0 : i32
      %dma_wait3A_158 = tpu.memref_slice %arg5[%arg1, %dma_wait3A_153, %dma_wait3A_157] : memref<16x128x80xi32, #tpu.memory_space<hbm>> -> memref<1x1x80xi32, #tpu.memory_space<hbm>>
      %dma_wait3A_159 = tpu.memref_squeeze %dma_wait3A_158 : memref<1x1x80xi32, #tpu.memory_space<hbm>> -> memref<80xi32, #tpu.memory_space<hbm>>
      tpu.wait_dma2 semaphore(%arg27 : memref<!tpu.dma_semaphore, #tpu.memory_space<semaphore_mem>>) src(%dma_wait3A_159 : memref<80xi32, #tpu.memory_space<hbm>>) dst(%arg16 : memref<80xi32, #tpu.memory_space<vmem>>)
      %dma_start3A_160 = arith.constant 0 : i32
      %dma_start3A_161 = arith.constant 0 : i32
      %dma_start3A_162 = tpu.memref_slice %arg2[%dma_start3A_160, %dma_start3A_161] : memref<10000x128xf32, #tpu.memory_space<hbm>> -> memref<10000x128xf32, #tpu.memory_space<hbm>>
      tpu.enqueue_indirect_dma source(%dma_start3A_162 : memref<10000x128xf32, #tpu.memory_space<hbm>>) target(%arg20 : memref<80x128xf32, #tpu.memory_space<vmem>>) offsets(%arg12 : memref<80xi32, #tpu.memory_space<vmem>>) semaphore(%arg31 : memref<!tpu.dma_semaphore, #tpu.memory_space<semaphore_mem>>)
      %dma_wait3A_163 = arith.constant 0 : i32
      %dma_wait3A_164 = arith.constant 0 : i32
      %dma_wait3A_165 = tpu.memref_slice %arg4[%arg1, %dma_wait3A_163, %dma_wait3A_164] : memref<16x128x80xi32, #tpu.memory_space<hbm>> -> memref<1x1x80xi32, #tpu.memory_space<hbm>>
      %dma_wait3A_166 = tpu.memref_squeeze %dma_wait3A_165 : memref<1x1x80xi32, #tpu.memory_space<hbm>> -> memref<80xi32, #tpu.memory_space<hbm>>
      %dma_wait3A_167 = arith.constant 0 : i32
      %dma_wait3A_168 = tpu.memref_slice %arg4[%arg1, %dma_wait3A_163, %dma_wait3A_167] : memref<16x128x80xi32, #tpu.memory_space<hbm>> -> memref<1x1x80xi32, #tpu.memory_space<hbm>>
      %dma_wait3A_169 = tpu.memref_squeeze %dma_wait3A_168 : memref<1x1x80xi32, #tpu.memory_space<hbm>> -> memref<80xi32, #tpu.memory_space<hbm>>
      tpu.wait_dma2 semaphore(%arg28 : memref<!tpu.dma_semaphore, #tpu.memory_space<semaphore_mem>>) src(%dma_wait3A_169 : memref<80xi32, #tpu.memory_space<hbm>>) dst(%arg13 : memref<80xi32, #tpu.memory_space<vmem>>)
      %dma_wait3A_170 = arith.constant 0 : i32
      %dma_wait3A_171 = arith.constant 0 : i32
      %dma_wait3A_172 = tpu.memref_slice %arg5[%arg1, %dma_wait3A_170, %dma_wait3A_171] : memref<16x128x80xi32, #tpu.memory_space<hbm>> -> memref<1x1x80xi32, #tpu.memory_space<hbm>>
      %dma_wait3A_173 = tpu.memref_squeeze %dma_wait3A_172 : memref<1x1x80xi32, #tpu.memory_space<hbm>> -> memref<80xi32, #tpu.memory_space<hbm>>
      %dma_wait3A_174 = arith.constant 0 : i32
      %dma_wait3A_175 = tpu.memref_slice %arg5[%arg1, %dma_wait3A_170, %dma_wait3A_174] : memref<16x128x80xi32, #tpu.memory_space<hbm>> -> memref<1x1x80xi32, #tpu.memory_space<hbm>>
      %dma_wait3A_176 = tpu.memref_squeeze %dma_wait3A_175 : memref<1x1x80xi32, #tpu.memory_space<hbm>> -> memref<80xi32, #tpu.memory_space<hbm>>
      tpu.wait_dma2 semaphore(%arg28 : memref<!tpu.dma_semaphore, #tpu.memory_space<semaphore_mem>>) src(%dma_wait3A_176 : memref<80xi32, #tpu.memory_space<hbm>>) dst(%arg17 : memref<80xi32, #tpu.memory_space<vmem>>)
      %dma_start3A_177 = arith.constant 0 : i32
      %dma_start3A_178 = arith.constant 0 : i32
      %dma_start3A_179 = tpu.memref_slice %arg2[%dma_start3A_177, %dma_start3A_178] : memref<10000x128xf32, #tpu.memory_space<hbm>> -> memref<10000x128xf32, #tpu.memory_space<hbm>>
      tpu.enqueue_indirect_dma source(%dma_start3A_179 : memref<10000x128xf32, #tpu.memory_space<hbm>>) target(%arg21 : memref<80x128xf32, #tpu.memory_space<vmem>>) offsets(%arg13 : memref<80xi32, #tpu.memory_space<vmem>>) semaphore(%arg32 : memref<!tpu.dma_semaphore, #tpu.memory_space<semaphore_mem>>)
      %dma_start3A_180 = arith.constant 3 : i32
      %dma_start3A_181 = arith.constant 0 : i32
      %dma_start3A_182 = tpu.memref_slice %arg4[%arg1, %dma_start3A_180, %dma_start3A_181] : memref<16x128x80xi32, #tpu.memory_space<hbm>> -> memref<1x1x80xi32, #tpu.memory_space<hbm>>
      %dma_start3A_183 = tpu.memref_squeeze %dma_start3A_182 : memref<1x1x80xi32, #tpu.memory_space<hbm>> -> memref<80xi32, #tpu.memory_space<hbm>>
      %dma_start3A_184 = arith.constant 0 : i32
      %dma_start3A_185 = tpu.memref_slice %arg4[%arg1, %dma_start3A_180, %dma_start3A_184] : memref<16x128x80xi32, #tpu.memory_space<hbm>> -> memref<1x1x80xi32, #tpu.memory_space<hbm>>
      %dma_start3A_186 = tpu.memref_squeeze %dma_start3A_185 : memref<1x1x80xi32, #tpu.memory_space<hbm>> -> memref<80xi32, #tpu.memory_space<hbm>>
      tpu.enqueue_dma source(%dma_start3A_186 : memref<80xi32, #tpu.memory_space<hbm>>) target(%arg14 : memref<80xi32, #tpu.memory_space<vmem>>) target_semaphore(%arg29 : memref<!tpu.dma_semaphore, #tpu.memory_space<semaphore_mem>>)
      %dma_start3A_187 = arith.constant 3 : i32
      %dma_start3A_188 = arith.constant 0 : i32
      %dma_start3A_189 = tpu.memref_slice %arg5[%arg1, %dma_start3A_187, %dma_start3A_188] : memref<16x128x80xi32, #tpu.memory_space<hbm>> -> memref<1x1x80xi32, #tpu.memory_space<hbm>>
      %dma_start3A_190 = tpu.memref_squeeze %dma_start3A_189 : memref<1x1x80xi32, #tpu.memory_space<hbm>> -> memref<80xi32, #tpu.memory_space<hbm>>
      %dma_start3A_191 = arith.constant 0 : i32
      %dma_start3A_192 = tpu.memref_slice %arg5[%arg1, %dma_start3A_187, %dma_start3A_191] : memref<16x128x80xi32, #tpu.memory_space<hbm>> -> memref<1x1x80xi32, #tpu.memory_space<hbm>>
      %dma_start3A_193 = tpu.memref_squeeze %dma_start3A_192 : memref<1x1x80xi32, #tpu.memory_space<hbm>> -> memref<80xi32, #tpu.memory_space<hbm>>
      tpu.enqueue_dma source(%dma_start3A_193 : memref<80xi32, #tpu.memory_space<hbm>>) target(%arg18 : memref<80xi32, #tpu.memory_space<vmem>>) target_semaphore(%arg29 : memref<!tpu.dma_semaphore, #tpu.memory_space<semaphore_mem>>)
      %scan3A = arith.constant 0 : i32
      %scan3A_194 = arith.constant 0 : i32
      %scan3A_195 = arith.constant 32 : i32
      %scan3A_196 = arith.addi %scan3A_194, %scan3A_195 : i32
      %scan3A_197 = arith.constant 1 : i32
      scf.for %scan3A_199 = %scan3A_194 to %scan3A_196 step %scan3A_197  : i32 {
        %mul3A = arith.constant 4 : i32
        %mul3A_200 = arith.muli %mul3A, %scan3A_199 : i32
        %add3A = arith.constant 0 : i32
        %add3A_201 = arith.addi %mul3A_200, %add3A : i32
        %add3A_202 = arith.constant 4 : i32
        %add3A_203 = arith.addi %add3A_201, %add3A_202 : i32
        %sub3A = arith.constant 1 : i32
        %sub3A_204 = arith.subi %add3A_203, %sub3A : i32
        %lt3A_205 = arith.constant 128 : i32
        %lt3A_206 = arith.cmpi slt, %sub3A_204, %lt3A_205 : i32
        %convert_element_type3A_207 = arith.extui %lt3A_206 : i1 to i32
        %cond3A_208 = arith.constant 0 : i32
        %cond3A_209 = arith.cmpi ne, %convert_element_type3A_207, %cond3A_208 : i32
        scf.if %cond3A_209 {
          %dma_wait3A_283 = arith.constant 0 : i32
          %dma_wait3A_284 = arith.constant 0 : i32
          %dma_wait3A_285 = tpu.memref_slice %arg4[%arg1, %dma_wait3A_283, %dma_wait3A_284] : memref<16x128x80xi32, #tpu.memory_space<hbm>> -> memref<1x1x80xi32, #tpu.memory_space<hbm>>
          %dma_wait3A_286 = tpu.memref_squeeze %dma_wait3A_285 : memref<1x1x80xi32, #tpu.memory_space<hbm>> -> memref<80xi32, #tpu.memory_space<hbm>>
          %dma_wait3A_287 = arith.constant 0 : i32
          %dma_wait3A_288 = tpu.memref_slice %arg4[%arg1, %dma_wait3A_283, %dma_wait3A_287] : memref<16x128x80xi32, #tpu.memory_space<hbm>> -> memref<1x1x80xi32, #tpu.memory_space<hbm>>
          %dma_wait3A_289 = tpu.memref_squeeze %dma_wait3A_288 : memref<1x1x80xi32, #tpu.memory_space<hbm>> -> memref<80xi32, #tpu.memory_space<hbm>>
          tpu.wait_dma2 semaphore(%arg29 : memref<!tpu.dma_semaphore, #tpu.memory_space<semaphore_mem>>) src(%dma_wait3A_289 : memref<80xi32, #tpu.memory_space<hbm>>) dst(%arg14 : memref<80xi32, #tpu.memory_space<vmem>>)
          %dma_wait3A_290 = arith.constant 0 : i32
          %dma_wait3A_291 = arith.constant 0 : i32
          %dma_wait3A_292 = tpu.memref_slice %arg5[%arg1, %dma_wait3A_290, %dma_wait3A_291] : memref<16x128x80xi32, #tpu.memory_space<hbm>> -> memref<1x1x80xi32, #tpu.memory_space<hbm>>
          %dma_wait3A_293 = tpu.memref_squeeze %dma_wait3A_292 : memref<1x1x80xi32, #tpu.memory_space<hbm>> -> memref<80xi32, #tpu.memory_space<hbm>>
          %dma_wait3A_294 = arith.constant 0 : i32
          %dma_wait3A_295 = tpu.memref_slice %arg5[%arg1, %dma_wait3A_290, %dma_wait3A_294] : memref<16x128x80xi32, #tpu.memory_space<hbm>> -> memref<1x1x80xi32, #tpu.memory_space<hbm>>
          %dma_wait3A_296 = tpu.memref_squeeze %dma_wait3A_295 : memref<1x1x80xi32, #tpu.memory_space<hbm>> -> memref<80xi32, #tpu.memory_space<hbm>>
          tpu.wait_dma2 semaphore(%arg29 : memref<!tpu.dma_semaphore, #tpu.memory_space<semaphore_mem>>) src(%dma_wait3A_296 : memref<80xi32, #tpu.memory_space<hbm>>) dst(%arg18 : memref<80xi32, #tpu.memory_space<vmem>>)
          %dma_start3A_297 = arith.constant 0 : i32
          %dma_start3A_298 = arith.constant 0 : i32
          %dma_start3A_299 = tpu.memref_slice %arg2[%dma_start3A_297, %dma_start3A_298] : memref<10000x128xf32, #tpu.memory_space<hbm>> -> memref<10000x128xf32, #tpu.memory_space<hbm>>
          tpu.enqueue_indirect_dma source(%dma_start3A_299 : memref<10000x128xf32, #tpu.memory_space<hbm>>) target(%arg22 : memref<80x128xf32, #tpu.memory_space<vmem>>) offsets(%arg14 : memref<80xi32, #tpu.memory_space<vmem>>) semaphore(%arg33 : memref<!tpu.dma_semaphore, #tpu.memory_space<semaphore_mem>>)
        } else {
        }
        %dma_wait3A_210 = arith.constant 0 : i32
        %dma_wait3A_211 = arith.constant 0 : i32
        %dma_wait3A_212 = tpu.memref_slice %arg2[%dma_wait3A_210, %dma_wait3A_211] : memref<10000x128xf32, #tpu.memory_space<hbm>> -> memref<10000x128xf32, #tpu.memory_space<hbm>>
        tpu.wait_indirect_dma semaphore(%arg30 : memref<!tpu.dma_semaphore, #tpu.memory_space<semaphore_mem>>) src(%dma_wait3A_212 : memref<10000x128xf32, #tpu.memory_space<hbm>>) dst(%arg19 : memref<80x128xf32, #tpu.memory_space<vmem>>)
        "tpu.region"() ({
          %run_scoped3A = tpu.sem_alloc : memref<!tpu.dma_semaphore, #tpu.memory_space<semaphore_mem>>
          %dma_start3A_283 = arith.constant 0 : i32
          %dma_start3A_284 = arith.constant 0 : i32
          %dma_start3A_285 = tpu.memref_slice %arg24[%dma_start3A_283, %dma_start3A_284] : memref<10240x128xf32, #tpu.memory_space<vmem_shared>> -> memref<10240x128xf32, #tpu.memory_space<vmem_shared>>
          tpu.enqueue_indirect_dma source(%arg19 : memref<80x128xf32, #tpu.memory_space<vmem>>) target(%dma_start3A_285 : memref<10240x128xf32, #tpu.memory_space<vmem_shared>>) offsets(%arg15 : memref<80xi32, #tpu.memory_space<vmem>>) semaphore(%run_scoped3A : memref<!tpu.dma_semaphore, #tpu.memory_space<semaphore_mem>>) {add = true}
          %dma_wait3A_286 = arith.constant 0 : i32
          %dma_wait3A_287 = arith.constant 0 : i32
          %dma_wait3A_288 = tpu.memref_slice %arg24[%dma_wait3A_286, %dma_wait3A_287] : memref<10240x128xf32, #tpu.memory_space<vmem_shared>> -> memref<10240x128xf32, #tpu.memory_space<vmem_shared>>
          tpu.wait_indirect_dma semaphore(%run_scoped3A : memref<!tpu.dma_semaphore, #tpu.memory_space<semaphore_mem>>) src(%arg19 : memref<80x128xf32, #tpu.memory_space<vmem>>) dst(%dma_wait3A_288 : memref<10240x128xf32, #tpu.memory_space<vmem_shared>>)
          tpu.yield
        }) : () -> ()
        "tpu.region"() ({
          %run_scoped3A = tpu.sem_alloc : memref<!tpu.dma_semaphore, #tpu.memory_space<semaphore_mem>>
          %dma_start3A_283 = arith.constant 0 : i32
          %dma_start3A_284 = tpu.memref_slice %arg25[%dma_start3A_283] : memref<10240xf32, #tpu.memory_space<vmem_shared>> -> memref<10240xf32, #tpu.memory_space<vmem_shared>>
          tpu.enqueue_indirect_dma source(%arg23 : memref<80xf32, #tpu.memory_space<vmem>>) target(%dma_start3A_284 : memref<10240xf32, #tpu.memory_space<vmem_shared>>) offsets(%arg15 : memref<80xi32, #tpu.memory_space<vmem>>) semaphore(%run_scoped3A : memref<!tpu.dma_semaphore, #tpu.memory_space<semaphore_mem>>) {add = true}
          %dma_wait3A_285 = arith.constant 0 : i32
          %dma_wait3A_286 = tpu.memref_slice %arg25[%dma_wait3A_285] : memref<10240xf32, #tpu.memory_space<vmem_shared>> -> memref<10240xf32, #tpu.memory_space<vmem_shared>>
          tpu.wait_indirect_dma semaphore(%run_scoped3A : memref<!tpu.dma_semaphore, #tpu.memory_space<semaphore_mem>>) src(%arg23 : memref<80xf32, #tpu.memory_space<vmem>>) dst(%dma_wait3A_286 : memref<10240xf32, #tpu.memory_space<vmem_shared>>)
          tpu.yield
        }) : () -> ()
        %add3A_213 = arith.constant 4 : i32
        %add3A_214 = arith.addi %add3A_201, %add3A_213 : i32
        %lt3A_215 = arith.constant 128 : i32
        %lt3A_216 = arith.cmpi slt, %add3A_214, %lt3A_215 : i32
        %convert_element_type3A_217 = arith.extui %lt3A_216 : i1 to i32
        %cond3A_218 = arith.constant 0 : i32
        %cond3A_219 = arith.cmpi ne, %convert_element_type3A_217, %cond3A_218 : i32
        scf.if %cond3A_219 {
          %add3A_283 = arith.constant 4 : i32
          %add3A_284 = arith.addi %add3A_201, %add3A_283 : i32
          %dma_start3A_285 = arith.constant 0 : i32
          %dma_start3A_286 = tpu.memref_slice %arg4[%arg1, %add3A_284, %dma_start3A_285] : memref<16x128x80xi32, #tpu.memory_space<hbm>> -> memref<1x1x80xi32, #tpu.memory_space<hbm>>
          %dma_start3A_287 = tpu.memref_squeeze %dma_start3A_286 : memref<1x1x80xi32, #tpu.memory_space<hbm>> -> memref<80xi32, #tpu.memory_space<hbm>>
          %dma_start3A_288 = arith.constant 0 : i32
          %dma_start3A_289 = tpu.memref_slice %arg4[%arg1, %add3A_284, %dma_start3A_288] : memref<16x128x80xi32, #tpu.memory_space<hbm>> -> memref<1x1x80xi32, #tpu.memory_space<hbm>>
          %dma_start3A_290 = tpu.memref_squeeze %dma_start3A_289 : memref<1x1x80xi32, #tpu.memory_space<hbm>> -> memref<80xi32, #tpu.memory_space<hbm>>
          tpu.enqueue_dma source(%dma_start3A_290 : memref<80xi32, #tpu.memory_space<hbm>>) target(%arg11 : memref<80xi32, #tpu.memory_space<vmem>>) target_semaphore(%arg26 : memref<!tpu.dma_semaphore, #tpu.memory_space<semaphore_mem>>)
          %dma_start3A_291 = arith.constant 0 : i32
          %dma_start3A_292 = tpu.memref_slice %arg5[%arg1, %add3A_284, %dma_start3A_291] : memref<16x128x80xi32, #tpu.memory_space<hbm>> -> memref<1x1x80xi32, #tpu.memory_space<hbm>>
          %dma_start3A_293 = tpu.memref_squeeze %dma_start3A_292 : memref<1x1x80xi32, #tpu.memory_space<hbm>> -> memref<80xi32, #tpu.memory_space<hbm>>
          %dma_start3A_294 = arith.constant 0 : i32
          %dma_start3A_295 = tpu.memref_slice %arg5[%arg1, %add3A_284, %dma_start3A_294] : memref<16x128x80xi32, #tpu.memory_space<hbm>> -> memref<1x1x80xi32, #tpu.memory_space<hbm>>
          %dma_start3A_296 = tpu.memref_squeeze %dma_start3A_295 : memref<1x1x80xi32, #tpu.memory_space<hbm>> -> memref<80xi32, #tpu.memory_space<hbm>>
          tpu.enqueue_dma source(%dma_start3A_296 : memref<80xi32, #tpu.memory_space<hbm>>) target(%arg15 : memref<80xi32, #tpu.memory_space<vmem>>) target_semaphore(%arg26 : memref<!tpu.dma_semaphore, #tpu.memory_space<semaphore_mem>>)
        } else {
        }
        %add3A_220 = arith.constant 1 : i32
        %add3A_221 = arith.addi %mul3A_200, %add3A_220 : i32
        %add3A_222 = arith.constant 4 : i32
        %add3A_223 = arith.addi %add3A_221, %add3A_222 : i32
        %sub3A_224 = arith.constant 1 : i32
        %sub3A_225 = arith.subi %add3A_223, %sub3A_224 : i32
        %lt3A_226 = arith.constant 128 : i32
        %lt3A_227 = arith.cmpi slt, %sub3A_225, %lt3A_226 : i32
        %convert_element_type3A_228 = arith.extui %lt3A_227 : i1 to i32
        %cond3A_229 = arith.constant 0 : i32
        %cond3A_230 = arith.cmpi ne, %convert_element_type3A_228, %cond3A_229 : i32
        scf.if %cond3A_230 {
          %dma_wait3A_283 = arith.constant 0 : i32
          %dma_wait3A_284 = arith.constant 0 : i32
          %dma_wait3A_285 = tpu.memref_slice %arg4[%arg1, %dma_wait3A_283, %dma_wait3A_284] : memref<16x128x80xi32, #tpu.memory_space<hbm>> -> memref<1x1x80xi32, #tpu.memory_space<hbm>>
          %dma_wait3A_286 = tpu.memref_squeeze %dma_wait3A_285 : memref<1x1x80xi32, #tpu.memory_space<hbm>> -> memref<80xi32, #tpu.memory_space<hbm>>
          %dma_wait3A_287 = arith.constant 0 : i32
          %dma_wait3A_288 = tpu.memref_slice %arg4[%arg1, %dma_wait3A_283, %dma_wait3A_287] : memref<16x128x80xi32, #tpu.memory_space<hbm>> -> memref<1x1x80xi32, #tpu.memory_space<hbm>>
          %dma_wait3A_289 = tpu.memref_squeeze %dma_wait3A_288 : memref<1x1x80xi32, #tpu.memory_space<hbm>> -> memref<80xi32, #tpu.memory_space<hbm>>
          tpu.wait_dma2 semaphore(%arg26 : memref<!tpu.dma_semaphore, #tpu.memory_space<semaphore_mem>>) src(%dma_wait3A_289 : memref<80xi32, #tpu.memory_space<hbm>>) dst(%arg11 : memref<80xi32, #tpu.memory_space<vmem>>)
          %dma_wait3A_290 = arith.constant 0 : i32
          %dma_wait3A_291 = arith.constant 0 : i32
          %dma_wait3A_292 = tpu.memref_slice %arg5[%arg1, %dma_wait3A_290, %dma_wait3A_291] : memref<16x128x80xi32, #tpu.memory_space<hbm>> -> memref<1x1x80xi32, #tpu.memory_space<hbm>>
          %dma_wait3A_293 = tpu.memref_squeeze %dma_wait3A_292 : memref<1x1x80xi32, #tpu.memory_space<hbm>> -> memref<80xi32, #tpu.memory_space<hbm>>
          %dma_wait3A_294 = arith.constant 0 : i32
          %dma_wait3A_295 = tpu.memref_slice %arg5[%arg1, %dma_wait3A_290, %dma_wait3A_294] : memref<16x128x80xi32, #tpu.memory_space<hbm>> -> memref<1x1x80xi32, #tpu.memory_space<hbm>>
          %dma_wait3A_296 = tpu.memref_squeeze %dma_wait3A_295 : memref<1x1x80xi32, #tpu.memory_space<hbm>> -> memref<80xi32, #tpu.memory_space<hbm>>
          tpu.wait_dma2 semaphore(%arg26 : memref<!tpu.dma_semaphore, #tpu.memory_space<semaphore_mem>>) src(%dma_wait3A_296 : memref<80xi32, #tpu.memory_space<hbm>>) dst(%arg15 : memref<80xi32, #tpu.memory_space<vmem>>)
          %dma_start3A_297 = arith.constant 0 : i32
          %dma_start3A_298 = arith.constant 0 : i32
          %dma_start3A_299 = tpu.memref_slice %arg2[%dma_start3A_297, %dma_start3A_298] : memref<10000x128xf32, #tpu.memory_space<hbm>> -> memref<10000x128xf32, #tpu.memory_space<hbm>>
          tpu.enqueue_indirect_dma source(%dma_start3A_299 : memref<10000x128xf32, #tpu.memory_space<hbm>>) target(%arg19 : memref<80x128xf32, #tpu.memory_space<vmem>>) offsets(%arg11 : memref<80xi32, #tpu.memory_space<vmem>>) semaphore(%arg30 : memref<!tpu.dma_semaphore, #tpu.memory_space<semaphore_mem>>)
        } else {
        }
        %dma_wait3A_231 = arith.constant 0 : i32
        %dma_wait3A_232 = arith.constant 0 : i32
        %dma_wait3A_233 = tpu.memref_slice %arg2[%dma_wait3A_231, %dma_wait3A_232] : memref<10000x128xf32, #tpu.memory_space<hbm>> -> memref<10000x128xf32, #tpu.memory_space<hbm>>
        tpu.wait_indirect_dma semaphore(%arg31 : memref<!tpu.dma_semaphore, #tpu.memory_space<semaphore_mem>>) src(%dma_wait3A_233 : memref<10000x128xf32, #tpu.memory_space<hbm>>) dst(%arg20 : memref<80x128xf32, #tpu.memory_space<vmem>>)
        "tpu.region"() ({
          %run_scoped3A = tpu.sem_alloc : memref<!tpu.dma_semaphore, #tpu.memory_space<semaphore_mem>>
          %dma_start3A_283 = arith.constant 0 : i32
          %dma_start3A_284 = arith.constant 0 : i32
          %dma_start3A_285 = tpu.memref_slice %arg24[%dma_start3A_283, %dma_start3A_284] : memref<10240x128xf32, #tpu.memory_space<vmem_shared>> -> memref<10240x128xf32, #tpu.memory_space<vmem_shared>>
          tpu.enqueue_indirect_dma source(%arg20 : memref<80x128xf32, #tpu.memory_space<vmem>>) target(%dma_start3A_285 : memref<10240x128xf32, #tpu.memory_space<vmem_shared>>) offsets(%arg16 : memref<80xi32, #tpu.memory_space<vmem>>) semaphore(%run_scoped3A : memref<!tpu.dma_semaphore, #tpu.memory_space<semaphore_mem>>) {add = true}
          %dma_wait3A_286 = arith.constant 0 : i32
          %dma_wait3A_287 = arith.constant 0 : i32
          %dma_wait3A_288 = tpu.memref_slice %arg24[%dma_wait3A_286, %dma_wait3A_287] : memref<10240x128xf32, #tpu.memory_space<vmem_shared>> -> memref<10240x128xf32, #tpu.memory_space<vmem_shared>>
          tpu.wait_indirect_dma semaphore(%run_scoped3A : memref<!tpu.dma_semaphore, #tpu.memory_space<semaphore_mem>>) src(%arg20 : memref<80x128xf32, #tpu.memory_space<vmem>>) dst(%dma_wait3A_288 : memref<10240x128xf32, #tpu.memory_space<vmem_shared>>)
          tpu.yield
        }) : () -> ()
        "tpu.region"() ({
          %run_scoped3A = tpu.sem_alloc : memref<!tpu.dma_semaphore, #tpu.memory_space<semaphore_mem>>
          %dma_start3A_283 = arith.constant 0 : i32
          %dma_start3A_284 = tpu.memref_slice %arg25[%dma_start3A_283] : memref<10240xf32, #tpu.memory_space<vmem_shared>> -> memref<10240xf32, #tpu.memory_space<vmem_shared>>
          tpu.enqueue_indirect_dma source(%arg23 : memref<80xf32, #tpu.memory_space<vmem>>) target(%dma_start3A_284 : memref<10240xf32, #tpu.memory_space<vmem_shared>>) offsets(%arg16 : memref<80xi32, #tpu.memory_space<vmem>>) semaphore(%run_scoped3A : memref<!tpu.dma_semaphore, #tpu.memory_space<semaphore_mem>>) {add = true}
          %dma_wait3A_285 = arith.constant 0 : i32
          %dma_wait3A_286 = tpu.memref_slice %arg25[%dma_wait3A_285] : memref<10240xf32, #tpu.memory_space<vmem_shared>> -> memref<10240xf32, #tpu.memory_space<vmem_shared>>
          tpu.wait_indirect_dma semaphore(%run_scoped3A : memref<!tpu.dma_semaphore, #tpu.memory_space<semaphore_mem>>) src(%arg23 : memref<80xf32, #tpu.memory_space<vmem>>) dst(%dma_wait3A_286 : memref<10240xf32, #tpu.memory_space<vmem_shared>>)
          tpu.yield
        }) : () -> ()
        %add3A_234 = arith.constant 4 : i32
        %add3A_235 = arith.addi %add3A_221, %add3A_234 : i32
        %lt3A_236 = arith.constant 128 : i32
        %lt3A_237 = arith.cmpi slt, %add3A_235, %lt3A_236 : i32
        %convert_element_type3A_238 = arith.extui %lt3A_237 : i1 to i32
        %cond3A_239 = arith.constant 0 : i32
        %cond3A_240 = arith.cmpi ne, %convert_element_type3A_238, %cond3A_239 : i32
        scf.if %cond3A_240 {
          %add3A_283 = arith.constant 4 : i32
          %add3A_284 = arith.addi %add3A_221, %add3A_283 : i32
          %dma_start3A_285 = arith.constant 0 : i32
          %dma_start3A_286 = tpu.memref_slice %arg4[%arg1, %add3A_284, %dma_start3A_285] : memref<16x128x80xi32, #tpu.memory_space<hbm>> -> memref<1x1x80xi32, #tpu.memory_space<hbm>>
          %dma_start3A_287 = tpu.memref_squeeze %dma_start3A_286 : memref<1x1x80xi32, #tpu.memory_space<hbm>> -> memref<80xi32, #tpu.memory_space<hbm>>
          %dma_start3A_288 = arith.constant 0 : i32
          %dma_start3A_289 = tpu.memref_slice %arg4[%arg1, %add3A_284, %dma_start3A_288] : memref<16x128x80xi32, #tpu.memory_space<hbm>> -> memref<1x1x80xi32, #tpu.memory_space<hbm>>
          %dma_start3A_290 = tpu.memref_squeeze %dma_start3A_289 : memref<1x1x80xi32, #tpu.memory_space<hbm>> -> memref<80xi32, #tpu.memory_space<hbm>>
          tpu.enqueue_dma source(%dma_start3A_290 : memref<80xi32, #tpu.memory_space<hbm>>) target(%arg12 : memref<80xi32, #tpu.memory_space<vmem>>) target_semaphore(%arg27 : memref<!tpu.dma_semaphore, #tpu.memory_space<semaphore_mem>>)
          %dma_start3A_291 = arith.constant 0 : i32
          %dma_start3A_292 = tpu.memref_slice %arg5[%arg1, %add3A_284, %dma_start3A_291] : memref<16x128x80xi32, #tpu.memory_space<hbm>> -> memref<1x1x80xi32, #tpu.memory_space<hbm>>
          %dma_start3A_293 = tpu.memref_squeeze %dma_start3A_292 : memref<1x1x80xi32, #tpu.memory_space<hbm>> -> memref<80xi32, #tpu.memory_space<hbm>>
          %dma_start3A_294 = arith.constant 0 : i32
          %dma_start3A_295 = tpu.memref_slice %arg5[%arg1, %add3A_284, %dma_start3A_294] : memref<16x128x80xi32, #tpu.memory_space<hbm>> -> memref<1x1x80xi32, #tpu.memory_space<hbm>>
          %dma_start3A_296 = tpu.memref_squeeze %dma_start3A_295 : memref<1x1x80xi32, #tpu.memory_space<hbm>> -> memref<80xi32, #tpu.memory_space<hbm>>
          tpu.enqueue_dma source(%dma_start3A_296 : memref<80xi32, #tpu.memory_space<hbm>>) target(%arg16 : memref<80xi32, #tpu.memory_space<vmem>>) target_semaphore(%arg27 : memref<!tpu.dma_semaphore, #tpu.memory_space<semaphore_mem>>)
        } else {
        }
        %add3A_241 = arith.constant 2 : i32
        %add3A_242 = arith.addi %mul3A_200, %add3A_241 : i32
        %add3A_243 = arith.constant 4 : i32
        %add3A_244 = arith.addi %add3A_242, %add3A_243 : i32
        %sub3A_245 = arith.constant 1 : i32
        %sub3A_246 = arith.subi %add3A_244, %sub3A_245 : i32
        %lt3A_247 = arith.constant 128 : i32
        %lt3A_248 = arith.cmpi slt, %sub3A_246, %lt3A_247 : i32
        %convert_element_type3A_249 = arith.extui %lt3A_248 : i1 to i32
        %cond3A_250 = arith.constant 0 : i32
        %cond3A_251 = arith.cmpi ne, %convert_element_type3A_249, %cond3A_250 : i32
        scf.if %cond3A_251 {
          %dma_wait3A_283 = arith.constant 0 : i32
          %dma_wait3A_284 = arith.constant 0 : i32
          %dma_wait3A_285 = tpu.memref_slice %arg4[%arg1, %dma_wait3A_283, %dma_wait3A_284] : memref<16x128x80xi32, #tpu.memory_space<hbm>> -> memref<1x1x80xi32, #tpu.memory_space<hbm>>
          %dma_wait3A_286 = tpu.memref_squeeze %dma_wait3A_285 : memref<1x1x80xi32, #tpu.memory_space<hbm>> -> memref<80xi32, #tpu.memory_space<hbm>>
          %dma_wait3A_287 = arith.constant 0 : i32
          %dma_wait3A_288 = tpu.memref_slice %arg4[%arg1, %dma_wait3A_283, %dma_wait3A_287] : memref<16x128x80xi32, #tpu.memory_space<hbm>> -> memref<1x1x80xi32, #tpu.memory_space<hbm>>
          %dma_wait3A_289 = tpu.memref_squeeze %dma_wait3A_288 : memref<1x1x80xi32, #tpu.memory_space<hbm>> -> memref<80xi32, #tpu.memory_space<hbm>>
          tpu.wait_dma2 semaphore(%arg27 : memref<!tpu.dma_semaphore, #tpu.memory_space<semaphore_mem>>) src(%dma_wait3A_289 : memref<80xi32, #tpu.memory_space<hbm>>) dst(%arg12 : memref<80xi32, #tpu.memory_space<vmem>>)
          %dma_wait3A_290 = arith.constant 0 : i32
          %dma_wait3A_291 = arith.constant 0 : i32
          %dma_wait3A_292 = tpu.memref_slice %arg5[%arg1, %dma_wait3A_290, %dma_wait3A_291] : memref<16x128x80xi32, #tpu.memory_space<hbm>> -> memref<1x1x80xi32, #tpu.memory_space<hbm>>
          %dma_wait3A_293 = tpu.memref_squeeze %dma_wait3A_292 : memref<1x1x80xi32, #tpu.memory_space<hbm>> -> memref<80xi32, #tpu.memory_space<hbm>>
          %dma_wait3A_294 = arith.constant 0 : i32
          %dma_wait3A_295 = tpu.memref_slice %arg5[%arg1, %dma_wait3A_290, %dma_wait3A_294] : memref<16x128x80xi32, #tpu.memory_space<hbm>> -> memref<1x1x80xi32, #tpu.memory_space<hbm>>
          %dma_wait3A_296 = tpu.memref_squeeze %dma_wait3A_295 : memref<1x1x80xi32, #tpu.memory_space<hbm>> -> memref<80xi32, #tpu.memory_space<hbm>>
          tpu.wait_dma2 semaphore(%arg27 : memref<!tpu.dma_semaphore, #tpu.memory_space<semaphore_mem>>) src(%dma_wait3A_296 : memref<80xi32, #tpu.memory_space<hbm>>) dst(%arg16 : memref<80xi32, #tpu.memory_space<vmem>>)
          %dma_start3A_297 = arith.constant 0 : i32
          %dma_start3A_298 = arith.constant 0 : i32
          %dma_start3A_299 = tpu.memref_slice %arg2[%dma_start3A_297, %dma_start3A_298] : memref<10000x128xf32, #tpu.memory_space<hbm>> -> memref<10000x128xf32, #tpu.memory_space<hbm>>
          tpu.enqueue_indirect_dma source(%dma_start3A_299 : memref<10000x128xf32, #tpu.memory_space<hbm>>) target(%arg20 : memref<80x128xf32, #tpu.memory_space<vmem>>) offsets(%arg12 : memref<80xi32, #tpu.memory_space<vmem>>) semaphore(%arg31 : memref<!tpu.dma_semaphore, #tpu.memory_space<semaphore_mem>>)
        } else {
        }
        %dma_wait3A_252 = arith.constant 0 : i32
        %dma_wait3A_253 = arith.constant 0 : i32
        %dma_wait3A_254 = tpu.memref_slice %arg2[%dma_wait3A_252, %dma_wait3A_253] : memref<10000x128xf32, #tpu.memory_space<hbm>> -> memref<10000x128xf32, #tpu.memory_space<hbm>>
        tpu.wait_indirect_dma semaphore(%arg32 : memref<!tpu.dma_semaphore, #tpu.memory_space<semaphore_mem>>) src(%dma_wait3A_254 : memref<10000x128xf32, #tpu.memory_space<hbm>>) dst(%arg21 : memref<80x128xf32, #tpu.memory_space<vmem>>)
        "tpu.region"() ({
          %run_scoped3A = tpu.sem_alloc : memref<!tpu.dma_semaphore, #tpu.memory_space<semaphore_mem>>
          %dma_start3A_283 = arith.constant 0 : i32
          %dma_start3A_284 = arith.constant 0 : i32
          %dma_start3A_285 = tpu.memref_slice %arg24[%dma_start3A_283, %dma_start3A_284] : memref<10240x128xf32, #tpu.memory_space<vmem_shared>> -> memref<10240x128xf32, #tpu.memory_space<vmem_shared>>
          tpu.enqueue_indirect_dma source(%arg21 : memref<80x128xf32, #tpu.memory_space<vmem>>) target(%dma_start3A_285 : memref<10240x128xf32, #tpu.memory_space<vmem_shared>>) offsets(%arg17 : memref<80xi32, #tpu.memory_space<vmem>>) semaphore(%run_scoped3A : memref<!tpu.dma_semaphore, #tpu.memory_space<semaphore_mem>>) {add = true}
          %dma_wait3A_286 = arith.constant 0 : i32
          %dma_wait3A_287 = arith.constant 0 : i32
          %dma_wait3A_288 = tpu.memref_slice %arg24[%dma_wait3A_286, %dma_wait3A_287] : memref<10240x128xf32, #tpu.memory_space<vmem_shared>> -> memref<10240x128xf32, #tpu.memory_space<vmem_shared>>
          tpu.wait_indirect_dma semaphore(%run_scoped3A : memref<!tpu.dma_semaphore, #tpu.memory_space<semaphore_mem>>) src(%arg21 : memref<80x128xf32, #tpu.memory_space<vmem>>) dst(%dma_wait3A_288 : memref<10240x128xf32, #tpu.memory_space<vmem_shared>>)
          tpu.yield
        }) : () -> ()
        "tpu.region"() ({
          %run_scoped3A = tpu.sem_alloc : memref<!tpu.dma_semaphore, #tpu.memory_space<semaphore_mem>>
          %dma_start3A_283 = arith.constant 0 : i32
          %dma_start3A_284 = tpu.memref_slice %arg25[%dma_start3A_283] : memref<10240xf32, #tpu.memory_space<vmem_shared>> -> memref<10240xf32, #tpu.memory_space<vmem_shared>>
          tpu.enqueue_indirect_dma source(%arg23 : memref<80xf32, #tpu.memory_space<vmem>>) target(%dma_start3A_284 : memref<10240xf32, #tpu.memory_space<vmem_shared>>) offsets(%arg17 : memref<80xi32, #tpu.memory_space<vmem>>) semaphore(%run_scoped3A : memref<!tpu.dma_semaphore, #tpu.memory_space<semaphore_mem>>) {add = true}
          %dma_wait3A_285 = arith.constant 0 : i32
          %dma_wait3A_286 = tpu.memref_slice %arg25[%dma_wait3A_285] : memref<10240xf32, #tpu.memory_space<vmem_shared>> -> memref<10240xf32, #tpu.memory_space<vmem_shared>>
          tpu.wait_indirect_dma semaphore(%run_scoped3A : memref<!tpu.dma_semaphore, #tpu.memory_space<semaphore_mem>>) src(%arg23 : memref<80xf32, #tpu.memory_space<vmem>>) dst(%dma_wait3A_286 : memref<10240xf32, #tpu.memory_space<vmem_shared>>)
          tpu.yield
        }) : () -> ()
        %add3A_255 = arith.constant 4 : i32
        %add3A_256 = arith.addi %add3A_242, %add3A_255 : i32
        %lt3A_257 = arith.constant 128 : i32
        %lt3A_258 = arith.cmpi slt, %add3A_256, %lt3A_257 : i32
        %convert_element_type3A_259 = arith.extui %lt3A_258 : i1 to i32
        %cond3A_260 = arith.constant 0 : i32
        %cond3A_261 = arith.cmpi ne, %convert_element_type3A_259, %cond3A_260 : i32
        scf.if %cond3A_261 {
          %add3A_283 = arith.constant 4 : i32
          %add3A_284 = arith.addi %add3A_242, %add3A_283 : i32
          %dma_start3A_285 = arith.constant 0 : i32
          %dma_start3A_286 = tpu.memref_slice %arg4[%arg1, %add3A_284, %dma_start3A_285] : memref<16x128x80xi32, #tpu.memory_space<hbm>> -> memref<1x1x80xi32, #tpu.memory_space<hbm>>
          %dma_start3A_287 = tpu.memref_squeeze %dma_start3A_286 : memref<1x1x80xi32, #tpu.memory_space<hbm>> -> memref<80xi32, #tpu.memory_space<hbm>>
          %dma_start3A_288 = arith.constant 0 : i32
          %dma_start3A_289 = tpu.memref_slice %arg4[%arg1, %add3A_284, %dma_start3A_288] : memref<16x128x80xi32, #tpu.memory_space<hbm>> -> memref<1x1x80xi32, #tpu.memory_space<hbm>>
          %dma_start3A_290 = tpu.memref_squeeze %dma_start3A_289 : memref<1x1x80xi32, #tpu.memory_space<hbm>> -> memref<80xi32, #tpu.memory_space<hbm>>
          tpu.enqueue_dma source(%dma_start3A_290 : memref<80xi32, #tpu.memory_space<hbm>>) target(%arg13 : memref<80xi32, #tpu.memory_space<vmem>>) target_semaphore(%arg28 : memref<!tpu.dma_semaphore, #tpu.memory_space<semaphore_mem>>)
          %dma_start3A_291 = arith.constant 0 : i32
          %dma_start3A_292 = tpu.memref_slice %arg5[%arg1, %add3A_284, %dma_start3A_291] : memref<16x128x80xi32, #tpu.memory_space<hbm>> -> memref<1x1x80xi32, #tpu.memory_space<hbm>>
          %dma_start3A_293 = tpu.memref_squeeze %dma_start3A_292 : memref<1x1x80xi32, #tpu.memory_space<hbm>> -> memref<80xi32, #tpu.memory_space<hbm>>
          %dma_start3A_294 = arith.constant 0 : i32
          %dma_start3A_295 = tpu.memref_slice %arg5[%arg1, %add3A_284, %dma_start3A_294] : memref<16x128x80xi32, #tpu.memory_space<hbm>> -> memref<1x1x80xi32, #tpu.memory_space<hbm>>
          %dma_start3A_296 = tpu.memref_squeeze %dma_start3A_295 : memref<1x1x80xi32, #tpu.memory_space<hbm>> -> memref<80xi32, #tpu.memory_space<hbm>>
          tpu.enqueue_dma source(%dma_start3A_296 : memref<80xi32, #tpu.memory_space<hbm>>) target(%arg17 : memref<80xi32, #tpu.memory_space<vmem>>) target_semaphore(%arg28 : memref<!tpu.dma_semaphore, #tpu.memory_space<semaphore_mem>>)
        } else {
        }
        %add3A_262 = arith.constant 3 : i32
        %add3A_263 = arith.addi %mul3A_200, %add3A_262 : i32
        %add3A_264 = arith.constant 4 : i32
        %add3A_265 = arith.addi %add3A_263, %add3A_264 : i32
        %sub3A_266 = arith.constant 1 : i32
        %sub3A_267 = arith.subi %add3A_265, %sub3A_266 : i32
        %lt3A_268 = arith.constant 128 : i32
        %lt3A_269 = arith.cmpi slt, %sub3A_267, %lt3A_268 : i32
        %convert_element_type3A_270 = arith.extui %lt3A_269 : i1 to i32
        %cond3A_271 = arith.constant 0 : i32
        %cond3A_272 = arith.cmpi ne, %convert_element_type3A_270, %cond3A_271 : i32
        scf.if %cond3A_272 {
          %dma_wait3A_283 = arith.constant 0 : i32
          %dma_wait3A_284 = arith.constant 0 : i32
          %dma_wait3A_285 = tpu.memref_slice %arg4[%arg1, %dma_wait3A_283, %dma_wait3A_284] : memref<16x128x80xi32, #tpu.memory_space<hbm>> -> memref<1x1x80xi32, #tpu.memory_space<hbm>>
          %dma_wait3A_286 = tpu.memref_squeeze %dma_wait3A_285 : memref<1x1x80xi32, #tpu.memory_space<hbm>> -> memref<80xi32, #tpu.memory_space<hbm>>
          %dma_wait3A_287 = arith.constant 0 : i32
          %dma_wait3A_288 = tpu.memref_slice %arg4[%arg1, %dma_wait3A_283, %dma_wait3A_287] : memref<16x128x80xi32, #tpu.memory_space<hbm>> -> memref<1x1x80xi32, #tpu.memory_space<hbm>>
          %dma_wait3A_289 = tpu.memref_squeeze %dma_wait3A_288 : memref<1x1x80xi32, #tpu.memory_space<hbm>> -> memref<80xi32, #tpu.memory_space<hbm>>
          tpu.wait_dma2 semaphore(%arg28 : memref<!tpu.dma_semaphore, #tpu.memory_space<semaphore_mem>>) src(%dma_wait3A_289 : memref<80xi32, #tpu.memory_space<hbm>>) dst(%arg13 : memref<80xi32, #tpu.memory_space<vmem>>)
          %dma_wait3A_290 = arith.constant 0 : i32
          %dma_wait3A_291 = arith.constant 0 : i32
          %dma_wait3A_292 = tpu.memref_slice %arg5[%arg1, %dma_wait3A_290, %dma_wait3A_291] : memref<16x128x80xi32, #tpu.memory_space<hbm>> -> memref<1x1x80xi32, #tpu.memory_space<hbm>>
          %dma_wait3A_293 = tpu.memref_squeeze %dma_wait3A_292 : memref<1x1x80xi32, #tpu.memory_space<hbm>> -> memref<80xi32, #tpu.memory_space<hbm>>
          %dma_wait3A_294 = arith.constant 0 : i32
          %dma_wait3A_295 = tpu.memref_slice %arg5[%arg1, %dma_wait3A_290, %dma_wait3A_294] : memref<16x128x80xi32, #tpu.memory_space<hbm>> -> memref<1x1x80xi32, #tpu.memory_space<hbm>>
          %dma_wait3A_296 = tpu.memref_squeeze %dma_wait3A_295 : memref<1x1x80xi32, #tpu.memory_space<hbm>> -> memref<80xi32, #tpu.memory_space<hbm>>
          tpu.wait_dma2 semaphore(%arg28 : memref<!tpu.dma_semaphore, #tpu.memory_space<semaphore_mem>>) src(%dma_wait3A_296 : memref<80xi32, #tpu.memory_space<hbm>>) dst(%arg17 : memref<80xi32, #tpu.memory_space<vmem>>)
          %dma_start3A_297 = arith.constant 0 : i32
          %dma_start3A_298 = arith.constant 0 : i32
          %dma_start3A_299 = tpu.memref_slice %arg2[%dma_start3A_297, %dma_start3A_298] : memref<10000x128xf32, #tpu.memory_space<hbm>> -> memref<10000x128xf32, #tpu.memory_space<hbm>>
          tpu.enqueue_indirect_dma source(%dma_start3A_299 : memref<10000x128xf32, #tpu.memory_space<hbm>>) target(%arg21 : memref<80x128xf32, #tpu.memory_space<vmem>>) offsets(%arg13 : memref<80xi32, #tpu.memory_space<vmem>>) semaphore(%arg32 : memref<!tpu.dma_semaphore, #tpu.memory_space<semaphore_mem>>)
        } else {
        }
        %dma_wait3A_273 = arith.constant 0 : i32
        %dma_wait3A_274 = arith.constant 0 : i32
        %dma_wait3A_275 = tpu.memref_slice %arg2[%dma_wait3A_273, %dma_wait3A_274] : memref<10000x128xf32, #tpu.memory_space<hbm>> -> memref<10000x128xf32, #tpu.memory_space<hbm>>
        tpu.wait_indirect_dma semaphore(%arg33 : memref<!tpu.dma_semaphore, #tpu.memory_space<semaphore_mem>>) src(%dma_wait3A_275 : memref<10000x128xf32, #tpu.memory_space<hbm>>) dst(%arg22 : memref<80x128xf32, #tpu.memory_space<vmem>>)
        "tpu.region"() ({
          %run_scoped3A = tpu.sem_alloc : memref<!tpu.dma_semaphore, #tpu.memory_space<semaphore_mem>>
          %dma_start3A_283 = arith.constant 0 : i32
          %dma_start3A_284 = arith.constant 0 : i32
          %dma_start3A_285 = tpu.memref_slice %arg24[%dma_start3A_283, %dma_start3A_284] : memref<10240x128xf32, #tpu.memory_space<vmem_shared>> -> memref<10240x128xf32, #tpu.memory_space<vmem_shared>>
          tpu.enqueue_indirect_dma source(%arg22 : memref<80x128xf32, #tpu.memory_space<vmem>>) target(%dma_start3A_285 : memref<10240x128xf32, #tpu.memory_space<vmem_shared>>) offsets(%arg18 : memref<80xi32, #tpu.memory_space<vmem>>) semaphore(%run_scoped3A : memref<!tpu.dma_semaphore, #tpu.memory_space<semaphore_mem>>) {add = true}
          %dma_wait3A_286 = arith.constant 0 : i32
          %dma_wait3A_287 = arith.constant 0 : i32
          %dma_wait3A_288 = tpu.memref_slice %arg24[%dma_wait3A_286, %dma_wait3A_287] : memref<10240x128xf32, #tpu.memory_space<vmem_shared>> -> memref<10240x128xf32, #tpu.memory_space<vmem_shared>>
          tpu.wait_indirect_dma semaphore(%run_scoped3A : memref<!tpu.dma_semaphore, #tpu.memory_space<semaphore_mem>>) src(%arg22 : memref<80x128xf32, #tpu.memory_space<vmem>>) dst(%dma_wait3A_288 : memref<10240x128xf32, #tpu.memory_space<vmem_shared>>)
          tpu.yield
        }) : () -> ()
        "tpu.region"() ({
          %run_scoped3A = tpu.sem_alloc : memref<!tpu.dma_semaphore, #tpu.memory_space<semaphore_mem>>
          %dma_start3A_283 = arith.constant 0 : i32
          %dma_start3A_284 = tpu.memref_slice %arg25[%dma_start3A_283] : memref<10240xf32, #tpu.memory_space<vmem_shared>> -> memref<10240xf32, #tpu.memory_space<vmem_shared>>
          tpu.enqueue_indirect_dma source(%arg23 : memref<80xf32, #tpu.memory_space<vmem>>) target(%dma_start3A_284 : memref<10240xf32, #tpu.memory_space<vmem_shared>>) offsets(%arg18 : memref<80xi32, #tpu.memory_space<vmem>>) semaphore(%run_scoped3A : memref<!tpu.dma_semaphore, #tpu.memory_space<semaphore_mem>>) {add = true}
          %dma_wait3A_285 = arith.constant 0 : i32
          %dma_wait3A_286 = tpu.memref_slice %arg25[%dma_wait3A_285] : memref<10240xf32, #tpu.memory_space<vmem_shared>> -> memref<10240xf32, #tpu.memory_space<vmem_shared>>
          tpu.wait_indirect_dma semaphore(%run_scoped3A : memref<!tpu.dma_semaphore, #tpu.memory_space<semaphore_mem>>) src(%arg23 : memref<80xf32, #tpu.memory_space<vmem>>) dst(%dma_wait3A_286 : memref<10240xf32, #tpu.memory_space<vmem_shared>>)
          tpu.yield
        }) : () -> ()
        %add3A_276 = arith.constant 4 : i32
        %add3A_277 = arith.addi %add3A_263, %add3A_276 : i32
        %lt3A_278 = arith.constant 128 : i32
        %lt3A_279 = arith.cmpi slt, %add3A_277, %lt3A_278 : i32
        %convert_element_type3A_280 = arith.extui %lt3A_279 : i1 to i32
        %cond3A_281 = arith.constant 0 : i32
        %cond3A_282 = arith.cmpi ne, %convert_element_type3A_280, %cond3A_281 : i32
        scf.if %cond3A_282 {
          %add3A_283 = arith.constant 4 : i32
          %add3A_284 = arith.addi %add3A_263, %add3A_283 : i32
          %dma_start3A_285 = arith.constant 0 : i32
          %dma_start3A_286 = tpu.memref_slice %arg4[%arg1, %add3A_284, %dma_start3A_285] : memref<16x128x80xi32, #tpu.memory_space<hbm>> -> memref<1x1x80xi32, #tpu.memory_space<hbm>>
          %dma_start3A_287 = tpu.memref_squeeze %dma_start3A_286 : memref<1x1x80xi32, #tpu.memory_space<hbm>> -> memref<80xi32, #tpu.memory_space<hbm>>
          %dma_start3A_288 = arith.constant 0 : i32
          %dma_start3A_289 = tpu.memref_slice %arg4[%arg1, %add3A_284, %dma_start3A_288] : memref<16x128x80xi32, #tpu.memory_space<hbm>> -> memref<1x1x80xi32, #tpu.memory_space<hbm>>
          %dma_start3A_290 = tpu.memref_squeeze %dma_start3A_289 : memref<1x1x80xi32, #tpu.memory_space<hbm>> -> memref<80xi32, #tpu.memory_space<hbm>>
          tpu.enqueue_dma source(%dma_start3A_290 : memref<80xi32, #tpu.memory_space<hbm>>) target(%arg14 : memref<80xi32, #tpu.memory_space<vmem>>) target_semaphore(%arg29 : memref<!tpu.dma_semaphore, #tpu.memory_space<semaphore_mem>>)
          %dma_start3A_291 = arith.constant 0 : i32
          %dma_start3A_292 = tpu.memref_slice %arg5[%arg1, %add3A_284, %dma_start3A_291] : memref<16x128x80xi32, #tpu.memory_space<hbm>> -> memref<1x1x80xi32, #tpu.memory_space<hbm>>
          %dma_start3A_293 = tpu.memref_squeeze %dma_start3A_292 : memref<1x1x80xi32, #tpu.memory_space<hbm>> -> memref<80xi32, #tpu.memory_space<hbm>>
          %dma_start3A_294 = arith.constant 0 : i32
          %dma_start3A_295 = tpu.memref_slice %arg5[%arg1, %add3A_284, %dma_start3A_294] : memref<16x128x80xi32, #tpu.memory_space<hbm>> -> memref<1x1x80xi32, #tpu.memory_space<hbm>>
          %dma_start3A_296 = tpu.memref_squeeze %dma_start3A_295 : memref<1x1x80xi32, #tpu.memory_space<hbm>> -> memref<80xi32, #tpu.memory_space<hbm>>
          tpu.enqueue_dma source(%dma_start3A_296 : memref<80xi32, #tpu.memory_space<hbm>>) target(%arg18 : memref<80xi32, #tpu.memory_space<vmem>>) target_semaphore(%arg29 : memref<!tpu.dma_semaphore, #tpu.memory_space<semaphore_mem>>)
        } else {
        }
      }
      %scan3A_198 = arith.constant 32 : i32
    } else {
    }
    %eq3A_44 = arith.constant 1 : i32
    %eq3A_45 = arith.cmpi eq, %arg0, %eq3A_44 : i32
    %convert_element_type3A_46 = arith.extui %eq3A_45 : i1 to i32
    %cond3A_47 = arith.constant 0 : i32
    %cond3A_48 = arith.cmpi ne, %convert_element_type3A_46, %cond3A_47 : i32
    scf.if %cond3A_48 {
      %dma_start3A = arith.constant 0 : i32
      %dma_start3A_89 = arith.constant 0 : i32
      %dma_start3A_90 = tpu.memref_slice %arg4[%arg1, %dma_start3A, %dma_start3A_89] : memref<16x128x80xi32, #tpu.memory_space<hbm>> -> memref<1x1x80xi32, #tpu.memory_space<hbm>>
      %dma_start3A_91 = tpu.memref_squeeze %dma_start3A_90 : memref<1x1x80xi32, #tpu.memory_space<hbm>> -> memref<80xi32, #tpu.memory_space<hbm>>
      %dma_start3A_92 = arith.constant 0 : i32
      %dma_start3A_93 = tpu.memref_slice %arg4[%arg1, %dma_start3A, %dma_start3A_92] : memref<16x128x80xi32, #tpu.memory_space<hbm>> -> memref<1x1x80xi32, #tpu.memory_space<hbm>>
      %dma_start3A_94 = tpu.memref_squeeze %dma_start3A_93 : memref<1x1x80xi32, #tpu.memory_space<hbm>> -> memref<80xi32, #tpu.memory_space<hbm>>
      tpu.enqueue_dma source(%dma_start3A_94 : memref<80xi32, #tpu.memory_space<hbm>>) target(%arg11 : memref<80xi32, #tpu.memory_space<vmem>>) target_semaphore(%arg26 : memref<!tpu.dma_semaphore, #tpu.memory_space<semaphore_mem>>)
      %dma_start3A_95 = arith.constant 0 : i32
      %dma_start3A_96 = arith.constant 0 : i32
      %dma_start3A_97 = tpu.memref_slice %arg5[%arg1, %dma_start3A_95, %dma_start3A_96] : memref<16x128x80xi32, #tpu.memory_space<hbm>> -> memref<1x1x80xi32, #tpu.memory_space<hbm>>
      %dma_start3A_98 = tpu.memref_squeeze %dma_start3A_97 : memref<1x1x80xi32, #tpu.memory_space<hbm>> -> memref<80xi32, #tpu.memory_space<hbm>>
      %dma_start3A_99 = arith.constant 0 : i32
      %dma_start3A_100 = tpu.memref_slice %arg5[%arg1, %dma_start3A_95, %dma_start3A_99] : memref<16x128x80xi32, #tpu.memory_space<hbm>> -> memref<1x1x80xi32, #tpu.memory_space<hbm>>
      %dma_start3A_101 = tpu.memref_squeeze %dma_start3A_100 : memref<1x1x80xi32, #tpu.memory_space<hbm>> -> memref<80xi32, #tpu.memory_space<hbm>>
      tpu.enqueue_dma source(%dma_start3A_101 : memref<80xi32, #tpu.memory_space<hbm>>) target(%arg15 : memref<80xi32, #tpu.memory_space<vmem>>) target_semaphore(%arg26 : memref<!tpu.dma_semaphore, #tpu.memory_space<semaphore_mem>>)
      %dma_start3A_102 = arith.constant 1 : i32
      %dma_start3A_103 = arith.constant 0 : i32
      %dma_start3A_104 = tpu.memref_slice %arg4[%arg1, %dma_start3A_102, %dma_start3A_103] : memref<16x128x80xi32, #tpu.memory_space<hbm>> -> memref<1x1x80xi32, #tpu.memory_space<hbm>>
      %dma_start3A_105 = tpu.memref_squeeze %dma_start3A_104 : memref<1x1x80xi32, #tpu.memory_space<hbm>> -> memref<80xi32, #tpu.memory_space<hbm>>
      %dma_start3A_106 = arith.constant 0 : i32
      %dma_start3A_107 = tpu.memref_slice %arg4[%arg1, %dma_start3A_102, %dma_start3A_106] : memref<16x128x80xi32, #tpu.memory_space<hbm>> -> memref<1x1x80xi32, #tpu.memory_space<hbm>>
      %dma_start3A_108 = tpu.memref_squeeze %dma_start3A_107 : memref<1x1x80xi32, #tpu.memory_space<hbm>> -> memref<80xi32, #tpu.memory_space<hbm>>
      tpu.enqueue_dma source(%dma_start3A_108 : memref<80xi32, #tpu.memory_space<hbm>>) target(%arg12 : memref<80xi32, #tpu.memory_space<vmem>>) target_semaphore(%arg27 : memref<!tpu.dma_semaphore, #tpu.memory_space<semaphore_mem>>)
      %dma_start3A_109 = arith.constant 1 : i32
      %dma_start3A_110 = arith.constant 0 : i32
      %dma_start3A_111 = tpu.memref_slice %arg5[%arg1, %dma_start3A_109, %dma_start3A_110] : memref<16x128x80xi32, #tpu.memory_space<hbm>> -> memref<1x1x80xi32, #tpu.memory_space<hbm>>
      %dma_start3A_112 = tpu.memref_squeeze %dma_start3A_111 : memref<1x1x80xi32, #tpu.memory_space<hbm>> -> memref<80xi32, #tpu.memory_space<hbm>>
      %dma_start3A_113 = arith.constant 0 : i32
      %dma_start3A_114 = tpu.memref_slice %arg5[%arg1, %dma_start3A_109, %dma_start3A_113] : memref<16x128x80xi32, #tpu.memory_space<hbm>> -> memref<1x1x80xi32, #tpu.memory_space<hbm>>
      %dma_start3A_115 = tpu.memref_squeeze %dma_start3A_114 : memref<1x1x80xi32, #tpu.memory_space<hbm>> -> memref<80xi32, #tpu.memory_space<hbm>>
      tpu.enqueue_dma source(%dma_start3A_115 : memref<80xi32, #tpu.memory_space<hbm>>) target(%arg16 : memref<80xi32, #tpu.memory_space<vmem>>) target_semaphore(%arg27 : memref<!tpu.dma_semaphore, #tpu.memory_space<semaphore_mem>>)
      %dma_start3A_116 = arith.constant 2 : i32
      %dma_start3A_117 = arith.constant 0 : i32
      %dma_start3A_118 = tpu.memref_slice %arg4[%arg1, %dma_start3A_116, %dma_start3A_117] : memref<16x128x80xi32, #tpu.memory_space<hbm>> -> memref<1x1x80xi32, #tpu.memory_space<hbm>>
      %dma_start3A_119 = tpu.memref_squeeze %dma_start3A_118 : memref<1x1x80xi32, #tpu.memory_space<hbm>> -> memref<80xi32, #tpu.memory_space<hbm>>
      %dma_start3A_120 = arith.constant 0 : i32
      %dma_start3A_121 = tpu.memref_slice %arg4[%arg1, %dma_start3A_116, %dma_start3A_120] : memref<16x128x80xi32, #tpu.memory_space<hbm>> -> memref<1x1x80xi32, #tpu.memory_space<hbm>>
      %dma_start3A_122 = tpu.memref_squeeze %dma_start3A_121 : memref<1x1x80xi32, #tpu.memory_space<hbm>> -> memref<80xi32, #tpu.memory_space<hbm>>
      tpu.enqueue_dma source(%dma_start3A_122 : memref<80xi32, #tpu.memory_space<hbm>>) target(%arg13 : memref<80xi32, #tpu.memory_space<vmem>>) target_semaphore(%arg28 : memref<!tpu.dma_semaphore, #tpu.memory_space<semaphore_mem>>)
      %dma_start3A_123 = arith.constant 2 : i32
      %dma_start3A_124 = arith.constant 0 : i32
      %dma_start3A_125 = tpu.memref_slice %arg5[%arg1, %dma_start3A_123, %dma_start3A_124] : memref<16x128x80xi32, #tpu.memory_space<hbm>> -> memref<1x1x80xi32, #tpu.memory_space<hbm>>
      %dma_start3A_126 = tpu.memref_squeeze %dma_start3A_125 : memref<1x1x80xi32, #tpu.memory_space<hbm>> -> memref<80xi32, #tpu.memory_space<hbm>>
      %dma_start3A_127 = arith.constant 0 : i32
      %dma_start3A_128 = tpu.memref_slice %arg5[%arg1, %dma_start3A_123, %dma_start3A_127] : memref<16x128x80xi32, #tpu.memory_space<hbm>> -> memref<1x1x80xi32, #tpu.memory_space<hbm>>
      %dma_start3A_129 = tpu.memref_squeeze %dma_start3A_128 : memref<1x1x80xi32, #tpu.memory_space<hbm>> -> memref<80xi32, #tpu.memory_space<hbm>>
      tpu.enqueue_dma source(%dma_start3A_129 : memref<80xi32, #tpu.memory_space<hbm>>) target(%arg17 : memref<80xi32, #tpu.memory_space<vmem>>) target_semaphore(%arg28 : memref<!tpu.dma_semaphore, #tpu.memory_space<semaphore_mem>>)
      %dma_wait3A = arith.constant 0 : i32
      %dma_wait3A_130 = arith.constant 0 : i32
      %dma_wait3A_131 = tpu.memref_slice %arg4[%arg1, %dma_wait3A, %dma_wait3A_130] : memref<16x128x80xi32, #tpu.memory_space<hbm>> -> memref<1x1x80xi32, #tpu.memory_space<hbm>>
      %dma_wait3A_132 = tpu.memref_squeeze %dma_wait3A_131 : memref<1x1x80xi32, #tpu.memory_space<hbm>> -> memref<80xi32, #tpu.memory_space<hbm>>
      %dma_wait3A_133 = arith.constant 0 : i32
      %dma_wait3A_134 = tpu.memref_slice %arg4[%arg1, %dma_wait3A, %dma_wait3A_133] : memref<16x128x80xi32, #tpu.memory_space<hbm>> -> memref<1x1x80xi32, #tpu.memory_space<hbm>>
      %dma_wait3A_135 = tpu.memref_squeeze %dma_wait3A_134 : memref<1x1x80xi32, #tpu.memory_space<hbm>> -> memref<80xi32, #tpu.memory_space<hbm>>
      tpu.wait_dma2 semaphore(%arg26 : memref<!tpu.dma_semaphore, #tpu.memory_space<semaphore_mem>>) src(%dma_wait3A_135 : memref<80xi32, #tpu.memory_space<hbm>>) dst(%arg11 : memref<80xi32, #tpu.memory_space<vmem>>)
      %dma_wait3A_136 = arith.constant 0 : i32
      %dma_wait3A_137 = arith.constant 0 : i32
      %dma_wait3A_138 = tpu.memref_slice %arg5[%arg1, %dma_wait3A_136, %dma_wait3A_137] : memref<16x128x80xi32, #tpu.memory_space<hbm>> -> memref<1x1x80xi32, #tpu.memory_space<hbm>>
      %dma_wait3A_139 = tpu.memref_squeeze %dma_wait3A_138 : memref<1x1x80xi32, #tpu.memory_space<hbm>> -> memref<80xi32, #tpu.memory_space<hbm>>
      %dma_wait3A_140 = arith.constant 0 : i32
      %dma_wait3A_141 = tpu.memref_slice %arg5[%arg1, %dma_wait3A_136, %dma_wait3A_140] : memref<16x128x80xi32, #tpu.memory_space<hbm>> -> memref<1x1x80xi32, #tpu.memory_space<hbm>>
      %dma_wait3A_142 = tpu.memref_squeeze %dma_wait3A_141 : memref<1x1x80xi32, #tpu.memory_space<hbm>> -> memref<80xi32, #tpu.memory_space<hbm>>
      tpu.wait_dma2 semaphore(%arg26 : memref<!tpu.dma_semaphore, #tpu.memory_space<semaphore_mem>>) src(%dma_wait3A_142 : memref<80xi32, #tpu.memory_space<hbm>>) dst(%arg15 : memref<80xi32, #tpu.memory_space<vmem>>)
      %dma_start3A_143 = arith.constant 0 : i32
      %dma_start3A_144 = arith.constant 0 : i32
      %dma_start3A_145 = tpu.memref_slice %arg3[%dma_start3A_143, %dma_start3A_144] : memref<10000x128xf32, #tpu.memory_space<hbm>> -> memref<10000x128xf32, #tpu.memory_space<hbm>>
      tpu.enqueue_indirect_dma source(%dma_start3A_145 : memref<10000x128xf32, #tpu.memory_space<hbm>>) target(%arg19 : memref<80x128xf32, #tpu.memory_space<vmem>>) offsets(%arg11 : memref<80xi32, #tpu.memory_space<vmem>>) semaphore(%arg30 : memref<!tpu.dma_semaphore, #tpu.memory_space<semaphore_mem>>)
      %dma_wait3A_146 = arith.constant 0 : i32
      %dma_wait3A_147 = arith.constant 0 : i32
      %dma_wait3A_148 = tpu.memref_slice %arg4[%arg1, %dma_wait3A_146, %dma_wait3A_147] : memref<16x128x80xi32, #tpu.memory_space<hbm>> -> memref<1x1x80xi32, #tpu.memory_space<hbm>>
      %dma_wait3A_149 = tpu.memref_squeeze %dma_wait3A_148 : memref<1x1x80xi32, #tpu.memory_space<hbm>> -> memref<80xi32, #tpu.memory_space<hbm>>
      %dma_wait3A_150 = arith.constant 0 : i32
      %dma_wait3A_151 = tpu.memref_slice %arg4[%arg1, %dma_wait3A_146, %dma_wait3A_150] : memref<16x128x80xi32, #tpu.memory_space<hbm>> -> memref<1x1x80xi32, #tpu.memory_space<hbm>>
      %dma_wait3A_152 = tpu.memref_squeeze %dma_wait3A_151 : memref<1x1x80xi32, #tpu.memory_space<hbm>> -> memref<80xi32, #tpu.memory_space<hbm>>
      tpu.wait_dma2 semaphore(%arg27 : memref<!tpu.dma_semaphore, #tpu.memory_space<semaphore_mem>>) src(%dma_wait3A_152 : memref<80xi32, #tpu.memory_space<hbm>>) dst(%arg12 : memref<80xi32, #tpu.memory_space<vmem>>)
      %dma_wait3A_153 = arith.constant 0 : i32
      %dma_wait3A_154 = arith.constant 0 : i32
      %dma_wait3A_155 = tpu.memref_slice %arg5[%arg1, %dma_wait3A_153, %dma_wait3A_154] : memref<16x128x80xi32, #tpu.memory_space<hbm>> -> memref<1x1x80xi32, #tpu.memory_space<hbm>>
      %dma_wait3A_156 = tpu.memref_squeeze %dma_wait3A_155 : memref<1x1x80xi32, #tpu.memory_space<hbm>> -> memref<80xi32, #tpu.memory_space<hbm>>
      %dma_wait3A_157 = arith.constant 0 : i32
      %dma_wait3A_158 = tpu.memref_slice %arg5[%arg1, %dma_wait3A_153, %dma_wait3A_157] : memref<16x128x80xi32, #tpu.memory_space<hbm>> -> memref<1x1x80xi32, #tpu.memory_space<hbm>>
      %dma_wait3A_159 = tpu.memref_squeeze %dma_wait3A_158 : memref<1x1x80xi32, #tpu.memory_space<hbm>> -> memref<80xi32, #tpu.memory_space<hbm>>
      tpu.wait_dma2 semaphore(%arg27 : memref<!tpu.dma_semaphore, #tpu.memory_space<semaphore_mem>>) src(%dma_wait3A_159 : memref<80xi32, #tpu.memory_space<hbm>>) dst(%arg16 : memref<80xi32, #tpu.memory_space<vmem>>)
      %dma_start3A_160 = arith.constant 0 : i32
      %dma_start3A_161 = arith.constant 0 : i32
      %dma_start3A_162 = tpu.memref_slice %arg3[%dma_start3A_160, %dma_start3A_161] : memref<10000x128xf32, #tpu.memory_space<hbm>> -> memref<10000x128xf32, #tpu.memory_space<hbm>>
      tpu.enqueue_indirect_dma source(%dma_start3A_162 : memref<10000x128xf32, #tpu.memory_space<hbm>>) target(%arg20 : memref<80x128xf32, #tpu.memory_space<vmem>>) offsets(%arg12 : memref<80xi32, #tpu.memory_space<vmem>>) semaphore(%arg31 : memref<!tpu.dma_semaphore, #tpu.memory_space<semaphore_mem>>)
      %dma_wait3A_163 = arith.constant 0 : i32
      %dma_wait3A_164 = arith.constant 0 : i32
      %dma_wait3A_165 = tpu.memref_slice %arg4[%arg1, %dma_wait3A_163, %dma_wait3A_164] : memref<16x128x80xi32, #tpu.memory_space<hbm>> -> memref<1x1x80xi32, #tpu.memory_space<hbm>>
      %dma_wait3A_166 = tpu.memref_squeeze %dma_wait3A_165 : memref<1x1x80xi32, #tpu.memory_space<hbm>> -> memref<80xi32, #tpu.memory_space<hbm>>
      %dma_wait3A_167 = arith.constant 0 : i32
      %dma_wait3A_168 = tpu.memref_slice %arg4[%arg1, %dma_wait3A_163, %dma_wait3A_167] : memref<16x128x80xi32, #tpu.memory_space<hbm>> -> memref<1x1x80xi32, #tpu.memory_space<hbm>>
      %dma_wait3A_169 = tpu.memref_squeeze %dma_wait3A_168 : memref<1x1x80xi32, #tpu.memory_space<hbm>> -> memref<80xi32, #tpu.memory_space<hbm>>
      tpu.wait_dma2 semaphore(%arg28 : memref<!tpu.dma_semaphore, #tpu.memory_space<semaphore_mem>>) src(%dma_wait3A_169 : memref<80xi32, #tpu.memory_space<hbm>>) dst(%arg13 : memref<80xi32, #tpu.memory_space<vmem>>)
      %dma_wait3A_170 = arith.constant 0 : i32
      %dma_wait3A_171 = arith.constant 0 : i32
      %dma_wait3A_172 = tpu.memref_slice %arg5[%arg1, %dma_wait3A_170, %dma_wait3A_171] : memref<16x128x80xi32, #tpu.memory_space<hbm>> -> memref<1x1x80xi32, #tpu.memory_space<hbm>>
      %dma_wait3A_173 = tpu.memref_squeeze %dma_wait3A_172 : memref<1x1x80xi32, #tpu.memory_space<hbm>> -> memref<80xi32, #tpu.memory_space<hbm>>
      %dma_wait3A_174 = arith.constant 0 : i32
      %dma_wait3A_175 = tpu.memref_slice %arg5[%arg1, %dma_wait3A_170, %dma_wait3A_174] : memref<16x128x80xi32, #tpu.memory_space<hbm>> -> memref<1x1x80xi32, #tpu.memory_space<hbm>>
      %dma_wait3A_176 = tpu.memref_squeeze %dma_wait3A_175 : memref<1x1x80xi32, #tpu.memory_space<hbm>> -> memref<80xi32, #tpu.memory_space<hbm>>
      tpu.wait_dma2 semaphore(%arg28 : memref<!tpu.dma_semaphore, #tpu.memory_space<semaphore_mem>>) src(%dma_wait3A_176 : memref<80xi32, #tpu.memory_space<hbm>>) dst(%arg17 : memref<80xi32, #tpu.memory_space<vmem>>)
      %dma_start3A_177 = arith.constant 0 : i32
      %dma_start3A_178 = arith.constant 0 : i32
      %dma_start3A_179 = tpu.memref_slice %arg3[%dma_start3A_177, %dma_start3A_178] : memref<10000x128xf32, #tpu.memory_space<hbm>> -> memref<10000x128xf32, #tpu.memory_space<hbm>>
      tpu.enqueue_indirect_dma source(%dma_start3A_179 : memref<10000x128xf32, #tpu.memory_space<hbm>>) target(%arg21 : memref<80x128xf32, #tpu.memory_space<vmem>>) offsets(%arg13 : memref<80xi32, #tpu.memory_space<vmem>>) semaphore(%arg32 : memref<!tpu.dma_semaphore, #tpu.memory_space<semaphore_mem>>)
      %dma_start3A_180 = arith.constant 3 : i32
      %dma_start3A_181 = arith.constant 0 : i32
      %dma_start3A_182 = tpu.memref_slice %arg4[%arg1, %dma_start3A_180, %dma_start3A_181] : memref<16x128x80xi32, #tpu.memory_space<hbm>> -> memref<1x1x80xi32, #tpu.memory_space<hbm>>
      %dma_start3A_183 = tpu.memref_squeeze %dma_start3A_182 : memref<1x1x80xi32, #tpu.memory_space<hbm>> -> memref<80xi32, #tpu.memory_space<hbm>>
      %dma_start3A_184 = arith.constant 0 : i32
      %dma_start3A_185 = tpu.memref_slice %arg4[%arg1, %dma_start3A_180, %dma_start3A_184] : memref<16x128x80xi32, #tpu.memory_space<hbm>> -> memref<1x1x80xi32, #tpu.memory_space<hbm>>
      %dma_start3A_186 = tpu.memref_squeeze %dma_start3A_185 : memref<1x1x80xi32, #tpu.memory_space<hbm>> -> memref<80xi32, #tpu.memory_space<hbm>>
      tpu.enqueue_dma source(%dma_start3A_186 : memref<80xi32, #tpu.memory_space<hbm>>) target(%arg14 : memref<80xi32, #tpu.memory_space<vmem>>) target_semaphore(%arg29 : memref<!tpu.dma_semaphore, #tpu.memory_space<semaphore_mem>>)
      %dma_start3A_187 = arith.constant 3 : i32
      %dma_start3A_188 = arith.constant 0 : i32
      %dma_start3A_189 = tpu.memref_slice %arg5[%arg1, %dma_start3A_187, %dma_start3A_188] : memref<16x128x80xi32, #tpu.memory_space<hbm>> -> memref<1x1x80xi32, #tpu.memory_space<hbm>>
      %dma_start3A_190 = tpu.memref_squeeze %dma_start3A_189 : memref<1x1x80xi32, #tpu.memory_space<hbm>> -> memref<80xi32, #tpu.memory_space<hbm>>
      %dma_start3A_191 = arith.constant 0 : i32
      %dma_start3A_192 = tpu.memref_slice %arg5[%arg1, %dma_start3A_187, %dma_start3A_191] : memref<16x128x80xi32, #tpu.memory_space<hbm>> -> memref<1x1x80xi32, #tpu.memory_space<hbm>>
      %dma_start3A_193 = tpu.memref_squeeze %dma_start3A_192 : memref<1x1x80xi32, #tpu.memory_space<hbm>> -> memref<80xi32, #tpu.memory_space<hbm>>
      tpu.enqueue_dma source(%dma_start3A_193 : memref<80xi32, #tpu.memory_space<hbm>>) target(%arg18 : memref<80xi32, #tpu.memory_space<vmem>>) target_semaphore(%arg29 : memref<!tpu.dma_semaphore, #tpu.memory_space<semaphore_mem>>)
      %scan3A = arith.constant 0 : i32
      %scan3A_194 = arith.constant 0 : i32
      %scan3A_195 = arith.constant 32 : i32
      %scan3A_196 = arith.addi %scan3A_194, %scan3A_195 : i32
      %scan3A_197 = arith.constant 1 : i32
      scf.for %scan3A_199 = %scan3A_194 to %scan3A_196 step %scan3A_197  : i32 {
        %mul3A = arith.constant 4 : i32
        %mul3A_200 = arith.muli %mul3A, %scan3A_199 : i32
        %add3A = arith.constant 0 : i32
        %add3A_201 = arith.addi %mul3A_200, %add3A : i32
        %add3A_202 = arith.constant 4 : i32
        %add3A_203 = arith.addi %add3A_201, %add3A_202 : i32
        %sub3A = arith.constant 1 : i32
        %sub3A_204 = arith.subi %add3A_203, %sub3A : i32
        %lt3A_205 = arith.constant 128 : i32
        %lt3A_206 = arith.cmpi slt, %sub3A_204, %lt3A_205 : i32
        %convert_element_type3A_207 = arith.extui %lt3A_206 : i1 to i32
        %cond3A_208 = arith.constant 0 : i32
        %cond3A_209 = arith.cmpi ne, %convert_element_type3A_207, %cond3A_208 : i32
        scf.if %cond3A_209 {
          %dma_wait3A_283 = arith.constant 0 : i32
          %dma_wait3A_284 = arith.constant 0 : i32
          %dma_wait3A_285 = tpu.memref_slice %arg4[%arg1, %dma_wait3A_283, %dma_wait3A_284] : memref<16x128x80xi32, #tpu.memory_space<hbm>> -> memref<1x1x80xi32, #tpu.memory_space<hbm>>
          %dma_wait3A_286 = tpu.memref_squeeze %dma_wait3A_285 : memref<1x1x80xi32, #tpu.memory_space<hbm>> -> memref<80xi32, #tpu.memory_space<hbm>>
          %dma_wait3A_287 = arith.constant 0 : i32
          %dma_wait3A_288 = tpu.memref_slice %arg4[%arg1, %dma_wait3A_283, %dma_wait3A_287] : memref<16x128x80xi32, #tpu.memory_space<hbm>> -> memref<1x1x80xi32, #tpu.memory_space<hbm>>
          %dma_wait3A_289 = tpu.memref_squeeze %dma_wait3A_288 : memref<1x1x80xi32, #tpu.memory_space<hbm>> -> memref<80xi32, #tpu.memory_space<hbm>>
          tpu.wait_dma2 semaphore(%arg29 : memref<!tpu.dma_semaphore, #tpu.memory_space<semaphore_mem>>) src(%dma_wait3A_289 : memref<80xi32, #tpu.memory_space<hbm>>) dst(%arg14 : memref<80xi32, #tpu.memory_space<vmem>>)
          %dma_wait3A_290 = arith.constant 0 : i32
          %dma_wait3A_291 = arith.constant 0 : i32
          %dma_wait3A_292 = tpu.memref_slice %arg5[%arg1, %dma_wait3A_290, %dma_wait3A_291] : memref<16x128x80xi32, #tpu.memory_space<hbm>> -> memref<1x1x80xi32, #tpu.memory_space<hbm>>
          %dma_wait3A_293 = tpu.memref_squeeze %dma_wait3A_292 : memref<1x1x80xi32, #tpu.memory_space<hbm>> -> memref<80xi32, #tpu.memory_space<hbm>>
          %dma_wait3A_294 = arith.constant 0 : i32
          %dma_wait3A_295 = tpu.memref_slice %arg5[%arg1, %dma_wait3A_290, %dma_wait3A_294] : memref<16x128x80xi32, #tpu.memory_space<hbm>> -> memref<1x1x80xi32, #tpu.memory_space<hbm>>
          %dma_wait3A_296 = tpu.memref_squeeze %dma_wait3A_295 : memref<1x1x80xi32, #tpu.memory_space<hbm>> -> memref<80xi32, #tpu.memory_space<hbm>>
          tpu.wait_dma2 semaphore(%arg29 : memref<!tpu.dma_semaphore, #tpu.memory_space<semaphore_mem>>) src(%dma_wait3A_296 : memref<80xi32, #tpu.memory_space<hbm>>) dst(%arg18 : memref<80xi32, #tpu.memory_space<vmem>>)
          %dma_start3A_297 = arith.constant 0 : i32
          %dma_start3A_298 = arith.constant 0 : i32
          %dma_start3A_299 = tpu.memref_slice %arg3[%dma_start3A_297, %dma_start3A_298] : memref<10000x128xf32, #tpu.memory_space<hbm>> -> memref<10000x128xf32, #tpu.memory_space<hbm>>
          tpu.enqueue_indirect_dma source(%dma_start3A_299 : memref<10000x128xf32, #tpu.memory_space<hbm>>) target(%arg22 : memref<80x128xf32, #tpu.memory_space<vmem>>) offsets(%arg14 : memref<80xi32, #tpu.memory_space<vmem>>) semaphore(%arg33 : memref<!tpu.dma_semaphore, #tpu.memory_space<semaphore_mem>>)
        } else {
        }
        %dma_wait3A_210 = arith.constant 0 : i32
        %dma_wait3A_211 = arith.constant 0 : i32
        %dma_wait3A_212 = tpu.memref_slice %arg3[%dma_wait3A_210, %dma_wait3A_211] : memref<10000x128xf32, #tpu.memory_space<hbm>> -> memref<10000x128xf32, #tpu.memory_space<hbm>>
        tpu.wait_indirect_dma semaphore(%arg30 : memref<!tpu.dma_semaphore, #tpu.memory_space<semaphore_mem>>) src(%dma_wait3A_212 : memref<10000x128xf32, #tpu.memory_space<hbm>>) dst(%arg19 : memref<80x128xf32, #tpu.memory_space<vmem>>)
        "tpu.region"() ({
          %run_scoped3A = tpu.sem_alloc : memref<!tpu.dma_semaphore, #tpu.memory_space<semaphore_mem>>
          %dma_start3A_283 = arith.constant 0 : i32
          %dma_start3A_284 = arith.constant 0 : i32
          %dma_start3A_285 = tpu.memref_slice %arg24[%dma_start3A_283, %dma_start3A_284] : memref<10240x128xf32, #tpu.memory_space<vmem_shared>> -> memref<10240x128xf32, #tpu.memory_space<vmem_shared>>
          tpu.enqueue_indirect_dma source(%arg19 : memref<80x128xf32, #tpu.memory_space<vmem>>) target(%dma_start3A_285 : memref<10240x128xf32, #tpu.memory_space<vmem_shared>>) offsets(%arg15 : memref<80xi32, #tpu.memory_space<vmem>>) semaphore(%run_scoped3A : memref<!tpu.dma_semaphore, #tpu.memory_space<semaphore_mem>>) {add = true}
          %dma_wait3A_286 = arith.constant 0 : i32
          %dma_wait3A_287 = arith.constant 0 : i32
          %dma_wait3A_288 = tpu.memref_slice %arg24[%dma_wait3A_286, %dma_wait3A_287] : memref<10240x128xf32, #tpu.memory_space<vmem_shared>> -> memref<10240x128xf32, #tpu.memory_space<vmem_shared>>
          tpu.wait_indirect_dma semaphore(%run_scoped3A : memref<!tpu.dma_semaphore, #tpu.memory_space<semaphore_mem>>) src(%arg19 : memref<80x128xf32, #tpu.memory_space<vmem>>) dst(%dma_wait3A_288 : memref<10240x128xf32, #tpu.memory_space<vmem_shared>>)
          tpu.yield
        }) : () -> ()
        "tpu.region"() ({
          %run_scoped3A = tpu.sem_alloc : memref<!tpu.dma_semaphore, #tpu.memory_space<semaphore_mem>>
          %dma_start3A_283 = arith.constant 0 : i32
          %dma_start3A_284 = tpu.memref_slice %arg25[%dma_start3A_283] : memref<10240xf32, #tpu.memory_space<vmem_shared>> -> memref<10240xf32, #tpu.memory_space<vmem_shared>>
          tpu.enqueue_indirect_dma source(%arg23 : memref<80xf32, #tpu.memory_space<vmem>>) target(%dma_start3A_284 : memref<10240xf32, #tpu.memory_space<vmem_shared>>) offsets(%arg15 : memref<80xi32, #tpu.memory_space<vmem>>) semaphore(%run_scoped3A : memref<!tpu.dma_semaphore, #tpu.memory_space<semaphore_mem>>) {add = true}
          %dma_wait3A_285 = arith.constant 0 : i32
          %dma_wait3A_286 = tpu.memref_slice %arg25[%dma_wait3A_285] : memref<10240xf32, #tpu.memory_space<vmem_shared>> -> memref<10240xf32, #tpu.memory_space<vmem_shared>>
          tpu.wait_indirect_dma semaphore(%run_scoped3A : memref<!tpu.dma_semaphore, #tpu.memory_space<semaphore_mem>>) src(%arg23 : memref<80xf32, #tpu.memory_space<vmem>>) dst(%dma_wait3A_286 : memref<10240xf32, #tpu.memory_space<vmem_shared>>)
          tpu.yield
        }) : () -> ()
        %add3A_213 = arith.constant 4 : i32
        %add3A_214 = arith.addi %add3A_201, %add3A_213 : i32
        %lt3A_215 = arith.constant 128 : i32
        %lt3A_216 = arith.cmpi slt, %add3A_214, %lt3A_215 : i32
        %convert_element_type3A_217 = arith.extui %lt3A_216 : i1 to i32
        %cond3A_218 = arith.constant 0 : i32
        %cond3A_219 = arith.cmpi ne, %convert_element_type3A_217, %cond3A_218 : i32
        scf.if %cond3A_219 {
          %add3A_283 = arith.constant 4 : i32
          %add3A_284 = arith.addi %add3A_201, %add3A_283 : i32
          %dma_start3A_285 = arith.constant 0 : i32
          %dma_start3A_286 = tpu.memref_slice %arg4[%arg1, %add3A_284, %dma_start3A_285] : memref<16x128x80xi32, #tpu.memory_space<hbm>> -> memref<1x1x80xi32, #tpu.memory_space<hbm>>
          %dma_start3A_287 = tpu.memref_squeeze %dma_start3A_286 : memref<1x1x80xi32, #tpu.memory_space<hbm>> -> memref<80xi32, #tpu.memory_space<hbm>>
          %dma_start3A_288 = arith.constant 0 : i32
          %dma_start3A_289 = tpu.memref_slice %arg4[%arg1, %add3A_284, %dma_start3A_288] : memref<16x128x80xi32, #tpu.memory_space<hbm>> -> memref<1x1x80xi32, #tpu.memory_space<hbm>>
          %dma_start3A_290 = tpu.memref_squeeze %dma_start3A_289 : memref<1x1x80xi32, #tpu.memory_space<hbm>> -> memref<80xi32, #tpu.memory_space<hbm>>
          tpu.enqueue_dma source(%dma_start3A_290 : memref<80xi32, #tpu.memory_space<hbm>>) target(%arg11 : memref<80xi32, #tpu.memory_space<vmem>>) target_semaphore(%arg26 : memref<!tpu.dma_semaphore, #tpu.memory_space<semaphore_mem>>)
          %dma_start3A_291 = arith.constant 0 : i32
          %dma_start3A_292 = tpu.memref_slice %arg5[%arg1, %add3A_284, %dma_start3A_291] : memref<16x128x80xi32, #tpu.memory_space<hbm>> -> memref<1x1x80xi32, #tpu.memory_space<hbm>>
          %dma_start3A_293 = tpu.memref_squeeze %dma_start3A_292 : memref<1x1x80xi32, #tpu.memory_space<hbm>> -> memref<80xi32, #tpu.memory_space<hbm>>
          %dma_start3A_294 = arith.constant 0 : i32
          %dma_start3A_295 = tpu.memref_slice %arg5[%arg1, %add3A_284, %dma_start3A_294] : memref<16x128x80xi32, #tpu.memory_space<hbm>> -> memref<1x1x80xi32, #tpu.memory_space<hbm>>
          %dma_start3A_296 = tpu.memref_squeeze %dma_start3A_295 : memref<1x1x80xi32, #tpu.memory_space<hbm>> -> memref<80xi32, #tpu.memory_space<hbm>>
          tpu.enqueue_dma source(%dma_start3A_296 : memref<80xi32, #tpu.memory_space<hbm>>) target(%arg15 : memref<80xi32, #tpu.memory_space<vmem>>) target_semaphore(%arg26 : memref<!tpu.dma_semaphore, #tpu.memory_space<semaphore_mem>>)
        } else {
        }
        %add3A_220 = arith.constant 1 : i32
        %add3A_221 = arith.addi %mul3A_200, %add3A_220 : i32
        %add3A_222 = arith.constant 4 : i32
        %add3A_223 = arith.addi %add3A_221, %add3A_222 : i32
        %sub3A_224 = arith.constant 1 : i32
        %sub3A_225 = arith.subi %add3A_223, %sub3A_224 : i32
        %lt3A_226 = arith.constant 128 : i32
        %lt3A_227 = arith.cmpi slt, %sub3A_225, %lt3A_226 : i32
        %convert_element_type3A_228 = arith.extui %lt3A_227 : i1 to i32
        %cond3A_229 = arith.constant 0 : i32
        %cond3A_230 = arith.cmpi ne, %convert_element_type3A_228, %cond3A_229 : i32
        scf.if %cond3A_230 {
          %dma_wait3A_283 = arith.constant 0 : i32
          %dma_wait3A_284 = arith.constant 0 : i32
          %dma_wait3A_285 = tpu.memref_slice %arg4[%arg1, %dma_wait3A_283, %dma_wait3A_284] : memref<16x128x80xi32, #tpu.memory_space<hbm>> -> memref<1x1x80xi32, #tpu.memory_space<hbm>>
          %dma_wait3A_286 = tpu.memref_squeeze %dma_wait3A_285 : memref<1x1x80xi32, #tpu.memory_space<hbm>> -> memref<80xi32, #tpu.memory_space<hbm>>
          %dma_wait3A_287 = arith.constant 0 : i32
          %dma_wait3A_288 = tpu.memref_slice %arg4[%arg1, %dma_wait3A_283, %dma_wait3A_287] : memref<16x128x80xi32, #tpu.memory_space<hbm>> -> memref<1x1x80xi32, #tpu.memory_space<hbm>>
          %dma_wait3A_289 = tpu.memref_squeeze %dma_wait3A_288 : memref<1x1x80xi32, #tpu.memory_space<hbm>> -> memref<80xi32, #tpu.memory_space<hbm>>
          tpu.wait_dma2 semaphore(%arg26 : memref<!tpu.dma_semaphore, #tpu.memory_space<semaphore_mem>>) src(%dma_wait3A_289 : memref<80xi32, #tpu.memory_space<hbm>>) dst(%arg11 : memref<80xi32, #tpu.memory_space<vmem>>)
          %dma_wait3A_290 = arith.constant 0 : i32
          %dma_wait3A_291 = arith.constant 0 : i32
          %dma_wait3A_292 = tpu.memref_slice %arg5[%arg1, %dma_wait3A_290, %dma_wait3A_291] : memref<16x128x80xi32, #tpu.memory_space<hbm>> -> memref<1x1x80xi32, #tpu.memory_space<hbm>>
          %dma_wait3A_293 = tpu.memref_squeeze %dma_wait3A_292 : memref<1x1x80xi32, #tpu.memory_space<hbm>> -> memref<80xi32, #tpu.memory_space<hbm>>
          %dma_wait3A_294 = arith.constant 0 : i32
          %dma_wait3A_295 = tpu.memref_slice %arg5[%arg1, %dma_wait3A_290, %dma_wait3A_294] : memref<16x128x80xi32, #tpu.memory_space<hbm>> -> memref<1x1x80xi32, #tpu.memory_space<hbm>>
          %dma_wait3A_296 = tpu.memref_squeeze %dma_wait3A_295 : memref<1x1x80xi32, #tpu.memory_space<hbm>> -> memref<80xi32, #tpu.memory_space<hbm>>
          tpu.wait_dma2 semaphore(%arg26 : memref<!tpu.dma_semaphore, #tpu.memory_space<semaphore_mem>>) src(%dma_wait3A_296 : memref<80xi32, #tpu.memory_space<hbm>>) dst(%arg15 : memref<80xi32, #tpu.memory_space<vmem>>)
          %dma_start3A_297 = arith.constant 0 : i32
          %dma_start3A_298 = arith.constant 0 : i32
          %dma_start3A_299 = tpu.memref_slice %arg3[%dma_start3A_297, %dma_start3A_298] : memref<10000x128xf32, #tpu.memory_space<hbm>> -> memref<10000x128xf32, #tpu.memory_space<hbm>>
          tpu.enqueue_indirect_dma source(%dma_start3A_299 : memref<10000x128xf32, #tpu.memory_space<hbm>>) target(%arg19 : memref<80x128xf32, #tpu.memory_space<vmem>>) offsets(%arg11 : memref<80xi32, #tpu.memory_space<vmem>>) semaphore(%arg30 : memref<!tpu.dma_semaphore, #tpu.memory_space<semaphore_mem>>)
        } else {
        }
        %dma_wait3A_231 = arith.constant 0 : i32
        %dma_wait3A_232 = arith.constant 0 : i32
        %dma_wait3A_233 = tpu.memref_slice %arg3[%dma_wait3A_231, %dma_wait3A_232] : memref<10000x128xf32, #tpu.memory_space<hbm>> -> memref<10000x128xf32, #tpu.memory_space<hbm>>
        tpu.wait_indirect_dma semaphore(%arg31 : memref<!tpu.dma_semaphore, #tpu.memory_space<semaphore_mem>>) src(%dma_wait3A_233 : memref<10000x128xf32, #tpu.memory_space<hbm>>) dst(%arg20 : memref<80x128xf32, #tpu.memory_space<vmem>>)
        "tpu.region"() ({
          %run_scoped3A = tpu.sem_alloc : memref<!tpu.dma_semaphore, #tpu.memory_space<semaphore_mem>>
          %dma_start3A_283 = arith.constant 0 : i32
          %dma_start3A_284 = arith.constant 0 : i32
          %dma_start3A_285 = tpu.memref_slice %arg24[%dma_start3A_283, %dma_start3A_284] : memref<10240x128xf32, #tpu.memory_space<vmem_shared>> -> memref<10240x128xf32, #tpu.memory_space<vmem_shared>>
          tpu.enqueue_indirect_dma source(%arg20 : memref<80x128xf32, #tpu.memory_space<vmem>>) target(%dma_start3A_285 : memref<10240x128xf32, #tpu.memory_space<vmem_shared>>) offsets(%arg16 : memref<80xi32, #tpu.memory_space<vmem>>) semaphore(%run_scoped3A : memref<!tpu.dma_semaphore, #tpu.memory_space<semaphore_mem>>) {add = true}
          %dma_wait3A_286 = arith.constant 0 : i32
          %dma_wait3A_287 = arith.constant 0 : i32
          %dma_wait3A_288 = tpu.memref_slice %arg24[%dma_wait3A_286, %dma_wait3A_287] : memref<10240x128xf32, #tpu.memory_space<vmem_shared>> -> memref<10240x128xf32, #tpu.memory_space<vmem_shared>>
          tpu.wait_indirect_dma semaphore(%run_scoped3A : memref<!tpu.dma_semaphore, #tpu.memory_space<semaphore_mem>>) src(%arg20 : memref<80x128xf32, #tpu.memory_space<vmem>>) dst(%dma_wait3A_288 : memref<10240x128xf32, #tpu.memory_space<vmem_shared>>)
          tpu.yield
        }) : () -> ()
        "tpu.region"() ({
          %run_scoped3A = tpu.sem_alloc : memref<!tpu.dma_semaphore, #tpu.memory_space<semaphore_mem>>
          %dma_start3A_283 = arith.constant 0 : i32
          %dma_start3A_284 = tpu.memref_slice %arg25[%dma_start3A_283] : memref<10240xf32, #tpu.memory_space<vmem_shared>> -> memref<10240xf32, #tpu.memory_space<vmem_shared>>
          tpu.enqueue_indirect_dma source(%arg23 : memref<80xf32, #tpu.memory_space<vmem>>) target(%dma_start3A_284 : memref<10240xf32, #tpu.memory_space<vmem_shared>>) offsets(%arg16 : memref<80xi32, #tpu.memory_space<vmem>>) semaphore(%run_scoped3A : memref<!tpu.dma_semaphore, #tpu.memory_space<semaphore_mem>>) {add = true}
          %dma_wait3A_285 = arith.constant 0 : i32
          %dma_wait3A_286 = tpu.memref_slice %arg25[%dma_wait3A_285] : memref<10240xf32, #tpu.memory_space<vmem_shared>> -> memref<10240xf32, #tpu.memory_space<vmem_shared>>
          tpu.wait_indirect_dma semaphore(%run_scoped3A : memref<!tpu.dma_semaphore, #tpu.memory_space<semaphore_mem>>) src(%arg23 : memref<80xf32, #tpu.memory_space<vmem>>) dst(%dma_wait3A_286 : memref<10240xf32, #tpu.memory_space<vmem_shared>>)
          tpu.yield
        }) : () -> ()
        %add3A_234 = arith.constant 4 : i32
        %add3A_235 = arith.addi %add3A_221, %add3A_234 : i32
        %lt3A_236 = arith.constant 128 : i32
        %lt3A_237 = arith.cmpi slt, %add3A_235, %lt3A_236 : i32
        %convert_element_type3A_238 = arith.extui %lt3A_237 : i1 to i32
        %cond3A_239 = arith.constant 0 : i32
        %cond3A_240 = arith.cmpi ne, %convert_element_type3A_238, %cond3A_239 : i32
        scf.if %cond3A_240 {
          %add3A_283 = arith.constant 4 : i32
          %add3A_284 = arith.addi %add3A_221, %add3A_283 : i32
          %dma_start3A_285 = arith.constant 0 : i32
          %dma_start3A_286 = tpu.memref_slice %arg4[%arg1, %add3A_284, %dma_start3A_285] : memref<16x128x80xi32, #tpu.memory_space<hbm>> -> memref<1x1x80xi32, #tpu.memory_space<hbm>>
          %dma_start3A_287 = tpu.memref_squeeze %dma_start3A_286 : memref<1x1x80xi32, #tpu.memory_space<hbm>> -> memref<80xi32, #tpu.memory_space<hbm>>
          %dma_start3A_288 = arith.constant 0 : i32
          %dma_start3A_289 = tpu.memref_slice %arg4[%arg1, %add3A_284, %dma_start3A_288] : memref<16x128x80xi32, #tpu.memory_space<hbm>> -> memref<1x1x80xi32, #tpu.memory_space<hbm>>
          %dma_start3A_290 = tpu.memref_squeeze %dma_start3A_289 : memref<1x1x80xi32, #tpu.memory_space<hbm>> -> memref<80xi32, #tpu.memory_space<hbm>>
          tpu.enqueue_dma source(%dma_start3A_290 : memref<80xi32, #tpu.memory_space<hbm>>) target(%arg12 : memref<80xi32, #tpu.memory_space<vmem>>) target_semaphore(%arg27 : memref<!tpu.dma_semaphore, #tpu.memory_space<semaphore_mem>>)
          %dma_start3A_291 = arith.constant 0 : i32
          %dma_start3A_292 = tpu.memref_slice %arg5[%arg1, %add3A_284, %dma_start3A_291] : memref<16x128x80xi32, #tpu.memory_space<hbm>> -> memref<1x1x80xi32, #tpu.memory_space<hbm>>
          %dma_start3A_293 = tpu.memref_squeeze %dma_start3A_292 : memref<1x1x80xi32, #tpu.memory_space<hbm>> -> memref<80xi32, #tpu.memory_space<hbm>>
          %dma_start3A_294 = arith.constant 0 : i32
          %dma_start3A_295 = tpu.memref_slice %arg5[%arg1, %add3A_284, %dma_start3A_294] : memref<16x128x80xi32, #tpu.memory_space<hbm>> -> memref<1x1x80xi32, #tpu.memory_space<hbm>>
          %dma_start3A_296 = tpu.memref_squeeze %dma_start3A_295 : memref<1x1x80xi32, #tpu.memory_space<hbm>> -> memref<80xi32, #tpu.memory_space<hbm>>
          tpu.enqueue_dma source(%dma_start3A_296 : memref<80xi32, #tpu.memory_space<hbm>>) target(%arg16 : memref<80xi32, #tpu.memory_space<vmem>>) target_semaphore(%arg27 : memref<!tpu.dma_semaphore, #tpu.memory_space<semaphore_mem>>)
        } else {
        }
        %add3A_241 = arith.constant 2 : i32
        %add3A_242 = arith.addi %mul3A_200, %add3A_241 : i32
        %add3A_243 = arith.constant 4 : i32
        %add3A_244 = arith.addi %add3A_242, %add3A_243 : i32
        %sub3A_245 = arith.constant 1 : i32
        %sub3A_246 = arith.subi %add3A_244, %sub3A_245 : i32
        %lt3A_247 = arith.constant 128 : i32
        %lt3A_248 = arith.cmpi slt, %sub3A_246, %lt3A_247 : i32
        %convert_element_type3A_249 = arith.extui %lt3A_248 : i1 to i32
        %cond3A_250 = arith.constant 0 : i32
        %cond3A_251 = arith.cmpi ne, %convert_element_type3A_249, %cond3A_250 : i32
        scf.if %cond3A_251 {
          %dma_wait3A_283 = arith.constant 0 : i32
          %dma_wait3A_284 = arith.constant 0 : i32
          %dma_wait3A_285 = tpu.memref_slice %arg4[%arg1, %dma_wait3A_283, %dma_wait3A_284] : memref<16x128x80xi32, #tpu.memory_space<hbm>> -> memref<1x1x80xi32, #tpu.memory_space<hbm>>
          %dma_wait3A_286 = tpu.memref_squeeze %dma_wait3A_285 : memref<1x1x80xi32, #tpu.memory_space<hbm>> -> memref<80xi32, #tpu.memory_space<hbm>>
          %dma_wait3A_287 = arith.constant 0 : i32
          %dma_wait3A_288 = tpu.memref_slice %arg4[%arg1, %dma_wait3A_283, %dma_wait3A_287] : memref<16x128x80xi32, #tpu.memory_space<hbm>> -> memref<1x1x80xi32, #tpu.memory_space<hbm>>
          %dma_wait3A_289 = tpu.memref_squeeze %dma_wait3A_288 : memref<1x1x80xi32, #tpu.memory_space<hbm>> -> memref<80xi32, #tpu.memory_space<hbm>>
          tpu.wait_dma2 semaphore(%arg27 : memref<!tpu.dma_semaphore, #tpu.memory_space<semaphore_mem>>) src(%dma_wait3A_289 : memref<80xi32, #tpu.memory_space<hbm>>) dst(%arg12 : memref<80xi32, #tpu.memory_space<vmem>>)
          %dma_wait3A_290 = arith.constant 0 : i32
          %dma_wait3A_291 = arith.constant 0 : i32
          %dma_wait3A_292 = tpu.memref_slice %arg5[%arg1, %dma_wait3A_290, %dma_wait3A_291] : memref<16x128x80xi32, #tpu.memory_space<hbm>> -> memref<1x1x80xi32, #tpu.memory_space<hbm>>
          %dma_wait3A_293 = tpu.memref_squeeze %dma_wait3A_292 : memref<1x1x80xi32, #tpu.memory_space<hbm>> -> memref<80xi32, #tpu.memory_space<hbm>>
          %dma_wait3A_294 = arith.constant 0 : i32
          %dma_wait3A_295 = tpu.memref_slice %arg5[%arg1, %dma_wait3A_290, %dma_wait3A_294] : memref<16x128x80xi32, #tpu.memory_space<hbm>> -> memref<1x1x80xi32, #tpu.memory_space<hbm>>
          %dma_wait3A_296 = tpu.memref_squeeze %dma_wait3A_295 : memref<1x1x80xi32, #tpu.memory_space<hbm>> -> memref<80xi32, #tpu.memory_space<hbm>>
          tpu.wait_dma2 semaphore(%arg27 : memref<!tpu.dma_semaphore, #tpu.memory_space<semaphore_mem>>) src(%dma_wait3A_296 : memref<80xi32, #tpu.memory_space<hbm>>) dst(%arg16 : memref<80xi32, #tpu.memory_space<vmem>>)
          %dma_start3A_297 = arith.constant 0 : i32
          %dma_start3A_298 = arith.constant 0 : i32
          %dma_start3A_299 = tpu.memref_slice %arg3[%dma_start3A_297, %dma_start3A_298] : memref<10000x128xf32, #tpu.memory_space<hbm>> -> memref<10000x128xf32, #tpu.memory_space<hbm>>
          tpu.enqueue_indirect_dma source(%dma_start3A_299 : memref<10000x128xf32, #tpu.memory_space<hbm>>) target(%arg20 : memref<80x128xf32, #tpu.memory_space<vmem>>) offsets(%arg12 : memref<80xi32, #tpu.memory_space<vmem>>) semaphore(%arg31 : memref<!tpu.dma_semaphore, #tpu.memory_space<semaphore_mem>>)
        } else {
        }
        %dma_wait3A_252 = arith.constant 0 : i32
        %dma_wait3A_253 = arith.constant 0 : i32
        %dma_wait3A_254 = tpu.memref_slice %arg3[%dma_wait3A_252, %dma_wait3A_253] : memref<10000x128xf32, #tpu.memory_space<hbm>> -> memref<10000x128xf32, #tpu.memory_space<hbm>>
        tpu.wait_indirect_dma semaphore(%arg32 : memref<!tpu.dma_semaphore, #tpu.memory_space<semaphore_mem>>) src(%dma_wait3A_254 : memref<10000x128xf32, #tpu.memory_space<hbm>>) dst(%arg21 : memref<80x128xf32, #tpu.memory_space<vmem>>)
        "tpu.region"() ({
          %run_scoped3A = tpu.sem_alloc : memref<!tpu.dma_semaphore, #tpu.memory_space<semaphore_mem>>
          %dma_start3A_283 = arith.constant 0 : i32
          %dma_start3A_284 = arith.constant 0 : i32
          %dma_start3A_285 = tpu.memref_slice %arg24[%dma_start3A_283, %dma_start3A_284] : memref<10240x128xf32, #tpu.memory_space<vmem_shared>> -> memref<10240x128xf32, #tpu.memory_space<vmem_shared>>
          tpu.enqueue_indirect_dma source(%arg21 : memref<80x128xf32, #tpu.memory_space<vmem>>) target(%dma_start3A_285 : memref<10240x128xf32, #tpu.memory_space<vmem_shared>>) offsets(%arg17 : memref<80xi32, #tpu.memory_space<vmem>>) semaphore(%run_scoped3A : memref<!tpu.dma_semaphore, #tpu.memory_space<semaphore_mem>>) {add = true}
          %dma_wait3A_286 = arith.constant 0 : i32
          %dma_wait3A_287 = arith.constant 0 : i32
          %dma_wait3A_288 = tpu.memref_slice %arg24[%dma_wait3A_286, %dma_wait3A_287] : memref<10240x128xf32, #tpu.memory_space<vmem_shared>> -> memref<10240x128xf32, #tpu.memory_space<vmem_shared>>
          tpu.wait_indirect_dma semaphore(%run_scoped3A : memref<!tpu.dma_semaphore, #tpu.memory_space<semaphore_mem>>) src(%arg21 : memref<80x128xf32, #tpu.memory_space<vmem>>) dst(%dma_wait3A_288 : memref<10240x128xf32, #tpu.memory_space<vmem_shared>>)
          tpu.yield
        }) : () -> ()
        "tpu.region"() ({
          %run_scoped3A = tpu.sem_alloc : memref<!tpu.dma_semaphore, #tpu.memory_space<semaphore_mem>>
          %dma_start3A_283 = arith.constant 0 : i32
          %dma_start3A_284 = tpu.memref_slice %arg25[%dma_start3A_283] : memref<10240xf32, #tpu.memory_space<vmem_shared>> -> memref<10240xf32, #tpu.memory_space<vmem_shared>>
          tpu.enqueue_indirect_dma source(%arg23 : memref<80xf32, #tpu.memory_space<vmem>>) target(%dma_start3A_284 : memref<10240xf32, #tpu.memory_space<vmem_shared>>) offsets(%arg17 : memref<80xi32, #tpu.memory_space<vmem>>) semaphore(%run_scoped3A : memref<!tpu.dma_semaphore, #tpu.memory_space<semaphore_mem>>) {add = true}
          %dma_wait3A_285 = arith.constant 0 : i32
          %dma_wait3A_286 = tpu.memref_slice %arg25[%dma_wait3A_285] : memref<10240xf32, #tpu.memory_space<vmem_shared>> -> memref<10240xf32, #tpu.memory_space<vmem_shared>>
          tpu.wait_indirect_dma semaphore(%run_scoped3A : memref<!tpu.dma_semaphore, #tpu.memory_space<semaphore_mem>>) src(%arg23 : memref<80xf32, #tpu.memory_space<vmem>>) dst(%dma_wait3A_286 : memref<10240xf32, #tpu.memory_space<vmem_shared>>)
          tpu.yield
        }) : () -> ()
        %add3A_255 = arith.constant 4 : i32
        %add3A_256 = arith.addi %add3A_242, %add3A_255 : i32
        %lt3A_257 = arith.constant 128 : i32
        %lt3A_258 = arith.cmpi slt, %add3A_256, %lt3A_257 : i32
        %convert_element_type3A_259 = arith.extui %lt3A_258 : i1 to i32
        %cond3A_260 = arith.constant 0 : i32
        %cond3A_261 = arith.cmpi ne, %convert_element_type3A_259, %cond3A_260 : i32
        scf.if %cond3A_261 {
          %add3A_283 = arith.constant 4 : i32
          %add3A_284 = arith.addi %add3A_242, %add3A_283 : i32
          %dma_start3A_285 = arith.constant 0 : i32
          %dma_start3A_286 = tpu.memref_slice %arg4[%arg1, %add3A_284, %dma_start3A_285] : memref<16x128x80xi32, #tpu.memory_space<hbm>> -> memref<1x1x80xi32, #tpu.memory_space<hbm>>
          %dma_start3A_287 = tpu.memref_squeeze %dma_start3A_286 : memref<1x1x80xi32, #tpu.memory_space<hbm>> -> memref<80xi32, #tpu.memory_space<hbm>>
          %dma_start3A_288 = arith.constant 0 : i32
          %dma_start3A_289 = tpu.memref_slice %arg4[%arg1, %add3A_284, %dma_start3A_288] : memref<16x128x80xi32, #tpu.memory_space<hbm>> -> memref<1x1x80xi32, #tpu.memory_space<hbm>>
          %dma_start3A_290 = tpu.memref_squeeze %dma_start3A_289 : memref<1x1x80xi32, #tpu.memory_space<hbm>> -> memref<80xi32, #tpu.memory_space<hbm>>
          tpu.enqueue_dma source(%dma_start3A_290 : memref<80xi32, #tpu.memory_space<hbm>>) target(%arg13 : memref<80xi32, #tpu.memory_space<vmem>>) target_semaphore(%arg28 : memref<!tpu.dma_semaphore, #tpu.memory_space<semaphore_mem>>)
          %dma_start3A_291 = arith.constant 0 : i32
          %dma_start3A_292 = tpu.memref_slice %arg5[%arg1, %add3A_284, %dma_start3A_291] : memref<16x128x80xi32, #tpu.memory_space<hbm>> -> memref<1x1x80xi32, #tpu.memory_space<hbm>>
          %dma_start3A_293 = tpu.memref_squeeze %dma_start3A_292 : memref<1x1x80xi32, #tpu.memory_space<hbm>> -> memref<80xi32, #tpu.memory_space<hbm>>
          %dma_start3A_294 = arith.constant 0 : i32
          %dma_start3A_295 = tpu.memref_slice %arg5[%arg1, %add3A_284, %dma_start3A_294] : memref<16x128x80xi32, #tpu.memory_space<hbm>> -> memref<1x1x80xi32, #tpu.memory_space<hbm>>
          %dma_start3A_296 = tpu.memref_squeeze %dma_start3A_295 : memref<1x1x80xi32, #tpu.memory_space<hbm>> -> memref<80xi32, #tpu.memory_space<hbm>>
          tpu.enqueue_dma source(%dma_start3A_296 : memref<80xi32, #tpu.memory_space<hbm>>) target(%arg17 : memref<80xi32, #tpu.memory_space<vmem>>) target_semaphore(%arg28 : memref<!tpu.dma_semaphore, #tpu.memory_space<semaphore_mem>>)
        } else {
        }
        %add3A_262 = arith.constant 3 : i32
        %add3A_263 = arith.addi %mul3A_200, %add3A_262 : i32
        %add3A_264 = arith.constant 4 : i32
        %add3A_265 = arith.addi %add3A_263, %add3A_264 : i32
        %sub3A_266 = arith.constant 1 : i32
        %sub3A_267 = arith.subi %add3A_265, %sub3A_266 : i32
        %lt3A_268 = arith.constant 128 : i32
        %lt3A_269 = arith.cmpi slt, %sub3A_267, %lt3A_268 : i32
        %convert_element_type3A_270 = arith.extui %lt3A_269 : i1 to i32
        %cond3A_271 = arith.constant 0 : i32
        %cond3A_272 = arith.cmpi ne, %convert_element_type3A_270, %cond3A_271 : i32
        scf.if %cond3A_272 {
          %dma_wait3A_283 = arith.constant 0 : i32
          %dma_wait3A_284 = arith.constant 0 : i32
          %dma_wait3A_285 = tpu.memref_slice %arg4[%arg1, %dma_wait3A_283, %dma_wait3A_284] : memref<16x128x80xi32, #tpu.memory_space<hbm>> -> memref<1x1x80xi32, #tpu.memory_space<hbm>>
          %dma_wait3A_286 = tpu.memref_squeeze %dma_wait3A_285 : memref<1x1x80xi32, #tpu.memory_space<hbm>> -> memref<80xi32, #tpu.memory_space<hbm>>
          %dma_wait3A_287 = arith.constant 0 : i32
          %dma_wait3A_288 = tpu.memref_slice %arg4[%arg1, %dma_wait3A_283, %dma_wait3A_287] : memref<16x128x80xi32, #tpu.memory_space<hbm>> -> memref<1x1x80xi32, #tpu.memory_space<hbm>>
          %dma_wait3A_289 = tpu.memref_squeeze %dma_wait3A_288 : memref<1x1x80xi32, #tpu.memory_space<hbm>> -> memref<80xi32, #tpu.memory_space<hbm>>
          tpu.wait_dma2 semaphore(%arg28 : memref<!tpu.dma_semaphore, #tpu.memory_space<semaphore_mem>>) src(%dma_wait3A_289 : memref<80xi32, #tpu.memory_space<hbm>>) dst(%arg13 : memref<80xi32, #tpu.memory_space<vmem>>)
          %dma_wait3A_290 = arith.constant 0 : i32
          %dma_wait3A_291 = arith.constant 0 : i32
          %dma_wait3A_292 = tpu.memref_slice %arg5[%arg1, %dma_wait3A_290, %dma_wait3A_291] : memref<16x128x80xi32, #tpu.memory_space<hbm>> -> memref<1x1x80xi32, #tpu.memory_space<hbm>>
          %dma_wait3A_293 = tpu.memref_squeeze %dma_wait3A_292 : memref<1x1x80xi32, #tpu.memory_space<hbm>> -> memref<80xi32, #tpu.memory_space<hbm>>
          %dma_wait3A_294 = arith.constant 0 : i32
          %dma_wait3A_295 = tpu.memref_slice %arg5[%arg1, %dma_wait3A_290, %dma_wait3A_294] : memref<16x128x80xi32, #tpu.memory_space<hbm>> -> memref<1x1x80xi32, #tpu.memory_space<hbm>>
          %dma_wait3A_296 = tpu.memref_squeeze %dma_wait3A_295 : memref<1x1x80xi32, #tpu.memory_space<hbm>> -> memref<80xi32, #tpu.memory_space<hbm>>
          tpu.wait_dma2 semaphore(%arg28 : memref<!tpu.dma_semaphore, #tpu.memory_space<semaphore_mem>>) src(%dma_wait3A_296 : memref<80xi32, #tpu.memory_space<hbm>>) dst(%arg17 : memref<80xi32, #tpu.memory_space<vmem>>)
          %dma_start3A_297 = arith.constant 0 : i32
          %dma_start3A_298 = arith.constant 0 : i32
          %dma_start3A_299 = tpu.memref_slice %arg3[%dma_start3A_297, %dma_start3A_298] : memref<10000x128xf32, #tpu.memory_space<hbm>> -> memref<10000x128xf32, #tpu.memory_space<hbm>>
          tpu.enqueue_indirect_dma source(%dma_start3A_299 : memref<10000x128xf32, #tpu.memory_space<hbm>>) target(%arg21 : memref<80x128xf32, #tpu.memory_space<vmem>>) offsets(%arg13 : memref<80xi32, #tpu.memory_space<vmem>>) semaphore(%arg32 : memref<!tpu.dma_semaphore, #tpu.memory_space<semaphore_mem>>)
        } else {
        }
        %dma_wait3A_273 = arith.constant 0 : i32
        %dma_wait3A_274 = arith.constant 0 : i32
        %dma_wait3A_275 = tpu.memref_slice %arg3[%dma_wait3A_273, %dma_wait3A_274] : memref<10000x128xf32, #tpu.memory_space<hbm>> -> memref<10000x128xf32, #tpu.memory_space<hbm>>
        tpu.wait_indirect_dma semaphore(%arg33 : memref<!tpu.dma_semaphore, #tpu.memory_space<semaphore_mem>>) src(%dma_wait3A_275 : memref<10000x128xf32, #tpu.memory_space<hbm>>) dst(%arg22 : memref<80x128xf32, #tpu.memory_space<vmem>>)
        "tpu.region"() ({
          %run_scoped3A = tpu.sem_alloc : memref<!tpu.dma_semaphore, #tpu.memory_space<semaphore_mem>>
          %dma_start3A_283 = arith.constant 0 : i32
          %dma_start3A_284 = arith.constant 0 : i32
          %dma_start3A_285 = tpu.memref_slice %arg24[%dma_start3A_283, %dma_start3A_284] : memref<10240x128xf32, #tpu.memory_space<vmem_shared>> -> memref<10240x128xf32, #tpu.memory_space<vmem_shared>>
          tpu.enqueue_indirect_dma source(%arg22 : memref<80x128xf32, #tpu.memory_space<vmem>>) target(%dma_start3A_285 : memref<10240x128xf32, #tpu.memory_space<vmem_shared>>) offsets(%arg18 : memref<80xi32, #tpu.memory_space<vmem>>) semaphore(%run_scoped3A : memref<!tpu.dma_semaphore, #tpu.memory_space<semaphore_mem>>) {add = true}
          %dma_wait3A_286 = arith.constant 0 : i32
          %dma_wait3A_287 = arith.constant 0 : i32
          %dma_wait3A_288 = tpu.memref_slice %arg24[%dma_wait3A_286, %dma_wait3A_287] : memref<10240x128xf32, #tpu.memory_space<vmem_shared>> -> memref<10240x128xf32, #tpu.memory_space<vmem_shared>>
          tpu.wait_indirect_dma semaphore(%run_scoped3A : memref<!tpu.dma_semaphore, #tpu.memory_space<semaphore_mem>>) src(%arg22 : memref<80x128xf32, #tpu.memory_space<vmem>>) dst(%dma_wait3A_288 : memref<10240x128xf32, #tpu.memory_space<vmem_shared>>)
          tpu.yield
        }) : () -> ()
        "tpu.region"() ({
          %run_scoped3A = tpu.sem_alloc : memref<!tpu.dma_semaphore, #tpu.memory_space<semaphore_mem>>
          %dma_start3A_283 = arith.constant 0 : i32
          %dma_start3A_284 = tpu.memref_slice %arg25[%dma_start3A_283] : memref<10240xf32, #tpu.memory_space<vmem_shared>> -> memref<10240xf32, #tpu.memory_space<vmem_shared>>
          tpu.enqueue_indirect_dma source(%arg23 : memref<80xf32, #tpu.memory_space<vmem>>) target(%dma_start3A_284 : memref<10240xf32, #tpu.memory_space<vmem_shared>>) offsets(%arg18 : memref<80xi32, #tpu.memory_space<vmem>>) semaphore(%run_scoped3A : memref<!tpu.dma_semaphore, #tpu.memory_space<semaphore_mem>>) {add = true}
          %dma_wait3A_285 = arith.constant 0 : i32
          %dma_wait3A_286 = tpu.memref_slice %arg25[%dma_wait3A_285] : memref<10240xf32, #tpu.memory_space<vmem_shared>> -> memref<10240xf32, #tpu.memory_space<vmem_shared>>
          tpu.wait_indirect_dma semaphore(%run_scoped3A : memref<!tpu.dma_semaphore, #tpu.memory_space<semaphore_mem>>) src(%arg23 : memref<80xf32, #tpu.memory_space<vmem>>) dst(%dma_wait3A_286 : memref<10240xf32, #tpu.memory_space<vmem_shared>>)
          tpu.yield
        }) : () -> ()
        %add3A_276 = arith.constant 4 : i32
        %add3A_277 = arith.addi %add3A_263, %add3A_276 : i32
        %lt3A_278 = arith.constant 128 : i32
        %lt3A_279 = arith.cmpi slt, %add3A_277, %lt3A_278 : i32
        %convert_element_type3A_280 = arith.extui %lt3A_279 : i1 to i32
        %cond3A_281 = arith.constant 0 : i32
        %cond3A_282 = arith.cmpi ne, %convert_element_type3A_280, %cond3A_281 : i32
        scf.if %cond3A_282 {
          %add3A_283 = arith.constant 4 : i32
          %add3A_284 = arith.addi %add3A_263, %add3A_283 : i32
          %dma_start3A_285 = arith.constant 0 : i32
          %dma_start3A_286 = tpu.memref_slice %arg4[%arg1, %add3A_284, %dma_start3A_285] : memref<16x128x80xi32, #tpu.memory_space<hbm>> -> memref<1x1x80xi32, #tpu.memory_space<hbm>>
          %dma_start3A_287 = tpu.memref_squeeze %dma_start3A_286 : memref<1x1x80xi32, #tpu.memory_space<hbm>> -> memref<80xi32, #tpu.memory_space<hbm>>
          %dma_start3A_288 = arith.constant 0 : i32
          %dma_start3A_289 = tpu.memref_slice %arg4[%arg1, %add3A_284, %dma_start3A_288] : memref<16x128x80xi32, #tpu.memory_space<hbm>> -> memref<1x1x80xi32, #tpu.memory_space<hbm>>
          %dma_start3A_290 = tpu.memref_squeeze %dma_start3A_289 : memref<1x1x80xi32, #tpu.memory_space<hbm>> -> memref<80xi32, #tpu.memory_space<hbm>>
          tpu.enqueue_dma source(%dma_start3A_290 : memref<80xi32, #tpu.memory_space<hbm>>) target(%arg14 : memref<80xi32, #tpu.memory_space<vmem>>) target_semaphore(%arg29 : memref<!tpu.dma_semaphore, #tpu.memory_space<semaphore_mem>>)
          %dma_start3A_291 = arith.constant 0 : i32
          %dma_start3A_292 = tpu.memref_slice %arg5[%arg1, %add3A_284, %dma_start3A_291] : memref<16x128x80xi32, #tpu.memory_space<hbm>> -> memref<1x1x80xi32, #tpu.memory_space<hbm>>
          %dma_start3A_293 = tpu.memref_squeeze %dma_start3A_292 : memref<1x1x80xi32, #tpu.memory_space<hbm>> -> memref<80xi32, #tpu.memory_space<hbm>>
          %dma_start3A_294 = arith.constant 0 : i32
          %dma_start3A_295 = tpu.memref_slice %arg5[%arg1, %add3A_284, %dma_start3A_294] : memref<16x128x80xi32, #tpu.memory_space<hbm>> -> memref<1x1x80xi32, #tpu.memory_space<hbm>>
          %dma_start3A_296 = tpu.memref_squeeze %dma_start3A_295 : memref<1x1x80xi32, #tpu.memory_space<hbm>> -> memref<80xi32, #tpu.memory_space<hbm>>
          tpu.enqueue_dma source(%dma_start3A_296 : memref<80xi32, #tpu.memory_space<hbm>>) target(%arg18 : memref<80xi32, #tpu.memory_space<vmem>>) target_semaphore(%arg29 : memref<!tpu.dma_semaphore, #tpu.memory_space<semaphore_mem>>)
        } else {
        }
      }
      %scan3A_198 = arith.constant 32 : i32
    } else {
    }
    %barrier3A_49 = arith.constant 0 : index
    tpu.barrier barrier_id(%barrier3A_49)
    %eq3A_50 = arith.constant 0 : i32
    %eq3A_51 = arith.cmpi eq, %arg0, %eq3A_50 : i32
    %lt3A_52 = arith.constant 15 : i32
    %lt3A_53 = arith.cmpi slt, %arg1, %lt3A_52 : i32
    %and3A = arith.andi %eq3A_51, %lt3A_53 : i1
    %convert_element_type3A_54 = arith.extui %and3A : i1 to i32
    %cond3A_55 = arith.constant 0 : i32
    %cond3A_56 = arith.cmpi ne, %convert_element_type3A_54, %cond3A_55 : i32
    scf.if %cond3A_56 {
      %mul3A = arith.constant 640 : i32
      %mul3A_89 = arith.muli %arg1, %mul3A : i32
      "tpu.region"() ({
        %run_scoped3A = tpu.sem_alloc : memref<!tpu.dma_semaphore, #tpu.memory_space<semaphore_mem>>
        %dma_start3A = arith.constant 0 : i32
        %dma_start3A_90 = tpu.memref_slice %arg8[%mul3A_89, %dma_start3A] : memref<10000x128xf32, #tpu.memory_space<hbm>> -> memref<640x128xf32, #tpu.memory_space<hbm>>
        %dma_start3A_91 = arith.constant 0 : i32
        %dma_start3A_92 = tpu.memref_slice %arg24[%mul3A_89, %dma_start3A_91] : memref<10240x128xf32, #tpu.memory_space<vmem_shared>> -> memref<640x128xf32, #tpu.memory_space<vmem_shared>>
        tpu.enqueue_dma source(%dma_start3A_92 : memref<640x128xf32, #tpu.memory_space<vmem_shared>>) target(%dma_start3A_90 : memref<640x128xf32, #tpu.memory_space<hbm>>) target_semaphore(%run_scoped3A : memref<!tpu.dma_semaphore, #tpu.memory_space<semaphore_mem>>)
        %dma_wait3A = arith.constant 0 : i32
        %dma_wait3A_93 = tpu.memref_slice %arg8[%mul3A_89, %dma_wait3A] : memref<10000x128xf32, #tpu.memory_space<hbm>> -> memref<640x128xf32, #tpu.memory_space<hbm>>
        %dma_wait3A_94 = arith.constant 0 : i32
        %dma_wait3A_95 = tpu.memref_slice %arg24[%mul3A_89, %dma_wait3A_94] : memref<10240x128xf32, #tpu.memory_space<vmem_shared>> -> memref<640x128xf32, #tpu.memory_space<vmem_shared>>
        tpu.wait_dma2 semaphore(%run_scoped3A : memref<!tpu.dma_semaphore, #tpu.memory_space<semaphore_mem>>) src(%dma_wait3A_95 : memref<640x128xf32, #tpu.memory_space<vmem_shared>>) dst(%dma_wait3A_93 : memref<640x128xf32, #tpu.memory_space<hbm>>)
        tpu.yield
      }) : () -> ()
    } else {
    }
    %eq3A_57 = arith.constant 0 : i32
    %eq3A_58 = arith.cmpi eq, %arg0, %eq3A_57 : i32
    %eq3A_59 = arith.constant 15 : i32
    %eq3A_60 = arith.cmpi eq, %arg1, %eq3A_59 : i32
    %and3A_61 = arith.andi %eq3A_58, %eq3A_60 : i1
    %convert_element_type3A_62 = arith.extui %and3A_61 : i1 to i32
    %cond3A_63 = arith.constant 0 : i32
    %cond3A_64 = arith.cmpi ne, %convert_element_type3A_62, %cond3A_63 : i32
    scf.if %cond3A_64 {
      "tpu.region"() ({
        %run_scoped3A = tpu.sem_alloc : memref<!tpu.dma_semaphore, #tpu.memory_space<semaphore_mem>>
        %dma_start3A = arith.constant 9600 : i32
        %dma_start3A_89 = arith.constant 0 : i32
        %dma_start3A_90 = tpu.memref_slice %arg8[%dma_start3A, %dma_start3A_89] : memref<10000x128xf32, #tpu.memory_space<hbm>> -> memref<400x128xf32, #tpu.memory_space<hbm>>
        %dma_start3A_91 = arith.constant 9600 : i32
        %dma_start3A_92 = arith.constant 0 : i32
        %dma_start3A_93 = tpu.memref_slice %arg24[%dma_start3A_91, %dma_start3A_92] : memref<10240x128xf32, #tpu.memory_space<vmem_shared>> -> memref<400x128xf32, #tpu.memory_space<vmem_shared>>
        tpu.enqueue_dma source(%dma_start3A_93 : memref<400x128xf32, #tpu.memory_space<vmem_shared>>) target(%dma_start3A_90 : memref<400x128xf32, #tpu.memory_space<hbm>>) target_semaphore(%run_scoped3A : memref<!tpu.dma_semaphore, #tpu.memory_space<semaphore_mem>>)
        %dma_wait3A = arith.constant 9600 : i32
        %dma_wait3A_94 = arith.constant 0 : i32
        %dma_wait3A_95 = tpu.memref_slice %arg8[%dma_wait3A, %dma_wait3A_94] : memref<10000x128xf32, #tpu.memory_space<hbm>> -> memref<400x128xf32, #tpu.memory_space<hbm>>
        %dma_wait3A_96 = arith.constant 9600 : i32
        %dma_wait3A_97 = arith.constant 0 : i32
        %dma_wait3A_98 = tpu.memref_slice %arg24[%dma_wait3A_96, %dma_wait3A_97] : memref<10240x128xf32, #tpu.memory_space<vmem_shared>> -> memref<400x128xf32, #tpu.memory_space<vmem_shared>>
        tpu.wait_dma2 semaphore(%run_scoped3A : memref<!tpu.dma_semaphore, #tpu.memory_space<semaphore_mem>>) src(%dma_wait3A_98 : memref<400x128xf32, #tpu.memory_space<vmem_shared>>) dst(%dma_wait3A_95 : memref<400x128xf32, #tpu.memory_space<hbm>>)
        tpu.yield
      }) : () -> ()
    } else {
    }
    %eq3A_65 = arith.constant 1 : i32
    %eq3A_66 = arith.cmpi eq, %arg0, %eq3A_65 : i32
    %lt3A_67 = arith.constant 15 : i32
    %lt3A_68 = arith.cmpi slt, %arg1, %lt3A_67 : i32
    %and3A_69 = arith.andi %eq3A_66, %lt3A_68 : i1
    %convert_element_type3A_70 = arith.extui %and3A_69 : i1 to i32
    %cond3A_71 = arith.constant 0 : i32
    %cond3A_72 = arith.cmpi ne, %convert_element_type3A_70, %cond3A_71 : i32
    scf.if %cond3A_72 {
      %mul3A = arith.constant 640 : i32
      %mul3A_89 = arith.muli %arg1, %mul3A : i32
      "tpu.region"() ({
        %run_scoped3A = tpu.sem_alloc : memref<!tpu.dma_semaphore, #tpu.memory_space<semaphore_mem>>
        %dma_start3A = arith.constant 0 : i32
        %dma_start3A_90 = tpu.memref_slice %arg9[%mul3A_89, %dma_start3A] : memref<10000x128xf32, #tpu.memory_space<hbm>> -> memref<640x128xf32, #tpu.memory_space<hbm>>
        %dma_start3A_91 = arith.constant 0 : i32
        %dma_start3A_92 = tpu.memref_slice %arg24[%mul3A_89, %dma_start3A_91] : memref<10240x128xf32, #tpu.memory_space<vmem_shared>> -> memref<640x128xf32, #tpu.memory_space<vmem_shared>>
        tpu.enqueue_dma source(%dma_start3A_92 : memref<640x128xf32, #tpu.memory_space<vmem_shared>>) target(%dma_start3A_90 : memref<640x128xf32, #tpu.memory_space<hbm>>) target_semaphore(%run_scoped3A : memref<!tpu.dma_semaphore, #tpu.memory_space<semaphore_mem>>)
        %dma_wait3A = arith.constant 0 : i32
        %dma_wait3A_93 = tpu.memref_slice %arg9[%mul3A_89, %dma_wait3A] : memref<10000x128xf32, #tpu.memory_space<hbm>> -> memref<640x128xf32, #tpu.memory_space<hbm>>
        %dma_wait3A_94 = arith.constant 0 : i32
        %dma_wait3A_95 = tpu.memref_slice %arg24[%mul3A_89, %dma_wait3A_94] : memref<10240x128xf32, #tpu.memory_space<vmem_shared>> -> memref<640x128xf32, #tpu.memory_space<vmem_shared>>
        tpu.wait_dma2 semaphore(%run_scoped3A : memref<!tpu.dma_semaphore, #tpu.memory_space<semaphore_mem>>) src(%dma_wait3A_95 : memref<640x128xf32, #tpu.memory_space<vmem_shared>>) dst(%dma_wait3A_93 : memref<640x128xf32, #tpu.memory_space<hbm>>)
        tpu.yield
      }) : () -> ()
    } else {
    }
    %eq3A_73 = arith.constant 1 : i32
    %eq3A_74 = arith.cmpi eq, %arg0, %eq3A_73 : i32
    %eq3A_75 = arith.constant 15 : i32
    %eq3A_76 = arith.cmpi eq, %arg1, %eq3A_75 : i32
    %and3A_77 = arith.andi %eq3A_74, %eq3A_76 : i1
    %convert_element_type3A_78 = arith.extui %and3A_77 : i1 to i32
    %cond3A_79 = arith.constant 0 : i32
    %cond3A_80 = arith.cmpi ne, %convert_element_type3A_78, %cond3A_79 : i32
    scf.if %cond3A_80 {
      "tpu.region"() ({
        %run_scoped3A = tpu.sem_alloc : memref<!tpu.dma_semaphore, #tpu.memory_space<semaphore_mem>>
        %dma_start3A = arith.constant 9600 : i32
        %dma_start3A_89 = arith.constant 0 : i32
        %dma_start3A_90 = tpu.memref_slice %arg9[%dma_start3A, %dma_start3A_89] : memref<10000x128xf32, #tpu.memory_space<hbm>> -> memref<400x128xf32, #tpu.memory_space<hbm>>
        %dma_start3A_91 = arith.constant 9600 : i32
        %dma_start3A_92 = arith.constant 0 : i32
        %dma_start3A_93 = tpu.memref_slice %arg24[%dma_start3A_91, %dma_start3A_92] : memref<10240x128xf32, #tpu.memory_space<vmem_shared>> -> memref<400x128xf32, #tpu.memory_space<vmem_shared>>
        tpu.enqueue_dma source(%dma_start3A_93 : memref<400x128xf32, #tpu.memory_space<vmem_shared>>) target(%dma_start3A_90 : memref<400x128xf32, #tpu.memory_space<hbm>>) target_semaphore(%run_scoped3A : memref<!tpu.dma_semaphore, #tpu.memory_space<semaphore_mem>>)
        %dma_wait3A = arith.constant 9600 : i32
        %dma_wait3A_94 = arith.constant 0 : i32
        %dma_wait3A_95 = tpu.memref_slice %arg9[%dma_wait3A, %dma_wait3A_94] : memref<10000x128xf32, #tpu.memory_space<hbm>> -> memref<400x128xf32, #tpu.memory_space<hbm>>
        %dma_wait3A_96 = arith.constant 9600 : i32
        %dma_wait3A_97 = arith.constant 0 : i32
        %dma_wait3A_98 = tpu.memref_slice %arg24[%dma_wait3A_96, %dma_wait3A_97] : memref<10240x128xf32, #tpu.memory_space<vmem_shared>> -> memref<400x128xf32, #tpu.memory_space<vmem_shared>>
        tpu.wait_dma2 semaphore(%run_scoped3A : memref<!tpu.dma_semaphore, #tpu.memory_space<semaphore_mem>>) src(%dma_wait3A_98 : memref<400x128xf32, #tpu.memory_space<vmem_shared>>) dst(%dma_wait3A_95 : memref<400x128xf32, #tpu.memory_space<hbm>>)
        tpu.yield
      }) : () -> ()
    } else {
    }
    %eq3A_81 = arith.constant 0 : i32
    %eq3A_82 = arith.cmpi eq, %arg0, %eq3A_81 : i32
    %eq3A_83 = arith.constant 0 : i32
    %eq3A_84 = arith.cmpi eq, %arg1, %eq3A_83 : i32
    %and3A_85 = arith.andi %eq3A_82, %eq3A_84 : i1
    %convert_element_type3A_86 = arith.extui %and3A_85 : i1 to i32
    %cond3A_87 = arith.constant 0 : i32
    %cond3A_88 = arith.cmpi ne, %convert_element_type3A_86, %cond3A_87 : i32
    scf.if %cond3A_88 {
      "tpu.region"() ({
        %run_scoped3A = tpu.sem_alloc : memref<!tpu.dma_semaphore, #tpu.memory_space<semaphore_mem>>
        tpu.enqueue_dma source(%arg25 : memref<10240xf32, #tpu.memory_space<vmem_shared>>) target(%arg10 : memref<10240xf32, #tpu.memory_space<hbm>>) target_semaphore(%run_scoped3A : memref<!tpu.dma_semaphore, #tpu.memory_space<semaphore_mem>>)
        tpu.wait_dma2 semaphore(%run_scoped3A : memref<!tpu.dma_semaphore, #tpu.memory_space<semaphore_mem>>) src(%arg25 : memref<10240xf32, #tpu.memory_space<vmem_shared>>) dst(%arg10 : memref<10240xf32, #tpu.memory_space<hbm>>)
        tpu.yield
      }) : () -> ()
    } else {
    }
    return
  }
}

module attributes {stable_mosaic.version = 14 : i64} {
  func.func @tc_layer1(%arg0: i32, %arg1: memref<400x256xf32, #tpu.memory_space<vmem>>, %arg2: memref<400x128xf32, #tpu.memory_space<vmem>>, %arg3: memref<400x128xf32, #tpu.memory_space<vmem>>, %arg4: memref<400x1xf32, #tpu.memory_space<vmem>>, %arg5: memref<256x512xf32, #tpu.memory_space<vmem>>, %arg6: memref<1x512xf32, #tpu.memory_space<vmem>>, %arg7: memref<256x512xf32, #tpu.memory_space<vmem>>, %arg8: memref<512x256xf32, #tpu.memory_space<vmem>>, %arg9: memref<400x512xf32, #tpu.memory_space<vmem>>, %arg10: memref<400x128xf32, #tpu.memory_space<vmem>>, %arg11: memref<400x128xf32, #tpu.memory_space<vmem>>) attributes {dimension_semantics = [#tpu.dimension_semantics<arbitrary>], iteration_bounds = array<i64: 25>, scalar_prefetch = 0 : i64, scratch_operands = 0 : i64, tpu.core_type = #tpu.core_type<tc>, window_params = [{transform_indices = @transform_0, window_bounds = array<i64: 400, 256>}, {transform_indices = @transform_1, window_bounds = array<i64: 400, 128>}, {transform_indices = @transform_2, window_bounds = array<i64: 400, 128>}, {transform_indices = @transform_3, window_bounds = array<i64: 400, 1>}, {pipeline_mode = #tpu.pipeline_mode<synchronous>, transform_indices = @transform_4, window_bounds = array<i64: 256, 512>}, {pipeline_mode = #tpu.pipeline_mode<synchronous>, transform_indices = @transform_5, window_bounds = array<i64: 1, 512>}, {pipeline_mode = #tpu.pipeline_mode<synchronous>, transform_indices = @transform_6, window_bounds = array<i64: 256, 512>}, {pipeline_mode = #tpu.pipeline_mode<synchronous>, transform_indices = @transform_7, window_bounds = array<i64: 512, 256>}, {transform_indices = @transform_8, window_bounds = array<i64: 400, 512>}, {transform_indices = @transform_9, window_bounds = array<i64: 400, 128>}, {transform_indices = @transform_10, window_bounds = array<i64: 400, 128>}]} {
    %get3A = arith.constant 0 : index
    %get3A_0 = arith.constant 0 : index
    %get3A_1 = vector.load %arg4[%get3A, %get3A_0] : memref<400x1xf32, #tpu.memory_space<vmem>>, vector<400x1xf32>
    %max3A = arith.constant 1.000000e+00 : f32
    %max3A_2 = vector.broadcast %max3A : f32 to vector<400x1xf32>
    %max3A_3 = arith.maximumf %get3A_1, %max3A_2 : vector<400x1xf32>
    %div3A = arith.constant 1.000000e+00 : f32
    %div3A_4 = vector.broadcast %div3A : f32 to vector<400x1xf32>
    %div3A_5 = arith.divf %div3A_4, %max3A_3 : vector<400x1xf32>
    %get3A_6 = arith.constant 0 : index
    %get3A_7 = arith.constant 0 : index
    %get3A_8 = vector.load %arg2[%get3A_6, %get3A_7] : memref<400x128xf32, #tpu.memory_space<vmem>>, vector<400x128xf32>
    %get3A_9 = arith.constant 0 : index
    %get3A_10 = arith.constant 0 : index
    %get3A_11 = vector.load %arg3[%get3A_9, %get3A_10] : memref<400x128xf32, #tpu.memory_space<vmem>>, vector<400x128xf32>
    %concatenate3A = tpu.concatenate %get3A_8, %get3A_11 in 1 : vector<400x128xf32>, vector<400x128xf32> -> vector<400x256xf32>
    %mul3A = vector.broadcast %div3A_5 : vector<400x1xf32> to vector<400x256xf32>
    %mul3A_12 = arith.mulf %concatenate3A, %mul3A : vector<400x256xf32>
    %get3A_13 = arith.constant 0 : index
    %get3A_14 = arith.constant 0 : index
    %get3A_15 = vector.load %arg5[%get3A_13, %get3A_14] : memref<256x512xf32, #tpu.memory_space<vmem>>, vector<256x512xf32>
    %dot_general3A = arith.constant dense<0.000000e+00> : vector<400x512xf32>
    %dot_general3A_16 = tpu.matmul %mul3A_12, %get3A_15, %dot_general3A {dimension_numbers = #tpu.dot_dimension_numbers<[1], [0], [0], [1], [0, 0, 1, 1], [], []>, transpose_lhs_hint = false} : vector<400x256xf32>, vector<256x512xf32>, vector<400x512xf32> -> vector<400x512xf32>
    %get3A_17 = arith.constant 0 : index
    %get3A_18 = arith.constant 0 : index
    %get3A_19 = vector.load %arg6[%get3A_17, %get3A_18] : memref<1x512xf32, #tpu.memory_space<vmem>>, vector<1x512xf32>
    %add3A = vector.broadcast %get3A_19 : vector<1x512xf32> to vector<400x512xf32>
    %add3A_20 = arith.addf %dot_general3A_16, %add3A : vector<400x512xf32>
    %get3A_21 = arith.constant 0 : index
    %get3A_22 = arith.constant 0 : index
    %get3A_23 = vector.load %arg1[%get3A_21, %get3A_22] : memref<400x256xf32, #tpu.memory_space<vmem>>, vector<400x256xf32>
    %get3A_24 = arith.constant 0 : index
    %get3A_25 = arith.constant 0 : index
    %get3A_26 = vector.load %arg7[%get3A_24, %get3A_25] : memref<256x512xf32, #tpu.memory_space<vmem>>, vector<256x512xf32>
    %dot_general3A_27 = arith.constant dense<0.000000e+00> : vector<400x512xf32>
    %dot_general3A_28 = tpu.matmul %get3A_23, %get3A_26, %dot_general3A_27 {dimension_numbers = #tpu.dot_dimension_numbers<[1], [0], [0], [1], [0, 0, 1, 1], [], []>, transpose_lhs_hint = false} : vector<400x256xf32>, vector<256x512xf32>, vector<400x512xf32> -> vector<400x512xf32>
    %add3A_29 = arith.addf %add3A_20, %dot_general3A_28 : vector<400x512xf32>
    %max3A_30 = arith.constant 0.000000e+00 : f32
    %max3A_31 = vector.broadcast %max3A_30 : f32 to vector<400x512xf32>
    %max3A_32 = arith.maximumf %add3A_29, %max3A_31 : vector<400x512xf32>
    %swap3A = arith.constant 0 : index
    %swap3A_33 = arith.constant 0 : index
    %swap3A_34 = vector.load %arg9[%swap3A, %swap3A_33] : memref<400x512xf32, #tpu.memory_space<vmem>>, vector<400x512xf32>
    tpu.vector_store %arg9[%swap3A, %swap3A_33], %max3A_32 {strides = array<i32>} : memref<400x512xf32, #tpu.memory_space<vmem>>, vector<400x512xf32>,
    %get3A_35 = arith.constant 0 : index
    %get3A_36 = arith.constant 0 : index
    %get3A_37 = vector.load %arg8[%get3A_35, %get3A_36] : memref<512x256xf32, #tpu.memory_space<vmem>>, vector<512x256xf32>
    %dot_general3A_38 = arith.constant dense<0.000000e+00> : vector<400x256xf32>
    %dot_general3A_39 = tpu.matmul %max3A_32, %get3A_37, %dot_general3A_38 {dimension_numbers = #tpu.dot_dimension_numbers<[1], [0], [0], [1], [0, 0, 1, 1], [], []>, transpose_lhs_hint = false} : vector<400x512xf32>, vector<512x256xf32>, vector<400x256xf32> -> vector<400x256xf32>
    %slice3A = vector.extract_strided_slice %dot_general3A_39 {offsets = [0, 0], sizes = [400, 128], strides = [1, 1]} : vector<400x256xf32> to vector<400x128xf32>
    %swap3A_40 = arith.constant 0 : index
    %swap3A_41 = arith.constant 0 : index
    %swap3A_42 = vector.load %arg10[%swap3A_40, %swap3A_41] : memref<400x128xf32, #tpu.memory_space<vmem>>, vector<400x128xf32>
    tpu.vector_store %arg10[%swap3A_40, %swap3A_41], %slice3A {strides = array<i32>} : memref<400x128xf32, #tpu.memory_space<vmem>>, vector<400x128xf32>,
    %slice3A_43 = vector.extract_strided_slice %dot_general3A_39 {offsets = [0, 128], sizes = [400, 128], strides = [1, 1]} : vector<400x256xf32> to vector<400x128xf32>
    %swap3A_44 = arith.constant 0 : index
    %swap3A_45 = arith.constant 0 : index
    %swap3A_46 = vector.load %arg11[%swap3A_44, %swap3A_45] : memref<400x128xf32, #tpu.memory_space<vmem>>, vector<400x128xf32>
    tpu.vector_store %arg11[%swap3A_44, %swap3A_45], %slice3A_43 {strides = array<i32>} : memref<400x128xf32, #tpu.memory_space<vmem>>, vector<400x128xf32>,
    return
  }
  func.func @transform_0(%arg0: i32) -> (i32, i32) {
    %c0_i32 = arith.constant 0 : i32
    %c0_i32_0 = arith.constant 0 : i32
    return %arg0, %c0_i32 : i32, i32
  }
  func.func @transform_1(%arg0: i32) -> (i32, i32) {
    %c0_i32 = arith.constant 0 : i32
    %c0_i32_0 = arith.constant 0 : i32
    return %arg0, %c0_i32 : i32, i32
  }
  func.func @transform_2(%arg0: i32) -> (i32, i32) {
    %c0_i32 = arith.constant 0 : i32
    %c0_i32_0 = arith.constant 0 : i32
    return %arg0, %c0_i32 : i32, i32
  }
  func.func @transform_3(%arg0: i32) -> (i32, i32) {
    %c0_i32 = arith.constant 0 : i32
    %c0_i32_0 = arith.constant 0 : i32
    return %arg0, %c0_i32 : i32, i32
  }
  func.func @transform_4(%arg0: i32) -> (i32, i32) {
    %c0_i32 = arith.constant 0 : i32
    %c0_i32_0 = arith.constant 0 : i32
    %c0_i32_1 = arith.constant 0 : i32
    return %c0_i32, %c0_i32_0 : i32, i32
  }
  func.func @transform_5(%arg0: i32) -> (i32, i32) {
    %c0_i32 = arith.constant 0 : i32
    %c0_i32_0 = arith.constant 0 : i32
    %c0_i32_1 = arith.constant 0 : i32
    return %c0_i32, %c0_i32_0 : i32, i32
  }
  func.func @transform_6(%arg0: i32) -> (i32, i32) {
    %c0_i32 = arith.constant 0 : i32
    %c0_i32_0 = arith.constant 0 : i32
    %c0_i32_1 = arith.constant 0 : i32
    return %c0_i32, %c0_i32_0 : i32, i32
  }
  func.func @transform_7(%arg0: i32) -> (i32, i32) {
    %c0_i32 = arith.constant 0 : i32
    %c0_i32_0 = arith.constant 0 : i32
    %c0_i32_1 = arith.constant 0 : i32
    return %c0_i32, %c0_i32_0 : i32, i32
  }
  func.func @transform_8(%arg0: i32) -> (i32, i32) {
    %c0_i32 = arith.constant 0 : i32
    %c0_i32_0 = arith.constant 0 : i32
    return %arg0, %c0_i32 : i32, i32
  }
  func.func @transform_9(%arg0: i32) -> (i32, i32) {
    %c0_i32 = arith.constant 0 : i32
    %c0_i32_0 = arith.constant 0 : i32
    return %arg0, %c0_i32 : i32, i32
  }
  func.func @transform_10(%arg0: i32) -> (i32, i32) {
    %c0_i32 = arith.constant 0 : i32
    %c0_i32_0 = arith.constant 0 : i32
    return %arg0, %c0_i32 : i32, i32
  }
}

module attributes {stable_mosaic.version = 14 : i64} {
  func.func @tc_layer2(%arg0: i32, %arg1: memref<400x512xf32, #tpu.memory_space<vmem>>, %arg2: memref<400x128xf32, #tpu.memory_space<vmem>>, %arg3: memref<400x128xf32, #tpu.memory_space<vmem>>, %arg4: memref<400x1xf32, #tpu.memory_space<vmem>>, %arg5: memref<512x256xf32, #tpu.memory_space<vmem>>, %arg6: memref<1x256xf32, #tpu.memory_space<vmem>>, %arg7: memref<400x256xf32, #tpu.memory_space<vmem>>, %arg8: memref<1x256xf32, #tpu.memory_space<vmem>>) attributes {dimension_semantics = [#tpu.dimension_semantics<arbitrary>], iteration_bounds = array<i64: 25>, scalar_prefetch = 0 : i64, scratch_operands = 0 : i64, tpu.core_type = #tpu.core_type<tc>, window_params = [{transform_indices = @transform_0, window_bounds = array<i64: 400, 512>}, {transform_indices = @transform_1, window_bounds = array<i64: 400, 128>}, {transform_indices = @transform_2, window_bounds = array<i64: 400, 128>}, {transform_indices = @transform_3, window_bounds = array<i64: 400, 1>}, {pipeline_mode = #tpu.pipeline_mode<synchronous>, transform_indices = @transform_4, window_bounds = array<i64: 512, 256>}, {pipeline_mode = #tpu.pipeline_mode<synchronous>, transform_indices = @transform_5, window_bounds = array<i64: 1, 256>}, {transform_indices = @transform_6, window_bounds = array<i64: 400, 256>}, {pipeline_mode = #tpu.pipeline_mode<synchronous>, transform_indices = @transform_7, window_bounds = array<i64: 1, 256>}]} {
    %get3A = arith.constant 0 : index
    %get3A_0 = arith.constant 0 : index
    %get3A_1 = vector.load %arg4[%get3A, %get3A_0] : memref<400x1xf32, #tpu.memory_space<vmem>>, vector<400x1xf32>
    %max3A = arith.constant 1.000000e+00 : f32
    %max3A_2 = vector.broadcast %max3A : f32 to vector<400x1xf32>
    %max3A_3 = arith.maximumf %get3A_1, %max3A_2 : vector<400x1xf32>
    %div3A = arith.constant 1.000000e+00 : f32
    %div3A_4 = vector.broadcast %div3A : f32 to vector<400x1xf32>
    %div3A_5 = arith.divf %div3A_4, %max3A_3 : vector<400x1xf32>
    %get3A_6 = arith.constant 0 : index
    %get3A_7 = arith.constant 0 : index
    %get3A_8 = vector.load %arg2[%get3A_6, %get3A_7] : memref<400x128xf32, #tpu.memory_space<vmem>>, vector<400x128xf32>
    %get3A_9 = arith.constant 0 : index
    %get3A_10 = arith.constant 0 : index
    %get3A_11 = vector.load %arg3[%get3A_9, %get3A_10] : memref<400x128xf32, #tpu.memory_space<vmem>>, vector<400x128xf32>
    %concatenate3A = tpu.concatenate %get3A_8, %get3A_11 in 1 : vector<400x128xf32>, vector<400x128xf32> -> vector<400x256xf32>
    %mul3A = vector.broadcast %div3A_5 : vector<400x1xf32> to vector<400x256xf32>
    %mul3A_12 = arith.mulf %concatenate3A, %mul3A : vector<400x256xf32>
    %get3A_13 = arith.constant 0 : index
    %get3A_14 = arith.constant 0 : index
    %get3A_15 = vector.load %arg6[%get3A_13, %get3A_14] : memref<1x256xf32, #tpu.memory_space<vmem>>, vector<1x256xf32>
    %add3A = vector.broadcast %get3A_15 : vector<1x256xf32> to vector<400x256xf32>
    %add3A_16 = arith.addf %mul3A_12, %add3A : vector<400x256xf32>
    %get3A_17 = arith.constant 0 : index
    %get3A_18 = arith.constant 0 : index
    %get3A_19 = vector.load %arg1[%get3A_17, %get3A_18] : memref<400x512xf32, #tpu.memory_space<vmem>>, vector<400x512xf32>
    %get3A_20 = arith.constant 0 : index
    %get3A_21 = arith.constant 0 : index
    %get3A_22 = vector.load %arg5[%get3A_20, %get3A_21] : memref<512x256xf32, #tpu.memory_space<vmem>>, vector<512x256xf32>
    %dot_general3A = arith.constant dense<0.000000e+00> : vector<400x256xf32>
    %dot_general3A_23 = tpu.matmul %get3A_19, %get3A_22, %dot_general3A {dimension_numbers = #tpu.dot_dimension_numbers<[1], [0], [0], [1], [0, 0, 1, 1], [], []>, transpose_lhs_hint = false} : vector<400x512xf32>, vector<512x256xf32>, vector<400x256xf32> -> vector<400x256xf32>
    %add3A_24 = arith.addf %add3A_16, %dot_general3A_23 : vector<400x256xf32>
    %swap3A = arith.constant 0 : index
    %swap3A_25 = arith.constant 0 : index
    %swap3A_26 = vector.load %arg7[%swap3A, %swap3A_25] : memref<400x256xf32, #tpu.memory_space<vmem>>, vector<400x256xf32>
    tpu.vector_store %arg7[%swap3A, %swap3A_25], %add3A_24 {strides = array<i32>} : memref<400x256xf32, #tpu.memory_space<vmem>>, vector<400x256xf32>,
    %eq3A = arith.constant 0 : i32
    %eq3A_27 = arith.cmpi eq, %arg0, %eq3A : i32
    %convert_element_type3A = arith.extui %eq3A_27 : i1 to i32
    %cond3A = arith.constant 0 : i32
    %cond3A_28 = arith.cmpi ne, %convert_element_type3A, %cond3A : i32
    scf.if %cond3A_28 {
      %broadcast_in_dim3A_40 = arith.constant 0.000000e+00 : f32
      %broadcast_in_dim3A_41 = vector.broadcast %broadcast_in_dim3A_40 : f32 to vector<1x256xf32>
      %swap3A_42 = arith.constant 0 : index
      %swap3A_43 = arith.constant 0 : index
      %swap3A_44 = vector.load %arg8[%swap3A_42, %swap3A_43] : memref<1x256xf32, #tpu.memory_space<vmem>>, vector<1x256xf32>
      tpu.vector_store %arg8[%swap3A_42, %swap3A_43], %broadcast_in_dim3A_41 {strides = array<i32>} : memref<1x256xf32, #tpu.memory_space<vmem>>, vector<1x256xf32>,
    } else {
    }
    %get3A_29 = arith.constant 0 : index
    %get3A_30 = arith.constant 0 : index
    %get3A_31 = vector.load %arg8[%get3A_29, %get3A_30] : memref<1x256xf32, #tpu.memory_space<vmem>>, vector<1x256xf32>
    %reduce_sum3A = arith.constant dense<0.000000e+00> : vector<256xf32>
    %reduce_sum3A_32 = vector.multi_reduction <add>, %add3A_24, %reduce_sum3A [0] : vector<400x256xf32> to vector<256xf32>
    %broadcast_in_dim3A = vector.shape_cast %reduce_sum3A_32 : vector<256xf32> to vector<1x256xf32>
    %mul3A_33 = arith.constant 9.99999974E-5 : f32
    %mul3A_34 = vector.broadcast %mul3A_33 : f32 to vector<1x256xf32>
    %mul3A_35 = arith.mulf %broadcast_in_dim3A, %mul3A_34 : vector<1x256xf32>
    %add3A_36 = arith.addf %get3A_31, %mul3A_35 : vector<1x256xf32>
    %swap3A_37 = arith.constant 0 : index
    %swap3A_38 = arith.constant 0 : index
    %swap3A_39 = vector.load %arg8[%swap3A_37, %swap3A_38] : memref<1x256xf32, #tpu.memory_space<vmem>>, vector<1x256xf32>
    tpu.vector_store %arg8[%swap3A_37, %swap3A_38], %add3A_36 {strides = array<i32>} : memref<1x256xf32, #tpu.memory_space<vmem>>, vector<1x256xf32>,
    return
  }
  func.func @transform_0(%arg0: i32) -> (i32, i32) {
    %c0_i32 = arith.constant 0 : i32
    %c0_i32_0 = arith.constant 0 : i32
    return %arg0, %c0_i32 : i32, i32
  }
  func.func @transform_1(%arg0: i32) -> (i32, i32) {
    %c0_i32 = arith.constant 0 : i32
    %c0_i32_0 = arith.constant 0 : i32
    return %arg0, %c0_i32 : i32, i32
  }
  func.func @transform_2(%arg0: i32) -> (i32, i32) {
    %c0_i32 = arith.constant 0 : i32
    %c0_i32_0 = arith.constant 0 : i32
    return %arg0, %c0_i32 : i32, i32
  }
  func.func @transform_3(%arg0: i32) -> (i32, i32) {
    %c0_i32 = arith.constant 0 : i32
    %c0_i32_0 = arith.constant 0 : i32
    return %arg0, %c0_i32 : i32, i32
  }
  func.func @transform_4(%arg0: i32) -> (i32, i32) {
    %c0_i32 = arith.constant 0 : i32
    %c0_i32_0 = arith.constant 0 : i32
    %c0_i32_1 = arith.constant 0 : i32
    return %c0_i32, %c0_i32_0 : i32, i32
  }
  func.func @transform_5(%arg0: i32) -> (i32, i32) {
    %c0_i32 = arith.constant 0 : i32
    %c0_i32_0 = arith.constant 0 : i32
    %c0_i32_1 = arith.constant 0 : i32
    return %c0_i32, %c0_i32_0 : i32, i32
  }
  func.func @transform_6(%arg0: i32) -> (i32, i32) {
    %c0_i32 = arith.constant 0 : i32
    %c0_i32_0 = arith.constant 0 : i32
    return %arg0, %c0_i32 : i32, i32
  }
  func.func @transform_7(%arg0: i32) -> (i32, i32) {
    %c0_i32 = arith.constant 0 : i32
    %c0_i32_0 = arith.constant 0 : i32
    %c0_i32_1 = arith.constant 0 : i32
    return %c0_i32, %c0_i32_0 : i32, i32
  }
}

</mosaic_0001>

<sc_bundles>
// kernel: sc_segment_mean.3.cloned.1.call-start
scs
__scs_entry_jumppad:
0x0: {  	(pc) =	sbr.rel $0x88, $3  }
0x1: {  	(tag) =	ssettag $0x0;
	lr =	simm.s32 $0x1  }
0x2: {  	[smem:$0x3F99] =	sst lr;
	_ =	strace $0xD0000000  }
0x3: {  	_ = 	snop  }
0x4: {  	_ = 	snop  }
0x5: {  	_ = 	snop  }
0x6: {  	_ = 	snop  }
0x7: {  	_ = 	snop  }
__scs_overlays_trampoline_lowered:
0x8: {  	[smem:$0x3FA8] =	sst s0  }
0x9: {  	[smem:$0x3FA9] =	sst s1  }
0xa: {  	[smem:$0x3FAA] =	sst s2  }
0xb: {  	[smem:$0x3FAB] =	sst s3  }
0xc: {  	[smem:$0x3FAC] =	sst s4  }
0xd: {  	[smem:$0x3FAD] =	sst s5  }
0xe: {  	[smem:$0x3FAE] =	sst s6  }
0xf: {  	[smem:$0x3FAF] =	sst s7  }
0x10: {  	[smem:$0x3FB0] =	sst s8  }
0x11: {  	[smem:$0x3FB1] =	sst s9;
	s0 =	simm.s32 @!p0 $0x0  }
0x12: {  	s1 =	sld [smem:$0x3F97];
	s0 =	simm.s32 @p0 $0x1  }
0x13: {  	[smem:$0x3FB2] =	sst s0;
	s0 =	simm.s32 @!p1 $0x0  }
0x14: {  	s2 =	sld [smem:$0x3F96];
	s0 =	simm.s32 @p1 $0x1  }
0x15: {  	[smem:$0x3FB3] =	sst s0;
	s0 =	simm.s32 @!p2 $0x0  }
0x16: {  	s3 =	sld [smem:$0x3FDB];
	s0 =	simm.s32 @p2 $0x1  }
0x17: {  	s4 =	simm.s32 $0x1BF5;
	[smem:$0x3FB5] =	sst s0  }
0x18: {  	s0 =	sld [smem:$0x3F98];
	_ =	swait.ge [sflag:s4], $0x0  }
0x19: {  	s7 =	sld [smem:$0x3F99]  }
0x1a: {  	s8 =	sadd.s32 $0xFFFFE003, lr  }
0x1b: {  	s9 =	sadd.s32 $0xFFFFFEF7, lr;
	s5 =	simm.s32 $0xFFFFFFFF;
	p2 =	slt.u32 s8, $0xFFFFF086  }
0x1c: {  	p1 =	slt.u32 s9, $0xF7A;
	s5 =	simm.s32 @!p2 $0x0  }
0x1d: {  	s5 =	simm.s32 @p1 $0x1;
	p0 =	seq.s32 s7, s2  }
0x1e: {  	s7 =	smul.u32 @!p0 $0xF7A, s2;
	p2 =	seq.s32 @!p0 s5, $0x0  }
0x1f: {  	s9 =	smul.u32 $0xF7A, s1;
	s8 =	simm.s32 @!p0 $0x1BF5;
	p2 =	por !p2, p0  }
0x20: {  	[sflag:s8] =	ssyncset.s32 @!p0 $0xFFFFF086;
	s6 =	sadd.s32 @!p0 s3, s7;
	s7 =	simm.s32 @!p0 $0x108  }
0x21: {  	s3 =	sadd.s32 s3, s9;
	s6 =	sadd.s32 @!p0 $0x88, s6;
	s7 =	simm.s32 @p2 $0x1082  }
0x22: {  	[simem:s7], [sflag:s8] =	dma.local @!p0 [hbm:s6], $0xF7A  }
0x23: {  	s9 =	sor.u32 $0xD0000000, s2;
	s6 =	simm.s32 $0x108;
	_ =	swait.ge @!p0 [sflag:s8], $0x0  }
0x24: {  	s3 =	sadd.s32 $0x88, s3;
	s6 =	simm.s32 @!p1 $0x1082;
	[sflag:s4] =	ssyncset.s32 $0xFFFFF086  }
0x25: {  	[simem:s6], [sflag:s4] =	dma.local [hbm:s3], $0xF7A  }
0x26: {  	[smem:$0x3F99] =	sst s1;
	(tag) =	ssettag s2;
	_ =	strace s9  }
0x27: {  	s1 =	sld [smem:$0x3FA9]  }
0x28: {  	s2 =	sld [smem:$0x3FAA]  }
0x29: {  	s4 =	sld [smem:$0x3FAC]  }
0x2a: {  	p0 =	seq.s32 s5, $0x0;
	s5 =	sld [smem:$0x3FAD]  }
0x2b: {  	s6 =	sld [smem:$0x3FAE]  }
0x2c: {  	s7 =	sld [smem:$0x3FAF]  }
0x2d: {  	s3 =	simm.s32 $0x108;
	s8 =	sld [smem:$0x3FB0]  }
0x2e: {  	s3 =	simm.s32 @!p0 $0x1082;
	s9 =	sld [smem:$0x3FB1]  }
0x2f: {  	lr =	sadd.s32 s0, s3;
	s0 =	sld [smem:$0x3FA8]  }
0x30: {  	s3 =	sld [smem:$0x3FAB]  }
0x31: {  	[smem:$0x3FB4] =	sst s10  }
0x32: {  	s10 =	sld [smem:$0x3FB2];
	_ =	sdelay $0x3  }
0x33: {  	p0 =	seq.s32 s10, $0x1;
	s10 =	sld [smem:$0x3FB4];
	_ =	sdelay $0x3  }
0x34: {  	[smem:$0x3FB4] =	sst s10  }
0x35: {  	s10 =	sld [smem:$0x3FB3];
	_ =	sdelay $0x3  }
0x36: {  	p1 =	seq.s32 s10, $0x1;
	s10 =	sld [smem:$0x3FB4];
	_ =	sdelay $0x3  }
0x37: {  	[smem:$0x3FB4] =	sst s10  }
0x38: {  	s10 =	sld [smem:$0x3FB5]  }
0x39: {  	_ = 	snop;
	(pc) =	sbr.ind lr, $3  }
0x3a: {  	_ = 	snop  }
0x3b: {  	_ = 	snop  }
0x3c: {  	p2 =	seq.s32 s10, $0x1;
	s10 =	sld [smem:$0x3FB4]  }
0x3d: {  	_ =	shalt  }
0x3e: {  	_ =	shalt  }
0x3f: {  	_ =	shalt  }
0x40: {  	_ =	shalt  }
0x41: {  	_ =	shalt  }
0x42: {  	_ =	shalt  }
0x43: {  	_ =	shalt  }
0x44: {  	_ =	shalt  }
0x45: {  	_ =	shalt  }
0x46: {  	_ =	shalt  }
0x47: {  	_ =	shalt  }
0x48: {  	_ =	shalt  }
0x49: {  	_ =	shalt  }
0x4a: {  	_ =	shalt  }
0x4b: {  	_ =	shalt  }
0x4c: {  	_ =	shalt  }
0x4d: {  	_ =	shalt  }
0x4e: {  	_ =	shalt  }
0x4f: {  	_ =	shalt  }
0x50: {  	_ =	shalt  }
0x51: {  	_ =	shalt  }
0x52: {  	_ =	shalt  }
0x53: {  	_ =	shalt  }
0x54: {  	_ =	shalt  }
0x55: {  	_ =	shalt  }
0x56: {  	_ =	shalt  }
0x57: {  	_ =	shalt  }
0x58: {  	_ =	shalt  }
0x59: {  	_ =	shalt  }
0x5a: {  	_ =	shalt  }
0x5b: {  	_ =	shalt  }
0x5c: {  	_ =	shalt  }
0x5d: {  	_ =	shalt  }
0x5e: {  	_ =	shalt  }
0x5f: {  	_ =	shalt  }
0x60: {  	_ =	shalt  }
0x61: {  	_ =	shalt  }
0x62: {  	_ =	shalt  }
0x63: {  	_ =	shalt  }
0x64: {  	_ =	shalt  }
0x65: {  	_ =	shalt  }
0x66: {  	_ =	shalt  }
0x67: {  	_ =	shalt  }
0x68: {  	_ =	shalt  }
0x69: {  	_ =	shalt  }
0x6a: {  	_ =	shalt  }
0x6b: {  	_ =	shalt  }
0x6c: {  	_ =	shalt  }
0x6d: {  	_ =	shalt  }
0x6e: {  	_ =	shalt  }
0x6f: {  	_ =	shalt  }
0x70: {  	_ =	shalt  }
0x71: {  	_ =	shalt  }
0x72: {  	_ =	shalt  }
0x73: {  	_ =	shalt  }
0x74: {  	_ =	shalt  }
0x75: {  	_ =	shalt  }
0x76: {  	_ =	shalt  }
0x77: {  	_ =	shalt  }
0x78: {  	_ =	shalt  }
0x79: {  	_ =	shalt  }
0x7a: {  	_ =	shalt  }
0x7b: {  	_ =	shalt  }
0x7c: {  	_ =	shalt  }
0x7d: {  	_ =	shalt  }
0x7e: {  	_ =	shalt  }
0x7f: {  	_ =	shalt  }
0x80: {  	_ =	shalt  }
0x81: {  	_ =	shalt  }
0x82: {  	_ =	shalt  }
0x83: {  	_ =	shalt  }
0x84: {  	_ =	shalt  }
0x85: {  	_ =	shalt  }
0x86: {  	_ =	shalt  }
0x87: {  	_ =	shalt  }
.Lfunc_end0:
.L_simem_size_0:
called_computation.1_lowered:
.L_overlay_start_0:
0x88: {  	s2 =	sld [smem:$0x3FD9]  }
0x89: {  	s3 =	sld [smem:$0x3FFE];
	_ =	sdelay $0x1  }
0x8a: {  	s1 =	srdreg.scid  }
0x8b: {  	s0 =	sand.u32 $0x1, s1  }
0x8c: {  	s16 =	sshll.u32 s0, $0xA;
	s2 =	sadd.s32 s3, s2  }
0x8d: {  	s2 =	sadd.s32 s2, s16  }
0x8e: {  	[smem:$0x3FC0] =	sst s2  }
0x8f: {  	_ = 	snop  }
0x90: {  	(tm) =	ssettm $0x1  }
0x91: {  	s17 =	sld [smem:$0x3FFB];
	_ =	sdelay $0x3  }
0x92: {  	_ =	strace s17  }
0x93: {  	s2 =	sld [smem:$0x3FFC];
	_ =	sdelay $0x3  }
0x94: {  	_ =	strace s2  }
0x95: {  	s2 =	sld [smem:$0x3FFD];
	_ =	sdelay $0x3  }
0x96: {  	_ =	strace s2  }
0x97: {  	_ =	strace $0x8FFFFFFF  }
0x98: {  	s18 =	sld [smem:$0x3FDB];
	_ =	sdelay $0x1  }
0x99: {  	s19 =	simm.s32 $_scs_section_size  }
0x9a: {  	s4 =	simm.s32 $_size__tile_overlayer_lowered;
	s5 =	simm.s32 $_tile_overlayer_lowered  }
0x9b: {  	s22 =	simm.s32 $0x1BFF;
	s21 =	sshll.u32 s5, $0x1;
	s2 =	sadd.s32 s19, s18  }
0x9c: {  	s6 =	simm.s32 $0x0;
	s20 =	sshll.u32 s4, $0x1;
	s4 =	sadd.s32 s21, s2  }
0x9d: {  	[timem:s6], [sflag:s22] =	dma.local [hbm:s4], s20  }
0x9e: {  	_ =	swait.ge [sflag:s22], s20  }
0x9f: {  	s3 =	ssub.s32 $0x0, s20;
	[sflag:s22] =	ssyncset.done $0x0  }
0xa0: {  	[sflag:s22] =	ssyncadd.s32 s3;
	_ =	sdelay $0x1  }
0xa1: {  	s23 =	simm.s32 $0x1B8B  }
0xa2: {  	_ =	swait.ge [sflag:s23], $0x1  }
0xa3: {  	[sflag:s23] =	ssyncset.done $0x0  }
0xa4: {  	s25 =	simm.s32 $0x1B8E;
	s24 =	sld [smem:$0x3FFE];
	[sflag:s23] =	ssyncadd.s32 $0xFFFFFFFF  }
0xa5: {  	s26 =	simm.s32 $execute0_lowered;
	[smem:$0x3FD2] =	sst s25  }
0xa6: {  	s4 =	sshll.u32 s26, $0x1;
	_ =	strace $0x80000049;
	[dreg:$0x1] =	wrdreg $0xFFFFFFFF  }
0xa7: {  	s28 =	simm.s32 $_size_execute0_lowered;
	s2 =	sadd.s32 s2, s4;
	[dreg:$0x0] =	wrdreg $0x0  }
0xa8: {  	s4 =	sshll.u32 s28, $0x1;
	[dreg:$0x2] =	wrdreg s2  }
0xa9: {  	[dreg:$0x3] =	wrdreg s4  }
0xaa: {  	[dreg:$0x4] =	wrdreg $0xC0  }
0xab: {  	_ =	task [dreg:s6], $0x5FFFF  }
0xac: {  	[dreg:$0x1] =	wrdreg $0xFFFFFFFF  }
0xad: {  	[dreg:$0x0] =	wrdreg $0x60  }
0xae: {  	[dreg:$0x2] =	wrdreg s24  }
0xaf: {  	[dreg:$0x3] =	wrdreg $0xA4000  }
0xb0: {  	[dreg:$0x4] =	wrdreg $0x9  }
0xb1: {  	_ =	task.clear_ibuf [dreg:s6], $0x5FFFF;
	_ =	strace $0x90000049  }
0xb2: {  	s29 =	simm.s32 $0x9;
	_ =	strace $0x8000004B  }
0xb3: {  	_ =	swait.ge [sflag:s29], $0x1  }
0xb4: {  	[sflag:s29] =	ssyncadd.s32 $0xFFFFFFFF  }
0xb5: {  	_ =	strace $0x9000004B  }
0xb6: {  	_ =	sfence  }
0xb7: {  	s30 =	sld [smem:$0x0];
	_ =	sdelay $0x2  }
0xb8: {  	s31 =	sshll.u32 s1, $0xD;
	s1 =	sshrl.u32 s1, $0x2  }
0xb9: {  	s3 =	sand.u32 $0x4000, s31;
	s1 =	sadd.s32 s1, s30  }
0xba: {  	s0 =	sor.u32 s3, s0;
	s1 =	sshll.u32 s1, $0x11  }
0xbb: {  	s0 =	sor.u32 s1, s0  }
0xbc: {  	s0 =	sadd.s32 $0x8F2B, s0  }
0xbd: {  	[sflag:s0] =	ssyncadd.remote.s32 $0x1  }
0xbe: {  	_ =	sfence.sel $0xFFFF  }
0xbf: {  	[dreg:$0x0] =	wrdreg $0xFFFFFFFF;
	(pc) =	sbr.abs _section_cstart, $3  }
0xc0: {  	[dreg:$0x1] =	wrdreg $0xFFFFFFFF  }
0xc1: {  	_ =	task.clear_ibuf [dreg:s6], $0x2FFFF;
	_ =	strace $0x9FFFFFFF  }
0xc2: {  	(tm) =	ssettm $0x7FFFFFFF  }
0xc3: {  	_ =	shalt  }
tec
execute0_lowered:
.L_overlay_start_1:
0x0: {  	(tag) =	ssettag $0x1  }
0x1: {  	s0 =	rddreg [dreg:$0x0]  }
0x2: {  	s1 =	rddreg [dreg:$0x1];
	s2 =	simm.s32 $0x0;
	s3 =	srdreg.scid  }
0x3: {  	s15 =	stileid.u32;
	s28 =	simm.s32 $0x9;
	s29 =	simm.s32 $0x200  }
0x4: {  	[smem:$0x7FF] =	sst s2;
	s4 =	sadd.s32 $0x12E00, s0;
	s5 =	sadd.s32 $0xD9200, s0  }
0x5: {  	s3 =	sand.u32 $0x1, s3;
	s6 =	sadd.s32 $0xAE00, s0;
	s8 =	smul.u32 $0x2800, s15  }
0x6: {  	s7 =	sadd.s32 $0x2E00, s0;
	s11 =	smul.u32 $0x50000, s15;
	s12 =	sadd.s32 $0x3A600, s0  }
0x7: {  	p3 =	seq.s32 s15, $0xF;
	p4 =	sne.s32 s15, $0xF;
	s16 =	sadd.s32 $0x12C000, s1  }
0x8: {  	s17 =	sshll.u32 s15, $0xB;
	s25 =	sadd.s32 $0x125C00, s0;
	s26 =	sshll.u32 s15, $0x6  }
0x9: {  	_ =	strace $0x8000004A;
	s9 =	ssub.s32 $0x2, s3;
	[dreg:$0x3] =	wrdreg s12  }
0xa: {  	p2 =	seq.s32 s3, $0x0;
	s13 =	sadd.s32 s6, s17;
	s18 =	sor.u32 $0x10, s17  }
0xb: {  	s20 =	sor.u32 $0x20, s17;
	p0 =	seq.s32 s3, $0x1;
	[dreg:$0x10] =	wrdreg s25  }
0xc: {  	[dreg:$0x4] =	wrdreg s16;
	s10 =	sshrl.u32 s9, $0x1;
	s8 =	sadd.s32 s8, s0  }
0xd: {  	s14 =	sshrl.u32 s11, $0x2;
	[dreg:$0x6] =	wrdreg s13;
	s19 =	sadd.s32 s6, s18  }
0xe: {  	s13 =	sadd.s32 s7, s18;
	s21 =	sadd.s32 s6, s20;
	s11 =	sor.u32 $0x30, s17  }
0xf: {  	s22 =	sadd.s32 s7, s20;
	p1 =	por !p2, !p4;
	p2 =	por !p2, !p3  }
0x10: {  	p5 =	por !p4, !p0;
	p3 =	por !p0, !p3;
	[dreg:$0x8] =	wrdreg s19  }
0x11: {  	s0 =	sadd.s32 $0x14CE00, s0;
	s18 =	simm.s32 $0x5;
	[dreg:$0x9] =	wrdreg s13  }
0x12: {  	s20 =	simm.s32 $0x8;
	s31 =	ssub.s32 s9, s10;
	[dreg:$0xa] =	wrdreg s21  }
0x13: {  	s10 =	sadd.s32 s14, s1;
	s14 =	sadd.s32 s7, s17;
	[dreg:$0xb] =	wrdreg s22  }
0x14: {  	s23 =	sadd.s32 s6, s11;
	s11 =	sadd.s32 s7, s11;
	p1 =	por !p1, !p1  }
0x15: {  	s24 =	sadd.s32 $0x100400, s8;
	p2 =	por !p2, !p2;
	[dreg:$0x11] =	wrdreg s0  }
0x16: {  	p5 =	por !p5, !p5;
	s8 =	sadd.s32 $0x127600, s8;
	[dreg:$0x7] =	wrdreg s14  }
0x17: {  	p3 =	por !p3, !p3;
	s0 =	simm.s32 $0x100;
	[dreg:$0xc] =	wrdreg s23  }
0x18: {  	s13 =	simm.s32 $0x3;
	s17 =	simm.s32 $0x7C00;
	[dreg:$0xd] =	wrdreg s11  }
0x19: {  	s19 =	simm.s32 $0x7;
	s21 =	simm.s32 $0x380;
	[dreg:$0xe] =	wrdreg s24  }
0x1a: {  	s22 =	simm.s32 $0x0;
	[dreg:$0xf] =	wrdreg s8;
	s8 =	smov.u32 s16  }
0x1b: {  	[dreg:$0x5] =	wrdreg s10;
	s30 =	smax.u32 s31, $0x1;
	s24 =	sor.u32 $0x1C09, s26  }
.Ltmp0:
0x1c: {  	p5 =	por !p5, p2;
	s26 =	sshll.u32 s15, $0xE;
	(pc) =	sbr.rel .LBB2_1-.Ltmp0, $4  }
0x1d: {  	s11 =	simm.s32 $0x400;
	s14 =	simm.s32 $0x5400;
	s15 =	simm.s32 $0x180  }
0x1e: {  	s16 =	simm.s32 $0x4;
	s8 =	smov.u32 @p4 s10;
	[dreg:$0x12] =	wrdreg s30  }
0x1f: {  	p4 =	sne.s32 s3, $0x0;
	[dreg:$0x13] =	wrdreg s24;
	s31 =	sshrl.u32 s8, $0x3  }
0x20: {  	s3 =	simm.s32 $0x300;
	s8 =	simm.s32 $0x50;
	[dreg:$0x14] =	wrdreg s31  }
.LBB2_10:
0x21: {  	_ =	swait.ge [sflag:s20], $0x2800  }
0x22: {  	[sflag:s20] =	ssyncset.done $0x0  }
0x23: {  	[sflag:s20] =	ssyncadd.s32 $0xFFFFD800  }
0x24: {  	[spmem:s1] =	stream.indirect.scatter.add.f32 [tilespmem:s17], [sflag:$0x9], $0x80, s21, s8, $0xb8;
	[tilespmem:$0x1E400] =	vst v63  }
0x25: {  	_ =	swait.ge [sflag:s28], $0x2800  }
0x26: {  	[sflag:s28] =	ssyncset.done $0x0  }
0x27: {  	s24 =	rddreg [dreg:$0x13];
	[sflag:s28] =	ssyncadd.s32 $0xFFFFD800  }
.LBB2_11:
0x28: {  	[bflag:$0x0] =	sbarrier.arrive $0xFFFF  }
0x29: {  	s10 =	rddreg [dreg:$0x5]  }
0x2a: {  	s12 =	rddreg [dreg:$0xe];
	s9 =	sshrl.u32 @p1 s10, $0x3  }
0x2b: {  	[hbm:s12], [sflag:s24] =	dma.local @p1 [spmem:s9], $0x2800  }
0x2c: {  	s9 =	simm.s32 @p1 $0x9  }
0x2d: {  	_ =	swait.ge @p1 [sflag:s9], $0x2800  }
0x2e: {  	[sflag:s9] =	ssyncset.done @p1 $0x0  }
0x2f: {  	[sflag:s9] =	ssyncadd.s32 @p1 $0xFFFFD800;
	s9 =	sshrl.u32 @!p5 s10, $0x3;
	s10 =	rddreg [dreg:$0xf]  }
0x30: {  	[hbm:s10], [sflag:s24] =	dma.local @!p5 [spmem:s9], $0x2800  }
0x31: {  	s9 =	simm.s32 @!p5 $0x9  }
0x32: {  	_ =	swait.ge @!p5 [sflag:s9], $0x2800  }
0x33: {  	s10 =	simm.s32 @p2 $0x1FC9;
	[sflag:s9] =	ssyncset.done @!p5 $0x0;
	s12 =	rddreg [dreg:$0x4]  }
0x34: {  	s23 =	rddreg [dreg:$0x10];
	[sflag:s9] =	ssyncadd.s32 @!p5 $0xFFFFD800;
	s9 =	sshrl.u32 @p2 s12, $0x3  }
0x35: {  	[hbm:s23], [sflag:s10] =	dma.local @p2 [spmem:s9], $0x1900  }
0x36: {  	s9 =	simm.s32 @p2 $0x9  }
0x37: {  	_ =	swait.ge @p2 [sflag:s9], $0x1900  }
0x38: {  	s10 =	simm.s32 @p3 $0x1FC9;
	[sflag:s9] =	ssyncset.done @p2 $0x0  }
0x39: {  	[sflag:s9] =	ssyncadd.s32 @p2 $0xFFFFE700;
	s9 =	sshrl.u32 @p3 s12, $0x3;
	s12 =	rddreg [dreg:$0x11]  }
0x3a: {  	[hbm:s12], [sflag:s10] =	dma.local @p3 [spmem:s9], $0x1900  }
0x3b: {  	s9 =	simm.s32 @p3 $0x9  }
0x3c: {  	_ =	swait.ge @p3 [sflag:s9], $0x1900  }
0x3d: {  	s22 =	sadd.s32 $0x1, s22;
	s31 =	rddreg [dreg:$0x12]  }
0x3e: {  	p6 =	sne.s32 s22, s31  }
.Ltmp1:
0x3f: {  	_ = 	snop;
	(pc) =	sbr.rel @!p6 .LBB2_12-.Ltmp1, $3  }
0x40: {  	_ =	sdelay $0x1  }
0x41: {  	[sflag:s9] =	ssyncset.done @p3 $0x0  }
0x42: {  	[sflag:s9] =	ssyncadd.s32 @p3 $0xFFFFE700  }
.LBB2_1:
0x43: {  	s9 =	rddreg [dreg:$0x3]  }
0x44: {  	s10 =	rddreg [dreg:$0x14]  }
0x45: {  	[spmem:s10], [sflag:s24] =	dma.local [hbm:s9], $0x2800  }
.Ltmp2:
0x46: {  	_ =	swait.ge [sflag:s28], $0x2800;
	(pc) =	sbr.rel @p4 .LBB2_6-.Ltmp2, $3  }
0x47: {  	[sflag:s28] =	ssyncset.done $0x0  }
0x48: {  	[sflag:s28] =	ssyncadd.s32 $0xFFFFD800  }
0x49: {  	[bflag:$0x0] =	sbarrier.arrive $0xFFFF;
	_ =	sdelay $0x1  }
0x4a: {  	s9 =	rddreg [dreg:$0x6]  }
0x4b: {  	[tilespmem:s2], [sflag:$0x1] =	stream.linear.gather [hbm4b:s9+s2], $0x80, $0x38;
	[tilespmem:$0x1E400] =	vst v63  }
0x4c: {  	s24 =	rddreg [dreg:$0x7]  }
0x4d: {  	[tilespmem:s29], [sflag:$0x1] =	stream.linear.gather [hbm4b:s24+s2], $0x80, $0x38;
	[tilespmem:$0x1E400] =	vst v63  }
0x4e: {  	s25 =	rddreg [dreg:$0x8];
	s10 =	simm.s32 $0x80  }
0x4f: {  	[tilespmem:s10], [sflag:$0x2] =	stream.linear.gather [hbm4b:s25+s2], $0x80, $0x38;
	[tilespmem:$0x1E400] =	vst v63  }
0x50: {  	s30 =	rddreg [dreg:$0x9];
	s12 =	simm.s32 $0x280  }
0x51: {  	[tilespmem:s12], [sflag:$0x2] =	stream.linear.gather [hbm4b:s30+s2], $0x80, $0x38;
	[tilespmem:$0x1E400] =	vst v63  }
0x52: {  	s31 =	rddreg [dreg:$0xa]  }
0x53: {  	[tilespmem:s0], [sflag:$0x3] =	stream.linear.gather [hbm4b:s31+s2], $0x80, $0x38;
	[tilespmem:$0x1E400] =	vst v63  }
0x54: {  	s23 =	simm.s32 $0x1;
	s12 =	rddreg [dreg:$0xb]  }
0x55: {  	[tilespmem:s3], [sflag:$0x3] =	stream.linear.gather [hbm4b:s12+s2], $0x80, $0x38;
	[tilespmem:$0x1E400] =	vst v63  }
0x56: {  	_ =	swait.ge [sflag:s23], $0x80  }
0x57: {  	[sflag:s23] =	ssyncset.done $0x0  }
0x58: {  	[sflag:s23] =	ssyncadd.s32 $0xFFFFFF80  }
0x59: {  	_ =	swait.ge [sflag:s23], $0x80  }
0x5a: {  	[sflag:s23] =	ssyncset.done $0x0  }
0x5b: {  	s24 =	simm.s32 $0x2;
	[sflag:s23] =	ssyncadd.s32 $0xFFFFFF80  }
0x5c: {  	[tilespmem:s11], [sflag:$0x5] =	stream.indirect.gather [hbm4b:s4+s8], $0x80, s2, s8, $0xb8;
	[tilespmem:$0x1E400] =	vst v63  }
0x5d: {  	_ =	swait.ge [sflag:s24], $0x80  }
0x5e: {  	[sflag:s24] =	ssyncset.done $0x0  }
0x5f: {  	[sflag:s24] =	ssyncadd.s32 $0xFFFFFF80  }
0x60: {  	_ =	swait.ge [sflag:s24], $0x80  }
0x61: {  	[sflag:s24] =	ssyncset.done $0x0  }
0x62: {  	s25 =	simm.s32 $0x2C00;
	[sflag:s24] =	ssyncadd.s32 $0xFFFFFF80  }
0x63: {  	[tilespmem:s25], [sflag:$0x6] =	stream.indirect.gather [hbm4b:s4+s8], $0x80, s10, s8, $0xb8;
	[tilespmem:$0x1E400] =	vst v63  }
0x64: {  	_ =	swait.ge [sflag:s13], $0x80  }
0x65: {  	[sflag:s13] =	ssyncset.done $0x0  }
0x66: {  	[sflag:s13] =	ssyncadd.s32 $0xFFFFFF80  }
0x67: {  	_ =	swait.ge [sflag:s13], $0x80  }
0x68: {  	[sflag:s13] =	ssyncset.done $0x0  }
0x69: {  	[sflag:s13] =	ssyncadd.s32 $0xFFFFFF80  }
0x6a: {  	[tilespmem:s14], [sflag:$0x7] =	stream.indirect.gather [hbm4b:s4+s8], $0x80, s0, s8, $0xb8;
	[tilespmem:$0x1E400] =	vst v63  }
0x6b: {  	s30 =	rddreg [dreg:$0xc]  }
0x6c: {  	[tilespmem:s15], [sflag:$0x4] =	stream.linear.gather [hbm4b:s30+s2], $0x80, $0x38;
	[tilespmem:$0x1E400] =	vst v63  }
0x6d: {  	s23 =	simm.s32 $0x380;
	s31 =	rddreg [dreg:$0xd]  }
0x6e: {  	[tilespmem:s23], [sflag:$0x4] =	stream.linear.gather [hbm4b:s31+s2], $0x80, $0x38;
	[tilespmem:$0x1E400] =	vst v63  }
.LBB2_3:
0x6f: {  	_ =	swait.ge [sflag:s16], $0x80  }
0x70: {  	[sflag:s16] =	ssyncset.done $0x0  }
0x71: {  	[sflag:s16] =	ssyncadd.s32 $0xFFFFFF80  }
0x72: {  	_ =	swait.ge [sflag:s16], $0x80  }
0x73: {  	[sflag:s16] =	ssyncset.done $0x0  }
0x74: {  	[sflag:s16] =	ssyncadd.s32 $0xFFFFFF80  }
0x75: {  	[tilespmem:s17], [sflag:$0x8] =	stream.indirect.gather [hbm4b:s4+s8], $0x80, s15, s8, $0xb8;
	[tilespmem:$0x1E400] =	vst v63  }
0x76: {  	_ =	swait.ge [sflag:s18], $0x2800  }
0x77: {  	[sflag:s18] =	ssyncset.done $0x0  }
0x78: {  	[sflag:s18] =	ssyncadd.s32 $0xFFFFD800  }
0x79: {  	[spmem:s1] =	stream.indirect.scatter.add.f32 [tilespmem:s11], [sflag:$0x9], $0x80, s29, s8, $0xb8;
	[tilespmem:$0x1E400] =	vst v63  }
0x7a: {  	_ =	swait.ge [sflag:s28], $0x2800  }
0x7b: {  	p6 =	seq.s32 s23, $0x4180;
	[sflag:s28] =	ssyncset.done $0x0  }
0x7c: {  	s30 =	simm.s32 @p6 $0x6;
	[sflag:s28] =	ssyncadd.s32 $0xFFFFD800  }
0x7d: {  	_ =	swait.ge @p6 [sflag:s30], $0x2800  }
0x7e: {  	s25 =	simm.s32 @p6 $0x280;
	[sflag:s30] =	ssyncset.done @p6 $0x0  }
0x7f: {  	s10 =	simm.s32 @p6 $0x2C00;
	[sflag:s30] =	ssyncadd.s32 @p6 $0xFFFFD800;
	s30 =	simm.s32 @p6 $0x50  }
0x80: {  	[spmem:s1] =	stream.indirect.scatter.add.f32 @p6 [tilespmem:s10], [sflag:$0x9], $0x80, s25, s30, $0xb8;
	[tilespmem:$0x1E400] =	vst v63  }
0x81: {  	s10 =	sadd.s32 @!p6 $0xFFFFFE80, s23  }
0x82: {  	s25 =	sand.u32 @!p6 $0x7C00, s10  }
0x83: {  	s30 =	simm.s32 @p6 $0x9;
	s10 =	sand.u32 @!p6 $0x200, s10;
	s25 =	sadd.s32 @!p6 s26, s25  }
0x84: {  	_ =	swait.ge @p6 [sflag:s30], $0x2800;
	s10 =	sor.u32 @!p6 s10, s25  }
0x85: {  	[sflag:s30] =	ssyncset.done @p6 $0x0;
	s10 =	sshrl.u32 @!p6 s10, $0x3  }
0x86: {  	[sflag:s30] =	ssyncadd.s32 @p6 $0xFFFFD800;
	s30 =	simm.s32 @!p6 $0x0;
	s25 =	sadd.s32 @!p6 s6, s10  }
0x87: {  	[tilespmem:s30], [sflag:$0x1] =	stream.linear.gather @!p6 [hbm4b:s25+s30], $0x80, $0x38;
	[tilespmem:$0x1E400] =	vst v63  }
0x88: {  	s10 =	sadd.s32 @!p6 s7, s10;
	s25 =	simm.s32 @!p6 $0x200  }
0x89: {  	[tilespmem:s25], [sflag:$0x1] =	stream.linear.gather @!p6 [hbm4b:s10+s30], $0x80, $0x38;
	[tilespmem:$0x1E400] =	vst v63  }
0x8a: {  	s10 =	simm.s32 @!p6 $0x1  }
0x8b: {  	_ =	swait.ge @!p6 [sflag:s10], $0x80  }
0x8c: {  	[sflag:s10] =	ssyncset.done @!p6 $0x0  }
0x8d: {  	[sflag:s10] =	ssyncadd.s32 @!p6 $0xFFFFFF80  }
0x8e: {  	_ =	swait.ge @!p6 [sflag:s10], $0x80  }
0x8f: {  	[sflag:s10] =	ssyncset.done @!p6 $0x0  }
0x90: {  	s25 =	simm.s32 @!p6 $0x400;
	[sflag:s10] =	ssyncadd.s32 @!p6 $0xFFFFFF80;
	s10 =	simm.s32 @!p6 $0x50  }
0x91: {  	[tilespmem:s25], [sflag:$0x5] =	stream.indirect.gather @!p6 [hbm4b:s4+s10], $0x80, s30, s10, $0xb8;
	[tilespmem:$0x1E400] =	vst v63  }
0x92: {  	s9 =	simm.s32 @!p6 $0x2C00;
	s25 =	simm.s32 @!p6 $0x6  }
0x93: {  	s24 =	sadd.s32 @!p6 $0xFFFFFF00, s23;
	s12 =	simm.s32 @!p6 $0x9;
	_ =	swait.ge @!p6 [sflag:s25], $0x2800  }
0x94: {  	s31 =	sand.u32 @!p6 $0x7C00, s24;
	s24 =	sand.u32 @!p6 $0x280, s24;
	[sflag:s25] =	ssyncset.done @!p6 $0x0  }
0x95: {  	s31 =	sadd.s32 @!p6 s26, s31;
	[sflag:s25] =	ssyncadd.s32 @!p6 $0xFFFFD800;
	s25 =	simm.s32 @!p6 $0x280  }
0x96: {  	[spmem:s1] =	stream.indirect.scatter.add.f32 @!p6 [tilespmem:s9], [sflag:$0x9], $0x80, s25, s10, $0xb8;
	[tilespmem:$0x1E400] =	vst v63  }
0x97: {  	s24 =	sor.u32 @!p6 s24, s31;
	_ =	swait.ge @!p6 [sflag:s12], $0x2800  }
0x98: {  	s24 =	sshrl.u32 @!p6 s24, $0x3;
	[sflag:s12] =	ssyncset.done @!p6 $0x0  }
0x99: {  	s31 =	simm.s32 @!p6 $0x80;
	[sflag:s12] =	ssyncadd.s32 @!p6 $0xFFFFD800;
	s12 =	sadd.s32 @!p6 s6, s24  }
0x9a: {  	[tilespmem:s31], [sflag:$0x2] =	stream.linear.gather @!p6 [hbm4b:s12+s30], $0x80, $0x38;
	[tilespmem:$0x1E400] =	vst v63  }
0x9b: {  	s12 =	sadd.s32 @!p6 s7, s24  }
0x9c: {  	[tilespmem:s25], [sflag:$0x2] =	stream.linear.gather @!p6 [hbm4b:s12+s30], $0x80, $0x38;
	[tilespmem:$0x1E400] =	vst v63  }
0x9d: {  	s12 =	simm.s32 @!p6 $0x2  }
0x9e: {  	_ =	swait.ge @!p6 [sflag:s12], $0x80  }
0x9f: {  	[sflag:s12] =	ssyncset.done @!p6 $0x0  }
0xa0: {  	[sflag:s12] =	ssyncadd.s32 @!p6 $0xFFFFFF80  }
0xa1: {  	_ =	swait.ge @!p6 [sflag:s12], $0x80  }
0xa2: {  	[sflag:s12] =	ssyncset.done @!p6 $0x0  }
0xa3: {  	[sflag:s12] =	ssyncadd.s32 @!p6 $0xFFFFFF80  }
0xa4: {  	[tilespmem:s9], [sflag:$0x6] =	stream.indirect.gather @!p6 [hbm4b:s4+s10], $0x80, s31, s10, $0xb8;
	[tilespmem:$0x1E400] =	vst v63  }
0xa5: {  	_ =	swait.ge [sflag:s19], $0x2800  }
0xa6: {  	[sflag:s19] =	ssyncset.done $0x0  }
.Ltmp3:
0xa7: {  	[sflag:s19] =	ssyncadd.s32 $0xFFFFD800;
	(pc) =	sbr.rel @p6 .LBB2_5-.Ltmp3, $4  }
0xa8: {  	[spmem:s1] =	stream.indirect.scatter.add.f32 [tilespmem:s14], [sflag:$0x9], $0x80, s3, s8, $0xb8;
	[tilespmem:$0x1E400] =	vst v63  }
0xa9: {  	_ =	swait.ge [sflag:s28], $0x2800  }
0xaa: {  	[sflag:s28] =	ssyncset.done $0x0  }
0xab: {  	[sflag:s28] =	ssyncadd.s32 $0xFFFFD800  }
0xac: {  	s9 =	sadd.s32 $0xFFFFFF80, s23  }
0xad: {  	s10 =	sand.u32 $0x7C00, s9  }
0xae: {  	s9 =	sand.u32 $0x300, s9;
	s10 =	sadd.s32 s26, s10  }
0xaf: {  	s9 =	sor.u32 s9, s10  }
0xb0: {  	s9 =	sshrl.u32 s9, $0x3  }
0xb1: {  	s24 =	sadd.s32 s6, s9  }
0xb2: {  	[tilespmem:s0], [sflag:$0x3] =	stream.linear.gather [hbm4b:s24+s2], $0x80, $0x38;
	[tilespmem:$0x1E400] =	vst v63  }
0xb3: {  	s9 =	sadd.s32 s7, s9  }
0xb4: {  	[tilespmem:s3], [sflag:$0x3] =	stream.linear.gather [hbm4b:s9+s2], $0x80, $0x38;
	[tilespmem:$0x1E400] =	vst v63  }
0xb5: {  	_ =	swait.ge [sflag:s13], $0x80  }
0xb6: {  	[sflag:s13] =	ssyncset.done $0x0  }
0xb7: {  	[sflag:s13] =	ssyncadd.s32 $0xFFFFFF80  }
0xb8: {  	_ =	swait.ge [sflag:s13], $0x80  }
0xb9: {  	[sflag:s13] =	ssyncset.done $0x0  }
0xba: {  	[sflag:s13] =	ssyncadd.s32 $0xFFFFFF80  }
0xbb: {  	[tilespmem:s14], [sflag:$0x7] =	stream.indirect.gather [hbm4b:s4+s8], $0x80, s0, s8, $0xb8;
	[tilespmem:$0x1E400] =	vst v63  }
0xbc: {  	_ =	swait.ge [sflag:s20], $0x2800  }
0xbd: {  	s25 =	sand.u32 $0x7C00, s23;
	[sflag:s20] =	ssyncset.done $0x0  }
0xbe: {  	s30 =	sand.u32 $0x380, s23;
	s9 =	sadd.s32 s26, s25;
	[sflag:s20] =	ssyncadd.s32 $0xFFFFD800  }
0xbf: {  	[spmem:s1] =	stream.indirect.scatter.add.f32 [tilespmem:s17], [sflag:$0x9], $0x80, s21, s8, $0xb8;
	[tilespmem:$0x1E400] =	vst v63  }
0xc0: {  	s9 =	sor.u32 s30, s9;
	_ =	swait.ge [sflag:s28], $0x2800  }
.Ltmp4:
0xc1: {  	s9 =	sshrl.u32 s9, $0x3;
	[sflag:s28] =	ssyncset.done $0x0;
	(pc) =	sbr.rel .LBB2_3-.Ltmp4, $4  }
0xc2: {  	s31 =	sadd.s32 s6, s9;
	[sflag:s28] =	ssyncadd.s32 $0xFFFFD800  }
0xc3: {  	[tilespmem:s15], [sflag:$0x4] =	stream.linear.gather [hbm4b:s31+s2], $0x80, $0x38;
	[tilespmem:$0x1E400] =	vst v63  }
0xc4: {  	s23 =	sadd.s32 $0x200, s23;
	s9 =	sadd.s32 s7, s9  }
0xc5: {  	[tilespmem:s21], [sflag:$0x4] =	stream.linear.gather [hbm4b:s9+s2], $0x80, $0x38;
	[tilespmem:$0x1E400] =	vst v63  }
.LBB2_5:
0xc6: {  	_ =	swait.ge [sflag:s20], $0x2800  }
0xc7: {  	[sflag:s20] =	ssyncset.done $0x0  }
0xc8: {  	[sflag:s20] =	ssyncadd.s32 $0xFFFFD800  }
0xc9: {  	[spmem:s1] =	stream.indirect.scatter.add.f32 [tilespmem:s17], [sflag:$0x9], $0x80, s21, s8, $0xb8;
	[tilespmem:$0x1E400] =	vst v63  }
0xca: {  	_ =	swait.ge [sflag:s28], $0x2800  }
0xcb: {  	[sflag:s28] =	ssyncset.done $0x0  }
0xcc: {  	s24 =	rddreg [dreg:$0x13];
	[sflag:s28] =	ssyncadd.s32 $0xFFFFD800  }
.LBB2_6:
.Ltmp5:
0xcd: {  	(pc) =	sbr.rel @!p0 .LBB2_11-.Ltmp5, $1  }
0xce: {  	_ =	sdelay $0x3  }
0xcf: {  	s9 =	rddreg [dreg:$0x6]  }
0xd0: {  	[tilespmem:s2], [sflag:$0x1] =	stream.linear.gather [hbm4b:s9+s2], $0x80, $0x38;
	[tilespmem:$0x1E400] =	vst v63  }
0xd1: {  	s24 =	rddreg [dreg:$0x7]  }
0xd2: {  	[tilespmem:s29], [sflag:$0x1] =	stream.linear.gather [hbm4b:s24+s2], $0x80, $0x38;
	[tilespmem:$0x1E400] =	vst v63  }
0xd3: {  	s25 =	rddreg [dreg:$0x8];
	s10 =	simm.s32 $0x80  }
0xd4: {  	[tilespmem:s10], [sflag:$0x2] =	stream.linear.gather [hbm4b:s25+s2], $0x80, $0x38;
	[tilespmem:$0x1E400] =	vst v63  }
0xd5: {  	s30 =	rddreg [dreg:$0x9];
	s12 =	simm.s32 $0x280  }
0xd6: {  	[tilespmem:s12], [sflag:$0x2] =	stream.linear.gather [hbm4b:s30+s2], $0x80, $0x38;
	[tilespmem:$0x1E400] =	vst v63  }
0xd7: {  	s31 =	rddreg [dreg:$0xa]  }
0xd8: {  	[tilespmem:s0], [sflag:$0x3] =	stream.linear.gather [hbm4b:s31+s2], $0x80, $0x38;
	[tilespmem:$0x1E400] =	vst v63  }
0xd9: {  	s23 =	simm.s32 $0x1;
	s12 =	rddreg [dreg:$0xb]  }
0xda: {  	[tilespmem:s3], [sflag:$0x3] =	stream.linear.gather [hbm4b:s12+s2], $0x80, $0x38;
	[tilespmem:$0x1E400] =	vst v63  }
0xdb: {  	_ =	swait.ge [sflag:s23], $0x80  }
0xdc: {  	[sflag:s23] =	ssyncset.done $0x0  }
0xdd: {  	[sflag:s23] =	ssyncadd.s32 $0xFFFFFF80  }
0xde: {  	_ =	swait.ge [sflag:s23], $0x80  }
0xdf: {  	[sflag:s23] =	ssyncset.done $0x0  }
0xe0: {  	s24 =	simm.s32 $0x2;
	[sflag:s23] =	ssyncadd.s32 $0xFFFFFF80  }
0xe1: {  	[tilespmem:s11], [sflag:$0x5] =	stream.indirect.gather [hbm4b:s5+s8], $0x80, s2, s8, $0xb8;
	[tilespmem:$0x1E400] =	vst v63  }
0xe2: {  	_ =	swait.ge [sflag:s24], $0x80  }
0xe3: {  	[sflag:s24] =	ssyncset.done $0x0  }
0xe4: {  	[sflag:s24] =	ssyncadd.s32 $0xFFFFFF80  }
0xe5: {  	_ =	swait.ge [sflag:s24], $0x80  }
0xe6: {  	[sflag:s24] =	ssyncset.done $0x0  }
0xe7: {  	s25 =	simm.s32 $0x2C00;
	[sflag:s24] =	ssyncadd.s32 $0xFFFFFF80  }
0xe8: {  	[tilespmem:s25], [sflag:$0x6] =	stream.indirect.gather [hbm4b:s5+s8], $0x80, s10, s8, $0xb8;
	[tilespmem:$0x1E400] =	vst v63  }
0xe9: {  	_ =	swait.ge [sflag:s13], $0x80  }
0xea: {  	[sflag:s13] =	ssyncset.done $0x0  }
0xeb: {  	[sflag:s13] =	ssyncadd.s32 $0xFFFFFF80  }
0xec: {  	_ =	swait.ge [sflag:s13], $0x80  }
0xed: {  	[sflag:s13] =	ssyncset.done $0x0  }
0xee: {  	[sflag:s13] =	ssyncadd.s32 $0xFFFFFF80  }
0xef: {  	[tilespmem:s14], [sflag:$0x7] =	stream.indirect.gather [hbm4b:s5+s8], $0x80, s0, s8, $0xb8;
	[tilespmem:$0x1E400] =	vst v63  }
0xf0: {  	s30 =	rddreg [dreg:$0xc]  }
0xf1: {  	[tilespmem:s15], [sflag:$0x4] =	stream.linear.gather [hbm4b:s30+s2], $0x80, $0x38;
	[tilespmem:$0x1E400] =	vst v63  }
0xf2: {  	s23 =	simm.s32 $0x380;
	s31 =	rddreg [dreg:$0xd]  }
0xf3: {  	[tilespmem:s23], [sflag:$0x4] =	stream.linear.gather [hbm4b:s31+s2], $0x80, $0x38;
	[tilespmem:$0x1E400] =	vst v63  }
.LBB2_8:
0xf4: {  	_ =	swait.ge [sflag:s16], $0x80  }
0xf5: {  	[sflag:s16] =	ssyncset.done $0x0  }
0xf6: {  	[sflag:s16] =	ssyncadd.s32 $0xFFFFFF80  }
0xf7: {  	_ =	swait.ge [sflag:s16], $0x80  }
0xf8: {  	[sflag:s16] =	ssyncset.done $0x0  }
0xf9: {  	[sflag:s16] =	ssyncadd.s32 $0xFFFFFF80  }
0xfa: {  	[tilespmem:s17], [sflag:$0x8] =	stream.indirect.gather [hbm4b:s5+s8], $0x80, s15, s8, $0xb8;
	[tilespmem:$0x1E400] =	vst v63  }
0xfb: {  	_ =	swait.ge [sflag:s18], $0x2800  }
0xfc: {  	[sflag:s18] =	ssyncset.done $0x0  }
0xfd: {  	[sflag:s18] =	ssyncadd.s32 $0xFFFFD800  }
0xfe: {  	[spmem:s1] =	stream.indirect.scatter.add.f32 [tilespmem:s11], [sflag:$0x9], $0x80, s29, s8, $0xb8;
	[tilespmem:$0x1E400] =	vst v63  }
0xff: {  	_ =	swait.ge [sflag:s28], $0x2800  }
0x100: {  	p6 =	seq.s32 s23, $0x4180;
	[sflag:s28] =	ssyncset.done $0x0  }
0x101: {  	s9 =	simm.s32 @p6 $0x6;
	[sflag:s28] =	ssyncadd.s32 $0xFFFFD800  }
0x102: {  	_ =	swait.ge @p6 [sflag:s9], $0x2800  }
0x103: {  	s10 =	simm.s32 @p6 $0x280;
	[sflag:s9] =	ssyncset.done @p6 $0x0  }
0x104: {  	s12 =	simm.s32 @p6 $0x2C00;
	[sflag:s9] =	ssyncadd.s32 @p6 $0xFFFFD800;
	s9 =	simm.s32 @p6 $0x50  }
0x105: {  	[spmem:s1] =	stream.indirect.scatter.add.f32 @p6 [tilespmem:s12], [sflag:$0x9], $0x80, s10, s9, $0xb8;
	[tilespmem:$0x1E400] =	vst v63  }
0x106: {  	s9 =	sadd.s32 @!p6 $0xFFFFFE80, s23  }
0x107: {  	s10 =	sand.u32 @!p6 $0x7C00, s9  }
0x108: {  	s12 =	simm.s32 @p6 $0x9;
	s9 =	sand.u32 @!p6 $0x200, s9;
	s10 =	sadd.s32 @!p6 s26, s10  }
0x109: {  	_ =	swait.ge @p6 [sflag:s12], $0x2800;
	s9 =	sor.u32 @!p6 s9, s10  }
0x10a: {  	[sflag:s12] =	ssyncset.done @p6 $0x0;
	s9 =	sshrl.u32 @!p6 s9, $0x3  }
0x10b: {  	[sflag:s12] =	ssyncadd.s32 @p6 $0xFFFFD800;
	s12 =	simm.s32 @!p6 $0x0;
	s10 =	sadd.s32 @!p6 s6, s9  }
0x10c: {  	[tilespmem:s12], [sflag:$0x1] =	stream.linear.gather @!p6 [hbm4b:s10+s12], $0x80, $0x38;
	[tilespmem:$0x1E400] =	vst v63  }
0x10d: {  	s9 =	sadd.s32 @!p6 s7, s9;
	s10 =	simm.s32 @!p6 $0x200  }
0x10e: {  	[tilespmem:s10], [sflag:$0x1] =	stream.linear.gather @!p6 [hbm4b:s9+s12], $0x80, $0x38;
	[tilespmem:$0x1E400] =	vst v63  }
0x10f: {  	s9 =	simm.s32 @!p6 $0x1  }
0x110: {  	_ =	swait.ge @!p6 [sflag:s9], $0x80  }
0x111: {  	[sflag:s9] =	ssyncset.done @!p6 $0x0  }
0x112: {  	[sflag:s9] =	ssyncadd.s32 @!p6 $0xFFFFFF80  }
0x113: {  	_ =	swait.ge @!p6 [sflag:s9], $0x80  }
0x114: {  	[sflag:s9] =	ssyncset.done @!p6 $0x0  }
0x115: {  	s10 =	simm.s32 @!p6 $0x400;
	[sflag:s9] =	ssyncadd.s32 @!p6 $0xFFFFFF80;
	s9 =	simm.s32 @!p6 $0x50  }
0x116: {  	[tilespmem:s10], [sflag:$0x5] =	stream.indirect.gather @!p6 [hbm4b:s5+s9], $0x80, s12, s9, $0xb8;
	[tilespmem:$0x1E400] =	vst v63  }
0x117: {  	s24 =	simm.s32 @!p6 $0x2C00;
	s10 =	simm.s32 @!p6 $0x6  }
0x118: {  	s25 =	sadd.s32 @!p6 $0xFFFFFF00, s23;
	s31 =	simm.s32 @!p6 $0x9;
	_ =	swait.ge @!p6 [sflag:s10], $0x2800  }
0x119: {  	s30 =	sand.u32 @!p6 $0x7C00, s25;
	s25 =	sand.u32 @!p6 $0x280, s25;
	[sflag:s10] =	ssyncset.done @!p6 $0x0  }
0x11a: {  	s30 =	sadd.s32 @!p6 s26, s30;
	[sflag:s10] =	ssyncadd.s32 @!p6 $0xFFFFD800;
	s10 =	simm.s32 @!p6 $0x280  }
0x11b: {  	[spmem:s1] =	stream.indirect.scatter.add.f32 @!p6 [tilespmem:s24], [sflag:$0x9], $0x80, s10, s9, $0xb8;
	[tilespmem:$0x1E400] =	vst v63  }
0x11c: {  	s25 =	sor.u32 @!p6 s25, s30;
	_ =	swait.ge @!p6 [sflag:s31], $0x2800  }
0x11d: {  	s25 =	sshrl.u32 @!p6 s25, $0x3;
	[sflag:s31] =	ssyncset.done @!p6 $0x0  }
0x11e: {  	s30 =	sadd.s32 @!p6 s6, s25;
	[sflag:s31] =	ssyncadd.s32 @!p6 $0xFFFFD800;
	s31 =	simm.s32 @!p6 $0x80  }
0x11f: {  	[tilespmem:s31], [sflag:$0x2] =	stream.linear.gather @!p6 [hbm4b:s30+s12], $0x80, $0x38;
	[tilespmem:$0x1E400] =	vst v63  }
0x120: {  	s25 =	sadd.s32 @!p6 s7, s25  }
0x121: {  	[tilespmem:s10], [sflag:$0x2] =	stream.linear.gather @!p6 [hbm4b:s25+s12], $0x80, $0x38;
	[tilespmem:$0x1E400] =	vst v63  }
0x122: {  	s10 =	simm.s32 @!p6 $0x2  }
0x123: {  	_ =	swait.ge @!p6 [sflag:s10], $0x80  }
0x124: {  	[sflag:s10] =	ssyncset.done @!p6 $0x0  }
0x125: {  	[sflag:s10] =	ssyncadd.s32 @!p6 $0xFFFFFF80  }
0x126: {  	_ =	swait.ge @!p6 [sflag:s10], $0x80  }
0x127: {  	[sflag:s10] =	ssyncset.done @!p6 $0x0  }
0x128: {  	[sflag:s10] =	ssyncadd.s32 @!p6 $0xFFFFFF80  }
0x129: {  	[tilespmem:s24], [sflag:$0x6] =	stream.indirect.gather @!p6 [hbm4b:s5+s9], $0x80, s31, s9, $0xb8;
	[tilespmem:$0x1E400] =	vst v63  }
0x12a: {  	_ =	swait.ge [sflag:s19], $0x2800  }
0x12b: {  	[sflag:s19] =	ssyncset.done $0x0  }
.Ltmp6:
0x12c: {  	[sflag:s19] =	ssyncadd.s32 $0xFFFFD800;
	(pc) =	sbr.rel @p6 .LBB2_10-.Ltmp6, $4  }
0x12d: {  	[spmem:s1] =	stream.indirect.scatter.add.f32 [tilespmem:s14], [sflag:$0x9], $0x80, s3, s8, $0xb8;
	[tilespmem:$0x1E400] =	vst v63  }
0x12e: {  	_ =	swait.ge [sflag:s28], $0x2800  }
0x12f: {  	[sflag:s28] =	ssyncset.done $0x0  }
0x130: {  	[sflag:s28] =	ssyncadd.s32 $0xFFFFD800  }
0x131: {  	s9 =	sadd.s32 $0xFFFFFF80, s23  }
0x132: {  	s10 =	sand.u32 $0x7C00, s9  }
0x133: {  	s9 =	sand.u32 $0x300, s9;
	s10 =	sadd.s32 s26, s10  }
0x134: {  	s9 =	sor.u32 s9, s10  }
0x135: {  	s9 =	sshrl.u32 s9, $0x3  }
0x136: {  	s24 =	sadd.s32 s6, s9  }
0x137: {  	[tilespmem:s0], [sflag:$0x3] =	stream.linear.gather [hbm4b:s24+s2], $0x80, $0x38;
	[tilespmem:$0x1E400] =	vst v63  }
0x138: {  	s9 =	sadd.s32 s7, s9  }
0x139: {  	[tilespmem:s3], [sflag:$0x3] =	stream.linear.gather [hbm4b:s9+s2], $0x80, $0x38;
	[tilespmem:$0x1E400] =	vst v63  }
0x13a: {  	_ =	swait.ge [sflag:s13], $0x80  }
0x13b: {  	[sflag:s13] =	ssyncset.done $0x0  }
0x13c: {  	[sflag:s13] =	ssyncadd.s32 $0xFFFFFF80  }
0x13d: {  	_ =	swait.ge [sflag:s13], $0x80  }
0x13e: {  	[sflag:s13] =	ssyncset.done $0x0  }
0x13f: {  	[sflag:s13] =	ssyncadd.s32 $0xFFFFFF80  }
0x140: {  	[tilespmem:s14], [sflag:$0x7] =	stream.indirect.gather [hbm4b:s5+s8], $0x80, s0, s8, $0xb8;
	[tilespmem:$0x1E400] =	vst v63  }
0x141: {  	_ =	swait.ge [sflag:s20], $0x2800  }
0x142: {  	s25 =	sand.u32 $0x7C00, s23;
	[sflag:s20] =	ssyncset.done $0x0  }
0x143: {  	s30 =	sand.u32 $0x380, s23;
	s9 =	sadd.s32 s26, s25;
	[sflag:s20] =	ssyncadd.s32 $0xFFFFD800  }
0x144: {  	[spmem:s1] =	stream.indirect.scatter.add.f32 [tilespmem:s17], [sflag:$0x9], $0x80, s21, s8, $0xb8;
	[tilespmem:$0x1E400] =	vst v63  }
0x145: {  	s9 =	sor.u32 s30, s9;
	_ =	swait.ge [sflag:s28], $0x2800  }
.Ltmp7:
0x146: {  	s9 =	sshrl.u32 s9, $0x3;
	[sflag:s28] =	ssyncset.done $0x0;
	(pc) =	sbr.rel .LBB2_8-.Ltmp7, $4  }
0x147: {  	s31 =	sadd.s32 s6, s9;
	[sflag:s28] =	ssyncadd.s32 $0xFFFFD800  }
0x148: {  	[tilespmem:s15], [sflag:$0x4] =	stream.linear.gather [hbm4b:s31+s2], $0x80, $0x38;
	[tilespmem:$0x1E400] =	vst v63  }
0x149: {  	s23 =	sadd.s32 $0x200, s23;
	s9 =	sadd.s32 s7, s9  }
0x14a: {  	[tilespmem:s21], [sflag:$0x4] =	stream.linear.gather [hbm4b:s9+s2], $0x80, $0x38;
	[tilespmem:$0x1E400] =	vst v63  }
.LBB2_12:
0x14b: {  	_ =	sfence.sel $0x180000  }
0x14c: {  	[bflag:$0x0] =	sbarrier.arrive $0xFFFF  }
0x14d: {  	_ =	strace $0x9000004A  }
0x14e: {  	s0 =	stileid.u32;
	[bflag:$0x2] =	sbarrier.arrive $0xFFFF  }
0x14f: {  	p0 =	sne.s32 s0, $0x0;
	s0 =	rddreg [dreg:$0x2]  }
0x150: {  	s0 =	sadd.s32 @!p0 $0x100000, s0  }
0x151: {  	[sflag:s0] =	ssyncadd.tile.s32 @!p0 $0x1;
	_ =	shalt  }
.Lfunc_end2:
_tile_overlayer_lowered:
.L_overlay_start_2:
0x152: {  	(tag) =	ssettag $0x2  }
0x153: {  	s0 =	rddreg [dreg:$0x0];
	s2 =	stileid.u32  }
0x154: {  	s1 =	rddreg [dreg:$0x1];
	p0 =	sne.s32 s2, $0x0  }
0x155: {  	s3 =	rddreg [dreg:$0x2];
	[bflag:$0x3] =	sbarrier.arrive $0xFFFF;
	s2 =	simm.s32 @!p0 $0x1C09  }
0x156: {  	[timem:s3], [sflag:s2] =	dma.local @!p0 [hbm:s0], s1  }
0x157: {  	s0 =	simm.s32 @!p0 $0x9  }
0x158: {  	_ =	swait.ge @!p0 [sflag:s0], s1  }
0x159: {  	s1 =	ssub.s32 @!p0 $0x0, s1;
	[sflag:s0] =	ssyncset.done @!p0 $0x0  }
0x15a: {  	[sflag:s0] =	ssyncadd.s32 @!p0 s1  }
0x15b: {  	[bflag:$0x3] =	sbarrier.arrive $0xFFFF  }
0x15c: {  	_ =	shalt  }

// kernel: sc_segment_mean_cnt.3.cloned.1.call-start
scs
__scs_entry_jumppad:
0x0: {  	(pc) =	sbr.rel $0x88, $3  }
0x1: {  	(tag) =	ssettag $0x0;
	lr =	simm.s32 $0x1  }
0x2: {  	[smem:$0x3F99] =	sst lr;
	_ =	strace $0xD0000000  }
0x3: {  	_ = 	snop  }
0x4: {  	_ = 	snop  }
0x5: {  	_ = 	snop  }
0x6: {  	_ = 	snop  }
0x7: {  	_ = 	snop  }
__scs_overlays_trampoline_lowered:
0x8: {  	[smem:$0x3FA8] =	sst s0  }
0x9: {  	[smem:$0x3FA9] =	sst s1  }
0xa: {  	[smem:$0x3FAA] =	sst s2  }
0xb: {  	[smem:$0x3FAB] =	sst s3  }
0xc: {  	[smem:$0x3FAC] =	sst s4  }
0xd: {  	[smem:$0x3FAD] =	sst s5  }
0xe: {  	[smem:$0x3FAE] =	sst s6  }
0xf: {  	[smem:$0x3FAF] =	sst s7  }
0x10: {  	[smem:$0x3FB0] =	sst s8  }
0x11: {  	[smem:$0x3FB1] =	sst s9;
	s0 =	simm.s32 @!p0 $0x0  }
0x12: {  	s1 =	sld [smem:$0x3F97];
	s0 =	simm.s32 @p0 $0x1  }
0x13: {  	[smem:$0x3FB2] =	sst s0;
	s0 =	simm.s32 @!p1 $0x0  }
0x14: {  	s2 =	sld [smem:$0x3F96];
	s0 =	simm.s32 @p1 $0x1  }
0x15: {  	[smem:$0x3FB3] =	sst s0;
	s0 =	simm.s32 @!p2 $0x0  }
0x16: {  	s3 =	sld [smem:$0x3FDB];
	s0 =	simm.s32 @p2 $0x1  }
0x17: {  	s4 =	simm.s32 $0x1BF5;
	[smem:$0x3FB5] =	sst s0  }
0x18: {  	s0 =	sld [smem:$0x3F98];
	_ =	swait.ge [sflag:s4], $0x0  }
0x19: {  	s7 =	sld [smem:$0x3F99]  }
0x1a: {  	s8 =	sadd.s32 $0xFFFFE003, lr  }
0x1b: {  	s9 =	sadd.s32 $0xFFFFFEF7, lr;
	s5 =	simm.s32 $0xFFFFFFFF;
	p2 =	slt.u32 s8, $0xFFFFF086  }
0x1c: {  	p1 =	slt.u32 s9, $0xF7A;
	s5 =	simm.s32 @!p2 $0x0  }
0x1d: {  	s5 =	simm.s32 @p1 $0x1;
	p0 =	seq.s32 s7, s2  }
0x1e: {  	s7 =	smul.u32 @!p0 $0xF7A, s2;
	p2 =	seq.s32 @!p0 s5, $0x0  }
0x1f: {  	s9 =	smul.u32 $0xF7A, s1;
	s8 =	simm.s32 @!p0 $0x1BF5;
	p2 =	por !p2, p0  }
0x20: {  	[sflag:s8] =	ssyncset.s32 @!p0 $0xFFFFF086;
	s6 =	sadd.s32 @!p0 s3, s7;
	s7 =	simm.s32 @!p0 $0x108  }
0x21: {  	s3 =	sadd.s32 s3, s9;
	s6 =	sadd.s32 @!p0 $0x88, s6;
	s7 =	simm.s32 @p2 $0x1082  }
0x22: {  	[simem:s7], [sflag:s8] =	dma.local @!p0 [hbm:s6], $0xF7A  }
0x23: {  	s9 =	sor.u32 $0xD0000000, s2;
	s6 =	simm.s32 $0x108;
	_ =	swait.ge @!p0 [sflag:s8], $0x0  }
0x24: {  	s3 =	sadd.s32 $0x88, s3;
	s6 =	simm.s32 @!p1 $0x1082;
	[sflag:s4] =	ssyncset.s32 $0xFFFFF086  }
0x25: {  	[simem:s6], [sflag:s4] =	dma.local [hbm:s3], $0xF7A  }
0x26: {  	[smem:$0x3F99] =	sst s1;
	(tag) =	ssettag s2;
	_ =	strace s9  }
0x27: {  	s1 =	sld [smem:$0x3FA9]  }
0x28: {  	s2 =	sld [smem:$0x3FAA]  }
0x29: {  	s4 =	sld [smem:$0x3FAC]  }
0x2a: {  	p0 =	seq.s32 s5, $0x0;
	s5 =	sld [smem:$0x3FAD]  }
0x2b: {  	s6 =	sld [smem:$0x3FAE]  }
0x2c: {  	s7 =	sld [smem:$0x3FAF]  }
0x2d: {  	s3 =	simm.s32 $0x108;
	s8 =	sld [smem:$0x3FB0]  }
0x2e: {  	s3 =	simm.s32 @!p0 $0x1082;
	s9 =	sld [smem:$0x3FB1]  }
0x2f: {  	lr =	sadd.s32 s0, s3;
	s0 =	sld [smem:$0x3FA8]  }
0x30: {  	s3 =	sld [smem:$0x3FAB]  }
0x31: {  	[smem:$0x3FB4] =	sst s10  }
0x32: {  	s10 =	sld [smem:$0x3FB2];
	_ =	sdelay $0x3  }
0x33: {  	p0 =	seq.s32 s10, $0x1;
	s10 =	sld [smem:$0x3FB4];
	_ =	sdelay $0x3  }
0x34: {  	[smem:$0x3FB4] =	sst s10  }
0x35: {  	s10 =	sld [smem:$0x3FB3];
	_ =	sdelay $0x3  }
0x36: {  	p1 =	seq.s32 s10, $0x1;
	s10 =	sld [smem:$0x3FB4];
	_ =	sdelay $0x3  }
0x37: {  	[smem:$0x3FB4] =	sst s10  }
0x38: {  	s10 =	sld [smem:$0x3FB5]  }
0x39: {  	_ = 	snop;
	(pc) =	sbr.ind lr, $3  }
0x3a: {  	_ = 	snop  }
0x3b: {  	_ = 	snop  }
0x3c: {  	p2 =	seq.s32 s10, $0x1;
	s10 =	sld [smem:$0x3FB4]  }
0x3d: {  	_ =	shalt  }
0x3e: {  	_ =	shalt  }
0x3f: {  	_ =	shalt  }
0x40: {  	_ =	shalt  }
0x41: {  	_ =	shalt  }
0x42: {  	_ =	shalt  }
0x43: {  	_ =	shalt  }
0x44: {  	_ =	shalt  }
0x45: {  	_ =	shalt  }
0x46: {  	_ =	shalt  }
0x47: {  	_ =	shalt  }
0x48: {  	_ =	shalt  }
0x49: {  	_ =	shalt  }
0x4a: {  	_ =	shalt  }
0x4b: {  	_ =	shalt  }
0x4c: {  	_ =	shalt  }
0x4d: {  	_ =	shalt  }
0x4e: {  	_ =	shalt  }
0x4f: {  	_ =	shalt  }
0x50: {  	_ =	shalt  }
0x51: {  	_ =	shalt  }
0x52: {  	_ =	shalt  }
0x53: {  	_ =	shalt  }
0x54: {  	_ =	shalt  }
0x55: {  	_ =	shalt  }
0x56: {  	_ =	shalt  }
0x57: {  	_ =	shalt  }
0x58: {  	_ =	shalt  }
0x59: {  	_ =	shalt  }
0x5a: {  	_ =	shalt  }
0x5b: {  	_ =	shalt  }
0x5c: {  	_ =	shalt  }
0x5d: {  	_ =	shalt  }
0x5e: {  	_ =	shalt  }
0x5f: {  	_ =	shalt  }
0x60: {  	_ =	shalt  }
0x61: {  	_ =	shalt  }
0x62: {  	_ =	shalt  }
0x63: {  	_ =	shalt  }
0x64: {  	_ =	shalt  }
0x65: {  	_ =	shalt  }
0x66: {  	_ =	shalt  }
0x67: {  	_ =	shalt  }
0x68: {  	_ =	shalt  }
0x69: {  	_ =	shalt  }
0x6a: {  	_ =	shalt  }
0x6b: {  	_ =	shalt  }
0x6c: {  	_ =	shalt  }
0x6d: {  	_ =	shalt  }
0x6e: {  	_ =	shalt  }
0x6f: {  	_ =	shalt  }
0x70: {  	_ =	shalt  }
0x71: {  	_ =	shalt  }
0x72: {  	_ =	shalt  }
0x73: {  	_ =	shalt  }
0x74: {  	_ =	shalt  }
0x75: {  	_ =	shalt  }
0x76: {  	_ =	shalt  }
0x77: {  	_ =	shalt  }
0x78: {  	_ =	shalt  }
0x79: {  	_ =	shalt  }
0x7a: {  	_ =	shalt  }
0x7b: {  	_ =	shalt  }
0x7c: {  	_ =	shalt  }
0x7d: {  	_ =	shalt  }
0x7e: {  	_ =	shalt  }
0x7f: {  	_ =	shalt  }
0x80: {  	_ =	shalt  }
0x81: {  	_ =	shalt  }
0x82: {  	_ =	shalt  }
0x83: {  	_ =	shalt  }
0x84: {  	_ =	shalt  }
0x85: {  	_ =	shalt  }
0x86: {  	_ =	shalt  }
0x87: {  	_ =	shalt  }
.Lfunc_end0:
.L_simem_size_0:
called_computation_lowered:
.L_overlay_start_0:
0x88: {  	s2 =	sld [smem:$0x3FD9]  }
0x89: {  	s3 =	sld [smem:$0x3FFE];
	_ =	sdelay $0x1  }
0x8a: {  	s1 =	srdreg.scid  }
0x8b: {  	s0 =	sand.u32 $0x1, s1  }
0x8c: {  	s14 =	sshll.u32 s0, $0xA;
	s2 =	sadd.s32 s3, s2  }
0x8d: {  	s2 =	sadd.s32 s2, s14  }
0x8e: {  	[smem:$0x3FC0] =	sst s2  }
0x8f: {  	_ = 	snop  }
0x90: {  	s2 =	sld [smem:$0x3FD0];
	_ =	sdelay $0x2  }
0x91: {  	s15 =	simm.s32 $0xA;
	s4 =	simm.s32 $0x10  }
0x92: {  	[smem:s4], [sflag:s15] =	dma.local [hbm:s2], $0x1  }
0x93: {  	_ =	swait.eq [sflag:s15], $0x1  }
0x94: {  	[sflag:s15] =	ssyncset.done $0x0  }
0x95: {  	[sflag:s15] =	ssyncadd.s32 $0xFFFFFFFF  }
0x96: {  	s16 =	sld [smem:$0x11];
	(tm) =	ssettm $0x1  }
0x97: {  	s17 =	sld [smem:$0x3FFB];
	_ =	sdelay $0x3  }
0x98: {  	_ =	strace s17  }
0x99: {  	s3 =	sld [smem:$0x3FFC];
	_ =	sdelay $0x3  }
0x9a: {  	_ =	strace s3  }
0x9b: {  	s3 =	sld [smem:$0x3FFD];
	_ =	sdelay $0x3  }
0x9c: {  	_ =	strace s3  }
0x9d: {  	_ =	strace $0x8FFFFFFF  }
0x9e: {  	s18 =	sld [smem:$0x3FDB];
	_ =	sdelay $0x1  }
0x9f: {  	s19 =	simm.s32 $_scs_section_size  }
0xa0: {  	s5 =	simm.s32 $_size__tile_overlayer_lowered;
	s6 =	simm.s32 $_tile_overlayer_lowered  }
0xa1: {  	s22 =	simm.s32 $0x1BFF;
	s21 =	sshll.u32 s6, $0x1;
	s3 =	sadd.s32 s19, s18  }
0xa2: {  	s7 =	simm.s32 $0x0;
	s20 =	sshll.u32 s5, $0x1;
	s5 =	sadd.s32 s21, s3  }
0xa3: {  	[timem:s7], [sflag:s22] =	dma.local [hbm:s5], s20  }
0xa4: {  	_ =	swait.ge [sflag:s22], s20  }
0xa5: {  	s4 =	ssub.s32 $0x0, s20;
	[sflag:s22] =	ssyncset.done $0x0  }
0xa6: {  	[sflag:s22] =	ssyncadd.s32 s4;
	_ =	sdelay $0x1  }
0xa7: {  	s23 =	simm.s32 $0x1B8B  }
0xa8: {  	_ =	swait.ge [sflag:s23], $0x1  }
0xa9: {  	[sflag:s23] =	ssyncset.done $0x0  }
0xaa: {  	s25 =	simm.s32 $0x1B8E;
	s24 =	sld [smem:$0x3FFE];
	[sflag:s23] =	ssyncadd.s32 $0xFFFFFFFF  }
0xab: {  	s26 =	simm.s32 $execute0_lowered;
	[smem:$0x3FD2] =	sst s25  }
0xac: {  	s5 =	sshll.u32 s26, $0x1;
	_ =	strace $0x80000046;
	[dreg:$0x1] =	wrdreg $0xFFFFFFFF  }
0xad: {  	s28 =	simm.s32 $_size_execute0_lowered;
	s3 =	sadd.s32 s3, s5;
	[dreg:$0x0] =	wrdreg $0x0  }
0xae: {  	s5 =	sshll.u32 s28, $0x1;
	[dreg:$0x2] =	wrdreg s3  }
0xaf: {  	[dreg:$0x3] =	wrdreg s5  }
0xb0: {  	[dreg:$0x4] =	wrdreg $0xC0  }
0xb1: {  	_ =	task [dreg:s7], $0x5FFFF  }
0xb2: {  	[dreg:$0x1] =	wrdreg $0xFFFFFFFF  }
0xb3: {  	[dreg:$0x0] =	wrdreg $0x60  }
0xb4: {  	[dreg:$0x2] =	wrdreg s24  }
0xb5: {  	[dreg:$0x3] =	wrdreg s16  }
0xb6: {  	[dreg:$0x4] =	wrdreg $0xA4800  }
0xb7: {  	[dreg:$0x5] =	wrdreg $0x1E4800  }
0xb8: {  	[dreg:$0x6] =	wrdreg $0x9  }
0xb9: {  	_ =	task.clear_ibuf [dreg:s7], $0x7FFFF;
	_ =	strace $0x90000046  }
0xba: {  	s29 =	simm.s32 $0x9;
	_ =	strace $0x80000048  }
0xbb: {  	_ =	swait.ge [sflag:s29], $0x1  }
0xbc: {  	[sflag:s29] =	ssyncadd.s32 $0xFFFFFFFF  }
0xbd: {  	_ =	strace $0x90000048  }
0xbe: {  	_ =	sfence  }
0xbf: {  	s30 =	sld [smem:$0x0];
	_ =	sdelay $0x2  }
0xc0: {  	s31 =	sshll.u32 s1, $0xD;
	s1 =	sshrl.u32 s1, $0x2  }
0xc1: {  	s3 =	sand.u32 $0x4000, s31;
	s1 =	sadd.s32 s1, s30  }
0xc2: {  	s0 =	sor.u32 s3, s0;
	s1 =	sshll.u32 s1, $0x11  }
0xc3: {  	s0 =	sor.u32 s1, s0  }
0xc4: {  	s0 =	sadd.s32 $0x8F2B, s0  }
0xc5: {  	[sflag:s0] =	ssyncadd.remote.s32 $0x1  }
0xc6: {  	_ =	sfence.sel $0xFFFF  }
0xc7: {  	[dreg:$0x0] =	wrdreg $0xFFFFFFFF;
	(pc) =	sbr.abs _section_cstart, $3  }
0xc8: {  	[dreg:$0x1] =	wrdreg $0xFFFFFFFF  }
0xc9: {  	_ =	task.clear_ibuf [dreg:s7], $0x2FFFF;
	_ =	strace $0x9FFFFFFF  }
0xca: {  	(tm) =	ssettm $0x7FFFFFFF  }
0xcb: {  	_ =	shalt  }
tec
execute0_lowered:
.L_overlay_start_1:
0x0: {  	(tag) =	ssettag $0x1  }
0x1: {  	s0 =	rddreg [dreg:$0x0]  }
0x2: {  	s1 =	rddreg [dreg:$0x1]  }
0x3: {  	s2 =	rddreg [dreg:$0x2]  }
0x4: {  	s3 =	rddreg [dreg:$0x3]  }
0x5: {  	s4 =	simm.s32 $0x0;
	s15 =	stileid.u32;
	s5 =	srdreg.scid  }
0x6: {  	s29 =	simm.s32 $0x200;
	s31 =	simm.s32 $0x280;
	s30 =	simm.s32 $0x7  }
0x7: {  	[smem:$0x7FF] =	sst s4;
	s6 =	sadd.s32 $0x12E00, s0;
	s7 =	sadd.s32 $0xAE00, s0  }
0x8: {  	s8 =	sadd.s32 $0x2E00, s0;
	s9 =	sadd.s32 $0x3A600, s0;
	s23 =	smul.u32 $0x2800, s15  }
0x9: {  	s5 =	sand.u32 $0x1, s5;
	s10 =	sadd.s32 $0x3A000, s0;
	s11 =	smul.u32 $0x50000, s15  }
0xa: {  	s12 =	sadd.s32 $0x3CE00, s0;
	p1 =	seq.s32 s15, $0xF;
	p0 =	sne.s32 s15, $0xF  }
0xb: {  	s26 =	sshll.u32 s15, $0xB;
	_ =	strace $0x80000047;
	[dreg:$0x5] =	wrdreg s9  }
0xc: {  	s28 =	sshll.u32 s15, $0xE;
	[dreg:$0x6] =	wrdreg s10;
	s24 =	ssub.s32 $0x2, s5  }
0xd: {  	[dreg:$0x7] =	wrdreg s12;
	p3 =	seq.s32 s5, $0x0;
	s14 =	sadd.s32 s7, s26  }
0xe: {  	s16 =	sor.u32 $0x10, s26;
	s13 =	sadd.s32 s8, s26;
	s19 =	sor.u32 $0x20, s26  }
0xf: {  	p5 =	seq.s32 s5, $0x1;
	s9 =	sadd.s32 s23, s0;
	[dreg:$0x9] =	wrdreg s14  }
0x10: {  	s25 =	sshrl.u32 s24, $0x1;
	s11 =	sshrl.u32 s11, $0x2;
	[dreg:$0xa] =	wrdreg s13  }
0x11: {  	s18 =	sadd.s32 s7, s16;
	s12 =	sadd.s32 s8, s16;
	s20 =	sadd.s32 s7, s19  }
0x12: {  	s21 =	sadd.s32 s8, s19;
	p2 =	por !p3, !p0;
	p3 =	por !p3, !p1  }
0x13: {  	p4 =	por !p0, !p5;
	p1 =	por !p5, !p1;
	s13 =	simm.s32 $0x50  }
0x14: {  	s14 =	simm.s32 $0x400;
	s16 =	simm.s32 $0x2C00;
	[dreg:$0xb] =	wrdreg s18  }
0x15: {  	s19 =	simm.s32 $0x180;
	s10 =	ssub.s32 s24, s25;
	[dreg:$0xc] =	wrdreg s12  }
0x16: {  	s17 =	sadd.s32 s11, s2;
	[dreg:$0xd] =	wrdreg s20;
	s11 =	sor.u32 $0x30, s26  }
0x17: {  	[dreg:$0xe] =	wrdreg s21;
	p2 =	por !p2, !p2;
	s23 =	sadd.s32 $0x3D400, s9  }
0x18: {  	p3 =	por !p3, !p3;
	p4 =	por !p4, !p4;
	s9 =	sadd.s32 $0x64600, s9  }
0x19: {  	s24 =	sadd.s32 $0x62C00, s0;
	p6 =	por !p1, !p1;
	s0 =	sadd.s32 $0x89E00, s0  }
0x1a: {  	p1 =	sne.s32 @p0 s15, $0x0;
	s18 =	simm.s32 $0x5400;
	[dreg:$0x11] =	wrdreg s23  }
0x1b: {  	s20 =	simm.s32 $0x4;
	s21 =	simm.s32 $0x7C00;
	[dreg:$0x12] =	wrdreg s9  }
0x1c: {  	s12 =	simm.s32 $0x0;
	s22 =	sadd.s32 s7, s11;
	[dreg:$0x13] =	wrdreg s24  }
0x1d: {  	s11 =	sadd.s32 s8, s11;
	s9 =	simm.s32 @!p5 $0x0;
	[dreg:$0x14] =	wrdreg s0  }
0x1e: {  	s25 =	smax.u32 s10, $0x1;
	s0 =	simm.s32 @!p3 $0x0;
	[dreg:$0x8] =	wrdreg s17  }
0x1f: {  	s10 =	simm.s32 $0x300;
	s23 =	simm.s32 $0x9;
	[dreg:$0xf] =	wrdreg s22  }
0x20: {  	s24 =	simm.s32 $0xA400;
	[dreg:$0x10] =	wrdreg s11;
	s11 =	simm.s32 @!p4 $0x0  }
0x21: {  	s9 =	simm.s32 @p5 $0x1;
	[dreg:$0x15] =	wrdreg s25;
	s0 =	simm.s32 @p3 $0x1  }
0x22: {  	s22 =	simm.s32 $0x5;
	s11 =	simm.s32 @p4 $0x1;
	[smem:$0x7FA] =	sst s9  }
0x23: {  	s25 =	simm.s32 $0x6;
	p4 =	sne.s32 s5, $0x0;
	[smem:$0x7FD] =	sst s11  }
.Ltmp0:
0x24: {  	s5 =	sor.u32 s15, s5;
	s26 =	sld [smem:$0x7FD];
	(pc) =	sbr.rel .LBB2_1-.Ltmp0, $4  }
0x25: {  	[smem:$0x7FC] =	sst s0;
	s0 =	simm.s32 $0x8;
	s9 =	simm.s32 @!p4 $0x0  }
0x26: {  	p5 =	sne.s32 s5, $0x0;
	s9 =	simm.s32 @p4 $0x1;
	p4 =	por p1, !p0  }
0x27: {  	[smem:$0x7FB] =	sst s9;
	p1 =	seq.s32 s26, $0x1;
	s26 =	sadd.s32 $0x12C000, s2  }
0x28: {  	v0 =	vimm.f32 $1.000000000e+00;
	s9 =	simm.s32 $0x380;
	p1 =	por !p1, p3;
	[dreg:$0x16] =	wrdreg s26  }
.LBB2_9:
0x29: {  	s15 =	stileid.u32;
	[bflag:$0x0] =	sbarrier.arrive $0xFFFF  }
0x2a: {  	s5 =	sshll.u32 @p2 s15, $0x6;
	s17 =	rddreg [dreg:$0x8]  }
0x2b: {  	s12 =	rddreg [dreg:$0x11];
	s5 =	sor.u32 @p2 $0x1C09, s5;
	s11 =	sshrl.u32 @p2 s17, $0x3  }
0x2c: {  	[hbm:s12], [sflag:s5] =	dma.local @p2 [spmem:s11], $0x2800  }
0x2d: {  	s5 =	simm.s32 @p2 $0x9  }
0x2e: {  	_ =	swait.ge @p2 [sflag:s5], $0x2800  }
0x2f: {  	s11 =	sshll.u32 @!p1 s15, $0x6;
	[sflag:s5] =	ssyncset.done @p2 $0x0;
	s12 =	rddreg [dreg:$0x12]  }
0x30: {  	[sflag:s5] =	ssyncadd.s32 @p2 $0xFFFFD800;
	s5 =	sor.u32 @!p1 $0x1C09, s11;
	s11 =	sshrl.u32 @!p1 s17, $0x3  }
0x31: {  	[hbm:s12], [sflag:s5] =	dma.local @!p1 [spmem:s11], $0x2800  }
0x32: {  	s5 =	simm.s32 @!p1 $0x9  }
0x33: {  	_ =	swait.ge @!p1 [sflag:s5], $0x2800  }
0x34: {  	s26 =	sld [smem:$0x7FC];
	_ =	sdelay $0x1  }
0x35: {  	s12 =	rddreg [dreg:$0x13]  }
0x36: {  	[sflag:s5] =	ssyncset.done @!p1 $0x0;
	p3 =	seq.s32 s26, $0x1;
	s26 =	rddreg [dreg:$0x16]  }
0x37: {  	[sflag:s5] =	ssyncadd.s32 @!p1 $0xFFFFD800;
	s5 =	sshrl.u32 @p3 s26, $0x3;
	s11 =	simm.s32 @p3 $0x1FC9  }
0x38: {  	[hbm:s12], [sflag:s11] =	dma.local @p3 [spmem:s5], $0x1900  }
0x39: {  	s5 =	simm.s32 @p3 $0x9  }
0x3a: {  	_ =	swait.ge @p3 [sflag:s5], $0x1900  }
0x3b: {  	s11 =	simm.s32 @p6 $0x1FC9;
	[sflag:s5] =	ssyncset.done @p3 $0x0  }
0x3c: {  	s12 =	rddreg [dreg:$0x14];
	[sflag:s5] =	ssyncadd.s32 @p3 $0xFFFFE700;
	s5 =	sshrl.u32 @p6 s26, $0x3  }
0x3d: {  	[hbm:s12], [sflag:s11] =	dma.local @p6 [spmem:s5], $0x1900  }
0x3e: {  	s5 =	simm.s32 @p6 $0x9  }
0x3f: {  	_ =	swait.ge @p6 [sflag:s5], $0x1900  }
0x40: {  	s11 =	sshll.u32 @!p5 s15, $0x6;
	[sflag:s5] =	ssyncset.done @p6 $0x0;
	s12 =	rddreg [dreg:$0x7]  }
0x41: {  	[sflag:s5] =	ssyncadd.s32 @p6 $0xFFFFE700;
	s5 =	sor.u32 @!p5 $0x1C09, s11;
	s11 =	sshrl.u32 @!p5 s3, $0x3  }
0x42: {  	[hbm:s12], [sflag:s5] =	dma.local @!p5 [spmem:s11], $0x500  }
0x43: {  	s5 =	simm.s32 @!p5 $0x9  }
0x44: {  	_ =	swait.ge @!p5 [sflag:s5], $0x500  }
0x45: {  	s11 =	rddreg [dreg:$0x17]  }
0x46: {  	s12 =	sadd.s32 $0x1, s11;
	s11 =	rddreg [dreg:$0x15]  }
0x47: {  	p3 =	sne.s32 s12, s11  }
.Ltmp1:
0x48: {  	_ = 	snop;
	(pc) =	sbr.rel @!p3 .LBB2_10-.Ltmp1, $3  }
0x49: {  	_ =	sdelay $0x1  }
0x4a: {  	[sflag:s5] =	ssyncset.done @!p5 $0x0  }
0x4b: {  	[sflag:s5] =	ssyncadd.s32 @!p5 $0xFFFFFB00  }
.LBB2_1:
0x4c: {  	[dreg:$0x17] =	wrdreg s12;
	s11 =	sshll.u32 @p0 s15, $0x6  }
0x4d: {  	s12 =	sshrl.u32 @p0 s17, $0x3;
	s5 =	rddreg [dreg:$0x5];
	s11 =	sor.u32 @p0 $0x1C09, s11  }
0x4e: {  	[spmem:s12], [sflag:s11] =	dma.local @p0 [hbm:s5], $0x2800  }
0x4f: {  	s11 =	simm.s32 @p0 $0x9  }
0x50: {  	_ =	swait.ge @p0 [sflag:s11], $0x2800  }
0x51: {  	s12 =	simm.s32 @!p4 $0x1C09;
	[sflag:s11] =	ssyncset.done @p0 $0x0  }
0x52: {  	s15 =	rddreg [dreg:$0x6];
	[sflag:s11] =	ssyncadd.s32 @p0 $0xFFFFD800;
	s11 =	sshrl.u32 @!p4 s3, $0x3  }
0x53: {  	[spmem:s11], [sflag:s12] =	dma.local @!p4 [hbm:s15], $0x500  }
0x54: {  	s11 =	simm.s32 @!p4 $0x9  }
0x55: {  	_ =	swait.ge @!p4 [sflag:s11], $0x500  }
0x56: {  	[sflag:s11] =	ssyncset.done @!p4 $0x0  }
0x57: {  	s12 =	simm.s32 @!p0 $0x1FC9;
	[sflag:s11] =	ssyncadd.s32 @!p4 $0xFFFFFB00;
	s11 =	sshrl.u32 @!p0 s26, $0x3  }
0x58: {  	[spmem:s11], [sflag:s12] =	dma.local @!p0 [hbm:s5], $0x2800  }
0x59: {  	s11 =	simm.s32 @!p0 $0x9  }
0x5a: {  	_ =	swait.ge @!p0 [sflag:s11], $0x2800  }
0x5b: {  	[sflag:s11] =	ssyncset.done @!p0 $0x0  }
0x5c: {  	[sflag:s11] =	ssyncadd.s32 @!p0 $0xFFFFD800  }
0x5d: {  	[tilespmem:$0xA400] =	vst v0  }
0x5e: {  	[tilespmem:$0xA410] =	vst v0  }
0x5f: {  	[tilespmem:$0xA420] =	vst v0  }
0x60: {  	[tilespmem:$0xA430] =	vst v0  }
0x61: {  	[tilespmem:$0xA440] =	vst v0  }
0x62: {  	[bflag:$0x0] =	sbarrier.arrive $0xFFFF  }
0x63: {  	s26 =	sld [smem:$0x7FB];
	_ =	sdelay $0x2  }
0x64: {  	p3 =	seq.s32 s26, $0x1  }
.Ltmp2:
0x65: {  	_ = 	snop;
	(pc) =	sbr.rel @p3 .LBB2_5-.Ltmp2, $1  }
0x66: {  	_ =	sdelay $0x3  }
0x67: {  	s5 =	rddreg [dreg:$0x9]  }
0x68: {  	[tilespmem:s4], [sflag:$0x1] =	stream.linear.gather [hbm4b:s5+s4], $0x80, $0x38;
	[tilespmem:$0x1E700] =	vst v63  }
0x69: {  	s12 =	rddreg [dreg:$0xa]  }
0x6a: {  	[tilespmem:s29], [sflag:$0x1] =	stream.linear.gather [hbm4b:s12+s4], $0x80, $0x38;
	[tilespmem:$0x1E700] =	vst v63  }
0x6b: {  	s15 =	rddreg [dreg:$0xb];
	s11 =	simm.s32 $0x80  }
0x6c: {  	[tilespmem:s11], [sflag:$0x2] =	stream.linear.gather [hbm4b:s15+s4], $0x80, $0x38;
	[tilespmem:$0x1E700] =	vst v63  }
0x6d: {  	s17 =	rddreg [dreg:$0xc]  }
0x6e: {  	[tilespmem:s31], [sflag:$0x2] =	stream.linear.gather [hbm4b:s17+s4], $0x80, $0x38;
	[tilespmem:$0x1E700] =	vst v63  }
0x6f: {  	s26 =	rddreg [dreg:$0xd];
	s12 =	simm.s32 $0x100  }
0x70: {  	[tilespmem:s12], [sflag:$0x3] =	stream.linear.gather [hbm4b:s26+s4], $0x80, $0x38;
	[tilespmem:$0x1E700] =	vst v63  }
0x71: {  	s15 =	rddreg [dreg:$0xe];
	s17 =	simm.s32 $0x1  }
0x72: {  	[tilespmem:s10], [sflag:$0x3] =	stream.linear.gather [hbm4b:s15+s4], $0x80, $0x38;
	[tilespmem:$0x1E700] =	vst v63  }
0x73: {  	_ =	swait.ge [sflag:s17], $0x80  }
0x74: {  	[sflag:s17] =	ssyncset.done $0x0  }
0x75: {  	[sflag:s17] =	ssyncadd.s32 $0xFFFFFF80  }
0x76: {  	_ =	swait.ge [sflag:s17], $0x80  }
0x77: {  	[sflag:s17] =	ssyncset.done $0x0  }
0x78: {  	s26 =	simm.s32 $0x2;
	[sflag:s17] =	ssyncadd.s32 $0xFFFFFF80  }
0x79: {  	[tilespmem:s14], [sflag:$0x5] =	stream.indirect.gather [hbm4b:s6+s13], $0x80, s4, s13, $0xb8;
	[tilespmem:$0x1E700] =	vst v63  }
0x7a: {  	_ =	swait.ge [sflag:s26], $0x80  }
0x7b: {  	[sflag:s26] =	ssyncset.done $0x0  }
0x7c: {  	[sflag:s26] =	ssyncadd.s32 $0xFFFFFF80  }
0x7d: {  	_ =	swait.ge [sflag:s26], $0x80  }
0x7e: {  	[sflag:s26] =	ssyncset.done $0x0  }
0x7f: {  	s15 =	simm.s32 $0x3;
	[sflag:s26] =	ssyncadd.s32 $0xFFFFFF80  }
0x80: {  	[tilespmem:s16], [sflag:$0x6] =	stream.indirect.gather [hbm4b:s6+s13], $0x80, s11, s13, $0xb8;
	[tilespmem:$0x1E700] =	vst v63  }
0x81: {  	_ =	swait.ge [sflag:s15], $0x80  }
0x82: {  	[sflag:s15] =	ssyncset.done $0x0  }
0x83: {  	[sflag:s15] =	ssyncadd.s32 $0xFFFFFF80  }
0x84: {  	_ =	swait.ge [sflag:s15], $0x80  }
0x85: {  	[sflag:s15] =	ssyncset.done $0x0  }
0x86: {  	[sflag:s15] =	ssyncadd.s32 $0xFFFFFF80  }
0x87: {  	[tilespmem:s18], [sflag:$0x7] =	stream.indirect.gather [hbm4b:s6+s13], $0x80, s12, s13, $0xb8;
	[tilespmem:$0x1E700] =	vst v63  }
0x88: {  	s17 =	rddreg [dreg:$0xf]  }
0x89: {  	[tilespmem:s19], [sflag:$0x4] =	stream.linear.gather [hbm4b:s17+s4], $0x80, $0x38;
	[tilespmem:$0x1E700] =	vst v63  }
0x8a: {  	s26 =	rddreg [dreg:$0x10];
	s12 =	simm.s32 $0x380  }
0x8b: {  	[tilespmem:s12], [sflag:$0x4] =	stream.linear.gather [hbm4b:s26+s4], $0x80, $0x38;
	[tilespmem:$0x1E700] =	vst v63  }
.LBB2_3:
0x8c: {  	_ =	swait.ge [sflag:s20], $0x80  }
0x8d: {  	[sflag:s20] =	ssyncset.done $0x0  }
0x8e: {  	[sflag:s20] =	ssyncadd.s32 $0xFFFFFF80  }
0x8f: {  	_ =	swait.ge [sflag:s20], $0x80  }
0x90: {  	[sflag:s20] =	ssyncset.done $0x0  }
0x91: {  	[sflag:s20] =	ssyncadd.s32 $0xFFFFFF80  }
0x92: {  	[tilespmem:s21], [sflag:$0x8] =	stream.indirect.gather [hbm4b:s6+s13], $0x80, s19, s13, $0xb8;
	[tilespmem:$0x1E700] =	vst v63  }
0x93: {  	_ =	swait.ge [sflag:s22], $0x2800  }
0x94: {  	[sflag:s22] =	ssyncset.done $0x0  }
0x95: {  	p3 =	seq.s32 s12, $0x4180;
	[sflag:s22] =	ssyncadd.s32 $0xFFFFD800  }
0x96: {  	[spmem:s2] =	stream.indirect.scatter.add.f32 [tilespmem:s14], [sflag:$0x9], $0x80, s29, s13, $0xb8;
	[tilespmem:$0x1E700] =	vst v63  }
0x97: {  	s11 =	sadd.s32 @!p3 $0xFFFFFE80, s12;
	_ =	swait.ge [sflag:s23], $0x2800  }
0x98: {  	s26 =	sand.u32 @!p3 $0x7C00, s11;
	[sflag:s23] =	ssyncset.done $0x0  }
0x99: {  	s11 =	sand.u32 @!p3 $0x200, s11;
	s26 =	sadd.s32 @!p3 s28, s26;
	[sflag:s23] =	ssyncadd.s32 $0xFFFFD800  }
0x9a: {  	[spmem:s3] =	stream.indirect.scatter.add.f32 [tilespmem:s24], [sflag:$0x9], $0x1, s29, s13, $0xb8;
	[tilespmem:$0x1E700] =	vst v63  }
0x9b: {  	s11 =	sor.u32 @!p3 s11, s26;
	_ =	swait.ge [sflag:s23], $0x50  }
0x9c: {  	s11 =	sshrl.u32 @!p3 s11, $0x3;
	[sflag:s23] =	ssyncset.done $0x0  }
0x9d: {  	s26 =	simm.s32 @!p3 $0x0;
	s15 =	sadd.s32 @!p3 s7, s11;
	[sflag:s23] =	ssyncadd.s32 $0xFFFFFFB0  }
0x9e: {  	[tilespmem:s26], [sflag:$0x1] =	stream.linear.gather @!p3 [hbm4b:s15+s26], $0x80, $0x38;
	[tilespmem:$0x1E700] =	vst v63  }
0x9f: {  	s11 =	sadd.s32 @!p3 s8, s11;
	s15 =	simm.s32 @!p3 $0x200  }
0xa0: {  	[tilespmem:s15], [sflag:$0x1] =	stream.linear.gather @!p3 [hbm4b:s11+s26], $0x80, $0x38;
	[tilespmem:$0x1E700] =	vst v63  }
0xa1: {  	s11 =	simm.s32 @!p3 $0x1  }
0xa2: {  	_ =	swait.ge @!p3 [sflag:s11], $0x80  }
0xa3: {  	[sflag:s11] =	ssyncset.done @!p3 $0x0  }
0xa4: {  	[sflag:s11] =	ssyncadd.s32 @!p3 $0xFFFFFF80  }
0xa5: {  	_ =	swait.ge @!p3 [sflag:s11], $0x80  }
0xa6: {  	[sflag:s11] =	ssyncset.done @!p3 $0x0  }
0xa7: {  	s15 =	simm.s32 @!p3 $0x400;
	[sflag:s11] =	ssyncadd.s32 @!p3 $0xFFFFFF80;
	s11 =	simm.s32 @!p3 $0x50  }
0xa8: {  	[tilespmem:s15], [sflag:$0x5] =	stream.indirect.gather @!p3 [hbm4b:s6+s11], $0x80, s26, s11, $0xb8;
	[tilespmem:$0x1E700] =	vst v63  }
0xa9: {  	_ =	swait.ge [sflag:s25], $0x2800  }
0xaa: {  	[sflag:s25] =	ssyncset.done $0x0  }
0xab: {  	[sflag:s25] =	ssyncadd.s32 $0xFFFFD800  }
0xac: {  	[spmem:s2] =	stream.indirect.scatter.add.f32 [tilespmem:s16], [sflag:$0x9], $0x80, s31, s13, $0xb8;
	[tilespmem:$0x1E700] =	vst v63  }
0xad: {  	s15 =	sadd.s32 @!p3 $0xFFFFFF00, s12;
	_ =	swait.ge [sflag:s23], $0x2800  }
0xae: {  	s17 =	sand.u32 @!p3 $0x7C00, s15;
	[sflag:s23] =	ssyncset.done $0x0  }
0xaf: {  	s15 =	sand.u32 @!p3 $0x280, s15;
	s17 =	sadd.s32 @!p3 s28, s17;
	[sflag:s23] =	ssyncadd.s32 $0xFFFFD800  }
0xb0: {  	[spmem:s3] =	stream.indirect.scatter.add.f32 [tilespmem:s24], [sflag:$0x9], $0x1, s31, s13, $0xb8;
	[tilespmem:$0x1E700] =	vst v63  }
0xb1: {  	s15 =	sor.u32 @!p3 s15, s17;
	_ =	swait.ge [sflag:s23], $0x50  }
0xb2: {  	s15 =	sshrl.u32 @!p3 s15, $0x3;
	[sflag:s23] =	ssyncset.done $0x0  }
0xb3: {  	s5 =	simm.s32 @!p3 $0x80;
	s17 =	sadd.s32 @!p3 s7, s15;
	[sflag:s23] =	ssyncadd.s32 $0xFFFFFFB0  }
0xb4: {  	[tilespmem:s5], [sflag:$0x2] =	stream.linear.gather @!p3 [hbm4b:s17+s26], $0x80, $0x38;
	[tilespmem:$0x1E700] =	vst v63  }
0xb5: {  	s15 =	sadd.s32 @!p3 s8, s15;
	s17 =	simm.s32 @!p3 $0x280  }
0xb6: {  	[tilespmem:s17], [sflag:$0x2] =	stream.linear.gather @!p3 [hbm4b:s15+s26], $0x80, $0x38;
	[tilespmem:$0x1E700] =	vst v63  }
0xb7: {  	s15 =	simm.s32 @!p3 $0x2  }
0xb8: {  	_ =	swait.ge @!p3 [sflag:s15], $0x80  }
0xb9: {  	[sflag:s15] =	ssyncset.done @!p3 $0x0  }
0xba: {  	[sflag:s15] =	ssyncadd.s32 @!p3 $0xFFFFFF80  }
0xbb: {  	_ =	swait.ge @!p3 [sflag:s15], $0x80  }
0xbc: {  	[sflag:s15] =	ssyncset.done @!p3 $0x0  }
0xbd: {  	[sflag:s15] =	ssyncadd.s32 @!p3 $0xFFFFFF80;
	s15 =	simm.s32 @!p3 $0x2C00  }
0xbe: {  	[tilespmem:s15], [sflag:$0x6] =	stream.indirect.gather @!p3 [hbm4b:s6+s11], $0x80, s5, s11, $0xb8;
	[tilespmem:$0x1E700] =	vst v63  }
0xbf: {  	_ =	swait.ge [sflag:s30], $0x2800  }
0xc0: {  	[sflag:s30] =	ssyncset.done $0x0  }
0xc1: {  	[sflag:s30] =	ssyncadd.s32 $0xFFFFD800  }
0xc2: {  	[spmem:s2] =	stream.indirect.scatter.add.f32 [tilespmem:s18], [sflag:$0x9], $0x80, s10, s13, $0xb8;
	[tilespmem:$0x1E700] =	vst v63  }
0xc3: {  	s5 =	sadd.s32 @!p3 $0xFFFFFF80, s12;
	_ =	swait.ge [sflag:s23], $0x2800  }
0xc4: {  	s15 =	sand.u32 @!p3 $0x7C00, s5;
	[sflag:s23] =	ssyncset.done $0x0  }
0xc5: {  	s5 =	sand.u32 @!p3 $0x300, s5;
	s15 =	sadd.s32 @!p3 s28, s15;
	[sflag:s23] =	ssyncadd.s32 $0xFFFFD800  }
0xc6: {  	[spmem:s3] =	stream.indirect.scatter.add.f32 [tilespmem:s24], [sflag:$0x9], $0x1, s10, s13, $0xb8;
	[tilespmem:$0x1E700] =	vst v63  }
0xc7: {  	s5 =	sor.u32 @!p3 s5, s15;
	_ =	swait.ge [sflag:s23], $0x50  }
0xc8: {  	s5 =	sshrl.u32 @!p3 s5, $0x3;
	[sflag:s23] =	ssyncset.done $0x0  }
0xc9: {  	s17 =	simm.s32 @!p3 $0x100;
	s15 =	sadd.s32 @!p3 s7, s5;
	[sflag:s23] =	ssyncadd.s32 $0xFFFFFFB0  }
0xca: {  	[tilespmem:s17], [sflag:$0x3] =	stream.linear.gather @!p3 [hbm4b:s15+s26], $0x80, $0x38;
	[tilespmem:$0x1E700] =	vst v63  }
0xcb: {  	s5 =	sadd.s32 @!p3 s8, s5;
	s15 =	simm.s32 @!p3 $0x300  }
0xcc: {  	[tilespmem:s15], [sflag:$0x3] =	stream.linear.gather @!p3 [hbm4b:s5+s26], $0x80, $0x38;
	[tilespmem:$0x1E700] =	vst v63  }
0xcd: {  	s5 =	simm.s32 @!p3 $0x3  }
0xce: {  	_ =	swait.ge @!p3 [sflag:s5], $0x80  }
0xcf: {  	[sflag:s5] =	ssyncset.done @!p3 $0x0  }
0xd0: {  	[sflag:s5] =	ssyncadd.s32 @!p3 $0xFFFFFF80  }
0xd1: {  	_ =	swait.ge @!p3 [sflag:s5], $0x80  }
0xd2: {  	[sflag:s5] =	ssyncset.done @!p3 $0x0  }
0xd3: {  	[sflag:s5] =	ssyncadd.s32 @!p3 $0xFFFFFF80;
	s5 =	simm.s32 @!p3 $0x5400  }
0xd4: {  	[tilespmem:s5], [sflag:$0x7] =	stream.indirect.gather @!p3 [hbm4b:s6+s11], $0x80, s17, s11, $0xb8;
	[tilespmem:$0x1E700] =	vst v63  }
0xd5: {  	_ =	swait.ge [sflag:s0], $0x2800  }
0xd6: {  	[sflag:s0] =	ssyncset.done $0x0  }
0xd7: {  	[sflag:s0] =	ssyncadd.s32 $0xFFFFD800  }
0xd8: {  	[spmem:s2] =	stream.indirect.scatter.add.f32 [tilespmem:s21], [sflag:$0x9], $0x80, s9, s13, $0xb8;
	[tilespmem:$0x1E700] =	vst v63  }
0xd9: {  	_ =	swait.ge [sflag:s23], $0x2800  }
0xda: {  	[sflag:s23] =	ssyncset.done $0x0  }
.Ltmp3:
0xdb: {  	[sflag:s23] =	ssyncadd.s32 $0xFFFFD800;
	(pc) =	sbr.rel @p3 .LBB2_5-.Ltmp3, $4  }
0xdc: {  	[spmem:s3] =	stream.indirect.scatter.add.f32 [tilespmem:s24], [sflag:$0x9], $0x1, s9, s13, $0xb8;
	[tilespmem:$0x1E700] =	vst v63  }
0xdd: {  	_ =	swait.ge [sflag:s23], $0x50  }
0xde: {  	[sflag:s23] =	ssyncset.done $0x0  }
0xdf: {  	[sflag:s23] =	ssyncadd.s32 $0xFFFFFFB0  }
0xe0: {  	s5 =	sand.u32 $0x7C00, s12  }
0xe1: {  	s11 =	sand.u32 $0x380, s12;
	s5 =	sadd.s32 s28, s5  }
0xe2: {  	s5 =	sor.u32 s11, s5  }
.Ltmp4:
0xe3: {  	s5 =	sshrl.u32 s5, $0x3;
	(pc) =	sbr.rel .LBB2_3-.Ltmp4, $4  }
0xe4: {  	s26 =	sadd.s32 s7, s5  }
0xe5: {  	[tilespmem:s19], [sflag:$0x4] =	stream.linear.gather [hbm4b:s26+s4], $0x80, $0x38;
	[tilespmem:$0x1E700] =	vst v63  }
0xe6: {  	s12 =	sadd.s32 $0x200, s12;
	s5 =	sadd.s32 s8, s5  }
0xe7: {  	[tilespmem:s9], [sflag:$0x4] =	stream.linear.gather [hbm4b:s5+s4], $0x80, $0x38;
	[tilespmem:$0x1E700] =	vst v63  }
.LBB2_5:
0xe8: {  	s5 =	sld [smem:$0x7FA];
	_ =	sdelay $0x2  }
0xe9: {  	p3 =	seq.s32 s5, $0x1  }
.Ltmp5:
0xea: {  	_ = 	snop;
	(pc) =	sbr.rel @!p3 .LBB2_9-.Ltmp5, $1  }
0xeb: {  	_ =	sdelay $0x3  }
0xec: {  	s5 =	rddreg [dreg:$0x9]  }
0xed: {  	[tilespmem:s4], [sflag:$0x1] =	stream.linear.gather [hbm4b:s5+s4], $0x80, $0x38;
	[tilespmem:$0x1E700] =	vst v63  }
0xee: {  	s12 =	rddreg [dreg:$0xa]  }
0xef: {  	[tilespmem:s29], [sflag:$0x1] =	stream.linear.gather [hbm4b:s12+s4], $0x80, $0x38;
	[tilespmem:$0x1E700] =	vst v63  }
0xf0: {  	s15 =	rddreg [dreg:$0xb];
	s11 =	simm.s32 $0x80  }
0xf1: {  	[tilespmem:s11], [sflag:$0x2] =	stream.linear.gather [hbm4b:s15+s4], $0x80, $0x38;
	[tilespmem:$0x1E700] =	vst v63  }
0xf2: {  	s17 =	rddreg [dreg:$0xc]  }
0xf3: {  	[tilespmem:s31], [sflag:$0x2] =	stream.linear.gather [hbm4b:s17+s4], $0x80, $0x38;
	[tilespmem:$0x1E700] =	vst v63  }
0xf4: {  	s26 =	rddreg [dreg:$0xd];
	s12 =	simm.s32 $0x100  }
0xf5: {  	[tilespmem:s12], [sflag:$0x3] =	stream.linear.gather [hbm4b:s26+s4], $0x80, $0x38;
	[tilespmem:$0x1E700] =	vst v63  }
0xf6: {  	s15 =	rddreg [dreg:$0xe];
	s17 =	simm.s32 $0x1  }
0xf7: {  	[tilespmem:s10], [sflag:$0x3] =	stream.linear.gather [hbm4b:s15+s4], $0x80, $0x38;
	[tilespmem:$0x1E700] =	vst v63  }
0xf8: {  	_ =	swait.ge [sflag:s17], $0x80  }
0xf9: {  	[sflag:s17] =	ssyncset.done $0x0  }
0xfa: {  	[sflag:s17] =	ssyncadd.s32 $0xFFFFFF80  }
0xfb: {  	_ =	swait.ge [sflag:s17], $0x80  }
0xfc: {  	[sflag:s17] =	ssyncset.done $0x0  }
0xfd: {  	s26 =	simm.s32 $0x2;
	[sflag:s17] =	ssyncadd.s32 $0xFFFFFF80  }
0xfe: {  	[tilespmem:s14], [sflag:$0x5] =	stream.indirect.gather [hbm4b:s1+s13], $0x80, s4, s13, $0xb8;
	[tilespmem:$0x1E700] =	vst v63  }
0xff: {  	_ =	swait.ge [sflag:s26], $0x80  }
0x100: {  	[sflag:s26] =	ssyncset.done $0x0  }
0x101: {  	[sflag:s26] =	ssyncadd.s32 $0xFFFFFF80  }
0x102: {  	_ =	swait.ge [sflag:s26], $0x80  }
0x103: {  	[sflag:s26] =	ssyncset.done $0x0  }
0x104: {  	s15 =	simm.s32 $0x3;
	[sflag:s26] =	ssyncadd.s32 $0xFFFFFF80  }
0x105: {  	[tilespmem:s16], [sflag:$0x6] =	stream.indirect.gather [hbm4b:s1+s13], $0x80, s11, s13, $0xb8;
	[tilespmem:$0x1E700] =	vst v63  }
0x106: {  	_ =	swait.ge [sflag:s15], $0x80  }
0x107: {  	[sflag:s15] =	ssyncset.done $0x0  }
0x108: {  	[sflag:s15] =	ssyncadd.s32 $0xFFFFFF80  }
0x109: {  	_ =	swait.ge [sflag:s15], $0x80  }
0x10a: {  	[sflag:s15] =	ssyncset.done $0x0  }
0x10b: {  	[sflag:s15] =	ssyncadd.s32 $0xFFFFFF80  }
0x10c: {  	[tilespmem:s18], [sflag:$0x7] =	stream.indirect.gather [hbm4b:s1+s13], $0x80, s12, s13, $0xb8;
	[tilespmem:$0x1E700] =	vst v63  }
0x10d: {  	s17 =	rddreg [dreg:$0xf]  }
0x10e: {  	[tilespmem:s19], [sflag:$0x4] =	stream.linear.gather [hbm4b:s17+s4], $0x80, $0x38;
	[tilespmem:$0x1E700] =	vst v63  }
0x10f: {  	s26 =	rddreg [dreg:$0x10];
	s12 =	simm.s32 $0x380  }
0x110: {  	[tilespmem:s12], [sflag:$0x4] =	stream.linear.gather [hbm4b:s26+s4], $0x80, $0x38;
	[tilespmem:$0x1E700] =	vst v63  }
.LBB2_7:
0x111: {  	_ =	swait.ge [sflag:s20], $0x80  }
0x112: {  	[sflag:s20] =	ssyncset.done $0x0  }
0x113: {  	[sflag:s20] =	ssyncadd.s32 $0xFFFFFF80  }
0x114: {  	_ =	swait.ge [sflag:s20], $0x80  }
0x115: {  	[sflag:s20] =	ssyncset.done $0x0  }
0x116: {  	[sflag:s20] =	ssyncadd.s32 $0xFFFFFF80  }
0x117: {  	[tilespmem:s21], [sflag:$0x8] =	stream.indirect.gather [hbm4b:s1+s13], $0x80, s19, s13, $0xb8;
	[tilespmem:$0x1E700] =	vst v63  }
0x118: {  	_ =	swait.ge [sflag:s22], $0x2800  }
0x119: {  	[sflag:s22] =	ssyncset.done $0x0  }
0x11a: {  	p3 =	seq.s32 s12, $0x4180;
	[sflag:s22] =	ssyncadd.s32 $0xFFFFD800  }
0x11b: {  	[spmem:s2] =	stream.indirect.scatter.add.f32 [tilespmem:s14], [sflag:$0x9], $0x80, s29, s13, $0xb8;
	[tilespmem:$0x1E700] =	vst v63  }
0x11c: {  	s5 =	sadd.s32 @!p3 $0xFFFFFE80, s12;
	_ =	swait.ge [sflag:s23], $0x2800  }
0x11d: {  	s11 =	sand.u32 @!p3 $0x7C00, s5;
	[sflag:s23] =	ssyncset.done $0x0  }
0x11e: {  	s5 =	sand.u32 @!p3 $0x200, s5;
	s11 =	sadd.s32 @!p3 s28, s11;
	[sflag:s23] =	ssyncadd.s32 $0xFFFFD800  }
0x11f: {  	[spmem:s3] =	stream.indirect.scatter.add.f32 [tilespmem:s24], [sflag:$0x9], $0x1, s29, s13, $0xb8;
	[tilespmem:$0x1E700] =	vst v63  }
0x120: {  	s5 =	sor.u32 @!p3 s5, s11;
	_ =	swait.ge [sflag:s23], $0x50  }
0x121: {  	s5 =	sshrl.u32 @!p3 s5, $0x3;
	[sflag:s23] =	ssyncset.done $0x0  }
0x122: {  	s26 =	simm.s32 @!p3 $0x0;
	s11 =	sadd.s32 @!p3 s7, s5;
	[sflag:s23] =	ssyncadd.s32 $0xFFFFFFB0  }
0x123: {  	[tilespmem:s26], [sflag:$0x1] =	stream.linear.gather @!p3 [hbm4b:s11+s26], $0x80, $0x38;
	[tilespmem:$0x1E700] =	vst v63  }
0x124: {  	s5 =	sadd.s32 @!p3 s8, s5;
	s11 =	simm.s32 @!p3 $0x200  }
0x125: {  	[tilespmem:s11], [sflag:$0x1] =	stream.linear.gather @!p3 [hbm4b:s5+s26], $0x80, $0x38;
	[tilespmem:$0x1E700] =	vst v63  }
0x126: {  	s5 =	simm.s32 @!p3 $0x1  }
0x127: {  	_ =	swait.ge @!p3 [sflag:s5], $0x80  }
0x128: {  	[sflag:s5] =	ssyncset.done @!p3 $0x0  }
0x129: {  	[sflag:s5] =	ssyncadd.s32 @!p3 $0xFFFFFF80  }
0x12a: {  	_ =	swait.ge @!p3 [sflag:s5], $0x80  }
0x12b: {  	[sflag:s5] =	ssyncset.done @!p3 $0x0  }
0x12c: {  	s11 =	simm.s32 @!p3 $0x50;
	[sflag:s5] =	ssyncadd.s32 @!p3 $0xFFFFFF80;
	s5 =	simm.s32 @!p3 $0x400  }
0x12d: {  	[tilespmem:s5], [sflag:$0x5] =	stream.indirect.gather @!p3 [hbm4b:s1+s11], $0x80, s26, s11, $0xb8;
	[tilespmem:$0x1E700] =	vst v63  }
0x12e: {  	_ =	swait.ge [sflag:s25], $0x2800  }
0x12f: {  	[sflag:s25] =	ssyncset.done $0x0  }
0x130: {  	[sflag:s25] =	ssyncadd.s32 $0xFFFFD800  }
0x131: {  	[spmem:s2] =	stream.indirect.scatter.add.f32 [tilespmem:s16], [sflag:$0x9], $0x80, s31, s13, $0xb8;
	[tilespmem:$0x1E700] =	vst v63  }
0x132: {  	s5 =	sadd.s32 @!p3 $0xFFFFFF00, s12;
	_ =	swait.ge [sflag:s23], $0x2800  }
0x133: {  	s15 =	sand.u32 @!p3 $0x7C00, s5;
	[sflag:s23] =	ssyncset.done $0x0  }
0x134: {  	s5 =	sand.u32 @!p3 $0x280, s5;
	s15 =	sadd.s32 @!p3 s28, s15;
	[sflag:s23] =	ssyncadd.s32 $0xFFFFD800  }
0x135: {  	[spmem:s3] =	stream.indirect.scatter.add.f32 [tilespmem:s24], [sflag:$0x9], $0x1, s31, s13, $0xb8;
	[tilespmem:$0x1E700] =	vst v63  }
0x136: {  	s5 =	sor.u32 @!p3 s5, s15;
	_ =	swait.ge [sflag:s23], $0x50  }
0x137: {  	s5 =	sshrl.u32 @!p3 s5, $0x3;
	[sflag:s23] =	ssyncset.done $0x0  }
0x138: {  	s17 =	simm.s32 @!p3 $0x80;
	s15 =	sadd.s32 @!p3 s7, s5;
	[sflag:s23] =	ssyncadd.s32 $0xFFFFFFB0  }
0x139: {  	[tilespmem:s17], [sflag:$0x2] =	stream.linear.gather @!p3 [hbm4b:s15+s26], $0x80, $0x38;
	[tilespmem:$0x1E700] =	vst v63  }
0x13a: {  	s5 =	sadd.s32 @!p3 s8, s5;
	s15 =	simm.s32 @!p3 $0x280  }
0x13b: {  	[tilespmem:s15], [sflag:$0x2] =	stream.linear.gather @!p3 [hbm4b:s5+s26], $0x80, $0x38;
	[tilespmem:$0x1E700] =	vst v63  }
0x13c: {  	s5 =	simm.s32 @!p3 $0x2  }
0x13d: {  	_ =	swait.ge @!p3 [sflag:s5], $0x80  }
0x13e: {  	[sflag:s5] =	ssyncset.done @!p3 $0x0  }
0x13f: {  	[sflag:s5] =	ssyncadd.s32 @!p3 $0xFFFFFF80  }
0x140: {  	_ =	swait.ge @!p3 [sflag:s5], $0x80  }
0x141: {  	[sflag:s5] =	ssyncset.done @!p3 $0x0  }
0x142: {  	[sflag:s5] =	ssyncadd.s32 @!p3 $0xFFFFFF80;
	s5 =	simm.s32 @!p3 $0x2C00  }
0x143: {  	[tilespmem:s5], [sflag:$0x6] =	stream.indirect.gather @!p3 [hbm4b:s1+s11], $0x80, s17, s11, $0xb8;
	[tilespmem:$0x1E700] =	vst v63  }
0x144: {  	_ =	swait.ge [sflag:s30], $0x2800  }
0x145: {  	[sflag:s30] =	ssyncset.done $0x0  }
0x146: {  	[sflag:s30] =	ssyncadd.s32 $0xFFFFD800  }
0x147: {  	[spmem:s2] =	stream.indirect.scatter.add.f32 [tilespmem:s18], [sflag:$0x9], $0x80, s10, s13, $0xb8;
	[tilespmem:$0x1E700] =	vst v63  }
0x148: {  	s5 =	sadd.s32 @!p3 $0xFFFFFF80, s12;
	_ =	swait.ge [sflag:s23], $0x2800  }
0x149: {  	s15 =	sand.u32 @!p3 $0x7C00, s5;
	[sflag:s23] =	ssyncset.done $0x0  }
0x14a: {  	s5 =	sand.u32 @!p3 $0x300, s5;
	s15 =	sadd.s32 @!p3 s28, s15;
	[sflag:s23] =	ssyncadd.s32 $0xFFFFD800  }
0x14b: {  	[spmem:s3] =	stream.indirect.scatter.add.f32 [tilespmem:s24], [sflag:$0x9], $0x1, s10, s13, $0xb8;
	[tilespmem:$0x1E700] =	vst v63  }
0x14c: {  	s5 =	sor.u32 @!p3 s5, s15;
	_ =	swait.ge [sflag:s23], $0x50  }
0x14d: {  	s5 =	sshrl.u32 @!p3 s5, $0x3;
	[sflag:s23] =	ssyncset.done $0x0  }
0x14e: {  	s17 =	simm.s32 @!p3 $0x100;
	s15 =	sadd.s32 @!p3 s7, s5;
	[sflag:s23] =	ssyncadd.s32 $0xFFFFFFB0  }
0x14f: {  	[tilespmem:s17], [sflag:$0x3] =	stream.linear.gather @!p3 [hbm4b:s15+s26], $0x80, $0x38;
	[tilespmem:$0x1E700] =	vst v63  }
0x150: {  	s5 =	sadd.s32 @!p3 s8, s5;
	s15 =	simm.s32 @!p3 $0x300  }
0x151: {  	[tilespmem:s15], [sflag:$0x3] =	stream.linear.gather @!p3 [hbm4b:s5+s26], $0x80, $0x38;
	[tilespmem:$0x1E700] =	vst v63  }
0x152: {  	s5 =	simm.s32 @!p3 $0x3  }
0x153: {  	_ =	swait.ge @!p3 [sflag:s5], $0x80  }
0x154: {  	[sflag:s5] =	ssyncset.done @!p3 $0x0  }
0x155: {  	[sflag:s5] =	ssyncadd.s32 @!p3 $0xFFFFFF80  }
0x156: {  	_ =	swait.ge @!p3 [sflag:s5], $0x80  }
0x157: {  	[sflag:s5] =	ssyncset.done @!p3 $0x0  }
0x158: {  	[sflag:s5] =	ssyncadd.s32 @!p3 $0xFFFFFF80;
	s5 =	simm.s32 @!p3 $0x5400  }
0x159: {  	[tilespmem:s5], [sflag:$0x7] =	stream.indirect.gather @!p3 [hbm4b:s1+s11], $0x80, s17, s11, $0xb8;
	[tilespmem:$0x1E700] =	vst v63  }
0x15a: {  	_ =	swait.ge [sflag:s0], $0x2800  }
0x15b: {  	[sflag:s0] =	ssyncset.done $0x0  }
0x15c: {  	[sflag:s0] =	ssyncadd.s32 $0xFFFFD800  }
0x15d: {  	[spmem:s2] =	stream.indirect.scatter.add.f32 [tilespmem:s21], [sflag:$0x9], $0x80, s9, s13, $0xb8;
	[tilespmem:$0x1E700] =	vst v63  }
0x15e: {  	_ =	swait.ge [sflag:s23], $0x2800  }
0x15f: {  	[sflag:s23] =	ssyncset.done $0x0  }
.Ltmp6:
0x160: {  	[sflag:s23] =	ssyncadd.s32 $0xFFFFD800;
	(pc) =	sbr.rel @p3 .LBB2_9-.Ltmp6, $4  }
0x161: {  	[spmem:s3] =	stream.indirect.scatter.add.f32 [tilespmem:s24], [sflag:$0x9], $0x1, s9, s13, $0xb8;
	[tilespmem:$0x1E700] =	vst v63  }
0x162: {  	_ =	swait.ge [sflag:s23], $0x50  }
0x163: {  	[sflag:s23] =	ssyncset.done $0x0  }
0x164: {  	[sflag:s23] =	ssyncadd.s32 $0xFFFFFFB0  }
0x165: {  	s5 =	sand.u32 $0x7C00, s12  }
0x166: {  	s11 =	sand.u32 $0x380, s12;
	s5 =	sadd.s32 s28, s5  }
0x167: {  	s5 =	sor.u32 s11, s5  }
.Ltmp7:
0x168: {  	s5 =	sshrl.u32 s5, $0x3;
	(pc) =	sbr.rel .LBB2_7-.Ltmp7, $4  }
0x169: {  	s26 =	sadd.s32 s7, s5  }
0x16a: {  	[tilespmem:s19], [sflag:$0x4] =	stream.linear.gather [hbm4b:s26+s4], $0x80, $0x38;
	[tilespmem:$0x1E700] =	vst v63  }
0x16b: {  	s12 =	sadd.s32 $0x200, s12;
	s5 =	sadd.s32 s8, s5  }
0x16c: {  	[tilespmem:s9], [sflag:$0x4] =	stream.linear.gather [hbm4b:s5+s4], $0x80, $0x38;
	[tilespmem:$0x1E700] =	vst v63  }
.LBB2_10:
0x16d: {  	_ =	sfence.sel $0x180000  }
0x16e: {  	[bflag:$0x0] =	sbarrier.arrive $0xFFFF  }
0x16f: {  	_ =	strace $0x90000047  }
0x170: {  	[bflag:$0x2] =	sbarrier.arrive $0xFFFF  }
0x171: {  	p0 =	sne.s32 s15, $0x0;
	s0 =	rddreg [dreg:$0x4]  }
0x172: {  	s0 =	sadd.s32 @!p0 $0x100000, s0  }
0x173: {  	[sflag:s0] =	ssyncadd.tile.s32 @!p0 $0x1;
	_ =	shalt  }
.Lfunc_end2:
_tile_overlayer_lowered:
.L_overlay_start_2:
0x174: {  	(tag) =	ssettag $0x2  }
0x175: {  	s0 =	rddreg [dreg:$0x0];
	s2 =	stileid.u32  }
0x176: {  	s1 =	rddreg [dreg:$0x1];
	p0 =	sne.s32 s2, $0x0  }
0x177: {  	s3 =	rddreg [dreg:$0x2];
	[bflag:$0x3] =	sbarrier.arrive $0xFFFF;
	s2 =	simm.s32 @!p0 $0x1C09  }
0x178: {  	[timem:s3], [sflag:s2] =	dma.local @!p0 [hbm:s0], s1  }
0x179: {  	s0 =	simm.s32 @!p0 $0x9  }
0x17a: {  	_ =	swait.ge @!p0 [sflag:s0], s1  }
0x17b: {  	s1 =	ssub.s32 @!p0 $0x0, s1;
	[sflag:s0] =	ssyncset.done @!p0 $0x0  }
0x17c: {  	[sflag:s0] =	ssyncadd.s32 @!p0 s1  }
0x17d: {  	[bflag:$0x3] =	sbarrier.arrive $0xFFFF  }
0x17e: {  	_ =	shalt  }

</sc_bundles>
